<compile_context>
chip_gen: v7x
topology: tpu7x:2x2x1
jax: 0.10.2.dev20260603
libtpu: 0.0.44.dev20260713+nightly
codegen_flags: <defaults>
</compile_context>

<pallas_src>
import functools

import jax
import jax.numpy as jnp
from jax import lax
from jax.experimental import pallas as pl
from jax.experimental.pallas import tpu as pltpu
from jax.experimental.pallas import tpu_sc as plsc

N = 10000
E = 320000
NEG = 0.2
EPS = 1e-9

NC, NS = 2, 16
NW = NC * NS
EPW = E // NW
CB = 80
NCHUNK = EPW // CB
NPAD = 10240
SR = NPAD // NS

_MESH = plsc.VectorSubcoreMesh(core_axis_name="c", subcore_axis_name="s")



def _make_gather(D):
  @functools.partial(
      pl.kernel, mesh=_MESH,
      out_type=jax.ShapeDtypeStruct((E, D), jnp.float32),
      scratch_types=[
          pltpu.VMEM((CB,), jnp.int32),
          pltpu.VMEM((CB, D), jnp.float32),
          pltpu.SemaphoreType.DMA,
          pltpu.VMEM((CB,), jnp.int32),
          pltpu.VMEM((CB, D), jnp.float32),
          pltpu.SemaphoreType.DMA,
      ])
  def gather(table, idx, out, idx_v0, rows_v0, sem0, idx_v1, rows_v1, sem1):
    wid = lax.axis_index("s") * NC + lax.axis_index("c")
    def body(t, carry):
      b0 = wid * EPW + (2 * t) * CB
      b1 = b0 + CB
      pltpu.sync_copy(idx.at[pl.ds(b0, CB)], idx_v0)
      pltpu.sync_copy(idx.at[pl.ds(b1, CB)], idx_v1)
      c0 = pltpu.async_copy(table.at[idx_v0], rows_v0, sem0)
      c1 = pltpu.async_copy(table.at[idx_v1], rows_v1, sem1)
      c0.wait()
      pltpu.sync_copy(rows_v0, out.at[pl.ds(b0, CB)])
      c1.wait()
      pltpu.sync_copy(rows_v1, out.at[pl.ds(b1, CB)])
      return carry
    lax.fori_loop(0, NCHUNK // 2, body, 0)
    bt = wid * EPW + (NCHUNK - 1) * CB
    pltpu.sync_copy(idx.at[pl.ds(bt, CB)], idx_v0)
    pltpu.async_copy(table.at[idx_v0], rows_v0, sem0).wait()
    pltpu.sync_copy(rows_v0, out.at[pl.ds(bt, CB)])
  return gather


def _make_scatter_add(DC, NCC):
  @functools.partial(
      pl.kernel, mesh=_MESH,
      out_type=jax.ShapeDtypeStruct((2, NPAD, NCC * DC), jnp.float32),
      scratch_types=[
          pltpu.VMEM((CB,), jnp.int32),
          pltpu.VMEM((CB, DC), jnp.float32),
          pltpu.SemaphoreType.DMA,
          pltpu.VMEM((CB,), jnp.int32),
          pltpu.VMEM((CB, DC), jnp.float32),
          pltpu.SemaphoreType.DMA,
          pltpu.VMEM_SHARED((NPAD, DC), jnp.float32),
      ])
  def scatter(vals, idx, zeros, out,
              idx_v0, vals_v0, sem0, idx_v1, vals_v1, sem1, acc):
    c = lax.axis_index("c")
    s = lax.axis_index("s")
    wid = s * NC + c
    for cc in range(NCC):
      pltpu.sync_copy(zeros.at[pl.ds(s * SR, SR)], acc.at[pl.ds(s * SR, SR)])
      plsc.subcore_barrier()
      def body(t, carry):
        b0 = wid * EPW + (2 * t) * CB
        b1 = b0 + CB
        pltpu.sync_copy(idx.at[pl.ds(b0, CB)], idx_v0)
        pltpu.sync_copy(vals.at[pl.ds(b0, CB), pl.ds(cc * DC, DC)], vals_v0)
        c0 = pltpu.async_copy(vals_v0, acc.at[idx_v0], sem0, add=True)
        pltpu.sync_copy(idx.at[pl.ds(b1, CB)], idx_v1)
        pltpu.sync_copy(vals.at[pl.ds(b1, CB), pl.ds(cc * DC, DC)], vals_v1)
        c1 = pltpu.async_copy(vals_v1, acc.at[idx_v1], sem1, add=True)
        c0.wait()
        c1.wait()
        return carry
      lax.fori_loop(0, NCHUNK // 2, body, 0)
      bt = wid * EPW + (NCHUNK - 1) * CB
      pltpu.sync_copy(idx.at[pl.ds(bt, CB)], idx_v0)
      pltpu.sync_copy(vals.at[pl.ds(bt, CB), pl.ds(cc * DC, DC)], vals_v0)
      pltpu.sync_copy(vals_v0, acc.at[idx_v0], add=True)
      plsc.subcore_barrier()
      pltpu.sync_copy(acc.at[pl.ds(s * SR, SR)],
                      out.at[c, pl.ds(s * SR, SR), pl.ds(cc * DC, DC)])
      plsc.subcore_barrier()
  return scatter


_gather512 = _make_gather(512)
_gather128 = _make_gather(128)
_scatter512 = _make_scatter_add(128, 4)
_scatter128 = _make_scatter_add(128, 1)



def _mm_body(a_ref, b_ref, o_ref):
  o_ref[...] = jnp.dot(a_ref[...], b_ref[...],
                       preferred_element_type=jnp.float32)


def _matmul(a, b, bm=1000):
  m, k = a.shape
  _, c = b.shape
  return pl.pallas_call(
      _mm_body,
      grid=(m // bm,),
      in_specs=[pl.BlockSpec((bm, k), lambda i: (i, 0)),
                pl.BlockSpec((k, c), lambda i: (0, 0))],
      out_specs=pl.BlockSpec((bm, c), lambda i: (i, 0)),
      out_shape=jax.ShapeDtypeStruct((m, c), jnp.float32))(a, b)


def _edge_body(h, el_ref, er_ref, attn_ref, w_ref, ex_ref):
  el = el_ref[...]
  s = el + er_ref[...]
  e = jnp.where(s >= 0, s, NEG * s) * attn_ref[...]
  cols = []
  for i in range(h):
    ex = jnp.exp(jnp.sum(e[:, i * 128:(i + 1) * 128], axis=1))
    cols.append(ex[:, None])
    w_ref[:, i * 128:(i + 1) * 128] = el[:, i * 128:(i + 1) * 128] * ex[:, None]
  pad = jnp.zeros((el.shape[0], 128 - h), el.dtype)
  ex_ref[...] = jnp.concatenate(cols + [pad], axis=1)


def _edge(el, er, attn_row, h, te=1000):
  hd = h * 128
  return pl.pallas_call(
      functools.partial(_edge_body, h),
      grid=(E // te,),
      in_specs=[pl.BlockSpec((te, hd), lambda i: (i, 0)),
                pl.BlockSpec((te, hd), lambda i: (i, 0)),
                pl.BlockSpec((1, hd), lambda i: (0, 0))],
      out_specs=[pl.BlockSpec((te, hd), lambda i: (i, 0)),
                 pl.BlockSpec((te, 128), lambda i: (i, 0))],
      out_shape=[jax.ShapeDtypeStruct((E, hd), jnp.float32),
                 jax.ShapeDtypeStruct((E, 128), jnp.float32)])(el, er, attn_row)


def _comb0_body(p0_ref, p1_ref, d0_ref, d1_ref, o_ref):
  rst = p0_ref[0] + p1_ref[0]
  den = d0_ref[0] + d1_ref[0]
  for i in range(4):
    o_ref[:, i * 128:(i + 1) * 128] = jnp.maximum(
        rst[:, i * 128:(i + 1) * 128] / (den[:, i:i + 1] + EPS), 0.0)


def _combine0(p, dp, bm=1000):
  two_specs = lambda dd: [
      pl.BlockSpec((1, bm, dd), lambda i: (0, i, 0)),
      pl.BlockSpec((1, bm, dd), lambda i: (1, i, 0))]
  return pl.pallas_call(
      _comb0_body,
      grid=(N // bm,),
      in_specs=two_specs(512) + two_specs(128),
      out_specs=pl.BlockSpec((bm, 512), lambda i: (i, 0)),
      out_shape=jax.ShapeDtypeStruct((N, 512), jnp.float32))(p, p, dp, dp)


def _comb1_body(p0_ref, p1_ref, d0_ref, d1_ref, res_ref, o_ref):
  rst = p0_ref[0] + p1_ref[0]
  den = d0_ref[0] + d1_ref[0]
  o_ref[...] = rst[:, :48] / (den[:, 0:1] + EPS) + res_ref[:, 48:96]


def _combine1(p, dp, res, bm=1000):
  two_specs = lambda dd: [
      pl.BlockSpec((1, bm, dd), lambda i: (0, i, 0)),
      pl.BlockSpec((1, bm, dd), lambda i: (1, i, 0))]
  return pl.pallas_call(
      _comb1_body,
      grid=(N // bm,),
      in_specs=two_specs(128) + two_specs(128)
      + [pl.BlockSpec((bm, 128), lambda i: (i, 0))],
      out_specs=pl.BlockSpec((bm, 48), lambda i: (i, 0)),
      out_shape=jax.ShapeDtypeStruct((N, 48), jnp.float32))(p, p, dp, dp, res)



def kernel(x, edge_index, W0, attn0, W1, attn1, resW1):
  src = edge_index[0]
  dst = edge_index[1]
  z128 = jnp.zeros((NPAD, 128), jnp.float32)

  feat0 = _matmul(x, W0)
  el0 = _gather512(feat0, src)
  er0 = _gather512(feat0, dst)
  w0, ex0 = _edge(el0, er0, attn0.reshape(1, 512), 4)
  p0 = _scatter512(w0, dst, z128)
  dp0 = _scatter128(ex0, dst, z128)
  h1 = _combine0(p0, dp0)

  w1p = jnp.pad(W1, ((0, 0), (0, 8)))
  resw1p = jnp.pad(resW1, ((0, 0), (0, 8)))
  wcat = jnp.pad(jnp.concatenate([w1p, resw1p], axis=1), ((0, 0), (0, 32)))
  f1r = _matmul(h1, wcat)
  el1 = _gather128(f1r, src)
  er1 = _gather128(f1r, dst)
  attn1p = jnp.pad(attn1, ((0, 0), (0, 88)))
  w1, ex1 = _edge(el1, er1, attn1p.reshape(1, 128), 1)
  p1 = _scatter128(w1, dst, z128)
  dp1 = _scatter128(ex1, dst, z128)
  out48 = _combine1(p1, dp1, f1r)
  return out48[:, :40]

# --- scband reference (transcript-rebuilt; emitter-appended) ---
"""Pipeline reference for scband-gatv2-89696097010098 (READ-ONLY COPY).

The authoritative reference and input builder live on the scoring server;
editing this copy changes nothing except your own understanding.
"""

import jax, jax.numpy as jnp
import numpy as np

N = 10000
E = 320000
D_IN = 128
H0, D0 = 4, 128
H1, D1 = 1, 40
NEG_SLOPE = 0.2


def setup_inputs(seed: int = 0) -> dict:
    key = jax.random.key(seed)
    ks = jax.random.split(key, 8)
    x = jax.random.normal(ks[0], (N, D_IN), dtype=jnp.float32)
    edge_index = jax.random.randint(ks[1], (2, E), 0, N, dtype=jnp.int32)
    W0 = jax.random.normal(ks[2], (D_IN, H0 * D0), dtype=jnp.float32) * 0.05
    attn0 = jax.random.normal(ks[3], (H0, D0), dtype=jnp.float32) * 0.05
    W1 = jax.random.normal(ks[4], (H0 * D0, H1 * D1), dtype=jnp.float32) * 0.05
    attn1 = jax.random.normal(ks[5], (H1, D1), dtype=jnp.float32) * 0.05
    resW1 = jax.random.normal(ks[6], (H0 * D0, H1 * D1), dtype=jnp.float32) * 0.05
    return {"x": x, "edge_index": edge_index, "W0": W0, "attn0": attn0,
            "W1": W1, "attn1": attn1, "resW1": resW1}


def _gatv2_layer(h, src, dst, W, attn, H, D, res_W=None, act=None):
    # share_weights=True: fc_src == fc_dst; bias=False
    n = h.shape[0]
    feat = (h @ W).reshape(n, H, D)
    el = feat[src]                      # gather src features  [E,H,D]
    er = feat[dst]                      # gather dst features  [E,H,D]
    e = jax.nn.leaky_relu(el + er, NEG_SLOPE)
    logits = (e * attn[None, :, :]).sum(axis=-1)           # [E,H]
    m = jax.lax.stop_gradient(
        jax.ops.segment_max(logits, dst, num_segments=n))  # edge softmax max-shift
    ex = jnp.exp(logits - m[dst])
    den = jax.ops.segment_sum(ex, dst, num_segments=n)
    a = ex / (den[dst] + 1e-9)                              # [E,H]
    rst = jax.ops.segment_sum(el * a[:, :, None], dst, num_segments=n)  # [N,H,D]
    if res_W is not None:
        rst = rst + (h @ res_W).reshape(n, H, D)
    if act is not None:
        rst = act(rst)
    return rst, a


def reference(x, edge_index, W0, attn0, W1, attn1, resW1):
    src = edge_index[0]
    dst = edge_index[1]
    # layer 0: heads=4, out=128, activation=relu, no residual
    h, a0 = _gatv2_layer(x, src, dst, W0, attn0, H0, D0, None, jax.nn.relu)
    h = h.reshape(h.shape[0], -1)   # flatten heads -> [N, 512]
    # layer 1: heads=1, out=num_classes, residual (in!=out -> linear res_fc), no activation
    h, a1 = _gatv2_layer(h, src, dst, W1, attn1, H1, D1, resW1, None)
    h = h.mean(axis=1)              # mean over heads -> [N, 40]
    return h

if __name__ == "__main__":
    import jax
    _d = setup_inputs()
    print(jax.jit(kernel)(*tuple(_d.values())))

</pallas_src>

<mosaic_0001>
#map = affine_map<(d0, d1) -> (0, 0)>
#map1 = affine_map<(d0, d1) -> (0)>
module attributes {stable_mosaic.version = 14 : i64} {
  func.func @gather(%arg0: i32, %arg1: i32, %arg2: memref<10000x512xf32, #tpu.memory_space<hbm>>, %arg3: memref<320000xi32, #tpu.memory_space<hbm>>, %arg4: memref<320000x512xf32, #tpu.memory_space<hbm>>, %arg5: memref<80xi32, #tpu.memory_space<vmem>>, %arg6: memref<80x512xf32, #tpu.memory_space<vmem>>, %arg7: memref<!tpu.dma_semaphore, #tpu.memory_space<semaphore_mem>>, %arg8: memref<80xi32, #tpu.memory_space<vmem>>, %arg9: memref<80x512xf32, #tpu.memory_space<vmem>>, %arg10: memref<!tpu.dma_semaphore, #tpu.memory_space<semaphore_mem>>) attributes {dimension_semantics = [#tpu.dimension_semantics<core_parallel>, #tpu.dimension_semantics<subcore_parallel>], iteration_bounds = array<i64: 2, 16>, scalar_prefetch = 0 : i64, scratch_operands = 6 : i64, tpu.core_type = #tpu.core_type<sc_vector_subcore>, window_params = [{transform_indices = #map}, {transform_indices = #map1}, {transform_indices = #map}]} {
    %mul3A = arith.constant 2 : i32
    %mul3A_0 = arith.muli %arg1, %mul3A : i32
    %add3A = arith.addi %mul3A_0, %arg0 : i32
    %scan3A = arith.constant 0 : i32
    %scan3A_1 = arith.constant 0 : i32
    %scan3A_2 = arith.constant 62 : i32
    %scan3A_3 = arith.addi %scan3A_1, %scan3A_2 : i32
    %scan3A_4 = arith.constant 1 : i32
    scf.for %scan3A_14 = %scan3A_1 to %scan3A_3 step %scan3A_4  : i32 {
      %mul3A_15 = arith.constant 10000 : i32
      %mul3A_16 = arith.muli %add3A, %mul3A_15 : i32
      %mul3A_17 = arith.constant 2 : i32
      %mul3A_18 = arith.muli %mul3A_17, %scan3A_14 : i32
      %mul3A_19 = arith.constant 80 : i32
      %mul3A_20 = arith.muli %mul3A_18, %mul3A_19 : i32
      %add3A_21 = arith.addi %mul3A_16, %mul3A_20 : i32
      %add3A_22 = arith.constant 80 : i32
      %add3A_23 = arith.addi %add3A_21, %add3A_22 : i32
      "tpu.region"() ({
        %run_scoped3A = tpu.sem_alloc : memref<!tpu.dma_semaphore, #tpu.memory_space<semaphore_mem>>
        %dma_start3A_36 = tpu.memref_slice %arg3[%add3A_21] : memref<320000xi32, #tpu.memory_space<hbm>> -> memref<80xi32, #tpu.memory_space<hbm>>
        %dma_start3A_37 = tpu.memref_slice %arg3[%add3A_21] : memref<320000xi32, #tpu.memory_space<hbm>> -> memref<80xi32, #tpu.memory_space<hbm>>
        tpu.enqueue_dma source(%dma_start3A_37 : memref<80xi32, #tpu.memory_space<hbm>>) target(%arg5 : memref<80xi32, #tpu.memory_space<vmem>>) target_semaphore(%run_scoped3A : memref<!tpu.dma_semaphore, #tpu.memory_space<semaphore_mem>>)
        %dma_wait3A_38 = tpu.memref_slice %arg3[%add3A_21] : memref<320000xi32, #tpu.memory_space<hbm>> -> memref<80xi32, #tpu.memory_space<hbm>>
        %dma_wait3A_39 = tpu.memref_slice %arg3[%add3A_21] : memref<320000xi32, #tpu.memory_space<hbm>> -> memref<80xi32, #tpu.memory_space<hbm>>
        tpu.wait_dma2 semaphore(%run_scoped3A : memref<!tpu.dma_semaphore, #tpu.memory_space<semaphore_mem>>) src(%dma_wait3A_39 : memref<80xi32, #tpu.memory_space<hbm>>) dst(%arg5 : memref<80xi32, #tpu.memory_space<vmem>>)
        tpu.yield
      }) : () -> ()
      "tpu.region"() ({
        %run_scoped3A = tpu.sem_alloc : memref<!tpu.dma_semaphore, #tpu.memory_space<semaphore_mem>>
        %dma_start3A_36 = tpu.memref_slice %arg3[%add3A_23] : memref<320000xi32, #tpu.memory_space<hbm>> -> memref<80xi32, #tpu.memory_space<hbm>>
        %dma_start3A_37 = tpu.memref_slice %arg3[%add3A_23] : memref<320000xi32, #tpu.memory_space<hbm>> -> memref<80xi32, #tpu.memory_space<hbm>>
        tpu.enqueue_dma source(%dma_start3A_37 : memref<80xi32, #tpu.memory_space<hbm>>) target(%arg8 : memref<80xi32, #tpu.memory_space<vmem>>) target_semaphore(%run_scoped3A : memref<!tpu.dma_semaphore, #tpu.memory_space<semaphore_mem>>)
        %dma_wait3A_38 = tpu.memref_slice %arg3[%add3A_23] : memref<320000xi32, #tpu.memory_space<hbm>> -> memref<80xi32, #tpu.memory_space<hbm>>
        %dma_wait3A_39 = tpu.memref_slice %arg3[%add3A_23] : memref<320000xi32, #tpu.memory_space<hbm>> -> memref<80xi32, #tpu.memory_space<hbm>>
        tpu.wait_dma2 semaphore(%run_scoped3A : memref<!tpu.dma_semaphore, #tpu.memory_space<semaphore_mem>>) src(%dma_wait3A_39 : memref<80xi32, #tpu.memory_space<hbm>>) dst(%arg8 : memref<80xi32, #tpu.memory_space<vmem>>)
        tpu.yield
      }) : () -> ()
      %dma_start3A_24 = arith.constant 0 : i32
      %dma_start3A_25 = arith.constant 0 : i32
      %dma_start3A_26 = tpu.memref_slice %arg2[%dma_start3A_24, %dma_start3A_25] : memref<10000x512xf32, #tpu.memory_space<hbm>> -> memref<10000x512xf32, #tpu.memory_space<hbm>>
      tpu.enqueue_indirect_dma source(%dma_start3A_26 : memref<10000x512xf32, #tpu.memory_space<hbm>>) target(%arg6 : memref<80x512xf32, #tpu.memory_space<vmem>>) offsets(%arg5 : memref<80xi32, #tpu.memory_space<vmem>>) semaphore(%arg7 : memref<!tpu.dma_semaphore, #tpu.memory_space<semaphore_mem>>)
      %dma_start3A_27 = arith.constant 0 : i32
      %dma_start3A_28 = arith.constant 0 : i32
      %dma_start3A_29 = tpu.memref_slice %arg2[%dma_start3A_27, %dma_start3A_28] : memref<10000x512xf32, #tpu.memory_space<hbm>> -> memref<10000x512xf32, #tpu.memory_space<hbm>>
      tpu.enqueue_indirect_dma source(%dma_start3A_29 : memref<10000x512xf32, #tpu.memory_space<hbm>>) target(%arg9 : memref<80x512xf32, #tpu.memory_space<vmem>>) offsets(%arg8 : memref<80xi32, #tpu.memory_space<vmem>>) semaphore(%arg10 : memref<!tpu.dma_semaphore, #tpu.memory_space<semaphore_mem>>)
      %dma_wait3A_30 = arith.constant 0 : i32
      %dma_wait3A_31 = arith.constant 0 : i32
      %dma_wait3A_32 = tpu.memref_slice %arg2[%dma_wait3A_30, %dma_wait3A_31] : memref<10000x512xf32, #tpu.memory_space<hbm>> -> memref<10000x512xf32, #tpu.memory_space<hbm>>
      tpu.wait_indirect_dma semaphore(%arg7 : memref<!tpu.dma_semaphore, #tpu.memory_space<semaphore_mem>>) src(%dma_wait3A_32 : memref<10000x512xf32, #tpu.memory_space<hbm>>) dst(%arg6 : memref<80x512xf32, #tpu.memory_space<vmem>>)
      "tpu.region"() ({
        %run_scoped3A = tpu.sem_alloc : memref<!tpu.dma_semaphore, #tpu.memory_space<semaphore_mem>>
        %dma_start3A_36 = arith.constant 0 : i32
        %dma_start3A_37 = tpu.memref_slice %arg4[%add3A_21, %dma_start3A_36] : memref<320000x512xf32, #tpu.memory_space<hbm>> -> memref<80x512xf32, #tpu.memory_space<hbm>>
        %dma_start3A_38 = arith.constant 0 : i32
        %dma_start3A_39 = tpu.memref_slice %arg4[%add3A_21, %dma_start3A_38] : memref<320000x512xf32, #tpu.memory_space<hbm>> -> memref<80x512xf32, #tpu.memory_space<hbm>>
        tpu.enqueue_dma source(%arg6 : memref<80x512xf32, #tpu.memory_space<vmem>>) target(%dma_start3A_39 : memref<80x512xf32, #tpu.memory_space<hbm>>) target_semaphore(%run_scoped3A : memref<!tpu.dma_semaphore, #tpu.memory_space<semaphore_mem>>)
        %dma_wait3A_40 = arith.constant 0 : i32
        %dma_wait3A_41 = tpu.memref_slice %arg4[%add3A_21, %dma_wait3A_40] : memref<320000x512xf32, #tpu.memory_space<hbm>> -> memref<80x512xf32, #tpu.memory_space<hbm>>
        %dma_wait3A_42 = arith.constant 0 : i32
        %dma_wait3A_43 = tpu.memref_slice %arg4[%add3A_21, %dma_wait3A_42] : memref<320000x512xf32, #tpu.memory_space<hbm>> -> memref<80x512xf32, #tpu.memory_space<hbm>>
        tpu.wait_dma2 semaphore(%run_scoped3A : memref<!tpu.dma_semaphore, #tpu.memory_space<semaphore_mem>>) src(%arg6 : memref<80x512xf32, #tpu.memory_space<vmem>>) dst(%dma_wait3A_43 : memref<80x512xf32, #tpu.memory_space<hbm>>)
        tpu.yield
      }) : () -> ()
      %dma_wait3A_33 = arith.constant 0 : i32
      %dma_wait3A_34 = arith.constant 0 : i32
      %dma_wait3A_35 = tpu.memref_slice %arg2[%dma_wait3A_33, %dma_wait3A_34] : memref<10000x512xf32, #tpu.memory_space<hbm>> -> memref<10000x512xf32, #tpu.memory_space<hbm>>
      tpu.wait_indirect_dma semaphore(%arg10 : memref<!tpu.dma_semaphore, #tpu.memory_space<semaphore_mem>>) src(%dma_wait3A_35 : memref<10000x512xf32, #tpu.memory_space<hbm>>) dst(%arg9 : memref<80x512xf32, #tpu.memory_space<vmem>>)
      "tpu.region"() ({
        %run_scoped3A = tpu.sem_alloc : memref<!tpu.dma_semaphore, #tpu.memory_space<semaphore_mem>>
        %dma_start3A_36 = arith.constant 0 : i32
        %dma_start3A_37 = tpu.memref_slice %arg4[%add3A_23, %dma_start3A_36] : memref<320000x512xf32, #tpu.memory_space<hbm>> -> memref<80x512xf32, #tpu.memory_space<hbm>>
        %dma_start3A_38 = arith.constant 0 : i32
        %dma_start3A_39 = tpu.memref_slice %arg4[%add3A_23, %dma_start3A_38] : memref<320000x512xf32, #tpu.memory_space<hbm>> -> memref<80x512xf32, #tpu.memory_space<hbm>>
        tpu.enqueue_dma source(%arg9 : memref<80x512xf32, #tpu.memory_space<vmem>>) target(%dma_start3A_39 : memref<80x512xf32, #tpu.memory_space<hbm>>) target_semaphore(%run_scoped3A : memref<!tpu.dma_semaphore, #tpu.memory_space<semaphore_mem>>)
        %dma_wait3A_40 = arith.constant 0 : i32
        %dma_wait3A_41 = tpu.memref_slice %arg4[%add3A_23, %dma_wait3A_40] : memref<320000x512xf32, #tpu.memory_space<hbm>> -> memref<80x512xf32, #tpu.memory_space<hbm>>
        %dma_wait3A_42 = arith.constant 0 : i32
        %dma_wait3A_43 = tpu.memref_slice %arg4[%add3A_23, %dma_wait3A_42] : memref<320000x512xf32, #tpu.memory_space<hbm>> -> memref<80x512xf32, #tpu.memory_space<hbm>>
        tpu.wait_dma2 semaphore(%run_scoped3A : memref<!tpu.dma_semaphore, #tpu.memory_space<semaphore_mem>>) src(%arg9 : memref<80x512xf32, #tpu.memory_space<vmem>>) dst(%dma_wait3A_43 : memref<80x512xf32, #tpu.memory_space<hbm>>)
        tpu.yield
      }) : () -> ()
    }
    %scan3A_5 = arith.constant 62 : i32
    %mul3A_6 = arith.constant 10000 : i32
    %mul3A_7 = arith.muli %add3A, %mul3A_6 : i32
    %add3A_8 = arith.constant 9920 : i32
    %add3A_9 = arith.addi %mul3A_7, %add3A_8 : i32
    "tpu.region"() ({
      %run_scoped3A = tpu.sem_alloc : memref<!tpu.dma_semaphore, #tpu.memory_space<semaphore_mem>>
      %dma_start3A_14 = tpu.memref_slice %arg3[%add3A_9] : memref<320000xi32, #tpu.memory_space<hbm>> -> memref<80xi32, #tpu.memory_space<hbm>>
      %dma_start3A_15 = tpu.memref_slice %arg3[%add3A_9] : memref<320000xi32, #tpu.memory_space<hbm>> -> memref<80xi32, #tpu.memory_space<hbm>>
      tpu.enqueue_dma source(%dma_start3A_15 : memref<80xi32, #tpu.memory_space<hbm>>) target(%arg5 : memref<80xi32, #tpu.memory_space<vmem>>) target_semaphore(%run_scoped3A : memref<!tpu.dma_semaphore, #tpu.memory_space<semaphore_mem>>)
      %dma_wait3A_16 = tpu.memref_slice %arg3[%add3A_9] : memref<320000xi32, #tpu.memory_space<hbm>> -> memref<80xi32, #tpu.memory_space<hbm>>
      %dma_wait3A_17 = tpu.memref_slice %arg3[%add3A_9] : memref<320000xi32, #tpu.memory_space<hbm>> -> memref<80xi32, #tpu.memory_space<hbm>>
      tpu.wait_dma2 semaphore(%run_scoped3A : memref<!tpu.dma_semaphore, #tpu.memory_space<semaphore_mem>>) src(%dma_wait3A_17 : memref<80xi32, #tpu.memory_space<hbm>>) dst(%arg5 : memref<80xi32, #tpu.memory_space<vmem>>)
      tpu.yield
    }) : () -> ()
    %dma_start3A = arith.constant 0 : i32
    %dma_start3A_10 = arith.constant 0 : i32
    %dma_start3A_11 = tpu.memref_slice %arg2[%dma_start3A, %dma_start3A_10] : memref<10000x512xf32, #tpu.memory_space<hbm>> -> memref<10000x512xf32, #tpu.memory_space<hbm>>
    tpu.enqueue_indirect_dma source(%dma_start3A_11 : memref<10000x512xf32, #tpu.memory_space<hbm>>) target(%arg6 : memref<80x512xf32, #tpu.memory_space<vmem>>) offsets(%arg5 : memref<80xi32, #tpu.memory_space<vmem>>) semaphore(%arg7 : memref<!tpu.dma_semaphore, #tpu.memory_space<semaphore_mem>>)
    %dma_wait3A = arith.constant 0 : i32
    %dma_wait3A_12 = arith.constant 0 : i32
    %dma_wait3A_13 = tpu.memref_slice %arg2[%dma_wait3A, %dma_wait3A_12] : memref<10000x512xf32, #tpu.memory_space<hbm>> -> memref<10000x512xf32, #tpu.memory_space<hbm>>
    tpu.wait_indirect_dma semaphore(%arg7 : memref<!tpu.dma_semaphore, #tpu.memory_space<semaphore_mem>>) src(%dma_wait3A_13 : memref<10000x512xf32, #tpu.memory_space<hbm>>) dst(%arg6 : memref<80x512xf32, #tpu.memory_space<vmem>>)
    "tpu.region"() ({
      %run_scoped3A = tpu.sem_alloc : memref<!tpu.dma_semaphore, #tpu.memory_space<semaphore_mem>>
      %dma_start3A_14 = arith.constant 0 : i32
      %dma_start3A_15 = tpu.memref_slice %arg4[%add3A_9, %dma_start3A_14] : memref<320000x512xf32, #tpu.memory_space<hbm>> -> memref<80x512xf32, #tpu.memory_space<hbm>>
      %dma_start3A_16 = arith.constant 0 : i32
      %dma_start3A_17 = tpu.memref_slice %arg4[%add3A_9, %dma_start3A_16] : memref<320000x512xf32, #tpu.memory_space<hbm>> -> memref<80x512xf32, #tpu.memory_space<hbm>>
      tpu.enqueue_dma source(%arg6 : memref<80x512xf32, #tpu.memory_space<vmem>>) target(%dma_start3A_17 : memref<80x512xf32, #tpu.memory_space<hbm>>) target_semaphore(%run_scoped3A : memref<!tpu.dma_semaphore, #tpu.memory_space<semaphore_mem>>)
      %dma_wait3A_18 = arith.constant 0 : i32
      %dma_wait3A_19 = tpu.memref_slice %arg4[%add3A_9, %dma_wait3A_18] : memref<320000x512xf32, #tpu.memory_space<hbm>> -> memref<80x512xf32, #tpu.memory_space<hbm>>
      %dma_wait3A_20 = arith.constant 0 : i32
      %dma_wait3A_21 = tpu.memref_slice %arg4[%add3A_9, %dma_wait3A_20] : memref<320000x512xf32, #tpu.memory_space<hbm>> -> memref<80x512xf32, #tpu.memory_space<hbm>>
      tpu.wait_dma2 semaphore(%run_scoped3A : memref<!tpu.dma_semaphore, #tpu.memory_space<semaphore_mem>>) src(%arg6 : memref<80x512xf32, #tpu.memory_space<vmem>>) dst(%dma_wait3A_21 : memref<80x512xf32, #tpu.memory_space<hbm>>)
      tpu.yield
    }) : () -> ()
    return
  }
}

#map = affine_map<(d0, d1) -> (0, 0)>
#map1 = affine_map<(d0, d1) -> (0)>
#map2 = affine_map<(d0, d1) -> (0, 0, 0)>
module attributes {stable_mosaic.version = 14 : i64} {
  func.func @scatter(%arg0: i32, %arg1: i32, %arg2: memref<320000x128xf32, #tpu.memory_space<hbm>>, %arg3: memref<320000xi32, #tpu.memory_space<hbm>>, %arg4: memref<10240x128xf32, #tpu.memory_space<hbm>>, %arg5: memref<2x10240x128xf32, #tpu.memory_space<hbm>>, %arg6: memref<80xi32, #tpu.memory_space<vmem>>, %arg7: memref<80x128xf32, #tpu.memory_space<vmem>>, %arg8: memref<!tpu.dma_semaphore, #tpu.memory_space<semaphore_mem>>, %arg9: memref<80xi32, #tpu.memory_space<vmem>>, %arg10: memref<80x128xf32, #tpu.memory_space<vmem>>, %arg11: memref<!tpu.dma_semaphore, #tpu.memory_space<semaphore_mem>>, %arg12: memref<10240x128xf32, #tpu.memory_space<vmem_shared>>) attributes {dimension_semantics = [#tpu.dimension_semantics<core_parallel>, #tpu.dimension_semantics<subcore_parallel>], iteration_bounds = array<i64: 2, 16>, scalar_prefetch = 0 : i64, scratch_operands = 7 : i64, tpu.core_type = #tpu.core_type<sc_vector_subcore>, window_params = [{transform_indices = #map}, {transform_indices = #map1}, {transform_indices = #map}, {transform_indices = #map2}]} {
    %mul3A = arith.constant 2 : i32
    %mul3A_0 = arith.muli %arg1, %mul3A : i32
    %add3A = arith.addi %mul3A_0, %arg0 : i32
    %mul3A_1 = arith.constant 640 : i32
    %mul3A_2 = arith.muli %arg1, %mul3A_1 : i32
    %mul3A_3 = arith.constant 640 : i32
    %mul3A_4 = arith.muli %arg1, %mul3A_3 : i32
    "tpu.region"() ({
      %run_scoped3A = tpu.sem_alloc : memref<!tpu.dma_semaphore, #tpu.memory_space<semaphore_mem>>
      %dma_start3A = arith.constant 0 : i32
      %dma_start3A_20 = tpu.memref_slice %arg12[%mul3A_4, %dma_start3A] : memref<10240x128xf32, #tpu.memory_space<vmem_shared>> -> memref<640x128xf32, #tpu.memory_space<vmem_shared>>
      %dma_start3A_21 = arith.constant 0 : i32
      %dma_start3A_22 = tpu.memref_slice %arg4[%mul3A_2, %dma_start3A_21] : memref<10240x128xf32, #tpu.memory_space<hbm>> -> memref<640x128xf32, #tpu.memory_space<hbm>>
      tpu.enqueue_dma source(%dma_start3A_22 : memref<640x128xf32, #tpu.memory_space<hbm>>) target(%dma_start3A_20 : memref<640x128xf32, #tpu.memory_space<vmem_shared>>) target_semaphore(%run_scoped3A : memref<!tpu.dma_semaphore, #tpu.memory_space<semaphore_mem>>)
      %dma_wait3A = arith.constant 0 : i32
      %dma_wait3A_23 = tpu.memref_slice %arg12[%mul3A_4, %dma_wait3A] : memref<10240x128xf32, #tpu.memory_space<vmem_shared>> -> memref<640x128xf32, #tpu.memory_space<vmem_shared>>
      %dma_wait3A_24 = arith.constant 0 : i32
      %dma_wait3A_25 = tpu.memref_slice %arg4[%mul3A_2, %dma_wait3A_24] : memref<10240x128xf32, #tpu.memory_space<hbm>> -> memref<640x128xf32, #tpu.memory_space<hbm>>
      tpu.wait_dma2 semaphore(%run_scoped3A : memref<!tpu.dma_semaphore, #tpu.memory_space<semaphore_mem>>) src(%dma_wait3A_25 : memref<640x128xf32, #tpu.memory_space<hbm>>) dst(%dma_wait3A_23 : memref<640x128xf32, #tpu.memory_space<vmem_shared>>)
      tpu.yield
    }) : () -> ()
    %barrier3A = arith.constant 0 : index
    tpu.barrier barrier_id(%barrier3A)
    %scan3A = arith.constant 0 : i32
    %scan3A_5 = arith.constant 0 : i32
    %scan3A_6 = arith.constant 62 : i32
    %scan3A_7 = arith.addi %scan3A_5, %scan3A_6 : i32
    %scan3A_8 = arith.constant 1 : i32
    scf.for %scan3A_20 = %scan3A_5 to %scan3A_7 step %scan3A_8  : i32 {
      %mul3A_21 = arith.constant 10000 : i32
      %mul3A_22 = arith.muli %add3A, %mul3A_21 : i32
      %mul3A_23 = arith.constant 2 : i32
      %mul3A_24 = arith.muli %mul3A_23, %scan3A_20 : i32
      %mul3A_25 = arith.constant 80 : i32
      %mul3A_26 = arith.muli %mul3A_24, %mul3A_25 : i32
      %add3A_27 = arith.addi %mul3A_22, %mul3A_26 : i32
      %add3A_28 = arith.constant 80 : i32
      %add3A_29 = arith.addi %add3A_27, %add3A_28 : i32
      "tpu.region"() ({
        %run_scoped3A = tpu.sem_alloc : memref<!tpu.dma_semaphore, #tpu.memory_space<semaphore_mem>>
        %dma_start3A_40 = tpu.memref_slice %arg3[%add3A_27] : memref<320000xi32, #tpu.memory_space<hbm>> -> memref<80xi32, #tpu.memory_space<hbm>>
        %dma_start3A_41 = tpu.memref_slice %arg3[%add3A_27] : memref<320000xi32, #tpu.memory_space<hbm>> -> memref<80xi32, #tpu.memory_space<hbm>>
        tpu.enqueue_dma source(%dma_start3A_41 : memref<80xi32, #tpu.memory_space<hbm>>) target(%arg6 : memref<80xi32, #tpu.memory_space<vmem>>) target_semaphore(%run_scoped3A : memref<!tpu.dma_semaphore, #tpu.memory_space<semaphore_mem>>)
        %dma_wait3A_42 = tpu.memref_slice %arg3[%add3A_27] : memref<320000xi32, #tpu.memory_space<hbm>> -> memref<80xi32, #tpu.memory_space<hbm>>
        %dma_wait3A_43 = tpu.memref_slice %arg3[%add3A_27] : memref<320000xi32, #tpu.memory_space<hbm>> -> memref<80xi32, #tpu.memory_space<hbm>>
        tpu.wait_dma2 semaphore(%run_scoped3A : memref<!tpu.dma_semaphore, #tpu.memory_space<semaphore_mem>>) src(%dma_wait3A_43 : memref<80xi32, #tpu.memory_space<hbm>>) dst(%arg6 : memref<80xi32, #tpu.memory_space<vmem>>)
        tpu.yield
      }) : () -> ()
      "tpu.region"() ({
        %run_scoped3A = tpu.sem_alloc : memref<!tpu.dma_semaphore, #tpu.memory_space<semaphore_mem>>
        %dma_start3A_40 = arith.constant 0 : i32
        %dma_start3A_41 = tpu.memref_slice %arg2[%add3A_27, %dma_start3A_40] : memref<320000x128xf32, #tpu.memory_space<hbm>> -> memref<80x128xf32, #tpu.memory_space<hbm>>
        %dma_start3A_42 = arith.constant 0 : i32
        %dma_start3A_43 = tpu.memref_slice %arg2[%add3A_27, %dma_start3A_42] : memref<320000x128xf32, #tpu.memory_space<hbm>> -> memref<80x128xf32, #tpu.memory_space<hbm>>
        tpu.enqueue_dma source(%dma_start3A_43 : memref<80x128xf32, #tpu.memory_space<hbm>>) target(%arg7 : memref<80x128xf32, #tpu.memory_space<vmem>>) target_semaphore(%run_scoped3A : memref<!tpu.dma_semaphore, #tpu.memory_space<semaphore_mem>>)
        %dma_wait3A_44 = arith.constant 0 : i32
        %dma_wait3A_45 = tpu.memref_slice %arg2[%add3A_27, %dma_wait3A_44] : memref<320000x128xf32, #tpu.memory_space<hbm>> -> memref<80x128xf32, #tpu.memory_space<hbm>>
        %dma_wait3A_46 = arith.constant 0 : i32
        %dma_wait3A_47 = tpu.memref_slice %arg2[%add3A_27, %dma_wait3A_46] : memref<320000x128xf32, #tpu.memory_space<hbm>> -> memref<80x128xf32, #tpu.memory_space<hbm>>
        tpu.wait_dma2 semaphore(%run_scoped3A : memref<!tpu.dma_semaphore, #tpu.memory_space<semaphore_mem>>) src(%dma_wait3A_47 : memref<80x128xf32, #tpu.memory_space<hbm>>) dst(%arg7 : memref<80x128xf32, #tpu.memory_space<vmem>>)
        tpu.yield
      }) : () -> ()
      %dma_start3A = arith.constant 0 : i32
      %dma_start3A_30 = arith.constant 0 : i32
      %dma_start3A_31 = tpu.memref_slice %arg12[%dma_start3A, %dma_start3A_30] : memref<10240x128xf32, #tpu.memory_space<vmem_shared>> -> memref<10240x128xf32, #tpu.memory_space<vmem_shared>>
      tpu.enqueue_indirect_dma source(%arg7 : memref<80x128xf32, #tpu.memory_space<vmem>>) target(%dma_start3A_31 : memref<10240x128xf32, #tpu.memory_space<vmem_shared>>) offsets(%arg6 : memref<80xi32, #tpu.memory_space<vmem>>) semaphore(%arg8 : memref<!tpu.dma_semaphore, #tpu.memory_space<semaphore_mem>>) {add = true}
      "tpu.region"() ({
        %run_scoped3A = tpu.sem_alloc : memref<!tpu.dma_semaphore, #tpu.memory_space<semaphore_mem>>
        %dma_start3A_40 = tpu.memref_slice %arg3[%add3A_29] : memref<320000xi32, #tpu.memory_space<hbm>> -> memref<80xi32, #tpu.memory_space<hbm>>
        %dma_start3A_41 = tpu.memref_slice %arg3[%add3A_29] : memref<320000xi32, #tpu.memory_space<hbm>> -> memref<80xi32, #tpu.memory_space<hbm>>
        tpu.enqueue_dma source(%dma_start3A_41 : memref<80xi32, #tpu.memory_space<hbm>>) target(%arg9 : memref<80xi32, #tpu.memory_space<vmem>>) target_semaphore(%run_scoped3A : memref<!tpu.dma_semaphore, #tpu.memory_space<semaphore_mem>>)
        %dma_wait3A_42 = tpu.memref_slice %arg3[%add3A_29] : memref<320000xi32, #tpu.memory_space<hbm>> -> memref<80xi32, #tpu.memory_space<hbm>>
        %dma_wait3A_43 = tpu.memref_slice %arg3[%add3A_29] : memref<320000xi32, #tpu.memory_space<hbm>> -> memref<80xi32, #tpu.memory_space<hbm>>
        tpu.wait_dma2 semaphore(%run_scoped3A : memref<!tpu.dma_semaphore, #tpu.memory_space<semaphore_mem>>) src(%dma_wait3A_43 : memref<80xi32, #tpu.memory_space<hbm>>) dst(%arg9 : memref<80xi32, #tpu.memory_space<vmem>>)
        tpu.yield
      }) : () -> ()
      "tpu.region"() ({
        %run_scoped3A = tpu.sem_alloc : memref<!tpu.dma_semaphore, #tpu.memory_space<semaphore_mem>>
        %dma_start3A_40 = arith.constant 0 : i32
        %dma_start3A_41 = tpu.memref_slice %arg2[%add3A_29, %dma_start3A_40] : memref<320000x128xf32, #tpu.memory_space<hbm>> -> memref<80x128xf32, #tpu.memory_space<hbm>>
        %dma_start3A_42 = arith.constant 0 : i32
        %dma_start3A_43 = tpu.memref_slice %arg2[%add3A_29, %dma_start3A_42] : memref<320000x128xf32, #tpu.memory_space<hbm>> -> memref<80x128xf32, #tpu.memory_space<hbm>>
        tpu.enqueue_dma source(%dma_start3A_43 : memref<80x128xf32, #tpu.memory_space<hbm>>) target(%arg10 : memref<80x128xf32, #tpu.memory_space<vmem>>) target_semaphore(%run_scoped3A : memref<!tpu.dma_semaphore, #tpu.memory_space<semaphore_mem>>)
        %dma_wait3A_44 = arith.constant 0 : i32
        %dma_wait3A_45 = tpu.memref_slice %arg2[%add3A_29, %dma_wait3A_44] : memref<320000x128xf32, #tpu.memory_space<hbm>> -> memref<80x128xf32, #tpu.memory_space<hbm>>
        %dma_wait3A_46 = arith.constant 0 : i32
        %dma_wait3A_47 = tpu.memref_slice %arg2[%add3A_29, %dma_wait3A_46] : memref<320000x128xf32, #tpu.memory_space<hbm>> -> memref<80x128xf32, #tpu.memory_space<hbm>>
        tpu.wait_dma2 semaphore(%run_scoped3A : memref<!tpu.dma_semaphore, #tpu.memory_space<semaphore_mem>>) src(%dma_wait3A_47 : memref<80x128xf32, #tpu.memory_space<hbm>>) dst(%arg10 : memref<80x128xf32, #tpu.memory_space<vmem>>)
        tpu.yield
      }) : () -> ()
      %dma_start3A_32 = arith.constant 0 : i32
      %dma_start3A_33 = arith.constant 0 : i32
      %dma_start3A_34 = tpu.memref_slice %arg12[%dma_start3A_32, %dma_start3A_33] : memref<10240x128xf32, #tpu.memory_space<vmem_shared>> -> memref<10240x128xf32, #tpu.memory_space<vmem_shared>>
      tpu.enqueue_indirect_dma source(%arg10 : memref<80x128xf32, #tpu.memory_space<vmem>>) target(%dma_start3A_34 : memref<10240x128xf32, #tpu.memory_space<vmem_shared>>) offsets(%arg9 : memref<80xi32, #tpu.memory_space<vmem>>) semaphore(%arg11 : memref<!tpu.dma_semaphore, #tpu.memory_space<semaphore_mem>>) {add = true}
      %dma_wait3A = arith.constant 0 : i32
      %dma_wait3A_35 = arith.constant 0 : i32
      %dma_wait3A_36 = tpu.memref_slice %arg12[%dma_wait3A, %dma_wait3A_35] : memref<10240x128xf32, #tpu.memory_space<vmem_shared>> -> memref<10240x128xf32, #tpu.memory_space<vmem_shared>>
      tpu.wait_indirect_dma semaphore(%arg8 : memref<!tpu.dma_semaphore, #tpu.memory_space<semaphore_mem>>) src(%arg7 : memref<80x128xf32, #tpu.memory_space<vmem>>) dst(%dma_wait3A_36 : memref<10240x128xf32, #tpu.memory_space<vmem_shared>>)
      %dma_wait3A_37 = arith.constant 0 : i32
      %dma_wait3A_38 = arith.constant 0 : i32
      %dma_wait3A_39 = tpu.memref_slice %arg12[%dma_wait3A_37, %dma_wait3A_38] : memref<10240x128xf32, #tpu.memory_space<vmem_shared>> -> memref<10240x128xf32, #tpu.memory_space<vmem_shared>>
      tpu.wait_indirect_dma semaphore(%arg11 : memref<!tpu.dma_semaphore, #tpu.memory_space<semaphore_mem>>) src(%arg10 : memref<80x128xf32, #tpu.memory_space<vmem>>) dst(%dma_wait3A_39 : memref<10240x128xf32, #tpu.memory_space<vmem_shared>>)
    }
    %scan3A_9 = arith.constant 62 : i32
    %mul3A_10 = arith.constant 10000 : i32
    %mul3A_11 = arith.muli %add3A, %mul3A_10 : i32
    %add3A_12 = arith.constant 9920 : i32
    %add3A_13 = arith.addi %mul3A_11, %add3A_12 : i32
    "tpu.region"() ({
      %run_scoped3A = tpu.sem_alloc : memref<!tpu.dma_semaphore, #tpu.memory_space<semaphore_mem>>
      %dma_start3A = tpu.memref_slice %arg3[%add3A_13] : memref<320000xi32, #tpu.memory_space<hbm>> -> memref<80xi32, #tpu.memory_space<hbm>>
      %dma_start3A_20 = tpu.memref_slice %arg3[%add3A_13] : memref<320000xi32, #tpu.memory_space<hbm>> -> memref<80xi32, #tpu.memory_space<hbm>>
      tpu.enqueue_dma source(%dma_start3A_20 : memref<80xi32, #tpu.memory_space<hbm>>) target(%arg6 : memref<80xi32, #tpu.memory_space<vmem>>) target_semaphore(%run_scoped3A : memref<!tpu.dma_semaphore, #tpu.memory_space<semaphore_mem>>)
      %dma_wait3A = tpu.memref_slice %arg3[%add3A_13] : memref<320000xi32, #tpu.memory_space<hbm>> -> memref<80xi32, #tpu.memory_space<hbm>>
      %dma_wait3A_21 = tpu.memref_slice %arg3[%add3A_13] : memref<320000xi32, #tpu.memory_space<hbm>> -> memref<80xi32, #tpu.memory_space<hbm>>
      tpu.wait_dma2 semaphore(%run_scoped3A : memref<!tpu.dma_semaphore, #tpu.memory_space<semaphore_mem>>) src(%dma_wait3A_21 : memref<80xi32, #tpu.memory_space<hbm>>) dst(%arg6 : memref<80xi32, #tpu.memory_space<vmem>>)
      tpu.yield
    }) : () -> ()
    "tpu.region"() ({
      %run_scoped3A = tpu.sem_alloc : memref<!tpu.dma_semaphore, #tpu.memory_space<semaphore_mem>>
      %dma_start3A = arith.constant 0 : i32
      %dma_start3A_20 = tpu.memref_slice %arg2[%add3A_13, %dma_start3A] : memref<320000x128xf32, #tpu.memory_space<hbm>> -> memref<80x128xf32, #tpu.memory_space<hbm>>
      %dma_start3A_21 = arith.constant 0 : i32
      %dma_start3A_22 = tpu.memref_slice %arg2[%add3A_13, %dma_start3A_21] : memref<320000x128xf32, #tpu.memory_space<hbm>> -> memref<80x128xf32, #tpu.memory_space<hbm>>
      tpu.enqueue_dma source(%dma_start3A_22 : memref<80x128xf32, #tpu.memory_space<hbm>>) target(%arg7 : memref<80x128xf32, #tpu.memory_space<vmem>>) target_semaphore(%run_scoped3A : memref<!tpu.dma_semaphore, #tpu.memory_space<semaphore_mem>>)
      %dma_wait3A = arith.constant 0 : i32
      %dma_wait3A_23 = tpu.memref_slice %arg2[%add3A_13, %dma_wait3A] : memref<320000x128xf32, #tpu.memory_space<hbm>> -> memref<80x128xf32, #tpu.memory_space<hbm>>
      %dma_wait3A_24 = arith.constant 0 : i32
      %dma_wait3A_25 = tpu.memref_slice %arg2[%add3A_13, %dma_wait3A_24] : memref<320000x128xf32, #tpu.memory_space<hbm>> -> memref<80x128xf32, #tpu.memory_space<hbm>>
      tpu.wait_dma2 semaphore(%run_scoped3A : memref<!tpu.dma_semaphore, #tpu.memory_space<semaphore_mem>>) src(%dma_wait3A_25 : memref<80x128xf32, #tpu.memory_space<hbm>>) dst(%arg7 : memref<80x128xf32, #tpu.memory_space<vmem>>)
      tpu.yield
    }) : () -> ()
    "tpu.region"() ({
      %run_scoped3A = tpu.sem_alloc : memref<!tpu.dma_semaphore, #tpu.memory_space<semaphore_mem>>
      %dma_start3A = arith.constant 0 : i32
      %dma_start3A_20 = arith.constant 0 : i32
      %dma_start3A_21 = tpu.memref_slice %arg12[%dma_start3A, %dma_start3A_20] : memref<10240x128xf32, #tpu.memory_space<vmem_shared>> -> memref<10240x128xf32, #tpu.memory_space<vmem_shared>>
      tpu.enqueue_indirect_dma source(%arg7 : memref<80x128xf32, #tpu.memory_space<vmem>>) target(%dma_start3A_21 : memref<10240x128xf32, #tpu.memory_space<vmem_shared>>) offsets(%arg6 : memref<80xi32, #tpu.memory_space<vmem>>) semaphore(%run_scoped3A : memref<!tpu.dma_semaphore, #tpu.memory_space<semaphore_mem>>) {add = true}
      %dma_wait3A = arith.constant 0 : i32
      %dma_wait3A_22 = arith.constant 0 : i32
      %dma_wait3A_23 = tpu.memref_slice %arg12[%dma_wait3A, %dma_wait3A_22] : memref<10240x128xf32, #tpu.memory_space<vmem_shared>> -> memref<10240x128xf32, #tpu.memory_space<vmem_shared>>
      tpu.wait_indirect_dma semaphore(%run_scoped3A : memref<!tpu.dma_semaphore, #tpu.memory_space<semaphore_mem>>) src(%arg7 : memref<80x128xf32, #tpu.memory_space<vmem>>) dst(%dma_wait3A_23 : memref<10240x128xf32, #tpu.memory_space<vmem_shared>>)
      tpu.yield
    }) : () -> ()
    %barrier3A_14 = arith.constant 0 : index
    tpu.barrier barrier_id(%barrier3A_14)
    %mul3A_15 = arith.constant 640 : i32
    %mul3A_16 = arith.muli %arg1, %mul3A_15 : i32
    %mul3A_17 = arith.constant 640 : i32
    %mul3A_18 = arith.muli %arg1, %mul3A_17 : i32
    "tpu.region"() ({
      %run_scoped3A = tpu.sem_alloc : memref<!tpu.dma_semaphore, #tpu.memory_space<semaphore_mem>>
      %dma_start3A = arith.constant 0 : i32
      %dma_start3A_20 = tpu.memref_slice %arg5[%arg0, %mul3A_18, %dma_start3A] : memref<2x10240x128xf32, #tpu.memory_space<hbm>> -> memref<1x640x128xf32, #tpu.memory_space<hbm>>
      %dma_start3A_21 = tpu.memref_squeeze %dma_start3A_20 : memref<1x640x128xf32, #tpu.memory_space<hbm>> -> memref<640x128xf32, #tpu.memory_space<hbm>>
      %dma_start3A_22 = arith.constant 0 : i32
      %dma_start3A_23 = tpu.memref_slice %arg12[%mul3A_16, %dma_start3A_22] : memref<10240x128xf32, #tpu.memory_space<vmem_shared>> -> memref<640x128xf32, #tpu.memory_space<vmem_shared>>
      tpu.enqueue_dma source(%dma_start3A_23 : memref<640x128xf32, #tpu.memory_space<vmem_shared>>) target(%dma_start3A_21 : memref<640x128xf32, #tpu.memory_space<hbm>>) target_semaphore(%run_scoped3A : memref<!tpu.dma_semaphore, #tpu.memory_space<semaphore_mem>>)
      %dma_wait3A = arith.constant 0 : i32
      %dma_wait3A_24 = tpu.memref_slice %arg5[%arg0, %mul3A_18, %dma_wait3A] : memref<2x10240x128xf32, #tpu.memory_space<hbm>> -> memref<1x640x128xf32, #tpu.memory_space<hbm>>
      %dma_wait3A_25 = tpu.memref_squeeze %dma_wait3A_24 : memref<1x640x128xf32, #tpu.memory_space<hbm>> -> memref<640x128xf32, #tpu.memory_space<hbm>>
      %dma_wait3A_26 = arith.constant 0 : i32
      %dma_wait3A_27 = tpu.memref_slice %arg12[%mul3A_16, %dma_wait3A_26] : memref<10240x128xf32, #tpu.memory_space<vmem_shared>> -> memref<640x128xf32, #tpu.memory_space<vmem_shared>>
      tpu.wait_dma2 semaphore(%run_scoped3A : memref<!tpu.dma_semaphore, #tpu.memory_space<semaphore_mem>>) src(%dma_wait3A_27 : memref<640x128xf32, #tpu.memory_space<vmem_shared>>) dst(%dma_wait3A_25 : memref<640x128xf32, #tpu.memory_space<hbm>>)
      tpu.yield
    }) : () -> ()
    %barrier3A_19 = arith.constant 0 : index
    tpu.barrier barrier_id(%barrier3A_19)
    return
  }
}

#map = affine_map<(d0, d1) -> (0, 0)>
#map1 = affine_map<(d0, d1) -> (0)>
module attributes {stable_mosaic.version = 14 : i64} {
  func.func @gather(%arg0: i32, %arg1: i32, %arg2: memref<10000x512xf32, #tpu.memory_space<hbm>>, %arg3: memref<320000xi32, #tpu.memory_space<hbm>>, %arg4: memref<320000x512xf32, #tpu.memory_space<hbm>>, %arg5: memref<80xi32, #tpu.memory_space<vmem>>, %arg6: memref<80x512xf32, #tpu.memory_space<vmem>>, %arg7: memref<!tpu.dma_semaphore, #tpu.memory_space<semaphore_mem>>, %arg8: memref<80xi32, #tpu.memory_space<vmem>>, %arg9: memref<80x512xf32, #tpu.memory_space<vmem>>, %arg10: memref<!tpu.dma_semaphore, #tpu.memory_space<semaphore_mem>>) attributes {dimension_semantics = [#tpu.dimension_semantics<core_parallel>, #tpu.dimension_semantics<subcore_parallel>], iteration_bounds = array<i64: 2, 16>, scalar_prefetch = 0 : i64, scratch_operands = 6 : i64, tpu.core_type = #tpu.core_type<sc_vector_subcore>, window_params = [{transform_indices = #map}, {transform_indices = #map1}, {transform_indices = #map}]} {
    %mul3A = arith.constant 2 : i32
    %mul3A_0 = arith.muli %arg1, %mul3A : i32
    %add3A = arith.addi %mul3A_0, %arg0 : i32
    %scan3A = arith.constant 0 : i32
    %scan3A_1 = arith.constant 0 : i32
    %scan3A_2 = arith.constant 62 : i32
    %scan3A_3 = arith.addi %scan3A_1, %scan3A_2 : i32
    %scan3A_4 = arith.constant 1 : i32
    scf.for %scan3A_14 = %scan3A_1 to %scan3A_3 step %scan3A_4  : i32 {
      %mul3A_15 = arith.constant 10000 : i32
      %mul3A_16 = arith.muli %add3A, %mul3A_15 : i32
      %mul3A_17 = arith.constant 2 : i32
      %mul3A_18 = arith.muli %mul3A_17, %scan3A_14 : i32
      %mul3A_19 = arith.constant 80 : i32
      %mul3A_20 = arith.muli %mul3A_18, %mul3A_19 : i32
      %add3A_21 = arith.addi %mul3A_16, %mul3A_20 : i32
      %add3A_22 = arith.constant 80 : i32
      %add3A_23 = arith.addi %add3A_21, %add3A_22 : i32
      "tpu.region"() ({
        %run_scoped3A = tpu.sem_alloc : memref<!tpu.dma_semaphore, #tpu.memory_space<semaphore_mem>>
        %dma_start3A_36 = tpu.memref_slice %arg3[%add3A_21] : memref<320000xi32, #tpu.memory_space<hbm>> -> memref<80xi32, #tpu.memory_space<hbm>>
        %dma_start3A_37 = tpu.memref_slice %arg3[%add3A_21] : memref<320000xi32, #tpu.memory_space<hbm>> -> memref<80xi32, #tpu.memory_space<hbm>>
        tpu.enqueue_dma source(%dma_start3A_37 : memref<80xi32, #tpu.memory_space<hbm>>) target(%arg5 : memref<80xi32, #tpu.memory_space<vmem>>) target_semaphore(%run_scoped3A : memref<!tpu.dma_semaphore, #tpu.memory_space<semaphore_mem>>)
        %dma_wait3A_38 = tpu.memref_slice %arg3[%add3A_21] : memref<320000xi32, #tpu.memory_space<hbm>> -> memref<80xi32, #tpu.memory_space<hbm>>
        %dma_wait3A_39 = tpu.memref_slice %arg3[%add3A_21] : memref<320000xi32, #tpu.memory_space<hbm>> -> memref<80xi32, #tpu.memory_space<hbm>>
        tpu.wait_dma2 semaphore(%run_scoped3A : memref<!tpu.dma_semaphore, #tpu.memory_space<semaphore_mem>>) src(%dma_wait3A_39 : memref<80xi32, #tpu.memory_space<hbm>>) dst(%arg5 : memref<80xi32, #tpu.memory_space<vmem>>)
        tpu.yield
      }) : () -> ()
      "tpu.region"() ({
        %run_scoped3A = tpu.sem_alloc : memref<!tpu.dma_semaphore, #tpu.memory_space<semaphore_mem>>
        %dma_start3A_36 = tpu.memref_slice %arg3[%add3A_23] : memref<320000xi32, #tpu.memory_space<hbm>> -> memref<80xi32, #tpu.memory_space<hbm>>
        %dma_start3A_37 = tpu.memref_slice %arg3[%add3A_23] : memref<320000xi32, #tpu.memory_space<hbm>> -> memref<80xi32, #tpu.memory_space<hbm>>
        tpu.enqueue_dma source(%dma_start3A_37 : memref<80xi32, #tpu.memory_space<hbm>>) target(%arg8 : memref<80xi32, #tpu.memory_space<vmem>>) target_semaphore(%run_scoped3A : memref<!tpu.dma_semaphore, #tpu.memory_space<semaphore_mem>>)
        %dma_wait3A_38 = tpu.memref_slice %arg3[%add3A_23] : memref<320000xi32, #tpu.memory_space<hbm>> -> memref<80xi32, #tpu.memory_space<hbm>>
        %dma_wait3A_39 = tpu.memref_slice %arg3[%add3A_23] : memref<320000xi32, #tpu.memory_space<hbm>> -> memref<80xi32, #tpu.memory_space<hbm>>
        tpu.wait_dma2 semaphore(%run_scoped3A : memref<!tpu.dma_semaphore, #tpu.memory_space<semaphore_mem>>) src(%dma_wait3A_39 : memref<80xi32, #tpu.memory_space<hbm>>) dst(%arg8 : memref<80xi32, #tpu.memory_space<vmem>>)
        tpu.yield
      }) : () -> ()
      %dma_start3A_24 = arith.constant 0 : i32
      %dma_start3A_25 = arith.constant 0 : i32
      %dma_start3A_26 = tpu.memref_slice %arg2[%dma_start3A_24, %dma_start3A_25] : memref<10000x512xf32, #tpu.memory_space<hbm>> -> memref<10000x512xf32, #tpu.memory_space<hbm>>
      tpu.enqueue_indirect_dma source(%dma_start3A_26 : memref<10000x512xf32, #tpu.memory_space<hbm>>) target(%arg6 : memref<80x512xf32, #tpu.memory_space<vmem>>) offsets(%arg5 : memref<80xi32, #tpu.memory_space<vmem>>) semaphore(%arg7 : memref<!tpu.dma_semaphore, #tpu.memory_space<semaphore_mem>>)
      %dma_start3A_27 = arith.constant 0 : i32
      %dma_start3A_28 = arith.constant 0 : i32
      %dma_start3A_29 = tpu.memref_slice %arg2[%dma_start3A_27, %dma_start3A_28] : memref<10000x512xf32, #tpu.memory_space<hbm>> -> memref<10000x512xf32, #tpu.memory_space<hbm>>
      tpu.enqueue_indirect_dma source(%dma_start3A_29 : memref<10000x512xf32, #tpu.memory_space<hbm>>) target(%arg9 : memref<80x512xf32, #tpu.memory_space<vmem>>) offsets(%arg8 : memref<80xi32, #tpu.memory_space<vmem>>) semaphore(%arg10 : memref<!tpu.dma_semaphore, #tpu.memory_space<semaphore_mem>>)
      %dma_wait3A_30 = arith.constant 0 : i32
      %dma_wait3A_31 = arith.constant 0 : i32
      %dma_wait3A_32 = tpu.memref_slice %arg2[%dma_wait3A_30, %dma_wait3A_31] : memref<10000x512xf32, #tpu.memory_space<hbm>> -> memref<10000x512xf32, #tpu.memory_space<hbm>>
      tpu.wait_indirect_dma semaphore(%arg7 : memref<!tpu.dma_semaphore, #tpu.memory_space<semaphore_mem>>) src(%dma_wait3A_32 : memref<10000x512xf32, #tpu.memory_space<hbm>>) dst(%arg6 : memref<80x512xf32, #tpu.memory_space<vmem>>)
      "tpu.region"() ({
        %run_scoped3A = tpu.sem_alloc : memref<!tpu.dma_semaphore, #tpu.memory_space<semaphore_mem>>
        %dma_start3A_36 = arith.constant 0 : i32
        %dma_start3A_37 = tpu.memref_slice %arg4[%add3A_21, %dma_start3A_36] : memref<320000x512xf32, #tpu.memory_space<hbm>> -> memref<80x512xf32, #tpu.memory_space<hbm>>
        %dma_start3A_38 = arith.constant 0 : i32
        %dma_start3A_39 = tpu.memref_slice %arg4[%add3A_21, %dma_start3A_38] : memref<320000x512xf32, #tpu.memory_space<hbm>> -> memref<80x512xf32, #tpu.memory_space<hbm>>
        tpu.enqueue_dma source(%arg6 : memref<80x512xf32, #tpu.memory_space<vmem>>) target(%dma_start3A_39 : memref<80x512xf32, #tpu.memory_space<hbm>>) target_semaphore(%run_scoped3A : memref<!tpu.dma_semaphore, #tpu.memory_space<semaphore_mem>>)
        %dma_wait3A_40 = arith.constant 0 : i32
        %dma_wait3A_41 = tpu.memref_slice %arg4[%add3A_21, %dma_wait3A_40] : memref<320000x512xf32, #tpu.memory_space<hbm>> -> memref<80x512xf32, #tpu.memory_space<hbm>>
        %dma_wait3A_42 = arith.constant 0 : i32
        %dma_wait3A_43 = tpu.memref_slice %arg4[%add3A_21, %dma_wait3A_42] : memref<320000x512xf32, #tpu.memory_space<hbm>> -> memref<80x512xf32, #tpu.memory_space<hbm>>
        tpu.wait_dma2 semaphore(%run_scoped3A : memref<!tpu.dma_semaphore, #tpu.memory_space<semaphore_mem>>) src(%arg6 : memref<80x512xf32, #tpu.memory_space<vmem>>) dst(%dma_wait3A_43 : memref<80x512xf32, #tpu.memory_space<hbm>>)
        tpu.yield
      }) : () -> ()
      %dma_wait3A_33 = arith.constant 0 : i32
      %dma_wait3A_34 = arith.constant 0 : i32
      %dma_wait3A_35 = tpu.memref_slice %arg2[%dma_wait3A_33, %dma_wait3A_34] : memref<10000x512xf32, #tpu.memory_space<hbm>> -> memref<10000x512xf32, #tpu.memory_space<hbm>>
      tpu.wait_indirect_dma semaphore(%arg10 : memref<!tpu.dma_semaphore, #tpu.memory_space<semaphore_mem>>) src(%dma_wait3A_35 : memref<10000x512xf32, #tpu.memory_space<hbm>>) dst(%arg9 : memref<80x512xf32, #tpu.memory_space<vmem>>)
      "tpu.region"() ({
        %run_scoped3A = tpu.sem_alloc : memref<!tpu.dma_semaphore, #tpu.memory_space<semaphore_mem>>
        %dma_start3A_36 = arith.constant 0 : i32
        %dma_start3A_37 = tpu.memref_slice %arg4[%add3A_23, %dma_start3A_36] : memref<320000x512xf32, #tpu.memory_space<hbm>> -> memref<80x512xf32, #tpu.memory_space<hbm>>
        %dma_start3A_38 = arith.constant 0 : i32
        %dma_start3A_39 = tpu.memref_slice %arg4[%add3A_23, %dma_start3A_38] : memref<320000x512xf32, #tpu.memory_space<hbm>> -> memref<80x512xf32, #tpu.memory_space<hbm>>
        tpu.enqueue_dma source(%arg9 : memref<80x512xf32, #tpu.memory_space<vmem>>) target(%dma_start3A_39 : memref<80x512xf32, #tpu.memory_space<hbm>>) target_semaphore(%run_scoped3A : memref<!tpu.dma_semaphore, #tpu.memory_space<semaphore_mem>>)
        %dma_wait3A_40 = arith.constant 0 : i32
        %dma_wait3A_41 = tpu.memref_slice %arg4[%add3A_23, %dma_wait3A_40] : memref<320000x512xf32, #tpu.memory_space<hbm>> -> memref<80x512xf32, #tpu.memory_space<hbm>>
        %dma_wait3A_42 = arith.constant 0 : i32
        %dma_wait3A_43 = tpu.memref_slice %arg4[%add3A_23, %dma_wait3A_42] : memref<320000x512xf32, #tpu.memory_space<hbm>> -> memref<80x512xf32, #tpu.memory_space<hbm>>
        tpu.wait_dma2 semaphore(%run_scoped3A : memref<!tpu.dma_semaphore, #tpu.memory_space<semaphore_mem>>) src(%arg9 : memref<80x512xf32, #tpu.memory_space<vmem>>) dst(%dma_wait3A_43 : memref<80x512xf32, #tpu.memory_space<hbm>>)
        tpu.yield
      }) : () -> ()
    }
    %scan3A_5 = arith.constant 62 : i32
    %mul3A_6 = arith.constant 10000 : i32
    %mul3A_7 = arith.muli %add3A, %mul3A_6 : i32
    %add3A_8 = arith.constant 9920 : i32
    %add3A_9 = arith.addi %mul3A_7, %add3A_8 : i32
    "tpu.region"() ({
      %run_scoped3A = tpu.sem_alloc : memref<!tpu.dma_semaphore, #tpu.memory_space<semaphore_mem>>
      %dma_start3A_14 = tpu.memref_slice %arg3[%add3A_9] : memref<320000xi32, #tpu.memory_space<hbm>> -> memref<80xi32, #tpu.memory_space<hbm>>
      %dma_start3A_15 = tpu.memref_slice %arg3[%add3A_9] : memref<320000xi32, #tpu.memory_space<hbm>> -> memref<80xi32, #tpu.memory_space<hbm>>
      tpu.enqueue_dma source(%dma_start3A_15 : memref<80xi32, #tpu.memory_space<hbm>>) target(%arg5 : memref<80xi32, #tpu.memory_space<vmem>>) target_semaphore(%run_scoped3A : memref<!tpu.dma_semaphore, #tpu.memory_space<semaphore_mem>>)
      %dma_wait3A_16 = tpu.memref_slice %arg3[%add3A_9] : memref<320000xi32, #tpu.memory_space<hbm>> -> memref<80xi32, #tpu.memory_space<hbm>>
      %dma_wait3A_17 = tpu.memref_slice %arg3[%add3A_9] : memref<320000xi32, #tpu.memory_space<hbm>> -> memref<80xi32, #tpu.memory_space<hbm>>
      tpu.wait_dma2 semaphore(%run_scoped3A : memref<!tpu.dma_semaphore, #tpu.memory_space<semaphore_mem>>) src(%dma_wait3A_17 : memref<80xi32, #tpu.memory_space<hbm>>) dst(%arg5 : memref<80xi32, #tpu.memory_space<vmem>>)
      tpu.yield
    }) : () -> ()
    %dma_start3A = arith.constant 0 : i32
    %dma_start3A_10 = arith.constant 0 : i32
    %dma_start3A_11 = tpu.memref_slice %arg2[%dma_start3A, %dma_start3A_10] : memref<10000x512xf32, #tpu.memory_space<hbm>> -> memref<10000x512xf32, #tpu.memory_space<hbm>>
    tpu.enqueue_indirect_dma source(%dma_start3A_11 : memref<10000x512xf32, #tpu.memory_space<hbm>>) target(%arg6 : memref<80x512xf32, #tpu.memory_space<vmem>>) offsets(%arg5 : memref<80xi32, #tpu.memory_space<vmem>>) semaphore(%arg7 : memref<!tpu.dma_semaphore, #tpu.memory_space<semaphore_mem>>)
    %dma_wait3A = arith.constant 0 : i32
    %dma_wait3A_12 = arith.constant 0 : i32
    %dma_wait3A_13 = tpu.memref_slice %arg2[%dma_wait3A, %dma_wait3A_12] : memref<10000x512xf32, #tpu.memory_space<hbm>> -> memref<10000x512xf32, #tpu.memory_space<hbm>>
    tpu.wait_indirect_dma semaphore(%arg7 : memref<!tpu.dma_semaphore, #tpu.memory_space<semaphore_mem>>) src(%dma_wait3A_13 : memref<10000x512xf32, #tpu.memory_space<hbm>>) dst(%arg6 : memref<80x512xf32, #tpu.memory_space<vmem>>)
    "tpu.region"() ({
      %run_scoped3A = tpu.sem_alloc : memref<!tpu.dma_semaphore, #tpu.memory_space<semaphore_mem>>
      %dma_start3A_14 = arith.constant 0 : i32
      %dma_start3A_15 = tpu.memref_slice %arg4[%add3A_9, %dma_start3A_14] : memref<320000x512xf32, #tpu.memory_space<hbm>> -> memref<80x512xf32, #tpu.memory_space<hbm>>
      %dma_start3A_16 = arith.constant 0 : i32
      %dma_start3A_17 = tpu.memref_slice %arg4[%add3A_9, %dma_start3A_16] : memref<320000x512xf32, #tpu.memory_space<hbm>> -> memref<80x512xf32, #tpu.memory_space<hbm>>
      tpu.enqueue_dma source(%arg6 : memref<80x512xf32, #tpu.memory_space<vmem>>) target(%dma_start3A_17 : memref<80x512xf32, #tpu.memory_space<hbm>>) target_semaphore(%run_scoped3A : memref<!tpu.dma_semaphore, #tpu.memory_space<semaphore_mem>>)
      %dma_wait3A_18 = arith.constant 0 : i32
      %dma_wait3A_19 = tpu.memref_slice %arg4[%add3A_9, %dma_wait3A_18] : memref<320000x512xf32, #tpu.memory_space<hbm>> -> memref<80x512xf32, #tpu.memory_space<hbm>>
      %dma_wait3A_20 = arith.constant 0 : i32
      %dma_wait3A_21 = tpu.memref_slice %arg4[%add3A_9, %dma_wait3A_20] : memref<320000x512xf32, #tpu.memory_space<hbm>> -> memref<80x512xf32, #tpu.memory_space<hbm>>
      tpu.wait_dma2 semaphore(%run_scoped3A : memref<!tpu.dma_semaphore, #tpu.memory_space<semaphore_mem>>) src(%arg6 : memref<80x512xf32, #tpu.memory_space<vmem>>) dst(%dma_wait3A_21 : memref<80x512xf32, #tpu.memory_space<hbm>>)
      tpu.yield
    }) : () -> ()
    return
  }
}

#map = affine_map<(d0, d1) -> (0, 0)>
#map1 = affine_map<(d0, d1) -> (0)>
#map2 = affine_map<(d0, d1) -> (0, 0, 0)>
module attributes {stable_mosaic.version = 14 : i64} {
  func.func @scatter(%arg0: i32, %arg1: i32, %arg2: memref<320000x512xf32, #tpu.memory_space<hbm>>, %arg3: memref<320000xi32, #tpu.memory_space<hbm>>, %arg4: memref<10240x128xf32, #tpu.memory_space<hbm>>, %arg5: memref<2x10240x512xf32, #tpu.memory_space<hbm>>, %arg6: memref<80xi32, #tpu.memory_space<vmem>>, %arg7: memref<80x128xf32, #tpu.memory_space<vmem>>, %arg8: memref<!tpu.dma_semaphore, #tpu.memory_space<semaphore_mem>>, %arg9: memref<80xi32, #tpu.memory_space<vmem>>, %arg10: memref<80x128xf32, #tpu.memory_space<vmem>>, %arg11: memref<!tpu.dma_semaphore, #tpu.memory_space<semaphore_mem>>, %arg12: memref<10240x128xf32, #tpu.memory_space<vmem_shared>>) attributes {dimension_semantics = [#tpu.dimension_semantics<core_parallel>, #tpu.dimension_semantics<subcore_parallel>], iteration_bounds = array<i64: 2, 16>, scalar_prefetch = 0 : i64, scratch_operands = 7 : i64, tpu.core_type = #tpu.core_type<sc_vector_subcore>, window_params = [{transform_indices = #map}, {transform_indices = #map1}, {transform_indices = #map}, {transform_indices = #map2}]} {
    %mul3A = arith.constant 2 : i32
    %mul3A_0 = arith.muli %arg1, %mul3A : i32
    %add3A = arith.addi %mul3A_0, %arg0 : i32
    %mul3A_1 = arith.constant 640 : i32
    %mul3A_2 = arith.muli %arg1, %mul3A_1 : i32
    %mul3A_3 = arith.constant 640 : i32
    %mul3A_4 = arith.muli %arg1, %mul3A_3 : i32
    "tpu.region"() ({
      %run_scoped3A = tpu.sem_alloc : memref<!tpu.dma_semaphore, #tpu.memory_space<semaphore_mem>>
      %dma_start3A = arith.constant 0 : i32
      %dma_start3A_83 = tpu.memref_slice %arg12[%mul3A_4, %dma_start3A] : memref<10240x128xf32, #tpu.memory_space<vmem_shared>> -> memref<640x128xf32, #tpu.memory_space<vmem_shared>>
      %dma_start3A_84 = arith.constant 0 : i32
      %dma_start3A_85 = tpu.memref_slice %arg4[%mul3A_2, %dma_start3A_84] : memref<10240x128xf32, #tpu.memory_space<hbm>> -> memref<640x128xf32, #tpu.memory_space<hbm>>
      tpu.enqueue_dma source(%dma_start3A_85 : memref<640x128xf32, #tpu.memory_space<hbm>>) target(%dma_start3A_83 : memref<640x128xf32, #tpu.memory_space<vmem_shared>>) target_semaphore(%run_scoped3A : memref<!tpu.dma_semaphore, #tpu.memory_space<semaphore_mem>>)
      %dma_wait3A = arith.constant 0 : i32
      %dma_wait3A_86 = tpu.memref_slice %arg12[%mul3A_4, %dma_wait3A] : memref<10240x128xf32, #tpu.memory_space<vmem_shared>> -> memref<640x128xf32, #tpu.memory_space<vmem_shared>>
      %dma_wait3A_87 = arith.constant 0 : i32
      %dma_wait3A_88 = tpu.memref_slice %arg4[%mul3A_2, %dma_wait3A_87] : memref<10240x128xf32, #tpu.memory_space<hbm>> -> memref<640x128xf32, #tpu.memory_space<hbm>>
      tpu.wait_dma2 semaphore(%run_scoped3A : memref<!tpu.dma_semaphore, #tpu.memory_space<semaphore_mem>>) src(%dma_wait3A_88 : memref<640x128xf32, #tpu.memory_space<hbm>>) dst(%dma_wait3A_86 : memref<640x128xf32, #tpu.memory_space<vmem_shared>>)
      tpu.yield
    }) : () -> ()
    %barrier3A = arith.constant 0 : index
    tpu.barrier barrier_id(%barrier3A)
    %scan3A = arith.constant 0 : i32
    %scan3A_5 = arith.constant 0 : i32
    %scan3A_6 = arith.constant 62 : i32
    %scan3A_7 = arith.addi %scan3A_5, %scan3A_6 : i32
    %scan3A_8 = arith.constant 1 : i32
    scf.for %scan3A_83 = %scan3A_5 to %scan3A_7 step %scan3A_8  : i32 {
      %mul3A_84 = arith.constant 10000 : i32
      %mul3A_85 = arith.muli %add3A, %mul3A_84 : i32
      %mul3A_86 = arith.constant 2 : i32
      %mul3A_87 = arith.muli %mul3A_86, %scan3A_83 : i32
      %mul3A_88 = arith.constant 80 : i32
      %mul3A_89 = arith.muli %mul3A_87, %mul3A_88 : i32
      %add3A_90 = arith.addi %mul3A_85, %mul3A_89 : i32
      %add3A_91 = arith.constant 80 : i32
      %add3A_92 = arith.addi %add3A_90, %add3A_91 : i32
      "tpu.region"() ({
        %run_scoped3A = tpu.sem_alloc : memref<!tpu.dma_semaphore, #tpu.memory_space<semaphore_mem>>
        %dma_start3A_103 = tpu.memref_slice %arg3[%add3A_90] : memref<320000xi32, #tpu.memory_space<hbm>> -> memref<80xi32, #tpu.memory_space<hbm>>
        %dma_start3A_104 = tpu.memref_slice %arg3[%add3A_90] : memref<320000xi32, #tpu.memory_space<hbm>> -> memref<80xi32, #tpu.memory_space<hbm>>
        tpu.enqueue_dma source(%dma_start3A_104 : memref<80xi32, #tpu.memory_space<hbm>>) target(%arg6 : memref<80xi32, #tpu.memory_space<vmem>>) target_semaphore(%run_scoped3A : memref<!tpu.dma_semaphore, #tpu.memory_space<semaphore_mem>>)
        %dma_wait3A_105 = tpu.memref_slice %arg3[%add3A_90] : memref<320000xi32, #tpu.memory_space<hbm>> -> memref<80xi32, #tpu.memory_space<hbm>>
        %dma_wait3A_106 = tpu.memref_slice %arg3[%add3A_90] : memref<320000xi32, #tpu.memory_space<hbm>> -> memref<80xi32, #tpu.memory_space<hbm>>
        tpu.wait_dma2 semaphore(%run_scoped3A : memref<!tpu.dma_semaphore, #tpu.memory_space<semaphore_mem>>) src(%dma_wait3A_106 : memref<80xi32, #tpu.memory_space<hbm>>) dst(%arg6 : memref<80xi32, #tpu.memory_space<vmem>>)
        tpu.yield
      }) : () -> ()
      "tpu.region"() ({
        %run_scoped3A = tpu.sem_alloc : memref<!tpu.dma_semaphore, #tpu.memory_space<semaphore_mem>>
        %dma_start3A_103 = arith.constant 0 : i32
        %dma_start3A_104 = tpu.memref_slice %arg2[%add3A_90, %dma_start3A_103] : memref<320000x512xf32, #tpu.memory_space<hbm>> -> memref<80x128xf32, #tpu.memory_space<hbm>>
        %dma_start3A_105 = arith.constant 0 : i32
        %dma_start3A_106 = tpu.memref_slice %arg2[%add3A_90, %dma_start3A_105] : memref<320000x512xf32, #tpu.memory_space<hbm>> -> memref<80x128xf32, #tpu.memory_space<hbm>>
        tpu.enqueue_dma source(%dma_start3A_106 : memref<80x128xf32, #tpu.memory_space<hbm>>) target(%arg7 : memref<80x128xf32, #tpu.memory_space<vmem>>) target_semaphore(%run_scoped3A : memref<!tpu.dma_semaphore, #tpu.memory_space<semaphore_mem>>)
        %dma_wait3A_107 = arith.constant 0 : i32
        %dma_wait3A_108 = tpu.memref_slice %arg2[%add3A_90, %dma_wait3A_107] : memref<320000x512xf32, #tpu.memory_space<hbm>> -> memref<80x128xf32, #tpu.memory_space<hbm>>
        %dma_wait3A_109 = arith.constant 0 : i32
        %dma_wait3A_110 = tpu.memref_slice %arg2[%add3A_90, %dma_wait3A_109] : memref<320000x512xf32, #tpu.memory_space<hbm>> -> memref<80x128xf32, #tpu.memory_space<hbm>>
        tpu.wait_dma2 semaphore(%run_scoped3A : memref<!tpu.dma_semaphore, #tpu.memory_space<semaphore_mem>>) src(%dma_wait3A_110 : memref<80x128xf32, #tpu.memory_space<hbm>>) dst(%arg7 : memref<80x128xf32, #tpu.memory_space<vmem>>)
        tpu.yield
      }) : () -> ()
      %dma_start3A = arith.constant 0 : i32
      %dma_start3A_93 = arith.constant 0 : i32
      %dma_start3A_94 = tpu.memref_slice %arg12[%dma_start3A, %dma_start3A_93] : memref<10240x128xf32, #tpu.memory_space<vmem_shared>> -> memref<10240x128xf32, #tpu.memory_space<vmem_shared>>
      tpu.enqueue_indirect_dma source(%arg7 : memref<80x128xf32, #tpu.memory_space<vmem>>) target(%dma_start3A_94 : memref<10240x128xf32, #tpu.memory_space<vmem_shared>>) offsets(%arg6 : memref<80xi32, #tpu.memory_space<vmem>>) semaphore(%arg8 : memref<!tpu.dma_semaphore, #tpu.memory_space<semaphore_mem>>) {add = true}
      "tpu.region"() ({
        %run_scoped3A = tpu.sem_alloc : memref<!tpu.dma_semaphore, #tpu.memory_space<semaphore_mem>>
        %dma_start3A_103 = tpu.memref_slice %arg3[%add3A_92] : memref<320000xi32, #tpu.memory_space<hbm>> -> memref<80xi32, #tpu.memory_space<hbm>>
        %dma_start3A_104 = tpu.memref_slice %arg3[%add3A_92] : memref<320000xi32, #tpu.memory_space<hbm>> -> memref<80xi32, #tpu.memory_space<hbm>>
        tpu.enqueue_dma source(%dma_start3A_104 : memref<80xi32, #tpu.memory_space<hbm>>) target(%arg9 : memref<80xi32, #tpu.memory_space<vmem>>) target_semaphore(%run_scoped3A : memref<!tpu.dma_semaphore, #tpu.memory_space<semaphore_mem>>)
        %dma_wait3A_105 = tpu.memref_slice %arg3[%add3A_92] : memref<320000xi32, #tpu.memory_space<hbm>> -> memref<80xi32, #tpu.memory_space<hbm>>
        %dma_wait3A_106 = tpu.memref_slice %arg3[%add3A_92] : memref<320000xi32, #tpu.memory_space<hbm>> -> memref<80xi32, #tpu.memory_space<hbm>>
        tpu.wait_dma2 semaphore(%run_scoped3A : memref<!tpu.dma_semaphore, #tpu.memory_space<semaphore_mem>>) src(%dma_wait3A_106 : memref<80xi32, #tpu.memory_space<hbm>>) dst(%arg9 : memref<80xi32, #tpu.memory_space<vmem>>)
        tpu.yield
      }) : () -> ()
      "tpu.region"() ({
        %run_scoped3A = tpu.sem_alloc : memref<!tpu.dma_semaphore, #tpu.memory_space<semaphore_mem>>
        %dma_start3A_103 = arith.constant 0 : i32
        %dma_start3A_104 = tpu.memref_slice %arg2[%add3A_92, %dma_start3A_103] : memref<320000x512xf32, #tpu.memory_space<hbm>> -> memref<80x128xf32, #tpu.memory_space<hbm>>
        %dma_start3A_105 = arith.constant 0 : i32
        %dma_start3A_106 = tpu.memref_slice %arg2[%add3A_92, %dma_start3A_105] : memref<320000x512xf32, #tpu.memory_space<hbm>> -> memref<80x128xf32, #tpu.memory_space<hbm>>
        tpu.enqueue_dma source(%dma_start3A_106 : memref<80x128xf32, #tpu.memory_space<hbm>>) target(%arg10 : memref<80x128xf32, #tpu.memory_space<vmem>>) target_semaphore(%run_scoped3A : memref<!tpu.dma_semaphore, #tpu.memory_space<semaphore_mem>>)
        %dma_wait3A_107 = arith.constant 0 : i32
        %dma_wait3A_108 = tpu.memref_slice %arg2[%add3A_92, %dma_wait3A_107] : memref<320000x512xf32, #tpu.memory_space<hbm>> -> memref<80x128xf32, #tpu.memory_space<hbm>>
        %dma_wait3A_109 = arith.constant 0 : i32
        %dma_wait3A_110 = tpu.memref_slice %arg2[%add3A_92, %dma_wait3A_109] : memref<320000x512xf32, #tpu.memory_space<hbm>> -> memref<80x128xf32, #tpu.memory_space<hbm>>
        tpu.wait_dma2 semaphore(%run_scoped3A : memref<!tpu.dma_semaphore, #tpu.memory_space<semaphore_mem>>) src(%dma_wait3A_110 : memref<80x128xf32, #tpu.memory_space<hbm>>) dst(%arg10 : memref<80x128xf32, #tpu.memory_space<vmem>>)
        tpu.yield
      }) : () -> ()
      %dma_start3A_95 = arith.constant 0 : i32
      %dma_start3A_96 = arith.constant 0 : i32
      %dma_start3A_97 = tpu.memref_slice %arg12[%dma_start3A_95, %dma_start3A_96] : memref<10240x128xf32, #tpu.memory_space<vmem_shared>> -> memref<10240x128xf32, #tpu.memory_space<vmem_shared>>
      tpu.enqueue_indirect_dma source(%arg10 : memref<80x128xf32, #tpu.memory_space<vmem>>) target(%dma_start3A_97 : memref<10240x128xf32, #tpu.memory_space<vmem_shared>>) offsets(%arg9 : memref<80xi32, #tpu.memory_space<vmem>>) semaphore(%arg11 : memref<!tpu.dma_semaphore, #tpu.memory_space<semaphore_mem>>) {add = true}
      %dma_wait3A = arith.constant 0 : i32
      %dma_wait3A_98 = arith.constant 0 : i32
      %dma_wait3A_99 = tpu.memref_slice %arg12[%dma_wait3A, %dma_wait3A_98] : memref<10240x128xf32, #tpu.memory_space<vmem_shared>> -> memref<10240x128xf32, #tpu.memory_space<vmem_shared>>
      tpu.wait_indirect_dma semaphore(%arg8 : memref<!tpu.dma_semaphore, #tpu.memory_space<semaphore_mem>>) src(%arg7 : memref<80x128xf32, #tpu.memory_space<vmem>>) dst(%dma_wait3A_99 : memref<10240x128xf32, #tpu.memory_space<vmem_shared>>)
      %dma_wait3A_100 = arith.constant 0 : i32
      %dma_wait3A_101 = arith.constant 0 : i32
      %dma_wait3A_102 = tpu.memref_slice %arg12[%dma_wait3A_100, %dma_wait3A_101] : memref<10240x128xf32, #tpu.memory_space<vmem_shared>> -> memref<10240x128xf32, #tpu.memory_space<vmem_shared>>
      tpu.wait_indirect_dma semaphore(%arg11 : memref<!tpu.dma_semaphore, #tpu.memory_space<semaphore_mem>>) src(%arg10 : memref<80x128xf32, #tpu.memory_space<vmem>>) dst(%dma_wait3A_102 : memref<10240x128xf32, #tpu.memory_space<vmem_shared>>)
    }
    %scan3A_9 = arith.constant 62 : i32
    %mul3A_10 = arith.constant 10000 : i32
    %mul3A_11 = arith.muli %add3A, %mul3A_10 : i32
    %add3A_12 = arith.constant 9920 : i32
    %add3A_13 = arith.addi %mul3A_11, %add3A_12 : i32
    "tpu.region"() ({
      %run_scoped3A = tpu.sem_alloc : memref<!tpu.dma_semaphore, #tpu.memory_space<semaphore_mem>>
      %dma_start3A = tpu.memref_slice %arg3[%add3A_13] : memref<320000xi32, #tpu.memory_space<hbm>> -> memref<80xi32, #tpu.memory_space<hbm>>
      %dma_start3A_83 = tpu.memref_slice %arg3[%add3A_13] : memref<320000xi32, #tpu.memory_space<hbm>> -> memref<80xi32, #tpu.memory_space<hbm>>
      tpu.enqueue_dma source(%dma_start3A_83 : memref<80xi32, #tpu.memory_space<hbm>>) target(%arg6 : memref<80xi32, #tpu.memory_space<vmem>>) target_semaphore(%run_scoped3A : memref<!tpu.dma_semaphore, #tpu.memory_space<semaphore_mem>>)
      %dma_wait3A = tpu.memref_slice %arg3[%add3A_13] : memref<320000xi32, #tpu.memory_space<hbm>> -> memref<80xi32, #tpu.memory_space<hbm>>
      %dma_wait3A_84 = tpu.memref_slice %arg3[%add3A_13] : memref<320000xi32, #tpu.memory_space<hbm>> -> memref<80xi32, #tpu.memory_space<hbm>>
      tpu.wait_dma2 semaphore(%run_scoped3A : memref<!tpu.dma_semaphore, #tpu.memory_space<semaphore_mem>>) src(%dma_wait3A_84 : memref<80xi32, #tpu.memory_space<hbm>>) dst(%arg6 : memref<80xi32, #tpu.memory_space<vmem>>)
      tpu.yield
    }) : () -> ()
    "tpu.region"() ({
      %run_scoped3A = tpu.sem_alloc : memref<!tpu.dma_semaphore, #tpu.memory_space<semaphore_mem>>
      %dma_start3A = arith.constant 0 : i32
      %dma_start3A_83 = tpu.memref_slice %arg2[%add3A_13, %dma_start3A] : memref<320000x512xf32, #tpu.memory_space<hbm>> -> memref<80x128xf32, #tpu.memory_space<hbm>>
      %dma_start3A_84 = arith.constant 0 : i32
      %dma_start3A_85 = tpu.memref_slice %arg2[%add3A_13, %dma_start3A_84] : memref<320000x512xf32, #tpu.memory_space<hbm>> -> memref<80x128xf32, #tpu.memory_space<hbm>>
      tpu.enqueue_dma source(%dma_start3A_85 : memref<80x128xf32, #tpu.memory_space<hbm>>) target(%arg7 : memref<80x128xf32, #tpu.memory_space<vmem>>) target_semaphore(%run_scoped3A : memref<!tpu.dma_semaphore, #tpu.memory_space<semaphore_mem>>)
      %dma_wait3A = arith.constant 0 : i32
      %dma_wait3A_86 = tpu.memref_slice %arg2[%add3A_13, %dma_wait3A] : memref<320000x512xf32, #tpu.memory_space<hbm>> -> memref<80x128xf32, #tpu.memory_space<hbm>>
      %dma_wait3A_87 = arith.constant 0 : i32
      %dma_wait3A_88 = tpu.memref_slice %arg2[%add3A_13, %dma_wait3A_87] : memref<320000x512xf32, #tpu.memory_space<hbm>> -> memref<80x128xf32, #tpu.memory_space<hbm>>
      tpu.wait_dma2 semaphore(%run_scoped3A : memref<!tpu.dma_semaphore, #tpu.memory_space<semaphore_mem>>) src(%dma_wait3A_88 : memref<80x128xf32, #tpu.memory_space<hbm>>) dst(%arg7 : memref<80x128xf32, #tpu.memory_space<vmem>>)
      tpu.yield
    }) : () -> ()
    "tpu.region"() ({
      %run_scoped3A = tpu.sem_alloc : memref<!tpu.dma_semaphore, #tpu.memory_space<semaphore_mem>>
      %dma_start3A = arith.constant 0 : i32
      %dma_start3A_83 = arith.constant 0 : i32
      %dma_start3A_84 = tpu.memref_slice %arg12[%dma_start3A, %dma_start3A_83] : memref<10240x128xf32, #tpu.memory_space<vmem_shared>> -> memref<10240x128xf32, #tpu.memory_space<vmem_shared>>
      tpu.enqueue_indirect_dma source(%arg7 : memref<80x128xf32, #tpu.memory_space<vmem>>) target(%dma_start3A_84 : memref<10240x128xf32, #tpu.memory_space<vmem_shared>>) offsets(%arg6 : memref<80xi32, #tpu.memory_space<vmem>>) semaphore(%run_scoped3A : memref<!tpu.dma_semaphore, #tpu.memory_space<semaphore_mem>>) {add = true}
      %dma_wait3A = arith.constant 0 : i32
      %dma_wait3A_85 = arith.constant 0 : i32
      %dma_wait3A_86 = tpu.memref_slice %arg12[%dma_wait3A, %dma_wait3A_85] : memref<10240x128xf32, #tpu.memory_space<vmem_shared>> -> memref<10240x128xf32, #tpu.memory_space<vmem_shared>>
      tpu.wait_indirect_dma semaphore(%run_scoped3A : memref<!tpu.dma_semaphore, #tpu.memory_space<semaphore_mem>>) src(%arg7 : memref<80x128xf32, #tpu.memory_space<vmem>>) dst(%dma_wait3A_86 : memref<10240x128xf32, #tpu.memory_space<vmem_shared>>)
      tpu.yield
    }) : () -> ()
    %barrier3A_14 = arith.constant 0 : index
    tpu.barrier barrier_id(%barrier3A_14)
    %mul3A_15 = arith.constant 640 : i32
    %mul3A_16 = arith.muli %arg1, %mul3A_15 : i32
    %mul3A_17 = arith.constant 640 : i32
    %mul3A_18 = arith.muli %arg1, %mul3A_17 : i32
    "tpu.region"() ({
      %run_scoped3A = tpu.sem_alloc : memref<!tpu.dma_semaphore, #tpu.memory_space<semaphore_mem>>
      %dma_start3A = arith.constant 0 : i32
      %dma_start3A_83 = tpu.memref_slice %arg5[%arg0, %mul3A_18, %dma_start3A] : memref<2x10240x512xf32, #tpu.memory_space<hbm>> -> memref<1x640x128xf32, #tpu.memory_space<hbm>>
      %dma_start3A_84 = tpu.memref_squeeze %dma_start3A_83 : memref<1x640x128xf32, #tpu.memory_space<hbm>> -> memref<640x128xf32, #tpu.memory_space<hbm>>
      %dma_start3A_85 = arith.constant 0 : i32
      %dma_start3A_86 = tpu.memref_slice %arg12[%mul3A_16, %dma_start3A_85] : memref<10240x128xf32, #tpu.memory_space<vmem_shared>> -> memref<640x128xf32, #tpu.memory_space<vmem_shared>>
      tpu.enqueue_dma source(%dma_start3A_86 : memref<640x128xf32, #tpu.memory_space<vmem_shared>>) target(%dma_start3A_84 : memref<640x128xf32, #tpu.memory_space<hbm>>) target_semaphore(%run_scoped3A : memref<!tpu.dma_semaphore, #tpu.memory_space<semaphore_mem>>)
      %dma_wait3A = arith.constant 0 : i32
      %dma_wait3A_87 = tpu.memref_slice %arg5[%arg0, %mul3A_18, %dma_wait3A] : memref<2x10240x512xf32, #tpu.memory_space<hbm>> -> memref<1x640x128xf32, #tpu.memory_space<hbm>>
      %dma_wait3A_88 = tpu.memref_squeeze %dma_wait3A_87 : memref<1x640x128xf32, #tpu.memory_space<hbm>> -> memref<640x128xf32, #tpu.memory_space<hbm>>
      %dma_wait3A_89 = arith.constant 0 : i32
      %dma_wait3A_90 = tpu.memref_slice %arg12[%mul3A_16, %dma_wait3A_89] : memref<10240x128xf32, #tpu.memory_space<vmem_shared>> -> memref<640x128xf32, #tpu.memory_space<vmem_shared>>
      tpu.wait_dma2 semaphore(%run_scoped3A : memref<!tpu.dma_semaphore, #tpu.memory_space<semaphore_mem>>) src(%dma_wait3A_90 : memref<640x128xf32, #tpu.memory_space<vmem_shared>>) dst(%dma_wait3A_88 : memref<640x128xf32, #tpu.memory_space<hbm>>)
      tpu.yield
    }) : () -> ()
    %barrier3A_19 = arith.constant 0 : index
    tpu.barrier barrier_id(%barrier3A_19)
    %mul3A_20 = arith.constant 640 : i32
    %mul3A_21 = arith.muli %arg1, %mul3A_20 : i32
    %mul3A_22 = arith.constant 640 : i32
    %mul3A_23 = arith.muli %arg1, %mul3A_22 : i32
    "tpu.region"() ({
      %run_scoped3A = tpu.sem_alloc : memref<!tpu.dma_semaphore, #tpu.memory_space<semaphore_mem>>
      %dma_start3A = arith.constant 0 : i32
      %dma_start3A_83 = tpu.memref_slice %arg12[%mul3A_23, %dma_start3A] : memref<10240x128xf32, #tpu.memory_space<vmem_shared>> -> memref<640x128xf32, #tpu.memory_space<vmem_shared>>
      %dma_start3A_84 = arith.constant 0 : i32
      %dma_start3A_85 = tpu.memref_slice %arg4[%mul3A_21, %dma_start3A_84] : memref<10240x128xf32, #tpu.memory_space<hbm>> -> memref<640x128xf32, #tpu.memory_space<hbm>>
      tpu.enqueue_dma source(%dma_start3A_85 : memref<640x128xf32, #tpu.memory_space<hbm>>) target(%dma_start3A_83 : memref<640x128xf32, #tpu.memory_space<vmem_shared>>) target_semaphore(%run_scoped3A : memref<!tpu.dma_semaphore, #tpu.memory_space<semaphore_mem>>)
      %dma_wait3A = arith.constant 0 : i32
      %dma_wait3A_86 = tpu.memref_slice %arg12[%mul3A_23, %dma_wait3A] : memref<10240x128xf32, #tpu.memory_space<vmem_shared>> -> memref<640x128xf32, #tpu.memory_space<vmem_shared>>
      %dma_wait3A_87 = arith.constant 0 : i32
      %dma_wait3A_88 = tpu.memref_slice %arg4[%mul3A_21, %dma_wait3A_87] : memref<10240x128xf32, #tpu.memory_space<hbm>> -> memref<640x128xf32, #tpu.memory_space<hbm>>
      tpu.wait_dma2 semaphore(%run_scoped3A : memref<!tpu.dma_semaphore, #tpu.memory_space<semaphore_mem>>) src(%dma_wait3A_88 : memref<640x128xf32, #tpu.memory_space<hbm>>) dst(%dma_wait3A_86 : memref<640x128xf32, #tpu.memory_space<vmem_shared>>)
      tpu.yield
    }) : () -> ()
    %barrier3A_24 = arith.constant 0 : index
    tpu.barrier barrier_id(%barrier3A_24)
    %scan3A_25 = arith.constant 0 : i32
    %scan3A_26 = arith.constant 0 : i32
    %scan3A_27 = arith.constant 62 : i32
    %scan3A_28 = arith.addi %scan3A_26, %scan3A_27 : i32
    %scan3A_29 = arith.constant 1 : i32
    scf.for %scan3A_83 = %scan3A_26 to %scan3A_28 step %scan3A_29  : i32 {
      %mul3A_84 = arith.constant 10000 : i32
      %mul3A_85 = arith.muli %add3A, %mul3A_84 : i32
      %mul3A_86 = arith.constant 2 : i32
      %mul3A_87 = arith.muli %mul3A_86, %scan3A_83 : i32
      %mul3A_88 = arith.constant 80 : i32
      %mul3A_89 = arith.muli %mul3A_87, %mul3A_88 : i32
      %add3A_90 = arith.addi %mul3A_85, %mul3A_89 : i32
      %add3A_91 = arith.constant 80 : i32
      %add3A_92 = arith.addi %add3A_90, %add3A_91 : i32
      "tpu.region"() ({
        %run_scoped3A = tpu.sem_alloc : memref<!tpu.dma_semaphore, #tpu.memory_space<semaphore_mem>>
        %dma_start3A_103 = tpu.memref_slice %arg3[%add3A_90] : memref<320000xi32, #tpu.memory_space<hbm>> -> memref<80xi32, #tpu.memory_space<hbm>>
        %dma_start3A_104 = tpu.memref_slice %arg3[%add3A_90] : memref<320000xi32, #tpu.memory_space<hbm>> -> memref<80xi32, #tpu.memory_space<hbm>>
        tpu.enqueue_dma source(%dma_start3A_104 : memref<80xi32, #tpu.memory_space<hbm>>) target(%arg6 : memref<80xi32, #tpu.memory_space<vmem>>) target_semaphore(%run_scoped3A : memref<!tpu.dma_semaphore, #tpu.memory_space<semaphore_mem>>)
        %dma_wait3A_105 = tpu.memref_slice %arg3[%add3A_90] : memref<320000xi32, #tpu.memory_space<hbm>> -> memref<80xi32, #tpu.memory_space<hbm>>
        %dma_wait3A_106 = tpu.memref_slice %arg3[%add3A_90] : memref<320000xi32, #tpu.memory_space<hbm>> -> memref<80xi32, #tpu.memory_space<hbm>>
        tpu.wait_dma2 semaphore(%run_scoped3A : memref<!tpu.dma_semaphore, #tpu.memory_space<semaphore_mem>>) src(%dma_wait3A_106 : memref<80xi32, #tpu.memory_space<hbm>>) dst(%arg6 : memref<80xi32, #tpu.memory_space<vmem>>)
        tpu.yield
      }) : () -> ()
      "tpu.region"() ({
        %run_scoped3A = tpu.sem_alloc : memref<!tpu.dma_semaphore, #tpu.memory_space<semaphore_mem>>
        %dma_start3A_103 = arith.constant 128 : i32
        %dma_start3A_104 = tpu.memref_slice %arg2[%add3A_90, %dma_start3A_103] : memref<320000x512xf32, #tpu.memory_space<hbm>> -> memref<80x128xf32, #tpu.memory_space<hbm>>
        %dma_start3A_105 = arith.constant 128 : i32
        %dma_start3A_106 = tpu.memref_slice %arg2[%add3A_90, %dma_start3A_105] : memref<320000x512xf32, #tpu.memory_space<hbm>> -> memref<80x128xf32, #tpu.memory_space<hbm>>
        tpu.enqueue_dma source(%dma_start3A_106 : memref<80x128xf32, #tpu.memory_space<hbm>>) target(%arg7 : memref<80x128xf32, #tpu.memory_space<vmem>>) target_semaphore(%run_scoped3A : memref<!tpu.dma_semaphore, #tpu.memory_space<semaphore_mem>>)
        %dma_wait3A_107 = arith.constant 128 : i32
        %dma_wait3A_108 = tpu.memref_slice %arg2[%add3A_90, %dma_wait3A_107] : memref<320000x512xf32, #tpu.memory_space<hbm>> -> memref<80x128xf32, #tpu.memory_space<hbm>>
        %dma_wait3A_109 = arith.constant 128 : i32
        %dma_wait3A_110 = tpu.memref_slice %arg2[%add3A_90, %dma_wait3A_109] : memref<320000x512xf32, #tpu.memory_space<hbm>> -> memref<80x128xf32, #tpu.memory_space<hbm>>
        tpu.wait_dma2 semaphore(%run_scoped3A : memref<!tpu.dma_semaphore, #tpu.memory_space<semaphore_mem>>) src(%dma_wait3A_110 : memref<80x128xf32, #tpu.memory_space<hbm>>) dst(%arg7 : memref<80x128xf32, #tpu.memory_space<vmem>>)
        tpu.yield
      }) : () -> ()
      %dma_start3A = arith.constant 0 : i32
      %dma_start3A_93 = arith.constant 0 : i32
      %dma_start3A_94 = tpu.memref_slice %arg12[%dma_start3A, %dma_start3A_93] : memref<10240x128xf32, #tpu.memory_space<vmem_shared>> -> memref<10240x128xf32, #tpu.memory_space<vmem_shared>>
      tpu.enqueue_indirect_dma source(%arg7 : memref<80x128xf32, #tpu.memory_space<vmem>>) target(%dma_start3A_94 : memref<10240x128xf32, #tpu.memory_space<vmem_shared>>) offsets(%arg6 : memref<80xi32, #tpu.memory_space<vmem>>) semaphore(%arg8 : memref<!tpu.dma_semaphore, #tpu.memory_space<semaphore_mem>>) {add = true}
      "tpu.region"() ({
        %run_scoped3A = tpu.sem_alloc : memref<!tpu.dma_semaphore, #tpu.memory_space<semaphore_mem>>
        %dma_start3A_103 = tpu.memref_slice %arg3[%add3A_92] : memref<320000xi32, #tpu.memory_space<hbm>> -> memref<80xi32, #tpu.memory_space<hbm>>
        %dma_start3A_104 = tpu.memref_slice %arg3[%add3A_92] : memref<320000xi32, #tpu.memory_space<hbm>> -> memref<80xi32, #tpu.memory_space<hbm>>
        tpu.enqueue_dma source(%dma_start3A_104 : memref<80xi32, #tpu.memory_space<hbm>>) target(%arg9 : memref<80xi32, #tpu.memory_space<vmem>>) target_semaphore(%run_scoped3A : memref<!tpu.dma_semaphore, #tpu.memory_space<semaphore_mem>>)
        %dma_wait3A_105 = tpu.memref_slice %arg3[%add3A_92] : memref<320000xi32, #tpu.memory_space<hbm>> -> memref<80xi32, #tpu.memory_space<hbm>>
        %dma_wait3A_106 = tpu.memref_slice %arg3[%add3A_92] : memref<320000xi32, #tpu.memory_space<hbm>> -> memref<80xi32, #tpu.memory_space<hbm>>
        tpu.wait_dma2 semaphore(%run_scoped3A : memref<!tpu.dma_semaphore, #tpu.memory_space<semaphore_mem>>) src(%dma_wait3A_106 : memref<80xi32, #tpu.memory_space<hbm>>) dst(%arg9 : memref<80xi32, #tpu.memory_space<vmem>>)
        tpu.yield
      }) : () -> ()
      "tpu.region"() ({
        %run_scoped3A = tpu.sem_alloc : memref<!tpu.dma_semaphore, #tpu.memory_space<semaphore_mem>>
        %dma_start3A_103 = arith.constant 128 : i32
        %dma_start3A_104 = tpu.memref_slice %arg2[%add3A_92, %dma_start3A_103] : memref<320000x512xf32, #tpu.memory_space<hbm>> -> memref<80x128xf32, #tpu.memory_space<hbm>>
        %dma_start3A_105 = arith.constant 128 : i32
        %dma_start3A_106 = tpu.memref_slice %arg2[%add3A_92, %dma_start3A_105] : memref<320000x512xf32, #tpu.memory_space<hbm>> -> memref<80x128xf32, #tpu.memory_space<hbm>>
        tpu.enqueue_dma source(%dma_start3A_106 : memref<80x128xf32, #tpu.memory_space<hbm>>) target(%arg10 : memref<80x128xf32, #tpu.memory_space<vmem>>) target_semaphore(%run_scoped3A : memref<!tpu.dma_semaphore, #tpu.memory_space<semaphore_mem>>)
        %dma_wait3A_107 = arith.constant 128 : i32
        %dma_wait3A_108 = tpu.memref_slice %arg2[%add3A_92, %dma_wait3A_107] : memref<320000x512xf32, #tpu.memory_space<hbm>> -> memref<80x128xf32, #tpu.memory_space<hbm>>
        %dma_wait3A_109 = arith.constant 128 : i32
        %dma_wait3A_110 = tpu.memref_slice %arg2[%add3A_92, %dma_wait3A_109] : memref<320000x512xf32, #tpu.memory_space<hbm>> -> memref<80x128xf32, #tpu.memory_space<hbm>>
        tpu.wait_dma2 semaphore(%run_scoped3A : memref<!tpu.dma_semaphore, #tpu.memory_space<semaphore_mem>>) src(%dma_wait3A_110 : memref<80x128xf32, #tpu.memory_space<hbm>>) dst(%arg10 : memref<80x128xf32, #tpu.memory_space<vmem>>)
        tpu.yield
      }) : () -> ()
      %dma_start3A_95 = arith.constant 0 : i32
      %dma_start3A_96 = arith.constant 0 : i32
      %dma_start3A_97 = tpu.memref_slice %arg12[%dma_start3A_95, %dma_start3A_96] : memref<10240x128xf32, #tpu.memory_space<vmem_shared>> -> memref<10240x128xf32, #tpu.memory_space<vmem_shared>>
      tpu.enqueue_indirect_dma source(%arg10 : memref<80x128xf32, #tpu.memory_space<vmem>>) target(%dma_start3A_97 : memref<10240x128xf32, #tpu.memory_space<vmem_shared>>) offsets(%arg9 : memref<80xi32, #tpu.memory_space<vmem>>) semaphore(%arg11 : memref<!tpu.dma_semaphore, #tpu.memory_space<semaphore_mem>>) {add = true}
      %dma_wait3A = arith.constant 0 : i32
      %dma_wait3A_98 = arith.constant 0 : i32
      %dma_wait3A_99 = tpu.memref_slice %arg12[%dma_wait3A, %dma_wait3A_98] : memref<10240x128xf32, #tpu.memory_space<vmem_shared>> -> memref<10240x128xf32, #tpu.memory_space<vmem_shared>>
      tpu.wait_indirect_dma semaphore(%arg8 : memref<!tpu.dma_semaphore, #tpu.memory_space<semaphore_mem>>) src(%arg7 : memref<80x128xf32, #tpu.memory_space<vmem>>) dst(%dma_wait3A_99 : memref<10240x128xf32, #tpu.memory_space<vmem_shared>>)
      %dma_wait3A_100 = arith.constant 0 : i32
      %dma_wait3A_101 = arith.constant 0 : i32
      %dma_wait3A_102 = tpu.memref_slice %arg12[%dma_wait3A_100, %dma_wait3A_101] : memref<10240x128xf32, #tpu.memory_space<vmem_shared>> -> memref<10240x128xf32, #tpu.memory_space<vmem_shared>>
      tpu.wait_indirect_dma semaphore(%arg11 : memref<!tpu.dma_semaphore, #tpu.memory_space<semaphore_mem>>) src(%arg10 : memref<80x128xf32, #tpu.memory_space<vmem>>) dst(%dma_wait3A_102 : memref<10240x128xf32, #tpu.memory_space<vmem_shared>>)
    }
    %scan3A_30 = arith.constant 62 : i32
    %mul3A_31 = arith.constant 10000 : i32
    %mul3A_32 = arith.muli %add3A, %mul3A_31 : i32
    %add3A_33 = arith.constant 9920 : i32
    %add3A_34 = arith.addi %mul3A_32, %add3A_33 : i32
    "tpu.region"() ({
      %run_scoped3A = tpu.sem_alloc : memref<!tpu.dma_semaphore, #tpu.memory_space<semaphore_mem>>
      %dma_start3A = tpu.memref_slice %arg3[%add3A_34] : memref<320000xi32, #tpu.memory_space<hbm>> -> memref<80xi32, #tpu.memory_space<hbm>>
      %dma_start3A_83 = tpu.memref_slice %arg3[%add3A_34] : memref<320000xi32, #tpu.memory_space<hbm>> -> memref<80xi32, #tpu.memory_space<hbm>>
      tpu.enqueue_dma source(%dma_start3A_83 : memref<80xi32, #tpu.memory_space<hbm>>) target(%arg6 : memref<80xi32, #tpu.memory_space<vmem>>) target_semaphore(%run_scoped3A : memref<!tpu.dma_semaphore, #tpu.memory_space<semaphore_mem>>)
      %dma_wait3A = tpu.memref_slice %arg3[%add3A_34] : memref<320000xi32, #tpu.memory_space<hbm>> -> memref<80xi32, #tpu.memory_space<hbm>>
      %dma_wait3A_84 = tpu.memref_slice %arg3[%add3A_34] : memref<320000xi32, #tpu.memory_space<hbm>> -> memref<80xi32, #tpu.memory_space<hbm>>
      tpu.wait_dma2 semaphore(%run_scoped3A : memref<!tpu.dma_semaphore, #tpu.memory_space<semaphore_mem>>) src(%dma_wait3A_84 : memref<80xi32, #tpu.memory_space<hbm>>) dst(%arg6 : memref<80xi32, #tpu.memory_space<vmem>>)
      tpu.yield
    }) : () -> ()
    "tpu.region"() ({
      %run_scoped3A = tpu.sem_alloc : memref<!tpu.dma_semaphore, #tpu.memory_space<semaphore_mem>>
      %dma_start3A = arith.constant 128 : i32
      %dma_start3A_83 = tpu.memref_slice %arg2[%add3A_34, %dma_start3A] : memref<320000x512xf32, #tpu.memory_space<hbm>> -> memref<80x128xf32, #tpu.memory_space<hbm>>
      %dma_start3A_84 = arith.constant 128 : i32
      %dma_start3A_85 = tpu.memref_slice %arg2[%add3A_34, %dma_start3A_84] : memref<320000x512xf32, #tpu.memory_space<hbm>> -> memref<80x128xf32, #tpu.memory_space<hbm>>
      tpu.enqueue_dma source(%dma_start3A_85 : memref<80x128xf32, #tpu.memory_space<hbm>>) target(%arg7 : memref<80x128xf32, #tpu.memory_space<vmem>>) target_semaphore(%run_scoped3A : memref<!tpu.dma_semaphore, #tpu.memory_space<semaphore_mem>>)
      %dma_wait3A = arith.constant 128 : i32
      %dma_wait3A_86 = tpu.memref_slice %arg2[%add3A_34, %dma_wait3A] : memref<320000x512xf32, #tpu.memory_space<hbm>> -> memref<80x128xf32, #tpu.memory_space<hbm>>
      %dma_wait3A_87 = arith.constant 128 : i32
      %dma_wait3A_88 = tpu.memref_slice %arg2[%add3A_34, %dma_wait3A_87] : memref<320000x512xf32, #tpu.memory_space<hbm>> -> memref<80x128xf32, #tpu.memory_space<hbm>>
      tpu.wait_dma2 semaphore(%run_scoped3A : memref<!tpu.dma_semaphore, #tpu.memory_space<semaphore_mem>>) src(%dma_wait3A_88 : memref<80x128xf32, #tpu.memory_space<hbm>>) dst(%arg7 : memref<80x128xf32, #tpu.memory_space<vmem>>)
      tpu.yield
    }) : () -> ()
    "tpu.region"() ({
      %run_scoped3A = tpu.sem_alloc : memref<!tpu.dma_semaphore, #tpu.memory_space<semaphore_mem>>
      %dma_start3A = arith.constant 0 : i32
      %dma_start3A_83 = arith.constant 0 : i32
      %dma_start3A_84 = tpu.memref_slice %arg12[%dma_start3A, %dma_start3A_83] : memref<10240x128xf32, #tpu.memory_space<vmem_shared>> -> memref<10240x128xf32, #tpu.memory_space<vmem_shared>>
      tpu.enqueue_indirect_dma source(%arg7 : memref<80x128xf32, #tpu.memory_space<vmem>>) target(%dma_start3A_84 : memref<10240x128xf32, #tpu.memory_space<vmem_shared>>) offsets(%arg6 : memref<80xi32, #tpu.memory_space<vmem>>) semaphore(%run_scoped3A : memref<!tpu.dma_semaphore, #tpu.memory_space<semaphore_mem>>) {add = true}
      %dma_wait3A = arith.constant 0 : i32
      %dma_wait3A_85 = arith.constant 0 : i32
      %dma_wait3A_86 = tpu.memref_slice %arg12[%dma_wait3A, %dma_wait3A_85] : memref<10240x128xf32, #tpu.memory_space<vmem_shared>> -> memref<10240x128xf32, #tpu.memory_space<vmem_shared>>
      tpu.wait_indirect_dma semaphore(%run_scoped3A : memref<!tpu.dma_semaphore, #tpu.memory_space<semaphore_mem>>) src(%arg7 : memref<80x128xf32, #tpu.memory_space<vmem>>) dst(%dma_wait3A_86 : memref<10240x128xf32, #tpu.memory_space<vmem_shared>>)
      tpu.yield
    }) : () -> ()
    %barrier3A_35 = arith.constant 0 : index
    tpu.barrier barrier_id(%barrier3A_35)
    %mul3A_36 = arith.constant 640 : i32
    %mul3A_37 = arith.muli %arg1, %mul3A_36 : i32
    %mul3A_38 = arith.constant 640 : i32
    %mul3A_39 = arith.muli %arg1, %mul3A_38 : i32
    "tpu.region"() ({
      %run_scoped3A = tpu.sem_alloc : memref<!tpu.dma_semaphore, #tpu.memory_space<semaphore_mem>>
      %dma_start3A = arith.constant 128 : i32
      %dma_start3A_83 = tpu.memref_slice %arg5[%arg0, %mul3A_39, %dma_start3A] : memref<2x10240x512xf32, #tpu.memory_space<hbm>> -> memref<1x640x128xf32, #tpu.memory_space<hbm>>
      %dma_start3A_84 = tpu.memref_squeeze %dma_start3A_83 : memref<1x640x128xf32, #tpu.memory_space<hbm>> -> memref<640x128xf32, #tpu.memory_space<hbm>>
      %dma_start3A_85 = arith.constant 0 : i32
      %dma_start3A_86 = tpu.memref_slice %arg12[%mul3A_37, %dma_start3A_85] : memref<10240x128xf32, #tpu.memory_space<vmem_shared>> -> memref<640x128xf32, #tpu.memory_space<vmem_shared>>
      tpu.enqueue_dma source(%dma_start3A_86 : memref<640x128xf32, #tpu.memory_space<vmem_shared>>) target(%dma_start3A_84 : memref<640x128xf32, #tpu.memory_space<hbm>>) target_semaphore(%run_scoped3A : memref<!tpu.dma_semaphore, #tpu.memory_space<semaphore_mem>>)
      %dma_wait3A = arith.constant 128 : i32
      %dma_wait3A_87 = tpu.memref_slice %arg5[%arg0, %mul3A_39, %dma_wait3A] : memref<2x10240x512xf32, #tpu.memory_space<hbm>> -> memref<1x640x128xf32, #tpu.memory_space<hbm>>
      %dma_wait3A_88 = tpu.memref_squeeze %dma_wait3A_87 : memref<1x640x128xf32, #tpu.memory_space<hbm>> -> memref<640x128xf32, #tpu.memory_space<hbm>>
      %dma_wait3A_89 = arith.constant 0 : i32
      %dma_wait3A_90 = tpu.memref_slice %arg12[%mul3A_37, %dma_wait3A_89] : memref<10240x128xf32, #tpu.memory_space<vmem_shared>> -> memref<640x128xf32, #tpu.memory_space<vmem_shared>>
      tpu.wait_dma2 semaphore(%run_scoped3A : memref<!tpu.dma_semaphore, #tpu.memory_space<semaphore_mem>>) src(%dma_wait3A_90 : memref<640x128xf32, #tpu.memory_space<vmem_shared>>) dst(%dma_wait3A_88 : memref<640x128xf32, #tpu.memory_space<hbm>>)
      tpu.yield
    }) : () -> ()
    %barrier3A_40 = arith.constant 0 : index
    tpu.barrier barrier_id(%barrier3A_40)
    %mul3A_41 = arith.constant 640 : i32
    %mul3A_42 = arith.muli %arg1, %mul3A_41 : i32
    %mul3A_43 = arith.constant 640 : i32
    %mul3A_44 = arith.muli %arg1, %mul3A_43 : i32
    "tpu.region"() ({
      %run_scoped3A = tpu.sem_alloc : memref<!tpu.dma_semaphore, #tpu.memory_space<semaphore_mem>>
      %dma_start3A = arith.constant 0 : i32
      %dma_start3A_83 = tpu.memref_slice %arg12[%mul3A_44, %dma_start3A] : memref<10240x128xf32, #tpu.memory_space<vmem_shared>> -> memref<640x128xf32, #tpu.memory_space<vmem_shared>>
      %dma_start3A_84 = arith.constant 0 : i32
      %dma_start3A_85 = tpu.memref_slice %arg4[%mul3A_42, %dma_start3A_84] : memref<10240x128xf32, #tpu.memory_space<hbm>> -> memref<640x128xf32, #tpu.memory_space<hbm>>
      tpu.enqueue_dma source(%dma_start3A_85 : memref<640x128xf32, #tpu.memory_space<hbm>>) target(%dma_start3A_83 : memref<640x128xf32, #tpu.memory_space<vmem_shared>>) target_semaphore(%run_scoped3A : memref<!tpu.dma_semaphore, #tpu.memory_space<semaphore_mem>>)
      %dma_wait3A = arith.constant 0 : i32
      %dma_wait3A_86 = tpu.memref_slice %arg12[%mul3A_44, %dma_wait3A] : memref<10240x128xf32, #tpu.memory_space<vmem_shared>> -> memref<640x128xf32, #tpu.memory_space<vmem_shared>>
      %dma_wait3A_87 = arith.constant 0 : i32
      %dma_wait3A_88 = tpu.memref_slice %arg4[%mul3A_42, %dma_wait3A_87] : memref<10240x128xf32, #tpu.memory_space<hbm>> -> memref<640x128xf32, #tpu.memory_space<hbm>>
      tpu.wait_dma2 semaphore(%run_scoped3A : memref<!tpu.dma_semaphore, #tpu.memory_space<semaphore_mem>>) src(%dma_wait3A_88 : memref<640x128xf32, #tpu.memory_space<hbm>>) dst(%dma_wait3A_86 : memref<640x128xf32, #tpu.memory_space<vmem_shared>>)
      tpu.yield
    }) : () -> ()
    %barrier3A_45 = arith.constant 0 : index
    tpu.barrier barrier_id(%barrier3A_45)
    %scan3A_46 = arith.constant 0 : i32
    %scan3A_47 = arith.constant 0 : i32
    %scan3A_48 = arith.constant 62 : i32
    %scan3A_49 = arith.addi %scan3A_47, %scan3A_48 : i32
    %scan3A_50 = arith.constant 1 : i32
    scf.for %scan3A_83 = %scan3A_47 to %scan3A_49 step %scan3A_50  : i32 {
      %mul3A_84 = arith.constant 10000 : i32
      %mul3A_85 = arith.muli %add3A, %mul3A_84 : i32
      %mul3A_86 = arith.constant 2 : i32
      %mul3A_87 = arith.muli %mul3A_86, %scan3A_83 : i32
      %mul3A_88 = arith.constant 80 : i32
      %mul3A_89 = arith.muli %mul3A_87, %mul3A_88 : i32
      %add3A_90 = arith.addi %mul3A_85, %mul3A_89 : i32
      %add3A_91 = arith.constant 80 : i32
      %add3A_92 = arith.addi %add3A_90, %add3A_91 : i32
      "tpu.region"() ({
        %run_scoped3A = tpu.sem_alloc : memref<!tpu.dma_semaphore, #tpu.memory_space<semaphore_mem>>
        %dma_start3A_103 = tpu.memref_slice %arg3[%add3A_90] : memref<320000xi32, #tpu.memory_space<hbm>> -> memref<80xi32, #tpu.memory_space<hbm>>
        %dma_start3A_104 = tpu.memref_slice %arg3[%add3A_90] : memref<320000xi32, #tpu.memory_space<hbm>> -> memref<80xi32, #tpu.memory_space<hbm>>
        tpu.enqueue_dma source(%dma_start3A_104 : memref<80xi32, #tpu.memory_space<hbm>>) target(%arg6 : memref<80xi32, #tpu.memory_space<vmem>>) target_semaphore(%run_scoped3A : memref<!tpu.dma_semaphore, #tpu.memory_space<semaphore_mem>>)
        %dma_wait3A_105 = tpu.memref_slice %arg3[%add3A_90] : memref<320000xi32, #tpu.memory_space<hbm>> -> memref<80xi32, #tpu.memory_space<hbm>>
        %dma_wait3A_106 = tpu.memref_slice %arg3[%add3A_90] : memref<320000xi32, #tpu.memory_space<hbm>> -> memref<80xi32, #tpu.memory_space<hbm>>
        tpu.wait_dma2 semaphore(%run_scoped3A : memref<!tpu.dma_semaphore, #tpu.memory_space<semaphore_mem>>) src(%dma_wait3A_106 : memref<80xi32, #tpu.memory_space<hbm>>) dst(%arg6 : memref<80xi32, #tpu.memory_space<vmem>>)
        tpu.yield
      }) : () -> ()
      "tpu.region"() ({
        %run_scoped3A = tpu.sem_alloc : memref<!tpu.dma_semaphore, #tpu.memory_space<semaphore_mem>>
        %dma_start3A_103 = arith.constant 256 : i32
        %dma_start3A_104 = tpu.memref_slice %arg2[%add3A_90, %dma_start3A_103] : memref<320000x512xf32, #tpu.memory_space<hbm>> -> memref<80x128xf32, #tpu.memory_space<hbm>>
        %dma_start3A_105 = arith.constant 256 : i32
        %dma_start3A_106 = tpu.memref_slice %arg2[%add3A_90, %dma_start3A_105] : memref<320000x512xf32, #tpu.memory_space<hbm>> -> memref<80x128xf32, #tpu.memory_space<hbm>>
        tpu.enqueue_dma source(%dma_start3A_106 : memref<80x128xf32, #tpu.memory_space<hbm>>) target(%arg7 : memref<80x128xf32, #tpu.memory_space<vmem>>) target_semaphore(%run_scoped3A : memref<!tpu.dma_semaphore, #tpu.memory_space<semaphore_mem>>)
        %dma_wait3A_107 = arith.constant 256 : i32
        %dma_wait3A_108 = tpu.memref_slice %arg2[%add3A_90, %dma_wait3A_107] : memref<320000x512xf32, #tpu.memory_space<hbm>> -> memref<80x128xf32, #tpu.memory_space<hbm>>
        %dma_wait3A_109 = arith.constant 256 : i32
        %dma_wait3A_110 = tpu.memref_slice %arg2[%add3A_90, %dma_wait3A_109] : memref<320000x512xf32, #tpu.memory_space<hbm>> -> memref<80x128xf32, #tpu.memory_space<hbm>>
        tpu.wait_dma2 semaphore(%run_scoped3A : memref<!tpu.dma_semaphore, #tpu.memory_space<semaphore_mem>>) src(%dma_wait3A_110 : memref<80x128xf32, #tpu.memory_space<hbm>>) dst(%arg7 : memref<80x128xf32, #tpu.memory_space<vmem>>)
        tpu.yield
      }) : () -> ()
      %dma_start3A = arith.constant 0 : i32
      %dma_start3A_93 = arith.constant 0 : i32
      %dma_start3A_94 = tpu.memref_slice %arg12[%dma_start3A, %dma_start3A_93] : memref<10240x128xf32, #tpu.memory_space<vmem_shared>> -> memref<10240x128xf32, #tpu.memory_space<vmem_shared>>
      tpu.enqueue_indirect_dma source(%arg7 : memref<80x128xf32, #tpu.memory_space<vmem>>) target(%dma_start3A_94 : memref<10240x128xf32, #tpu.memory_space<vmem_shared>>) offsets(%arg6 : memref<80xi32, #tpu.memory_space<vmem>>) semaphore(%arg8 : memref<!tpu.dma_semaphore, #tpu.memory_space<semaphore_mem>>) {add = true}
      "tpu.region"() ({
        %run_scoped3A = tpu.sem_alloc : memref<!tpu.dma_semaphore, #tpu.memory_space<semaphore_mem>>
        %dma_start3A_103 = tpu.memref_slice %arg3[%add3A_92] : memref<320000xi32, #tpu.memory_space<hbm>> -> memref<80xi32, #tpu.memory_space<hbm>>
        %dma_start3A_104 = tpu.memref_slice %arg3[%add3A_92] : memref<320000xi32, #tpu.memory_space<hbm>> -> memref<80xi32, #tpu.memory_space<hbm>>
        tpu.enqueue_dma source(%dma_start3A_104 : memref<80xi32, #tpu.memory_space<hbm>>) target(%arg9 : memref<80xi32, #tpu.memory_space<vmem>>) target_semaphore(%run_scoped3A : memref<!tpu.dma_semaphore, #tpu.memory_space<semaphore_mem>>)
        %dma_wait3A_105 = tpu.memref_slice %arg3[%add3A_92] : memref<320000xi32, #tpu.memory_space<hbm>> -> memref<80xi32, #tpu.memory_space<hbm>>
        %dma_wait3A_106 = tpu.memref_slice %arg3[%add3A_92] : memref<320000xi32, #tpu.memory_space<hbm>> -> memref<80xi32, #tpu.memory_space<hbm>>
        tpu.wait_dma2 semaphore(%run_scoped3A : memref<!tpu.dma_semaphore, #tpu.memory_space<semaphore_mem>>) src(%dma_wait3A_106 : memref<80xi32, #tpu.memory_space<hbm>>) dst(%arg9 : memref<80xi32, #tpu.memory_space<vmem>>)
        tpu.yield
      }) : () -> ()
      "tpu.region"() ({
        %run_scoped3A = tpu.sem_alloc : memref<!tpu.dma_semaphore, #tpu.memory_space<semaphore_mem>>
        %dma_start3A_103 = arith.constant 256 : i32
        %dma_start3A_104 = tpu.memref_slice %arg2[%add3A_92, %dma_start3A_103] : memref<320000x512xf32, #tpu.memory_space<hbm>> -> memref<80x128xf32, #tpu.memory_space<hbm>>
        %dma_start3A_105 = arith.constant 256 : i32
        %dma_start3A_106 = tpu.memref_slice %arg2[%add3A_92, %dma_start3A_105] : memref<320000x512xf32, #tpu.memory_space<hbm>> -> memref<80x128xf32, #tpu.memory_space<hbm>>
        tpu.enqueue_dma source(%dma_start3A_106 : memref<80x128xf32, #tpu.memory_space<hbm>>) target(%arg10 : memref<80x128xf32, #tpu.memory_space<vmem>>) target_semaphore(%run_scoped3A : memref<!tpu.dma_semaphore, #tpu.memory_space<semaphore_mem>>)
        %dma_wait3A_107 = arith.constant 256 : i32
        %dma_wait3A_108 = tpu.memref_slice %arg2[%add3A_92, %dma_wait3A_107] : memref<320000x512xf32, #tpu.memory_space<hbm>> -> memref<80x128xf32, #tpu.memory_space<hbm>>
        %dma_wait3A_109 = arith.constant 256 : i32
        %dma_wait3A_110 = tpu.memref_slice %arg2[%add3A_92, %dma_wait3A_109] : memref<320000x512xf32, #tpu.memory_space<hbm>> -> memref<80x128xf32, #tpu.memory_space<hbm>>
        tpu.wait_dma2 semaphore(%run_scoped3A : memref<!tpu.dma_semaphore, #tpu.memory_space<semaphore_mem>>) src(%dma_wait3A_110 : memref<80x128xf32, #tpu.memory_space<hbm>>) dst(%arg10 : memref<80x128xf32, #tpu.memory_space<vmem>>)
        tpu.yield
      }) : () -> ()
      %dma_start3A_95 = arith.constant 0 : i32
      %dma_start3A_96 = arith.constant 0 : i32
      %dma_start3A_97 = tpu.memref_slice %arg12[%dma_start3A_95, %dma_start3A_96] : memref<10240x128xf32, #tpu.memory_space<vmem_shared>> -> memref<10240x128xf32, #tpu.memory_space<vmem_shared>>
      tpu.enqueue_indirect_dma source(%arg10 : memref<80x128xf32, #tpu.memory_space<vmem>>) target(%dma_start3A_97 : memref<10240x128xf32, #tpu.memory_space<vmem_shared>>) offsets(%arg9 : memref<80xi32, #tpu.memory_space<vmem>>) semaphore(%arg11 : memref<!tpu.dma_semaphore, #tpu.memory_space<semaphore_mem>>) {add = true}
      %dma_wait3A = arith.constant 0 : i32
      %dma_wait3A_98 = arith.constant 0 : i32
      %dma_wait3A_99 = tpu.memref_slice %arg12[%dma_wait3A, %dma_wait3A_98] : memref<10240x128xf32, #tpu.memory_space<vmem_shared>> -> memref<10240x128xf32, #tpu.memory_space<vmem_shared>>
      tpu.wait_indirect_dma semaphore(%arg8 : memref<!tpu.dma_semaphore, #tpu.memory_space<semaphore_mem>>) src(%arg7 : memref<80x128xf32, #tpu.memory_space<vmem>>) dst(%dma_wait3A_99 : memref<10240x128xf32, #tpu.memory_space<vmem_shared>>)
      %dma_wait3A_100 = arith.constant 0 : i32
      %dma_wait3A_101 = arith.constant 0 : i32
      %dma_wait3A_102 = tpu.memref_slice %arg12[%dma_wait3A_100, %dma_wait3A_101] : memref<10240x128xf32, #tpu.memory_space<vmem_shared>> -> memref<10240x128xf32, #tpu.memory_space<vmem_shared>>
      tpu.wait_indirect_dma semaphore(%arg11 : memref<!tpu.dma_semaphore, #tpu.memory_space<semaphore_mem>>) src(%arg10 : memref<80x128xf32, #tpu.memory_space<vmem>>) dst(%dma_wait3A_102 : memref<10240x128xf32, #tpu.memory_space<vmem_shared>>)
    }
    %scan3A_51 = arith.constant 62 : i32
    %mul3A_52 = arith.constant 10000 : i32
    %mul3A_53 = arith.muli %add3A, %mul3A_52 : i32
    %add3A_54 = arith.constant 9920 : i32
    %add3A_55 = arith.addi %mul3A_53, %add3A_54 : i32
    "tpu.region"() ({
      %run_scoped3A = tpu.sem_alloc : memref<!tpu.dma_semaphore, #tpu.memory_space<semaphore_mem>>
      %dma_start3A = tpu.memref_slice %arg3[%add3A_55] : memref<320000xi32, #tpu.memory_space<hbm>> -> memref<80xi32, #tpu.memory_space<hbm>>
      %dma_start3A_83 = tpu.memref_slice %arg3[%add3A_55] : memref<320000xi32, #tpu.memory_space<hbm>> -> memref<80xi32, #tpu.memory_space<hbm>>
      tpu.enqueue_dma source(%dma_start3A_83 : memref<80xi32, #tpu.memory_space<hbm>>) target(%arg6 : memref<80xi32, #tpu.memory_space<vmem>>) target_semaphore(%run_scoped3A : memref<!tpu.dma_semaphore, #tpu.memory_space<semaphore_mem>>)
      %dma_wait3A = tpu.memref_slice %arg3[%add3A_55] : memref<320000xi32, #tpu.memory_space<hbm>> -> memref<80xi32, #tpu.memory_space<hbm>>
      %dma_wait3A_84 = tpu.memref_slice %arg3[%add3A_55] : memref<320000xi32, #tpu.memory_space<hbm>> -> memref<80xi32, #tpu.memory_space<hbm>>
      tpu.wait_dma2 semaphore(%run_scoped3A : memref<!tpu.dma_semaphore, #tpu.memory_space<semaphore_mem>>) src(%dma_wait3A_84 : memref<80xi32, #tpu.memory_space<hbm>>) dst(%arg6 : memref<80xi32, #tpu.memory_space<vmem>>)
      tpu.yield
    }) : () -> ()
    "tpu.region"() ({
      %run_scoped3A = tpu.sem_alloc : memref<!tpu.dma_semaphore, #tpu.memory_space<semaphore_mem>>
      %dma_start3A = arith.constant 256 : i32
      %dma_start3A_83 = tpu.memref_slice %arg2[%add3A_55, %dma_start3A] : memref<320000x512xf32, #tpu.memory_space<hbm>> -> memref<80x128xf32, #tpu.memory_space<hbm>>
      %dma_start3A_84 = arith.constant 256 : i32
      %dma_start3A_85 = tpu.memref_slice %arg2[%add3A_55, %dma_start3A_84] : memref<320000x512xf32, #tpu.memory_space<hbm>> -> memref<80x128xf32, #tpu.memory_space<hbm>>
      tpu.enqueue_dma source(%dma_start3A_85 : memref<80x128xf32, #tpu.memory_space<hbm>>) target(%arg7 : memref<80x128xf32, #tpu.memory_space<vmem>>) target_semaphore(%run_scoped3A : memref<!tpu.dma_semaphore, #tpu.memory_space<semaphore_mem>>)
      %dma_wait3A = arith.constant 256 : i32
      %dma_wait3A_86 = tpu.memref_slice %arg2[%add3A_55, %dma_wait3A] : memref<320000x512xf32, #tpu.memory_space<hbm>> -> memref<80x128xf32, #tpu.memory_space<hbm>>
      %dma_wait3A_87 = arith.constant 256 : i32
      %dma_wait3A_88 = tpu.memref_slice %arg2[%add3A_55, %dma_wait3A_87] : memref<320000x512xf32, #tpu.memory_space<hbm>> -> memref<80x128xf32, #tpu.memory_space<hbm>>
      tpu.wait_dma2 semaphore(%run_scoped3A : memref<!tpu.dma_semaphore, #tpu.memory_space<semaphore_mem>>) src(%dma_wait3A_88 : memref<80x128xf32, #tpu.memory_space<hbm>>) dst(%arg7 : memref<80x128xf32, #tpu.memory_space<vmem>>)
      tpu.yield
    }) : () -> ()
    "tpu.region"() ({
      %run_scoped3A = tpu.sem_alloc : memref<!tpu.dma_semaphore, #tpu.memory_space<semaphore_mem>>
      %dma_start3A = arith.constant 0 : i32
      %dma_start3A_83 = arith.constant 0 : i32
      %dma_start3A_84 = tpu.memref_slice %arg12[%dma_start3A, %dma_start3A_83] : memref<10240x128xf32, #tpu.memory_space<vmem_shared>> -> memref<10240x128xf32, #tpu.memory_space<vmem_shared>>
      tpu.enqueue_indirect_dma source(%arg7 : memref<80x128xf32, #tpu.memory_space<vmem>>) target(%dma_start3A_84 : memref<10240x128xf32, #tpu.memory_space<vmem_shared>>) offsets(%arg6 : memref<80xi32, #tpu.memory_space<vmem>>) semaphore(%run_scoped3A : memref<!tpu.dma_semaphore, #tpu.memory_space<semaphore_mem>>) {add = true}
      %dma_wait3A = arith.constant 0 : i32
      %dma_wait3A_85 = arith.constant 0 : i32
      %dma_wait3A_86 = tpu.memref_slice %arg12[%dma_wait3A, %dma_wait3A_85] : memref<10240x128xf32, #tpu.memory_space<vmem_shared>> -> memref<10240x128xf32, #tpu.memory_space<vmem_shared>>
      tpu.wait_indirect_dma semaphore(%run_scoped3A : memref<!tpu.dma_semaphore, #tpu.memory_space<semaphore_mem>>) src(%arg7 : memref<80x128xf32, #tpu.memory_space<vmem>>) dst(%dma_wait3A_86 : memref<10240x128xf32, #tpu.memory_space<vmem_shared>>)
      tpu.yield
    }) : () -> ()
    %barrier3A_56 = arith.constant 0 : index
    tpu.barrier barrier_id(%barrier3A_56)
    %mul3A_57 = arith.constant 640 : i32
    %mul3A_58 = arith.muli %arg1, %mul3A_57 : i32
    %mul3A_59 = arith.constant 640 : i32
    %mul3A_60 = arith.muli %arg1, %mul3A_59 : i32
    "tpu.region"() ({
      %run_scoped3A = tpu.sem_alloc : memref<!tpu.dma_semaphore, #tpu.memory_space<semaphore_mem>>
      %dma_start3A = arith.constant 256 : i32
      %dma_start3A_83 = tpu.memref_slice %arg5[%arg0, %mul3A_60, %dma_start3A] : memref<2x10240x512xf32, #tpu.memory_space<hbm>> -> memref<1x640x128xf32, #tpu.memory_space<hbm>>
      %dma_start3A_84 = tpu.memref_squeeze %dma_start3A_83 : memref<1x640x128xf32, #tpu.memory_space<hbm>> -> memref<640x128xf32, #tpu.memory_space<hbm>>
      %dma_start3A_85 = arith.constant 0 : i32
      %dma_start3A_86 = tpu.memref_slice %arg12[%mul3A_58, %dma_start3A_85] : memref<10240x128xf32, #tpu.memory_space<vmem_shared>> -> memref<640x128xf32, #tpu.memory_space<vmem_shared>>
      tpu.enqueue_dma source(%dma_start3A_86 : memref<640x128xf32, #tpu.memory_space<vmem_shared>>) target(%dma_start3A_84 : memref<640x128xf32, #tpu.memory_space<hbm>>) target_semaphore(%run_scoped3A : memref<!tpu.dma_semaphore, #tpu.memory_space<semaphore_mem>>)
      %dma_wait3A = arith.constant 256 : i32
      %dma_wait3A_87 = tpu.memref_slice %arg5[%arg0, %mul3A_60, %dma_wait3A] : memref<2x10240x512xf32, #tpu.memory_space<hbm>> -> memref<1x640x128xf32, #tpu.memory_space<hbm>>
      %dma_wait3A_88 = tpu.memref_squeeze %dma_wait3A_87 : memref<1x640x128xf32, #tpu.memory_space<hbm>> -> memref<640x128xf32, #tpu.memory_space<hbm>>
      %dma_wait3A_89 = arith.constant 0 : i32
      %dma_wait3A_90 = tpu.memref_slice %arg12[%mul3A_58, %dma_wait3A_89] : memref<10240x128xf32, #tpu.memory_space<vmem_shared>> -> memref<640x128xf32, #tpu.memory_space<vmem_shared>>
      tpu.wait_dma2 semaphore(%run_scoped3A : memref<!tpu.dma_semaphore, #tpu.memory_space<semaphore_mem>>) src(%dma_wait3A_90 : memref<640x128xf32, #tpu.memory_space<vmem_shared>>) dst(%dma_wait3A_88 : memref<640x128xf32, #tpu.memory_space<hbm>>)
      tpu.yield
    }) : () -> ()
    %barrier3A_61 = arith.constant 0 : index
    tpu.barrier barrier_id(%barrier3A_61)
    %mul3A_62 = arith.constant 640 : i32
    %mul3A_63 = arith.muli %arg1, %mul3A_62 : i32
    %mul3A_64 = arith.constant 640 : i32
    %mul3A_65 = arith.muli %arg1, %mul3A_64 : i32
    "tpu.region"() ({
      %run_scoped3A = tpu.sem_alloc : memref<!tpu.dma_semaphore, #tpu.memory_space<semaphore_mem>>
      %dma_start3A = arith.constant 0 : i32
      %dma_start3A_83 = tpu.memref_slice %arg12[%mul3A_65, %dma_start3A] : memref<10240x128xf32, #tpu.memory_space<vmem_shared>> -> memref<640x128xf32, #tpu.memory_space<vmem_shared>>
      %dma_start3A_84 = arith.constant 0 : i32
      %dma_start3A_85 = tpu.memref_slice %arg4[%mul3A_63, %dma_start3A_84] : memref<10240x128xf32, #tpu.memory_space<hbm>> -> memref<640x128xf32, #tpu.memory_space<hbm>>
      tpu.enqueue_dma source(%dma_start3A_85 : memref<640x128xf32, #tpu.memory_space<hbm>>) target(%dma_start3A_83 : memref<640x128xf32, #tpu.memory_space<vmem_shared>>) target_semaphore(%run_scoped3A : memref<!tpu.dma_semaphore, #tpu.memory_space<semaphore_mem>>)
      %dma_wait3A = arith.constant 0 : i32
      %dma_wait3A_86 = tpu.memref_slice %arg12[%mul3A_65, %dma_wait3A] : memref<10240x128xf32, #tpu.memory_space<vmem_shared>> -> memref<640x128xf32, #tpu.memory_space<vmem_shared>>
      %dma_wait3A_87 = arith.constant 0 : i32
      %dma_wait3A_88 = tpu.memref_slice %arg4[%mul3A_63, %dma_wait3A_87] : memref<10240x128xf32, #tpu.memory_space<hbm>> -> memref<640x128xf32, #tpu.memory_space<hbm>>
      tpu.wait_dma2 semaphore(%run_scoped3A : memref<!tpu.dma_semaphore, #tpu.memory_space<semaphore_mem>>) src(%dma_wait3A_88 : memref<640x128xf32, #tpu.memory_space<hbm>>) dst(%dma_wait3A_86 : memref<640x128xf32, #tpu.memory_space<vmem_shared>>)
      tpu.yield
    }) : () -> ()
    %barrier3A_66 = arith.constant 0 : index
    tpu.barrier barrier_id(%barrier3A_66)
    %scan3A_67 = arith.constant 0 : i32
    %scan3A_68 = arith.constant 0 : i32
    %scan3A_69 = arith.constant 62 : i32
    %scan3A_70 = arith.addi %scan3A_68, %scan3A_69 : i32
    %scan3A_71 = arith.constant 1 : i32
    scf.for %scan3A_83 = %scan3A_68 to %scan3A_70 step %scan3A_71  : i32 {
      %mul3A_84 = arith.constant 10000 : i32
      %mul3A_85 = arith.muli %add3A, %mul3A_84 : i32
      %mul3A_86 = arith.constant 2 : i32
      %mul3A_87 = arith.muli %mul3A_86, %scan3A_83 : i32
      %mul3A_88 = arith.constant 80 : i32
      %mul3A_89 = arith.muli %mul3A_87, %mul3A_88 : i32
      %add3A_90 = arith.addi %mul3A_85, %mul3A_89 : i32
      %add3A_91 = arith.constant 80 : i32
      %add3A_92 = arith.addi %add3A_90, %add3A_91 : i32
      "tpu.region"() ({
        %run_scoped3A = tpu.sem_alloc : memref<!tpu.dma_semaphore, #tpu.memory_space<semaphore_mem>>
        %dma_start3A_103 = tpu.memref_slice %arg3[%add3A_90] : memref<320000xi32, #tpu.memory_space<hbm>> -> memref<80xi32, #tpu.memory_space<hbm>>
        %dma_start3A_104 = tpu.memref_slice %arg3[%add3A_90] : memref<320000xi32, #tpu.memory_space<hbm>> -> memref<80xi32, #tpu.memory_space<hbm>>
        tpu.enqueue_dma source(%dma_start3A_104 : memref<80xi32, #tpu.memory_space<hbm>>) target(%arg6 : memref<80xi32, #tpu.memory_space<vmem>>) target_semaphore(%run_scoped3A : memref<!tpu.dma_semaphore, #tpu.memory_space<semaphore_mem>>)
        %dma_wait3A_105 = tpu.memref_slice %arg3[%add3A_90] : memref<320000xi32, #tpu.memory_space<hbm>> -> memref<80xi32, #tpu.memory_space<hbm>>
        %dma_wait3A_106 = tpu.memref_slice %arg3[%add3A_90] : memref<320000xi32, #tpu.memory_space<hbm>> -> memref<80xi32, #tpu.memory_space<hbm>>
        tpu.wait_dma2 semaphore(%run_scoped3A : memref<!tpu.dma_semaphore, #tpu.memory_space<semaphore_mem>>) src(%dma_wait3A_106 : memref<80xi32, #tpu.memory_space<hbm>>) dst(%arg6 : memref<80xi32, #tpu.memory_space<vmem>>)
        tpu.yield
      }) : () -> ()
      "tpu.region"() ({
        %run_scoped3A = tpu.sem_alloc : memref<!tpu.dma_semaphore, #tpu.memory_space<semaphore_mem>>
        %dma_start3A_103 = arith.constant 384 : i32
        %dma_start3A_104 = tpu.memref_slice %arg2[%add3A_90, %dma_start3A_103] : memref<320000x512xf32, #tpu.memory_space<hbm>> -> memref<80x128xf32, #tpu.memory_space<hbm>>
        %dma_start3A_105 = arith.constant 384 : i32
        %dma_start3A_106 = tpu.memref_slice %arg2[%add3A_90, %dma_start3A_105] : memref<320000x512xf32, #tpu.memory_space<hbm>> -> memref<80x128xf32, #tpu.memory_space<hbm>>
        tpu.enqueue_dma source(%dma_start3A_106 : memref<80x128xf32, #tpu.memory_space<hbm>>) target(%arg7 : memref<80x128xf32, #tpu.memory_space<vmem>>) target_semaphore(%run_scoped3A : memref<!tpu.dma_semaphore, #tpu.memory_space<semaphore_mem>>)
        %dma_wait3A_107 = arith.constant 384 : i32
        %dma_wait3A_108 = tpu.memref_slice %arg2[%add3A_90, %dma_wait3A_107] : memref<320000x512xf32, #tpu.memory_space<hbm>> -> memref<80x128xf32, #tpu.memory_space<hbm>>
        %dma_wait3A_109 = arith.constant 384 : i32
        %dma_wait3A_110 = tpu.memref_slice %arg2[%add3A_90, %dma_wait3A_109] : memref<320000x512xf32, #tpu.memory_space<hbm>> -> memref<80x128xf32, #tpu.memory_space<hbm>>
        tpu.wait_dma2 semaphore(%run_scoped3A : memref<!tpu.dma_semaphore, #tpu.memory_space<semaphore_mem>>) src(%dma_wait3A_110 : memref<80x128xf32, #tpu.memory_space<hbm>>) dst(%arg7 : memref<80x128xf32, #tpu.memory_space<vmem>>)
        tpu.yield
      }) : () -> ()
      %dma_start3A = arith.constant 0 : i32
      %dma_start3A_93 = arith.constant 0 : i32
      %dma_start3A_94 = tpu.memref_slice %arg12[%dma_start3A, %dma_start3A_93] : memref<10240x128xf32, #tpu.memory_space<vmem_shared>> -> memref<10240x128xf32, #tpu.memory_space<vmem_shared>>
      tpu.enqueue_indirect_dma source(%arg7 : memref<80x128xf32, #tpu.memory_space<vmem>>) target(%dma_start3A_94 : memref<10240x128xf32, #tpu.memory_space<vmem_shared>>) offsets(%arg6 : memref<80xi32, #tpu.memory_space<vmem>>) semaphore(%arg8 : memref<!tpu.dma_semaphore, #tpu.memory_space<semaphore_mem>>) {add = true}
      "tpu.region"() ({
        %run_scoped3A = tpu.sem_alloc : memref<!tpu.dma_semaphore, #tpu.memory_space<semaphore_mem>>
        %dma_start3A_103 = tpu.memref_slice %arg3[%add3A_92] : memref<320000xi32, #tpu.memory_space<hbm>> -> memref<80xi32, #tpu.memory_space<hbm>>
        %dma_start3A_104 = tpu.memref_slice %arg3[%add3A_92] : memref<320000xi32, #tpu.memory_space<hbm>> -> memref<80xi32, #tpu.memory_space<hbm>>
        tpu.enqueue_dma source(%dma_start3A_104 : memref<80xi32, #tpu.memory_space<hbm>>) target(%arg9 : memref<80xi32, #tpu.memory_space<vmem>>) target_semaphore(%run_scoped3A : memref<!tpu.dma_semaphore, #tpu.memory_space<semaphore_mem>>)
        %dma_wait3A_105 = tpu.memref_slice %arg3[%add3A_92] : memref<320000xi32, #tpu.memory_space<hbm>> -> memref<80xi32, #tpu.memory_space<hbm>>
        %dma_wait3A_106 = tpu.memref_slice %arg3[%add3A_92] : memref<320000xi32, #tpu.memory_space<hbm>> -> memref<80xi32, #tpu.memory_space<hbm>>
        tpu.wait_dma2 semaphore(%run_scoped3A : memref<!tpu.dma_semaphore, #tpu.memory_space<semaphore_mem>>) src(%dma_wait3A_106 : memref<80xi32, #tpu.memory_space<hbm>>) dst(%arg9 : memref<80xi32, #tpu.memory_space<vmem>>)
        tpu.yield
      }) : () -> ()
      "tpu.region"() ({
        %run_scoped3A = tpu.sem_alloc : memref<!tpu.dma_semaphore, #tpu.memory_space<semaphore_mem>>
        %dma_start3A_103 = arith.constant 384 : i32
        %dma_start3A_104 = tpu.memref_slice %arg2[%add3A_92, %dma_start3A_103] : memref<320000x512xf32, #tpu.memory_space<hbm>> -> memref<80x128xf32, #tpu.memory_space<hbm>>
        %dma_start3A_105 = arith.constant 384 : i32
        %dma_start3A_106 = tpu.memref_slice %arg2[%add3A_92, %dma_start3A_105] : memref<320000x512xf32, #tpu.memory_space<hbm>> -> memref<80x128xf32, #tpu.memory_space<hbm>>
        tpu.enqueue_dma source(%dma_start3A_106 : memref<80x128xf32, #tpu.memory_space<hbm>>) target(%arg10 : memref<80x128xf32, #tpu.memory_space<vmem>>) target_semaphore(%run_scoped3A : memref<!tpu.dma_semaphore, #tpu.memory_space<semaphore_mem>>)
        %dma_wait3A_107 = arith.constant 384 : i32
        %dma_wait3A_108 = tpu.memref_slice %arg2[%add3A_92, %dma_wait3A_107] : memref<320000x512xf32, #tpu.memory_space<hbm>> -> memref<80x128xf32, #tpu.memory_space<hbm>>
        %dma_wait3A_109 = arith.constant 384 : i32
        %dma_wait3A_110 = tpu.memref_slice %arg2[%add3A_92, %dma_wait3A_109] : memref<320000x512xf32, #tpu.memory_space<hbm>> -> memref<80x128xf32, #tpu.memory_space<hbm>>
        tpu.wait_dma2 semaphore(%run_scoped3A : memref<!tpu.dma_semaphore, #tpu.memory_space<semaphore_mem>>) src(%dma_wait3A_110 : memref<80x128xf32, #tpu.memory_space<hbm>>) dst(%arg10 : memref<80x128xf32, #tpu.memory_space<vmem>>)
        tpu.yield
      }) : () -> ()
      %dma_start3A_95 = arith.constant 0 : i32
      %dma_start3A_96 = arith.constant 0 : i32
      %dma_start3A_97 = tpu.memref_slice %arg12[%dma_start3A_95, %dma_start3A_96] : memref<10240x128xf32, #tpu.memory_space<vmem_shared>> -> memref<10240x128xf32, #tpu.memory_space<vmem_shared>>
      tpu.enqueue_indirect_dma source(%arg10 : memref<80x128xf32, #tpu.memory_space<vmem>>) target(%dma_start3A_97 : memref<10240x128xf32, #tpu.memory_space<vmem_shared>>) offsets(%arg9 : memref<80xi32, #tpu.memory_space<vmem>>) semaphore(%arg11 : memref<!tpu.dma_semaphore, #tpu.memory_space<semaphore_mem>>) {add = true}
      %dma_wait3A = arith.constant 0 : i32
      %dma_wait3A_98 = arith.constant 0 : i32
      %dma_wait3A_99 = tpu.memref_slice %arg12[%dma_wait3A, %dma_wait3A_98] : memref<10240x128xf32, #tpu.memory_space<vmem_shared>> -> memref<10240x128xf32, #tpu.memory_space<vmem_shared>>
      tpu.wait_indirect_dma semaphore(%arg8 : memref<!tpu.dma_semaphore, #tpu.memory_space<semaphore_mem>>) src(%arg7 : memref<80x128xf32, #tpu.memory_space<vmem>>) dst(%dma_wait3A_99 : memref<10240x128xf32, #tpu.memory_space<vmem_shared>>)
      %dma_wait3A_100 = arith.constant 0 : i32
      %dma_wait3A_101 = arith.constant 0 : i32
      %dma_wait3A_102 = tpu.memref_slice %arg12[%dma_wait3A_100, %dma_wait3A_101] : memref<10240x128xf32, #tpu.memory_space<vmem_shared>> -> memref<10240x128xf32, #tpu.memory_space<vmem_shared>>
      tpu.wait_indirect_dma semaphore(%arg11 : memref<!tpu.dma_semaphore, #tpu.memory_space<semaphore_mem>>) src(%arg10 : memref<80x128xf32, #tpu.memory_space<vmem>>) dst(%dma_wait3A_102 : memref<10240x128xf32, #tpu.memory_space<vmem_shared>>)
    }
    %scan3A_72 = arith.constant 62 : i32
    %mul3A_73 = arith.constant 10000 : i32
    %mul3A_74 = arith.muli %add3A, %mul3A_73 : i32
    %add3A_75 = arith.constant 9920 : i32
    %add3A_76 = arith.addi %mul3A_74, %add3A_75 : i32
    "tpu.region"() ({
      %run_scoped3A = tpu.sem_alloc : memref<!tpu.dma_semaphore, #tpu.memory_space<semaphore_mem>>
      %dma_start3A = tpu.memref_slice %arg3[%add3A_76] : memref<320000xi32, #tpu.memory_space<hbm>> -> memref<80xi32, #tpu.memory_space<hbm>>
      %dma_start3A_83 = tpu.memref_slice %arg3[%add3A_76] : memref<320000xi32, #tpu.memory_space<hbm>> -> memref<80xi32, #tpu.memory_space<hbm>>
      tpu.enqueue_dma source(%dma_start3A_83 : memref<80xi32, #tpu.memory_space<hbm>>) target(%arg6 : memref<80xi32, #tpu.memory_space<vmem>>) target_semaphore(%run_scoped3A : memref<!tpu.dma_semaphore, #tpu.memory_space<semaphore_mem>>)
      %dma_wait3A = tpu.memref_slice %arg3[%add3A_76] : memref<320000xi32, #tpu.memory_space<hbm>> -> memref<80xi32, #tpu.memory_space<hbm>>
      %dma_wait3A_84 = tpu.memref_slice %arg3[%add3A_76] : memref<320000xi32, #tpu.memory_space<hbm>> -> memref<80xi32, #tpu.memory_space<hbm>>
      tpu.wait_dma2 semaphore(%run_scoped3A : memref<!tpu.dma_semaphore, #tpu.memory_space<semaphore_mem>>) src(%dma_wait3A_84 : memref<80xi32, #tpu.memory_space<hbm>>) dst(%arg6 : memref<80xi32, #tpu.memory_space<vmem>>)
      tpu.yield
    }) : () -> ()
    "tpu.region"() ({
      %run_scoped3A = tpu.sem_alloc : memref<!tpu.dma_semaphore, #tpu.memory_space<semaphore_mem>>
      %dma_start3A = arith.constant 384 : i32
      %dma_start3A_83 = tpu.memref_slice %arg2[%add3A_76, %dma_start3A] : memref<320000x512xf32, #tpu.memory_space<hbm>> -> memref<80x128xf32, #tpu.memory_space<hbm>>
      %dma_start3A_84 = arith.constant 384 : i32
      %dma_start3A_85 = tpu.memref_slice %arg2[%add3A_76, %dma_start3A_84] : memref<320000x512xf32, #tpu.memory_space<hbm>> -> memref<80x128xf32, #tpu.memory_space<hbm>>
      tpu.enqueue_dma source(%dma_start3A_85 : memref<80x128xf32, #tpu.memory_space<hbm>>) target(%arg7 : memref<80x128xf32, #tpu.memory_space<vmem>>) target_semaphore(%run_scoped3A : memref<!tpu.dma_semaphore, #tpu.memory_space<semaphore_mem>>)
      %dma_wait3A = arith.constant 384 : i32
      %dma_wait3A_86 = tpu.memref_slice %arg2[%add3A_76, %dma_wait3A] : memref<320000x512xf32, #tpu.memory_space<hbm>> -> memref<80x128xf32, #tpu.memory_space<hbm>>
      %dma_wait3A_87 = arith.constant 384 : i32
      %dma_wait3A_88 = tpu.memref_slice %arg2[%add3A_76, %dma_wait3A_87] : memref<320000x512xf32, #tpu.memory_space<hbm>> -> memref<80x128xf32, #tpu.memory_space<hbm>>
      tpu.wait_dma2 semaphore(%run_scoped3A : memref<!tpu.dma_semaphore, #tpu.memory_space<semaphore_mem>>) src(%dma_wait3A_88 : memref<80x128xf32, #tpu.memory_space<hbm>>) dst(%arg7 : memref<80x128xf32, #tpu.memory_space<vmem>>)
      tpu.yield
    }) : () -> ()
    "tpu.region"() ({
      %run_scoped3A = tpu.sem_alloc : memref<!tpu.dma_semaphore, #tpu.memory_space<semaphore_mem>>
      %dma_start3A = arith.constant 0 : i32
      %dma_start3A_83 = arith.constant 0 : i32
      %dma_start3A_84 = tpu.memref_slice %arg12[%dma_start3A, %dma_start3A_83] : memref<10240x128xf32, #tpu.memory_space<vmem_shared>> -> memref<10240x128xf32, #tpu.memory_space<vmem_shared>>
      tpu.enqueue_indirect_dma source(%arg7 : memref<80x128xf32, #tpu.memory_space<vmem>>) target(%dma_start3A_84 : memref<10240x128xf32, #tpu.memory_space<vmem_shared>>) offsets(%arg6 : memref<80xi32, #tpu.memory_space<vmem>>) semaphore(%run_scoped3A : memref<!tpu.dma_semaphore, #tpu.memory_space<semaphore_mem>>) {add = true}
      %dma_wait3A = arith.constant 0 : i32
      %dma_wait3A_85 = arith.constant 0 : i32
      %dma_wait3A_86 = tpu.memref_slice %arg12[%dma_wait3A, %dma_wait3A_85] : memref<10240x128xf32, #tpu.memory_space<vmem_shared>> -> memref<10240x128xf32, #tpu.memory_space<vmem_shared>>
      tpu.wait_indirect_dma semaphore(%run_scoped3A : memref<!tpu.dma_semaphore, #tpu.memory_space<semaphore_mem>>) src(%arg7 : memref<80x128xf32, #tpu.memory_space<vmem>>) dst(%dma_wait3A_86 : memref<10240x128xf32, #tpu.memory_space<vmem_shared>>)
      tpu.yield
    }) : () -> ()
    %barrier3A_77 = arith.constant 0 : index
    tpu.barrier barrier_id(%barrier3A_77)
    %mul3A_78 = arith.constant 640 : i32
    %mul3A_79 = arith.muli %arg1, %mul3A_78 : i32
    %mul3A_80 = arith.constant 640 : i32
    %mul3A_81 = arith.muli %arg1, %mul3A_80 : i32
    "tpu.region"() ({
      %run_scoped3A = tpu.sem_alloc : memref<!tpu.dma_semaphore, #tpu.memory_space<semaphore_mem>>
      %dma_start3A = arith.constant 384 : i32
      %dma_start3A_83 = tpu.memref_slice %arg5[%arg0, %mul3A_81, %dma_start3A] : memref<2x10240x512xf32, #tpu.memory_space<hbm>> -> memref<1x640x128xf32, #tpu.memory_space<hbm>>
      %dma_start3A_84 = tpu.memref_squeeze %dma_start3A_83 : memref<1x640x128xf32, #tpu.memory_space<hbm>> -> memref<640x128xf32, #tpu.memory_space<hbm>>
      %dma_start3A_85 = arith.constant 0 : i32
      %dma_start3A_86 = tpu.memref_slice %arg12[%mul3A_79, %dma_start3A_85] : memref<10240x128xf32, #tpu.memory_space<vmem_shared>> -> memref<640x128xf32, #tpu.memory_space<vmem_shared>>
      tpu.enqueue_dma source(%dma_start3A_86 : memref<640x128xf32, #tpu.memory_space<vmem_shared>>) target(%dma_start3A_84 : memref<640x128xf32, #tpu.memory_space<hbm>>) target_semaphore(%run_scoped3A : memref<!tpu.dma_semaphore, #tpu.memory_space<semaphore_mem>>)
      %dma_wait3A = arith.constant 384 : i32
      %dma_wait3A_87 = tpu.memref_slice %arg5[%arg0, %mul3A_81, %dma_wait3A] : memref<2x10240x512xf32, #tpu.memory_space<hbm>> -> memref<1x640x128xf32, #tpu.memory_space<hbm>>
      %dma_wait3A_88 = tpu.memref_squeeze %dma_wait3A_87 : memref<1x640x128xf32, #tpu.memory_space<hbm>> -> memref<640x128xf32, #tpu.memory_space<hbm>>
      %dma_wait3A_89 = arith.constant 0 : i32
      %dma_wait3A_90 = tpu.memref_slice %arg12[%mul3A_79, %dma_wait3A_89] : memref<10240x128xf32, #tpu.memory_space<vmem_shared>> -> memref<640x128xf32, #tpu.memory_space<vmem_shared>>
      tpu.wait_dma2 semaphore(%run_scoped3A : memref<!tpu.dma_semaphore, #tpu.memory_space<semaphore_mem>>) src(%dma_wait3A_90 : memref<640x128xf32, #tpu.memory_space<vmem_shared>>) dst(%dma_wait3A_88 : memref<640x128xf32, #tpu.memory_space<hbm>>)
      tpu.yield
    }) : () -> ()
    %barrier3A_82 = arith.constant 0 : index
    tpu.barrier barrier_id(%barrier3A_82)
    return
  }
}

#map = affine_map<(d0, d1) -> (0, 0)>
#map1 = affine_map<(d0, d1) -> (0)>
module attributes {stable_mosaic.version = 14 : i64} {
  func.func @gather(%arg0: i32, %arg1: i32, %arg2: memref<10000x128xf32, #tpu.memory_space<hbm>>, %arg3: memref<320000xi32, #tpu.memory_space<hbm>>, %arg4: memref<320000x128xf32, #tpu.memory_space<hbm>>, %arg5: memref<80xi32, #tpu.memory_space<vmem>>, %arg6: memref<80x128xf32, #tpu.memory_space<vmem>>, %arg7: memref<!tpu.dma_semaphore, #tpu.memory_space<semaphore_mem>>, %arg8: memref<80xi32, #tpu.memory_space<vmem>>, %arg9: memref<80x128xf32, #tpu.memory_space<vmem>>, %arg10: memref<!tpu.dma_semaphore, #tpu.memory_space<semaphore_mem>>) attributes {dimension_semantics = [#tpu.dimension_semantics<core_parallel>, #tpu.dimension_semantics<subcore_parallel>], iteration_bounds = array<i64: 2, 16>, scalar_prefetch = 0 : i64, scratch_operands = 6 : i64, tpu.core_type = #tpu.core_type<sc_vector_subcore>, window_params = [{transform_indices = #map}, {transform_indices = #map1}, {transform_indices = #map}]} {
    %mul3A = arith.constant 2 : i32
    %mul3A_0 = arith.muli %arg1, %mul3A : i32
    %add3A = arith.addi %mul3A_0, %arg0 : i32
    %scan3A = arith.constant 0 : i32
    %scan3A_1 = arith.constant 0 : i32
    %scan3A_2 = arith.constant 62 : i32
    %scan3A_3 = arith.addi %scan3A_1, %scan3A_2 : i32
    %scan3A_4 = arith.constant 1 : i32
    scf.for %scan3A_14 = %scan3A_1 to %scan3A_3 step %scan3A_4  : i32 {
      %mul3A_15 = arith.constant 10000 : i32
      %mul3A_16 = arith.muli %add3A, %mul3A_15 : i32
      %mul3A_17 = arith.constant 2 : i32
      %mul3A_18 = arith.muli %mul3A_17, %scan3A_14 : i32
      %mul3A_19 = arith.constant 80 : i32
      %mul3A_20 = arith.muli %mul3A_18, %mul3A_19 : i32
      %add3A_21 = arith.addi %mul3A_16, %mul3A_20 : i32
      %add3A_22 = arith.constant 80 : i32
      %add3A_23 = arith.addi %add3A_21, %add3A_22 : i32
      "tpu.region"() ({
        %run_scoped3A = tpu.sem_alloc : memref<!tpu.dma_semaphore, #tpu.memory_space<semaphore_mem>>
        %dma_start3A_36 = tpu.memref_slice %arg3[%add3A_21] : memref<320000xi32, #tpu.memory_space<hbm>> -> memref<80xi32, #tpu.memory_space<hbm>>
        %dma_start3A_37 = tpu.memref_slice %arg3[%add3A_21] : memref<320000xi32, #tpu.memory_space<hbm>> -> memref<80xi32, #tpu.memory_space<hbm>>
        tpu.enqueue_dma source(%dma_start3A_37 : memref<80xi32, #tpu.memory_space<hbm>>) target(%arg5 : memref<80xi32, #tpu.memory_space<vmem>>) target_semaphore(%run_scoped3A : memref<!tpu.dma_semaphore, #tpu.memory_space<semaphore_mem>>)
        %dma_wait3A_38 = tpu.memref_slice %arg3[%add3A_21] : memref<320000xi32, #tpu.memory_space<hbm>> -> memref<80xi32, #tpu.memory_space<hbm>>
        %dma_wait3A_39 = tpu.memref_slice %arg3[%add3A_21] : memref<320000xi32, #tpu.memory_space<hbm>> -> memref<80xi32, #tpu.memory_space<hbm>>
        tpu.wait_dma2 semaphore(%run_scoped3A : memref<!tpu.dma_semaphore, #tpu.memory_space<semaphore_mem>>) src(%dma_wait3A_39 : memref<80xi32, #tpu.memory_space<hbm>>) dst(%arg5 : memref<80xi32, #tpu.memory_space<vmem>>)
        tpu.yield
      }) : () -> ()
      "tpu.region"() ({
        %run_scoped3A = tpu.sem_alloc : memref<!tpu.dma_semaphore, #tpu.memory_space<semaphore_mem>>
        %dma_start3A_36 = tpu.memref_slice %arg3[%add3A_23] : memref<320000xi32, #tpu.memory_space<hbm>> -> memref<80xi32, #tpu.memory_space<hbm>>
        %dma_start3A_37 = tpu.memref_slice %arg3[%add3A_23] : memref<320000xi32, #tpu.memory_space<hbm>> -> memref<80xi32, #tpu.memory_space<hbm>>
        tpu.enqueue_dma source(%dma_start3A_37 : memref<80xi32, #tpu.memory_space<hbm>>) target(%arg8 : memref<80xi32, #tpu.memory_space<vmem>>) target_semaphore(%run_scoped3A : memref<!tpu.dma_semaphore, #tpu.memory_space<semaphore_mem>>)
        %dma_wait3A_38 = tpu.memref_slice %arg3[%add3A_23] : memref<320000xi32, #tpu.memory_space<hbm>> -> memref<80xi32, #tpu.memory_space<hbm>>
        %dma_wait3A_39 = tpu.memref_slice %arg3[%add3A_23] : memref<320000xi32, #tpu.memory_space<hbm>> -> memref<80xi32, #tpu.memory_space<hbm>>
        tpu.wait_dma2 semaphore(%run_scoped3A : memref<!tpu.dma_semaphore, #tpu.memory_space<semaphore_mem>>) src(%dma_wait3A_39 : memref<80xi32, #tpu.memory_space<hbm>>) dst(%arg8 : memref<80xi32, #tpu.memory_space<vmem>>)
        tpu.yield
      }) : () -> ()
      %dma_start3A_24 = arith.constant 0 : i32
      %dma_start3A_25 = arith.constant 0 : i32
      %dma_start3A_26 = tpu.memref_slice %arg2[%dma_start3A_24, %dma_start3A_25] : memref<10000x128xf32, #tpu.memory_space<hbm>> -> memref<10000x128xf32, #tpu.memory_space<hbm>>
      tpu.enqueue_indirect_dma source(%dma_start3A_26 : memref<10000x128xf32, #tpu.memory_space<hbm>>) target(%arg6 : memref<80x128xf32, #tpu.memory_space<vmem>>) offsets(%arg5 : memref<80xi32, #tpu.memory_space<vmem>>) semaphore(%arg7 : memref<!tpu.dma_semaphore, #tpu.memory_space<semaphore_mem>>)
      %dma_start3A_27 = arith.constant 0 : i32
      %dma_start3A_28 = arith.constant 0 : i32
      %dma_start3A_29 = tpu.memref_slice %arg2[%dma_start3A_27, %dma_start3A_28] : memref<10000x128xf32, #tpu.memory_space<hbm>> -> memref<10000x128xf32, #tpu.memory_space<hbm>>
      tpu.enqueue_indirect_dma source(%dma_start3A_29 : memref<10000x128xf32, #tpu.memory_space<hbm>>) target(%arg9 : memref<80x128xf32, #tpu.memory_space<vmem>>) offsets(%arg8 : memref<80xi32, #tpu.memory_space<vmem>>) semaphore(%arg10 : memref<!tpu.dma_semaphore, #tpu.memory_space<semaphore_mem>>)
      %dma_wait3A_30 = arith.constant 0 : i32
      %dma_wait3A_31 = arith.constant 0 : i32
      %dma_wait3A_32 = tpu.memref_slice %arg2[%dma_wait3A_30, %dma_wait3A_31] : memref<10000x128xf32, #tpu.memory_space<hbm>> -> memref<10000x128xf32, #tpu.memory_space<hbm>>
      tpu.wait_indirect_dma semaphore(%arg7 : memref<!tpu.dma_semaphore, #tpu.memory_space<semaphore_mem>>) src(%dma_wait3A_32 : memref<10000x128xf32, #tpu.memory_space<hbm>>) dst(%arg6 : memref<80x128xf32, #tpu.memory_space<vmem>>)
      "tpu.region"() ({
        %run_scoped3A = tpu.sem_alloc : memref<!tpu.dma_semaphore, #tpu.memory_space<semaphore_mem>>
        %dma_start3A_36 = arith.constant 0 : i32
        %dma_start3A_37 = tpu.memref_slice %arg4[%add3A_21, %dma_start3A_36] : memref<320000x128xf32, #tpu.memory_space<hbm>> -> memref<80x128xf32, #tpu.memory_space<hbm>>
        %dma_start3A_38 = arith.constant 0 : i32
        %dma_start3A_39 = tpu.memref_slice %arg4[%add3A_21, %dma_start3A_38] : memref<320000x128xf32, #tpu.memory_space<hbm>> -> memref<80x128xf32, #tpu.memory_space<hbm>>
        tpu.enqueue_dma source(%arg6 : memref<80x128xf32, #tpu.memory_space<vmem>>) target(%dma_start3A_39 : memref<80x128xf32, #tpu.memory_space<hbm>>) target_semaphore(%run_scoped3A : memref<!tpu.dma_semaphore, #tpu.memory_space<semaphore_mem>>)
        %dma_wait3A_40 = arith.constant 0 : i32
        %dma_wait3A_41 = tpu.memref_slice %arg4[%add3A_21, %dma_wait3A_40] : memref<320000x128xf32, #tpu.memory_space<hbm>> -> memref<80x128xf32, #tpu.memory_space<hbm>>
        %dma_wait3A_42 = arith.constant 0 : i32
        %dma_wait3A_43 = tpu.memref_slice %arg4[%add3A_21, %dma_wait3A_42] : memref<320000x128xf32, #tpu.memory_space<hbm>> -> memref<80x128xf32, #tpu.memory_space<hbm>>
        tpu.wait_dma2 semaphore(%run_scoped3A : memref<!tpu.dma_semaphore, #tpu.memory_space<semaphore_mem>>) src(%arg6 : memref<80x128xf32, #tpu.memory_space<vmem>>) dst(%dma_wait3A_43 : memref<80x128xf32, #tpu.memory_space<hbm>>)
        tpu.yield
      }) : () -> ()
      %dma_wait3A_33 = arith.constant 0 : i32
      %dma_wait3A_34 = arith.constant 0 : i32
      %dma_wait3A_35 = tpu.memref_slice %arg2[%dma_wait3A_33, %dma_wait3A_34] : memref<10000x128xf32, #tpu.memory_space<hbm>> -> memref<10000x128xf32, #tpu.memory_space<hbm>>
      tpu.wait_indirect_dma semaphore(%arg10 : memref<!tpu.dma_semaphore, #tpu.memory_space<semaphore_mem>>) src(%dma_wait3A_35 : memref<10000x128xf32, #tpu.memory_space<hbm>>) dst(%arg9 : memref<80x128xf32, #tpu.memory_space<vmem>>)
      "tpu.region"() ({
        %run_scoped3A = tpu.sem_alloc : memref<!tpu.dma_semaphore, #tpu.memory_space<semaphore_mem>>
        %dma_start3A_36 = arith.constant 0 : i32
        %dma_start3A_37 = tpu.memref_slice %arg4[%add3A_23, %dma_start3A_36] : memref<320000x128xf32, #tpu.memory_space<hbm>> -> memref<80x128xf32, #tpu.memory_space<hbm>>
        %dma_start3A_38 = arith.constant 0 : i32
        %dma_start3A_39 = tpu.memref_slice %arg4[%add3A_23, %dma_start3A_38] : memref<320000x128xf32, #tpu.memory_space<hbm>> -> memref<80x128xf32, #tpu.memory_space<hbm>>
        tpu.enqueue_dma source(%arg9 : memref<80x128xf32, #tpu.memory_space<vmem>>) target(%dma_start3A_39 : memref<80x128xf32, #tpu.memory_space<hbm>>) target_semaphore(%run_scoped3A : memref<!tpu.dma_semaphore, #tpu.memory_space<semaphore_mem>>)
        %dma_wait3A_40 = arith.constant 0 : i32
        %dma_wait3A_41 = tpu.memref_slice %arg4[%add3A_23, %dma_wait3A_40] : memref<320000x128xf32, #tpu.memory_space<hbm>> -> memref<80x128xf32, #tpu.memory_space<hbm>>
        %dma_wait3A_42 = arith.constant 0 : i32
        %dma_wait3A_43 = tpu.memref_slice %arg4[%add3A_23, %dma_wait3A_42] : memref<320000x128xf32, #tpu.memory_space<hbm>> -> memref<80x128xf32, #tpu.memory_space<hbm>>
        tpu.wait_dma2 semaphore(%run_scoped3A : memref<!tpu.dma_semaphore, #tpu.memory_space<semaphore_mem>>) src(%arg9 : memref<80x128xf32, #tpu.memory_space<vmem>>) dst(%dma_wait3A_43 : memref<80x128xf32, #tpu.memory_space<hbm>>)
        tpu.yield
      }) : () -> ()
    }
    %scan3A_5 = arith.constant 62 : i32
    %mul3A_6 = arith.constant 10000 : i32
    %mul3A_7 = arith.muli %add3A, %mul3A_6 : i32
    %add3A_8 = arith.constant 9920 : i32
    %add3A_9 = arith.addi %mul3A_7, %add3A_8 : i32
    "tpu.region"() ({
      %run_scoped3A = tpu.sem_alloc : memref<!tpu.dma_semaphore, #tpu.memory_space<semaphore_mem>>
      %dma_start3A_14 = tpu.memref_slice %arg3[%add3A_9] : memref<320000xi32, #tpu.memory_space<hbm>> -> memref<80xi32, #tpu.memory_space<hbm>>
      %dma_start3A_15 = tpu.memref_slice %arg3[%add3A_9] : memref<320000xi32, #tpu.memory_space<hbm>> -> memref<80xi32, #tpu.memory_space<hbm>>
      tpu.enqueue_dma source(%dma_start3A_15 : memref<80xi32, #tpu.memory_space<hbm>>) target(%arg5 : memref<80xi32, #tpu.memory_space<vmem>>) target_semaphore(%run_scoped3A : memref<!tpu.dma_semaphore, #tpu.memory_space<semaphore_mem>>)
      %dma_wait3A_16 = tpu.memref_slice %arg3[%add3A_9] : memref<320000xi32, #tpu.memory_space<hbm>> -> memref<80xi32, #tpu.memory_space<hbm>>
      %dma_wait3A_17 = tpu.memref_slice %arg3[%add3A_9] : memref<320000xi32, #tpu.memory_space<hbm>> -> memref<80xi32, #tpu.memory_space<hbm>>
      tpu.wait_dma2 semaphore(%run_scoped3A : memref<!tpu.dma_semaphore, #tpu.memory_space<semaphore_mem>>) src(%dma_wait3A_17 : memref<80xi32, #tpu.memory_space<hbm>>) dst(%arg5 : memref<80xi32, #tpu.memory_space<vmem>>)
      tpu.yield
    }) : () -> ()
    %dma_start3A = arith.constant 0 : i32
    %dma_start3A_10 = arith.constant 0 : i32
    %dma_start3A_11 = tpu.memref_slice %arg2[%dma_start3A, %dma_start3A_10] : memref<10000x128xf32, #tpu.memory_space<hbm>> -> memref<10000x128xf32, #tpu.memory_space<hbm>>
    tpu.enqueue_indirect_dma source(%dma_start3A_11 : memref<10000x128xf32, #tpu.memory_space<hbm>>) target(%arg6 : memref<80x128xf32, #tpu.memory_space<vmem>>) offsets(%arg5 : memref<80xi32, #tpu.memory_space<vmem>>) semaphore(%arg7 : memref<!tpu.dma_semaphore, #tpu.memory_space<semaphore_mem>>)
    %dma_wait3A = arith.constant 0 : i32
    %dma_wait3A_12 = arith.constant 0 : i32
    %dma_wait3A_13 = tpu.memref_slice %arg2[%dma_wait3A, %dma_wait3A_12] : memref<10000x128xf32, #tpu.memory_space<hbm>> -> memref<10000x128xf32, #tpu.memory_space<hbm>>
    tpu.wait_indirect_dma semaphore(%arg7 : memref<!tpu.dma_semaphore, #tpu.memory_space<semaphore_mem>>) src(%dma_wait3A_13 : memref<10000x128xf32, #tpu.memory_space<hbm>>) dst(%arg6 : memref<80x128xf32, #tpu.memory_space<vmem>>)
    "tpu.region"() ({
      %run_scoped3A = tpu.sem_alloc : memref<!tpu.dma_semaphore, #tpu.memory_space<semaphore_mem>>
      %dma_start3A_14 = arith.constant 0 : i32
      %dma_start3A_15 = tpu.memref_slice %arg4[%add3A_9, %dma_start3A_14] : memref<320000x128xf32, #tpu.memory_space<hbm>> -> memref<80x128xf32, #tpu.memory_space<hbm>>
      %dma_start3A_16 = arith.constant 0 : i32
      %dma_start3A_17 = tpu.memref_slice %arg4[%add3A_9, %dma_start3A_16] : memref<320000x128xf32, #tpu.memory_space<hbm>> -> memref<80x128xf32, #tpu.memory_space<hbm>>
      tpu.enqueue_dma source(%arg6 : memref<80x128xf32, #tpu.memory_space<vmem>>) target(%dma_start3A_17 : memref<80x128xf32, #tpu.memory_space<hbm>>) target_semaphore(%run_scoped3A : memref<!tpu.dma_semaphore, #tpu.memory_space<semaphore_mem>>)
      %dma_wait3A_18 = arith.constant 0 : i32
      %dma_wait3A_19 = tpu.memref_slice %arg4[%add3A_9, %dma_wait3A_18] : memref<320000x128xf32, #tpu.memory_space<hbm>> -> memref<80x128xf32, #tpu.memory_space<hbm>>
      %dma_wait3A_20 = arith.constant 0 : i32
      %dma_wait3A_21 = tpu.memref_slice %arg4[%add3A_9, %dma_wait3A_20] : memref<320000x128xf32, #tpu.memory_space<hbm>> -> memref<80x128xf32, #tpu.memory_space<hbm>>
      tpu.wait_dma2 semaphore(%run_scoped3A : memref<!tpu.dma_semaphore, #tpu.memory_space<semaphore_mem>>) src(%arg6 : memref<80x128xf32, #tpu.memory_space<vmem>>) dst(%dma_wait3A_21 : memref<80x128xf32, #tpu.memory_space<hbm>>)
      tpu.yield
    }) : () -> ()
    return
  }
}

#map = affine_map<(d0, d1) -> (0, 0)>
#map1 = affine_map<(d0, d1) -> (0)>
module attributes {stable_mosaic.version = 14 : i64} {
  func.func @gather(%arg0: i32, %arg1: i32, %arg2: memref<10000x128xf32, #tpu.memory_space<hbm>>, %arg3: memref<320000xi32, #tpu.memory_space<hbm>>, %arg4: memref<320000x128xf32, #tpu.memory_space<hbm>>, %arg5: memref<80xi32, #tpu.memory_space<vmem>>, %arg6: memref<80x128xf32, #tpu.memory_space<vmem>>, %arg7: memref<!tpu.dma_semaphore, #tpu.memory_space<semaphore_mem>>, %arg8: memref<80xi32, #tpu.memory_space<vmem>>, %arg9: memref<80x128xf32, #tpu.memory_space<vmem>>, %arg10: memref<!tpu.dma_semaphore, #tpu.memory_space<semaphore_mem>>) attributes {dimension_semantics = [#tpu.dimension_semantics<core_parallel>, #tpu.dimension_semantics<subcore_parallel>], iteration_bounds = array<i64: 2, 16>, scalar_prefetch = 0 : i64, scratch_operands = 6 : i64, tpu.core_type = #tpu.core_type<sc_vector_subcore>, window_params = [{transform_indices = #map}, {transform_indices = #map1}, {transform_indices = #map}]} {
    %mul3A = arith.constant 2 : i32
    %mul3A_0 = arith.muli %arg1, %mul3A : i32
    %add3A = arith.addi %mul3A_0, %arg0 : i32
    %scan3A = arith.constant 0 : i32
    %scan3A_1 = arith.constant 0 : i32
    %scan3A_2 = arith.constant 62 : i32
    %scan3A_3 = arith.addi %scan3A_1, %scan3A_2 : i32
    %scan3A_4 = arith.constant 1 : i32
    scf.for %scan3A_14 = %scan3A_1 to %scan3A_3 step %scan3A_4  : i32 {
      %mul3A_15 = arith.constant 10000 : i32
      %mul3A_16 = arith.muli %add3A, %mul3A_15 : i32
      %mul3A_17 = arith.constant 2 : i32
      %mul3A_18 = arith.muli %mul3A_17, %scan3A_14 : i32
      %mul3A_19 = arith.constant 80 : i32
      %mul3A_20 = arith.muli %mul3A_18, %mul3A_19 : i32
      %add3A_21 = arith.addi %mul3A_16, %mul3A_20 : i32
      %add3A_22 = arith.constant 80 : i32
      %add3A_23 = arith.addi %add3A_21, %add3A_22 : i32
      "tpu.region"() ({
        %run_scoped3A = tpu.sem_alloc : memref<!tpu.dma_semaphore, #tpu.memory_space<semaphore_mem>>
        %dma_start3A_36 = tpu.memref_slice %arg3[%add3A_21] : memref<320000xi32, #tpu.memory_space<hbm>> -> memref<80xi32, #tpu.memory_space<hbm>>
        %dma_start3A_37 = tpu.memref_slice %arg3[%add3A_21] : memref<320000xi32, #tpu.memory_space<hbm>> -> memref<80xi32, #tpu.memory_space<hbm>>
        tpu.enqueue_dma source(%dma_start3A_37 : memref<80xi32, #tpu.memory_space<hbm>>) target(%arg5 : memref<80xi32, #tpu.memory_space<vmem>>) target_semaphore(%run_scoped3A : memref<!tpu.dma_semaphore, #tpu.memory_space<semaphore_mem>>)
        %dma_wait3A_38 = tpu.memref_slice %arg3[%add3A_21] : memref<320000xi32, #tpu.memory_space<hbm>> -> memref<80xi32, #tpu.memory_space<hbm>>
        %dma_wait3A_39 = tpu.memref_slice %arg3[%add3A_21] : memref<320000xi32, #tpu.memory_space<hbm>> -> memref<80xi32, #tpu.memory_space<hbm>>
        tpu.wait_dma2 semaphore(%run_scoped3A : memref<!tpu.dma_semaphore, #tpu.memory_space<semaphore_mem>>) src(%dma_wait3A_39 : memref<80xi32, #tpu.memory_space<hbm>>) dst(%arg5 : memref<80xi32, #tpu.memory_space<vmem>>)
        tpu.yield
      }) : () -> ()
      "tpu.region"() ({
        %run_scoped3A = tpu.sem_alloc : memref<!tpu.dma_semaphore, #tpu.memory_space<semaphore_mem>>
        %dma_start3A_36 = tpu.memref_slice %arg3[%add3A_23] : memref<320000xi32, #tpu.memory_space<hbm>> -> memref<80xi32, #tpu.memory_space<hbm>>
        %dma_start3A_37 = tpu.memref_slice %arg3[%add3A_23] : memref<320000xi32, #tpu.memory_space<hbm>> -> memref<80xi32, #tpu.memory_space<hbm>>
        tpu.enqueue_dma source(%dma_start3A_37 : memref<80xi32, #tpu.memory_space<hbm>>) target(%arg8 : memref<80xi32, #tpu.memory_space<vmem>>) target_semaphore(%run_scoped3A : memref<!tpu.dma_semaphore, #tpu.memory_space<semaphore_mem>>)
        %dma_wait3A_38 = tpu.memref_slice %arg3[%add3A_23] : memref<320000xi32, #tpu.memory_space<hbm>> -> memref<80xi32, #tpu.memory_space<hbm>>
        %dma_wait3A_39 = tpu.memref_slice %arg3[%add3A_23] : memref<320000xi32, #tpu.memory_space<hbm>> -> memref<80xi32, #tpu.memory_space<hbm>>
        tpu.wait_dma2 semaphore(%run_scoped3A : memref<!tpu.dma_semaphore, #tpu.memory_space<semaphore_mem>>) src(%dma_wait3A_39 : memref<80xi32, #tpu.memory_space<hbm>>) dst(%arg8 : memref<80xi32, #tpu.memory_space<vmem>>)
        tpu.yield
      }) : () -> ()
      %dma_start3A_24 = arith.constant 0 : i32
      %dma_start3A_25 = arith.constant 0 : i32
      %dma_start3A_26 = tpu.memref_slice %arg2[%dma_start3A_24, %dma_start3A_25] : memref<10000x128xf32, #tpu.memory_space<hbm>> -> memref<10000x128xf32, #tpu.memory_space<hbm>>
      tpu.enqueue_indirect_dma source(%dma_start3A_26 : memref<10000x128xf32, #tpu.memory_space<hbm>>) target(%arg6 : memref<80x128xf32, #tpu.memory_space<vmem>>) offsets(%arg5 : memref<80xi32, #tpu.memory_space<vmem>>) semaphore(%arg7 : memref<!tpu.dma_semaphore, #tpu.memory_space<semaphore_mem>>)
      %dma_start3A_27 = arith.constant 0 : i32
      %dma_start3A_28 = arith.constant 0 : i32
      %dma_start3A_29 = tpu.memref_slice %arg2[%dma_start3A_27, %dma_start3A_28] : memref<10000x128xf32, #tpu.memory_space<hbm>> -> memref<10000x128xf32, #tpu.memory_space<hbm>>
      tpu.enqueue_indirect_dma source(%dma_start3A_29 : memref<10000x128xf32, #tpu.memory_space<hbm>>) target(%arg9 : memref<80x128xf32, #tpu.memory_space<vmem>>) offsets(%arg8 : memref<80xi32, #tpu.memory_space<vmem>>) semaphore(%arg10 : memref<!tpu.dma_semaphore, #tpu.memory_space<semaphore_mem>>)
      %dma_wait3A_30 = arith.constant 0 : i32
      %dma_wait3A_31 = arith.constant 0 : i32
      %dma_wait3A_32 = tpu.memref_slice %arg2[%dma_wait3A_30, %dma_wait3A_31] : memref<10000x128xf32, #tpu.memory_space<hbm>> -> memref<10000x128xf32, #tpu.memory_space<hbm>>
      tpu.wait_indirect_dma semaphore(%arg7 : memref<!tpu.dma_semaphore, #tpu.memory_space<semaphore_mem>>) src(%dma_wait3A_32 : memref<10000x128xf32, #tpu.memory_space<hbm>>) dst(%arg6 : memref<80x128xf32, #tpu.memory_space<vmem>>)
      "tpu.region"() ({
        %run_scoped3A = tpu.sem_alloc : memref<!tpu.dma_semaphore, #tpu.memory_space<semaphore_mem>>
        %dma_start3A_36 = arith.constant 0 : i32
        %dma_start3A_37 = tpu.memref_slice %arg4[%add3A_21, %dma_start3A_36] : memref<320000x128xf32, #tpu.memory_space<hbm>> -> memref<80x128xf32, #tpu.memory_space<hbm>>
        %dma_start3A_38 = arith.constant 0 : i32
        %dma_start3A_39 = tpu.memref_slice %arg4[%add3A_21, %dma_start3A_38] : memref<320000x128xf32, #tpu.memory_space<hbm>> -> memref<80x128xf32, #tpu.memory_space<hbm>>
        tpu.enqueue_dma source(%arg6 : memref<80x128xf32, #tpu.memory_space<vmem>>) target(%dma_start3A_39 : memref<80x128xf32, #tpu.memory_space<hbm>>) target_semaphore(%run_scoped3A : memref<!tpu.dma_semaphore, #tpu.memory_space<semaphore_mem>>)
        %dma_wait3A_40 = arith.constant 0 : i32
        %dma_wait3A_41 = tpu.memref_slice %arg4[%add3A_21, %dma_wait3A_40] : memref<320000x128xf32, #tpu.memory_space<hbm>> -> memref<80x128xf32, #tpu.memory_space<hbm>>
        %dma_wait3A_42 = arith.constant 0 : i32
        %dma_wait3A_43 = tpu.memref_slice %arg4[%add3A_21, %dma_wait3A_42] : memref<320000x128xf32, #tpu.memory_space<hbm>> -> memref<80x128xf32, #tpu.memory_space<hbm>>
        tpu.wait_dma2 semaphore(%run_scoped3A : memref<!tpu.dma_semaphore, #tpu.memory_space<semaphore_mem>>) src(%arg6 : memref<80x128xf32, #tpu.memory_space<vmem>>) dst(%dma_wait3A_43 : memref<80x128xf32, #tpu.memory_space<hbm>>)
        tpu.yield
      }) : () -> ()
      %dma_wait3A_33 = arith.constant 0 : i32
      %dma_wait3A_34 = arith.constant 0 : i32
      %dma_wait3A_35 = tpu.memref_slice %arg2[%dma_wait3A_33, %dma_wait3A_34] : memref<10000x128xf32, #tpu.memory_space<hbm>> -> memref<10000x128xf32, #tpu.memory_space<hbm>>
      tpu.wait_indirect_dma semaphore(%arg10 : memref<!tpu.dma_semaphore, #tpu.memory_space<semaphore_mem>>) src(%dma_wait3A_35 : memref<10000x128xf32, #tpu.memory_space<hbm>>) dst(%arg9 : memref<80x128xf32, #tpu.memory_space<vmem>>)
      "tpu.region"() ({
        %run_scoped3A = tpu.sem_alloc : memref<!tpu.dma_semaphore, #tpu.memory_space<semaphore_mem>>
        %dma_start3A_36 = arith.constant 0 : i32
        %dma_start3A_37 = tpu.memref_slice %arg4[%add3A_23, %dma_start3A_36] : memref<320000x128xf32, #tpu.memory_space<hbm>> -> memref<80x128xf32, #tpu.memory_space<hbm>>
        %dma_start3A_38 = arith.constant 0 : i32
        %dma_start3A_39 = tpu.memref_slice %arg4[%add3A_23, %dma_start3A_38] : memref<320000x128xf32, #tpu.memory_space<hbm>> -> memref<80x128xf32, #tpu.memory_space<hbm>>
        tpu.enqueue_dma source(%arg9 : memref<80x128xf32, #tpu.memory_space<vmem>>) target(%dma_start3A_39 : memref<80x128xf32, #tpu.memory_space<hbm>>) target_semaphore(%run_scoped3A : memref<!tpu.dma_semaphore, #tpu.memory_space<semaphore_mem>>)
        %dma_wait3A_40 = arith.constant 0 : i32
        %dma_wait3A_41 = tpu.memref_slice %arg4[%add3A_23, %dma_wait3A_40] : memref<320000x128xf32, #tpu.memory_space<hbm>> -> memref<80x128xf32, #tpu.memory_space<hbm>>
        %dma_wait3A_42 = arith.constant 0 : i32
        %dma_wait3A_43 = tpu.memref_slice %arg4[%add3A_23, %dma_wait3A_42] : memref<320000x128xf32, #tpu.memory_space<hbm>> -> memref<80x128xf32, #tpu.memory_space<hbm>>
        tpu.wait_dma2 semaphore(%run_scoped3A : memref<!tpu.dma_semaphore, #tpu.memory_space<semaphore_mem>>) src(%arg9 : memref<80x128xf32, #tpu.memory_space<vmem>>) dst(%dma_wait3A_43 : memref<80x128xf32, #tpu.memory_space<hbm>>)
        tpu.yield
      }) : () -> ()
    }
    %scan3A_5 = arith.constant 62 : i32
    %mul3A_6 = arith.constant 10000 : i32
    %mul3A_7 = arith.muli %add3A, %mul3A_6 : i32
    %add3A_8 = arith.constant 9920 : i32
    %add3A_9 = arith.addi %mul3A_7, %add3A_8 : i32
    "tpu.region"() ({
      %run_scoped3A = tpu.sem_alloc : memref<!tpu.dma_semaphore, #tpu.memory_space<semaphore_mem>>
      %dma_start3A_14 = tpu.memref_slice %arg3[%add3A_9] : memref<320000xi32, #tpu.memory_space<hbm>> -> memref<80xi32, #tpu.memory_space<hbm>>
      %dma_start3A_15 = tpu.memref_slice %arg3[%add3A_9] : memref<320000xi32, #tpu.memory_space<hbm>> -> memref<80xi32, #tpu.memory_space<hbm>>
      tpu.enqueue_dma source(%dma_start3A_15 : memref<80xi32, #tpu.memory_space<hbm>>) target(%arg5 : memref<80xi32, #tpu.memory_space<vmem>>) target_semaphore(%run_scoped3A : memref<!tpu.dma_semaphore, #tpu.memory_space<semaphore_mem>>)
      %dma_wait3A_16 = tpu.memref_slice %arg3[%add3A_9] : memref<320000xi32, #tpu.memory_space<hbm>> -> memref<80xi32, #tpu.memory_space<hbm>>
      %dma_wait3A_17 = tpu.memref_slice %arg3[%add3A_9] : memref<320000xi32, #tpu.memory_space<hbm>> -> memref<80xi32, #tpu.memory_space<hbm>>
      tpu.wait_dma2 semaphore(%run_scoped3A : memref<!tpu.dma_semaphore, #tpu.memory_space<semaphore_mem>>) src(%dma_wait3A_17 : memref<80xi32, #tpu.memory_space<hbm>>) dst(%arg5 : memref<80xi32, #tpu.memory_space<vmem>>)
      tpu.yield
    }) : () -> ()
    %dma_start3A = arith.constant 0 : i32
    %dma_start3A_10 = arith.constant 0 : i32
    %dma_start3A_11 = tpu.memref_slice %arg2[%dma_start3A, %dma_start3A_10] : memref<10000x128xf32, #tpu.memory_space<hbm>> -> memref<10000x128xf32, #tpu.memory_space<hbm>>
    tpu.enqueue_indirect_dma source(%dma_start3A_11 : memref<10000x128xf32, #tpu.memory_space<hbm>>) target(%arg6 : memref<80x128xf32, #tpu.memory_space<vmem>>) offsets(%arg5 : memref<80xi32, #tpu.memory_space<vmem>>) semaphore(%arg7 : memref<!tpu.dma_semaphore, #tpu.memory_space<semaphore_mem>>)
    %dma_wait3A = arith.constant 0 : i32
    %dma_wait3A_12 = arith.constant 0 : i32
    %dma_wait3A_13 = tpu.memref_slice %arg2[%dma_wait3A, %dma_wait3A_12] : memref<10000x128xf32, #tpu.memory_space<hbm>> -> memref<10000x128xf32, #tpu.memory_space<hbm>>
    tpu.wait_indirect_dma semaphore(%arg7 : memref<!tpu.dma_semaphore, #tpu.memory_space<semaphore_mem>>) src(%dma_wait3A_13 : memref<10000x128xf32, #tpu.memory_space<hbm>>) dst(%arg6 : memref<80x128xf32, #tpu.memory_space<vmem>>)
    "tpu.region"() ({
      %run_scoped3A = tpu.sem_alloc : memref<!tpu.dma_semaphore, #tpu.memory_space<semaphore_mem>>
      %dma_start3A_14 = arith.constant 0 : i32
      %dma_start3A_15 = tpu.memref_slice %arg4[%add3A_9, %dma_start3A_14] : memref<320000x128xf32, #tpu.memory_space<hbm>> -> memref<80x128xf32, #tpu.memory_space<hbm>>
      %dma_start3A_16 = arith.constant 0 : i32
      %dma_start3A_17 = tpu.memref_slice %arg4[%add3A_9, %dma_start3A_16] : memref<320000x128xf32, #tpu.memory_space<hbm>> -> memref<80x128xf32, #tpu.memory_space<hbm>>
      tpu.enqueue_dma source(%arg6 : memref<80x128xf32, #tpu.memory_space<vmem>>) target(%dma_start3A_17 : memref<80x128xf32, #tpu.memory_space<hbm>>) target_semaphore(%run_scoped3A : memref<!tpu.dma_semaphore, #tpu.memory_space<semaphore_mem>>)
      %dma_wait3A_18 = arith.constant 0 : i32
      %dma_wait3A_19 = tpu.memref_slice %arg4[%add3A_9, %dma_wait3A_18] : memref<320000x128xf32, #tpu.memory_space<hbm>> -> memref<80x128xf32, #tpu.memory_space<hbm>>
      %dma_wait3A_20 = arith.constant 0 : i32
      %dma_wait3A_21 = tpu.memref_slice %arg4[%add3A_9, %dma_wait3A_20] : memref<320000x128xf32, #tpu.memory_space<hbm>> -> memref<80x128xf32, #tpu.memory_space<hbm>>
      tpu.wait_dma2 semaphore(%run_scoped3A : memref<!tpu.dma_semaphore, #tpu.memory_space<semaphore_mem>>) src(%arg6 : memref<80x128xf32, #tpu.memory_space<vmem>>) dst(%dma_wait3A_21 : memref<80x128xf32, #tpu.memory_space<hbm>>)
      tpu.yield
    }) : () -> ()
    return
  }
}

#map = affine_map<(d0, d1) -> (0, 0)>
#map1 = affine_map<(d0, d1) -> (0)>
#map2 = affine_map<(d0, d1) -> (0, 0, 0)>
module attributes {stable_mosaic.version = 14 : i64} {
  func.func @scatter(%arg0: i32, %arg1: i32, %arg2: memref<320000x128xf32, #tpu.memory_space<hbm>>, %arg3: memref<320000xi32, #tpu.memory_space<hbm>>, %arg4: memref<10240x128xf32, #tpu.memory_space<hbm>>, %arg5: memref<2x10240x128xf32, #tpu.memory_space<hbm>>, %arg6: memref<80xi32, #tpu.memory_space<vmem>>, %arg7: memref<80x128xf32, #tpu.memory_space<vmem>>, %arg8: memref<!tpu.dma_semaphore, #tpu.memory_space<semaphore_mem>>, %arg9: memref<80xi32, #tpu.memory_space<vmem>>, %arg10: memref<80x128xf32, #tpu.memory_space<vmem>>, %arg11: memref<!tpu.dma_semaphore, #tpu.memory_space<semaphore_mem>>, %arg12: memref<10240x128xf32, #tpu.memory_space<vmem_shared>>) attributes {dimension_semantics = [#tpu.dimension_semantics<core_parallel>, #tpu.dimension_semantics<subcore_parallel>], iteration_bounds = array<i64: 2, 16>, scalar_prefetch = 0 : i64, scratch_operands = 7 : i64, tpu.core_type = #tpu.core_type<sc_vector_subcore>, window_params = [{transform_indices = #map}, {transform_indices = #map1}, {transform_indices = #map}, {transform_indices = #map2}]} {
    %mul3A = arith.constant 2 : i32
    %mul3A_0 = arith.muli %arg1, %mul3A : i32
    %add3A = arith.addi %mul3A_0, %arg0 : i32
    %mul3A_1 = arith.constant 640 : i32
    %mul3A_2 = arith.muli %arg1, %mul3A_1 : i32
    %mul3A_3 = arith.constant 640 : i32
    %mul3A_4 = arith.muli %arg1, %mul3A_3 : i32
    "tpu.region"() ({
      %run_scoped3A = tpu.sem_alloc : memref<!tpu.dma_semaphore, #tpu.memory_space<semaphore_mem>>
      %dma_start3A = arith.constant 0 : i32
      %dma_start3A_20 = tpu.memref_slice %arg12[%mul3A_4, %dma_start3A] : memref<10240x128xf32, #tpu.memory_space<vmem_shared>> -> memref<640x128xf32, #tpu.memory_space<vmem_shared>>
      %dma_start3A_21 = arith.constant 0 : i32
      %dma_start3A_22 = tpu.memref_slice %arg4[%mul3A_2, %dma_start3A_21] : memref<10240x128xf32, #tpu.memory_space<hbm>> -> memref<640x128xf32, #tpu.memory_space<hbm>>
      tpu.enqueue_dma source(%dma_start3A_22 : memref<640x128xf32, #tpu.memory_space<hbm>>) target(%dma_start3A_20 : memref<640x128xf32, #tpu.memory_space<vmem_shared>>) target_semaphore(%run_scoped3A : memref<!tpu.dma_semaphore, #tpu.memory_space<semaphore_mem>>)
      %dma_wait3A = arith.constant 0 : i32
      %dma_wait3A_23 = tpu.memref_slice %arg12[%mul3A_4, %dma_wait3A] : memref<10240x128xf32, #tpu.memory_space<vmem_shared>> -> memref<640x128xf32, #tpu.memory_space<vmem_shared>>
      %dma_wait3A_24 = arith.constant 0 : i32
      %dma_wait3A_25 = tpu.memref_slice %arg4[%mul3A_2, %dma_wait3A_24] : memref<10240x128xf32, #tpu.memory_space<hbm>> -> memref<640x128xf32, #tpu.memory_space<hbm>>
      tpu.wait_dma2 semaphore(%run_scoped3A : memref<!tpu.dma_semaphore, #tpu.memory_space<semaphore_mem>>) src(%dma_wait3A_25 : memref<640x128xf32, #tpu.memory_space<hbm>>) dst(%dma_wait3A_23 : memref<640x128xf32, #tpu.memory_space<vmem_shared>>)
      tpu.yield
    }) : () -> ()
    %barrier3A = arith.constant 0 : index
    tpu.barrier barrier_id(%barrier3A)
    %scan3A = arith.constant 0 : i32
    %scan3A_5 = arith.constant 0 : i32
    %scan3A_6 = arith.constant 62 : i32
    %scan3A_7 = arith.addi %scan3A_5, %scan3A_6 : i32
    %scan3A_8 = arith.constant 1 : i32
    scf.for %scan3A_20 = %scan3A_5 to %scan3A_7 step %scan3A_8  : i32 {
      %mul3A_21 = arith.constant 10000 : i32
      %mul3A_22 = arith.muli %add3A, %mul3A_21 : i32
      %mul3A_23 = arith.constant 2 : i32
      %mul3A_24 = arith.muli %mul3A_23, %scan3A_20 : i32
      %mul3A_25 = arith.constant 80 : i32
      %mul3A_26 = arith.muli %mul3A_24, %mul3A_25 : i32
      %add3A_27 = arith.addi %mul3A_22, %mul3A_26 : i32
      %add3A_28 = arith.constant 80 : i32
      %add3A_29 = arith.addi %add3A_27, %add3A_28 : i32
      "tpu.region"() ({
        %run_scoped3A = tpu.sem_alloc : memref<!tpu.dma_semaphore, #tpu.memory_space<semaphore_mem>>
        %dma_start3A_40 = tpu.memref_slice %arg3[%add3A_27] : memref<320000xi32, #tpu.memory_space<hbm>> -> memref<80xi32, #tpu.memory_space<hbm>>
        %dma_start3A_41 = tpu.memref_slice %arg3[%add3A_27] : memref<320000xi32, #tpu.memory_space<hbm>> -> memref<80xi32, #tpu.memory_space<hbm>>
        tpu.enqueue_dma source(%dma_start3A_41 : memref<80xi32, #tpu.memory_space<hbm>>) target(%arg6 : memref<80xi32, #tpu.memory_space<vmem>>) target_semaphore(%run_scoped3A : memref<!tpu.dma_semaphore, #tpu.memory_space<semaphore_mem>>)
        %dma_wait3A_42 = tpu.memref_slice %arg3[%add3A_27] : memref<320000xi32, #tpu.memory_space<hbm>> -> memref<80xi32, #tpu.memory_space<hbm>>
        %dma_wait3A_43 = tpu.memref_slice %arg3[%add3A_27] : memref<320000xi32, #tpu.memory_space<hbm>> -> memref<80xi32, #tpu.memory_space<hbm>>
        tpu.wait_dma2 semaphore(%run_scoped3A : memref<!tpu.dma_semaphore, #tpu.memory_space<semaphore_mem>>) src(%dma_wait3A_43 : memref<80xi32, #tpu.memory_space<hbm>>) dst(%arg6 : memref<80xi32, #tpu.memory_space<vmem>>)
        tpu.yield
      }) : () -> ()
      "tpu.region"() ({
        %run_scoped3A = tpu.sem_alloc : memref<!tpu.dma_semaphore, #tpu.memory_space<semaphore_mem>>
        %dma_start3A_40 = arith.constant 0 : i32
        %dma_start3A_41 = tpu.memref_slice %arg2[%add3A_27, %dma_start3A_40] : memref<320000x128xf32, #tpu.memory_space<hbm>> -> memref<80x128xf32, #tpu.memory_space<hbm>>
        %dma_start3A_42 = arith.constant 0 : i32
        %dma_start3A_43 = tpu.memref_slice %arg2[%add3A_27, %dma_start3A_42] : memref<320000x128xf32, #tpu.memory_space<hbm>> -> memref<80x128xf32, #tpu.memory_space<hbm>>
        tpu.enqueue_dma source(%dma_start3A_43 : memref<80x128xf32, #tpu.memory_space<hbm>>) target(%arg7 : memref<80x128xf32, #tpu.memory_space<vmem>>) target_semaphore(%run_scoped3A : memref<!tpu.dma_semaphore, #tpu.memory_space<semaphore_mem>>)
        %dma_wait3A_44 = arith.constant 0 : i32
        %dma_wait3A_45 = tpu.memref_slice %arg2[%add3A_27, %dma_wait3A_44] : memref<320000x128xf32, #tpu.memory_space<hbm>> -> memref<80x128xf32, #tpu.memory_space<hbm>>
        %dma_wait3A_46 = arith.constant 0 : i32
        %dma_wait3A_47 = tpu.memref_slice %arg2[%add3A_27, %dma_wait3A_46] : memref<320000x128xf32, #tpu.memory_space<hbm>> -> memref<80x128xf32, #tpu.memory_space<hbm>>
        tpu.wait_dma2 semaphore(%run_scoped3A : memref<!tpu.dma_semaphore, #tpu.memory_space<semaphore_mem>>) src(%dma_wait3A_47 : memref<80x128xf32, #tpu.memory_space<hbm>>) dst(%arg7 : memref<80x128xf32, #tpu.memory_space<vmem>>)
        tpu.yield
      }) : () -> ()
      %dma_start3A = arith.constant 0 : i32
      %dma_start3A_30 = arith.constant 0 : i32
      %dma_start3A_31 = tpu.memref_slice %arg12[%dma_start3A, %dma_start3A_30] : memref<10240x128xf32, #tpu.memory_space<vmem_shared>> -> memref<10240x128xf32, #tpu.memory_space<vmem_shared>>
      tpu.enqueue_indirect_dma source(%arg7 : memref<80x128xf32, #tpu.memory_space<vmem>>) target(%dma_start3A_31 : memref<10240x128xf32, #tpu.memory_space<vmem_shared>>) offsets(%arg6 : memref<80xi32, #tpu.memory_space<vmem>>) semaphore(%arg8 : memref<!tpu.dma_semaphore, #tpu.memory_space<semaphore_mem>>) {add = true}
      "tpu.region"() ({
        %run_scoped3A = tpu.sem_alloc : memref<!tpu.dma_semaphore, #tpu.memory_space<semaphore_mem>>
        %dma_start3A_40 = tpu.memref_slice %arg3[%add3A_29] : memref<320000xi32, #tpu.memory_space<hbm>> -> memref<80xi32, #tpu.memory_space<hbm>>
        %dma_start3A_41 = tpu.memref_slice %arg3[%add3A_29] : memref<320000xi32, #tpu.memory_space<hbm>> -> memref<80xi32, #tpu.memory_space<hbm>>
        tpu.enqueue_dma source(%dma_start3A_41 : memref<80xi32, #tpu.memory_space<hbm>>) target(%arg9 : memref<80xi32, #tpu.memory_space<vmem>>) target_semaphore(%run_scoped3A : memref<!tpu.dma_semaphore, #tpu.memory_space<semaphore_mem>>)
        %dma_wait3A_42 = tpu.memref_slice %arg3[%add3A_29] : memref<320000xi32, #tpu.memory_space<hbm>> -> memref<80xi32, #tpu.memory_space<hbm>>
        %dma_wait3A_43 = tpu.memref_slice %arg3[%add3A_29] : memref<320000xi32, #tpu.memory_space<hbm>> -> memref<80xi32, #tpu.memory_space<hbm>>
        tpu.wait_dma2 semaphore(%run_scoped3A : memref<!tpu.dma_semaphore, #tpu.memory_space<semaphore_mem>>) src(%dma_wait3A_43 : memref<80xi32, #tpu.memory_space<hbm>>) dst(%arg9 : memref<80xi32, #tpu.memory_space<vmem>>)
        tpu.yield
      }) : () -> ()
      "tpu.region"() ({
        %run_scoped3A = tpu.sem_alloc : memref<!tpu.dma_semaphore, #tpu.memory_space<semaphore_mem>>
        %dma_start3A_40 = arith.constant 0 : i32
        %dma_start3A_41 = tpu.memref_slice %arg2[%add3A_29, %dma_start3A_40] : memref<320000x128xf32, #tpu.memory_space<hbm>> -> memref<80x128xf32, #tpu.memory_space<hbm>>
        %dma_start3A_42 = arith.constant 0 : i32
        %dma_start3A_43 = tpu.memref_slice %arg2[%add3A_29, %dma_start3A_42] : memref<320000x128xf32, #tpu.memory_space<hbm>> -> memref<80x128xf32, #tpu.memory_space<hbm>>
        tpu.enqueue_dma source(%dma_start3A_43 : memref<80x128xf32, #tpu.memory_space<hbm>>) target(%arg10 : memref<80x128xf32, #tpu.memory_space<vmem>>) target_semaphore(%run_scoped3A : memref<!tpu.dma_semaphore, #tpu.memory_space<semaphore_mem>>)
        %dma_wait3A_44 = arith.constant 0 : i32
        %dma_wait3A_45 = tpu.memref_slice %arg2[%add3A_29, %dma_wait3A_44] : memref<320000x128xf32, #tpu.memory_space<hbm>> -> memref<80x128xf32, #tpu.memory_space<hbm>>
        %dma_wait3A_46 = arith.constant 0 : i32
        %dma_wait3A_47 = tpu.memref_slice %arg2[%add3A_29, %dma_wait3A_46] : memref<320000x128xf32, #tpu.memory_space<hbm>> -> memref<80x128xf32, #tpu.memory_space<hbm>>
        tpu.wait_dma2 semaphore(%run_scoped3A : memref<!tpu.dma_semaphore, #tpu.memory_space<semaphore_mem>>) src(%dma_wait3A_47 : memref<80x128xf32, #tpu.memory_space<hbm>>) dst(%arg10 : memref<80x128xf32, #tpu.memory_space<vmem>>)
        tpu.yield
      }) : () -> ()
      %dma_start3A_32 = arith.constant 0 : i32
      %dma_start3A_33 = arith.constant 0 : i32
      %dma_start3A_34 = tpu.memref_slice %arg12[%dma_start3A_32, %dma_start3A_33] : memref<10240x128xf32, #tpu.memory_space<vmem_shared>> -> memref<10240x128xf32, #tpu.memory_space<vmem_shared>>
      tpu.enqueue_indirect_dma source(%arg10 : memref<80x128xf32, #tpu.memory_space<vmem>>) target(%dma_start3A_34 : memref<10240x128xf32, #tpu.memory_space<vmem_shared>>) offsets(%arg9 : memref<80xi32, #tpu.memory_space<vmem>>) semaphore(%arg11 : memref<!tpu.dma_semaphore, #tpu.memory_space<semaphore_mem>>) {add = true}
      %dma_wait3A = arith.constant 0 : i32
      %dma_wait3A_35 = arith.constant 0 : i32
      %dma_wait3A_36 = tpu.memref_slice %arg12[%dma_wait3A, %dma_wait3A_35] : memref<10240x128xf32, #tpu.memory_space<vmem_shared>> -> memref<10240x128xf32, #tpu.memory_space<vmem_shared>>
      tpu.wait_indirect_dma semaphore(%arg8 : memref<!tpu.dma_semaphore, #tpu.memory_space<semaphore_mem>>) src(%arg7 : memref<80x128xf32, #tpu.memory_space<vmem>>) dst(%dma_wait3A_36 : memref<10240x128xf32, #tpu.memory_space<vmem_shared>>)
      %dma_wait3A_37 = arith.constant 0 : i32
      %dma_wait3A_38 = arith.constant 0 : i32
      %dma_wait3A_39 = tpu.memref_slice %arg12[%dma_wait3A_37, %dma_wait3A_38] : memref<10240x128xf32, #tpu.memory_space<vmem_shared>> -> memref<10240x128xf32, #tpu.memory_space<vmem_shared>>
      tpu.wait_indirect_dma semaphore(%arg11 : memref<!tpu.dma_semaphore, #tpu.memory_space<semaphore_mem>>) src(%arg10 : memref<80x128xf32, #tpu.memory_space<vmem>>) dst(%dma_wait3A_39 : memref<10240x128xf32, #tpu.memory_space<vmem_shared>>)
    }
    %scan3A_9 = arith.constant 62 : i32
    %mul3A_10 = arith.constant 10000 : i32
    %mul3A_11 = arith.muli %add3A, %mul3A_10 : i32
    %add3A_12 = arith.constant 9920 : i32
    %add3A_13 = arith.addi %mul3A_11, %add3A_12 : i32
    "tpu.region"() ({
      %run_scoped3A = tpu.sem_alloc : memref<!tpu.dma_semaphore, #tpu.memory_space<semaphore_mem>>
      %dma_start3A = tpu.memref_slice %arg3[%add3A_13] : memref<320000xi32, #tpu.memory_space<hbm>> -> memref<80xi32, #tpu.memory_space<hbm>>
      %dma_start3A_20 = tpu.memref_slice %arg3[%add3A_13] : memref<320000xi32, #tpu.memory_space<hbm>> -> memref<80xi32, #tpu.memory_space<hbm>>
      tpu.enqueue_dma source(%dma_start3A_20 : memref<80xi32, #tpu.memory_space<hbm>>) target(%arg6 : memref<80xi32, #tpu.memory_space<vmem>>) target_semaphore(%run_scoped3A : memref<!tpu.dma_semaphore, #tpu.memory_space<semaphore_mem>>)
      %dma_wait3A = tpu.memref_slice %arg3[%add3A_13] : memref<320000xi32, #tpu.memory_space<hbm>> -> memref<80xi32, #tpu.memory_space<hbm>>
      %dma_wait3A_21 = tpu.memref_slice %arg3[%add3A_13] : memref<320000xi32, #tpu.memory_space<hbm>> -> memref<80xi32, #tpu.memory_space<hbm>>
      tpu.wait_dma2 semaphore(%run_scoped3A : memref<!tpu.dma_semaphore, #tpu.memory_space<semaphore_mem>>) src(%dma_wait3A_21 : memref<80xi32, #tpu.memory_space<hbm>>) dst(%arg6 : memref<80xi32, #tpu.memory_space<vmem>>)
      tpu.yield
    }) : () -> ()
    "tpu.region"() ({
      %run_scoped3A = tpu.sem_alloc : memref<!tpu.dma_semaphore, #tpu.memory_space<semaphore_mem>>
      %dma_start3A = arith.constant 0 : i32
      %dma_start3A_20 = tpu.memref_slice %arg2[%add3A_13, %dma_start3A] : memref<320000x128xf32, #tpu.memory_space<hbm>> -> memref<80x128xf32, #tpu.memory_space<hbm>>
      %dma_start3A_21 = arith.constant 0 : i32
      %dma_start3A_22 = tpu.memref_slice %arg2[%add3A_13, %dma_start3A_21] : memref<320000x128xf32, #tpu.memory_space<hbm>> -> memref<80x128xf32, #tpu.memory_space<hbm>>
      tpu.enqueue_dma source(%dma_start3A_22 : memref<80x128xf32, #tpu.memory_space<hbm>>) target(%arg7 : memref<80x128xf32, #tpu.memory_space<vmem>>) target_semaphore(%run_scoped3A : memref<!tpu.dma_semaphore, #tpu.memory_space<semaphore_mem>>)
      %dma_wait3A = arith.constant 0 : i32
      %dma_wait3A_23 = tpu.memref_slice %arg2[%add3A_13, %dma_wait3A] : memref<320000x128xf32, #tpu.memory_space<hbm>> -> memref<80x128xf32, #tpu.memory_space<hbm>>
      %dma_wait3A_24 = arith.constant 0 : i32
      %dma_wait3A_25 = tpu.memref_slice %arg2[%add3A_13, %dma_wait3A_24] : memref<320000x128xf32, #tpu.memory_space<hbm>> -> memref<80x128xf32, #tpu.memory_space<hbm>>
      tpu.wait_dma2 semaphore(%run_scoped3A : memref<!tpu.dma_semaphore, #tpu.memory_space<semaphore_mem>>) src(%dma_wait3A_25 : memref<80x128xf32, #tpu.memory_space<hbm>>) dst(%arg7 : memref<80x128xf32, #tpu.memory_space<vmem>>)
      tpu.yield
    }) : () -> ()
    "tpu.region"() ({
      %run_scoped3A = tpu.sem_alloc : memref<!tpu.dma_semaphore, #tpu.memory_space<semaphore_mem>>
      %dma_start3A = arith.constant 0 : i32
      %dma_start3A_20 = arith.constant 0 : i32
      %dma_start3A_21 = tpu.memref_slice %arg12[%dma_start3A, %dma_start3A_20] : memref<10240x128xf32, #tpu.memory_space<vmem_shared>> -> memref<10240x128xf32, #tpu.memory_space<vmem_shared>>
      tpu.enqueue_indirect_dma source(%arg7 : memref<80x128xf32, #tpu.memory_space<vmem>>) target(%dma_start3A_21 : memref<10240x128xf32, #tpu.memory_space<vmem_shared>>) offsets(%arg6 : memref<80xi32, #tpu.memory_space<vmem>>) semaphore(%run_scoped3A : memref<!tpu.dma_semaphore, #tpu.memory_space<semaphore_mem>>) {add = true}
      %dma_wait3A = arith.constant 0 : i32
      %dma_wait3A_22 = arith.constant 0 : i32
      %dma_wait3A_23 = tpu.memref_slice %arg12[%dma_wait3A, %dma_wait3A_22] : memref<10240x128xf32, #tpu.memory_space<vmem_shared>> -> memref<10240x128xf32, #tpu.memory_space<vmem_shared>>
      tpu.wait_indirect_dma semaphore(%run_scoped3A : memref<!tpu.dma_semaphore, #tpu.memory_space<semaphore_mem>>) src(%arg7 : memref<80x128xf32, #tpu.memory_space<vmem>>) dst(%dma_wait3A_23 : memref<10240x128xf32, #tpu.memory_space<vmem_shared>>)
      tpu.yield
    }) : () -> ()
    %barrier3A_14 = arith.constant 0 : index
    tpu.barrier barrier_id(%barrier3A_14)
    %mul3A_15 = arith.constant 640 : i32
    %mul3A_16 = arith.muli %arg1, %mul3A_15 : i32
    %mul3A_17 = arith.constant 640 : i32
    %mul3A_18 = arith.muli %arg1, %mul3A_17 : i32
    "tpu.region"() ({
      %run_scoped3A = tpu.sem_alloc : memref<!tpu.dma_semaphore, #tpu.memory_space<semaphore_mem>>
      %dma_start3A = arith.constant 0 : i32
      %dma_start3A_20 = tpu.memref_slice %arg5[%arg0, %mul3A_18, %dma_start3A] : memref<2x10240x128xf32, #tpu.memory_space<hbm>> -> memref<1x640x128xf32, #tpu.memory_space<hbm>>
      %dma_start3A_21 = tpu.memref_squeeze %dma_start3A_20 : memref<1x640x128xf32, #tpu.memory_space<hbm>> -> memref<640x128xf32, #tpu.memory_space<hbm>>
      %dma_start3A_22 = arith.constant 0 : i32
      %dma_start3A_23 = tpu.memref_slice %arg12[%mul3A_16, %dma_start3A_22] : memref<10240x128xf32, #tpu.memory_space<vmem_shared>> -> memref<640x128xf32, #tpu.memory_space<vmem_shared>>
      tpu.enqueue_dma source(%dma_start3A_23 : memref<640x128xf32, #tpu.memory_space<vmem_shared>>) target(%dma_start3A_21 : memref<640x128xf32, #tpu.memory_space<hbm>>) target_semaphore(%run_scoped3A : memref<!tpu.dma_semaphore, #tpu.memory_space<semaphore_mem>>)
      %dma_wait3A = arith.constant 0 : i32
      %dma_wait3A_24 = tpu.memref_slice %arg5[%arg0, %mul3A_18, %dma_wait3A] : memref<2x10240x128xf32, #tpu.memory_space<hbm>> -> memref<1x640x128xf32, #tpu.memory_space<hbm>>
      %dma_wait3A_25 = tpu.memref_squeeze %dma_wait3A_24 : memref<1x640x128xf32, #tpu.memory_space<hbm>> -> memref<640x128xf32, #tpu.memory_space<hbm>>
      %dma_wait3A_26 = arith.constant 0 : i32
      %dma_wait3A_27 = tpu.memref_slice %arg12[%mul3A_16, %dma_wait3A_26] : memref<10240x128xf32, #tpu.memory_space<vmem_shared>> -> memref<640x128xf32, #tpu.memory_space<vmem_shared>>
      tpu.wait_dma2 semaphore(%run_scoped3A : memref<!tpu.dma_semaphore, #tpu.memory_space<semaphore_mem>>) src(%dma_wait3A_27 : memref<640x128xf32, #tpu.memory_space<vmem_shared>>) dst(%dma_wait3A_25 : memref<640x128xf32, #tpu.memory_space<hbm>>)
      tpu.yield
    }) : () -> ()
    %barrier3A_19 = arith.constant 0 : index
    tpu.barrier barrier_id(%barrier3A_19)
    return
  }
}

#map = affine_map<(d0, d1) -> (0, 0)>
#map1 = affine_map<(d0, d1) -> (0)>
#map2 = affine_map<(d0, d1) -> (0, 0, 0)>
module attributes {stable_mosaic.version = 14 : i64} {
  func.func @scatter(%arg0: i32, %arg1: i32, %arg2: memref<320000x128xf32, #tpu.memory_space<hbm>>, %arg3: memref<320000xi32, #tpu.memory_space<hbm>>, %arg4: memref<10240x128xf32, #tpu.memory_space<hbm>>, %arg5: memref<2x10240x128xf32, #tpu.memory_space<hbm>>, %arg6: memref<80xi32, #tpu.memory_space<vmem>>, %arg7: memref<80x128xf32, #tpu.memory_space<vmem>>, %arg8: memref<!tpu.dma_semaphore, #tpu.memory_space<semaphore_mem>>, %arg9: memref<80xi32, #tpu.memory_space<vmem>>, %arg10: memref<80x128xf32, #tpu.memory_space<vmem>>, %arg11: memref<!tpu.dma_semaphore, #tpu.memory_space<semaphore_mem>>, %arg12: memref<10240x128xf32, #tpu.memory_space<vmem_shared>>) attributes {dimension_semantics = [#tpu.dimension_semantics<core_parallel>, #tpu.dimension_semantics<subcore_parallel>], iteration_bounds = array<i64: 2, 16>, scalar_prefetch = 0 : i64, scratch_operands = 7 : i64, tpu.core_type = #tpu.core_type<sc_vector_subcore>, window_params = [{transform_indices = #map}, {transform_indices = #map1}, {transform_indices = #map}, {transform_indices = #map2}]} {
    %mul3A = arith.constant 2 : i32
    %mul3A_0 = arith.muli %arg1, %mul3A : i32
    %add3A = arith.addi %mul3A_0, %arg0 : i32
    %mul3A_1 = arith.constant 640 : i32
    %mul3A_2 = arith.muli %arg1, %mul3A_1 : i32
    %mul3A_3 = arith.constant 640 : i32
    %mul3A_4 = arith.muli %arg1, %mul3A_3 : i32
    "tpu.region"() ({
      %run_scoped3A = tpu.sem_alloc : memref<!tpu.dma_semaphore, #tpu.memory_space<semaphore_mem>>
      %dma_start3A = arith.constant 0 : i32
      %dma_start3A_20 = tpu.memref_slice %arg12[%mul3A_4, %dma_start3A] : memref<10240x128xf32, #tpu.memory_space<vmem_shared>> -> memref<640x128xf32, #tpu.memory_space<vmem_shared>>
      %dma_start3A_21 = arith.constant 0 : i32
      %dma_start3A_22 = tpu.memref_slice %arg4[%mul3A_2, %dma_start3A_21] : memref<10240x128xf32, #tpu.memory_space<hbm>> -> memref<640x128xf32, #tpu.memory_space<hbm>>
      tpu.enqueue_dma source(%dma_start3A_22 : memref<640x128xf32, #tpu.memory_space<hbm>>) target(%dma_start3A_20 : memref<640x128xf32, #tpu.memory_space<vmem_shared>>) target_semaphore(%run_scoped3A : memref<!tpu.dma_semaphore, #tpu.memory_space<semaphore_mem>>)
      %dma_wait3A = arith.constant 0 : i32
      %dma_wait3A_23 = tpu.memref_slice %arg12[%mul3A_4, %dma_wait3A] : memref<10240x128xf32, #tpu.memory_space<vmem_shared>> -> memref<640x128xf32, #tpu.memory_space<vmem_shared>>
      %dma_wait3A_24 = arith.constant 0 : i32
      %dma_wait3A_25 = tpu.memref_slice %arg4[%mul3A_2, %dma_wait3A_24] : memref<10240x128xf32, #tpu.memory_space<hbm>> -> memref<640x128xf32, #tpu.memory_space<hbm>>
      tpu.wait_dma2 semaphore(%run_scoped3A : memref<!tpu.dma_semaphore, #tpu.memory_space<semaphore_mem>>) src(%dma_wait3A_25 : memref<640x128xf32, #tpu.memory_space<hbm>>) dst(%dma_wait3A_23 : memref<640x128xf32, #tpu.memory_space<vmem_shared>>)
      tpu.yield
    }) : () -> ()
    %barrier3A = arith.constant 0 : index
    tpu.barrier barrier_id(%barrier3A)
    %scan3A = arith.constant 0 : i32
    %scan3A_5 = arith.constant 0 : i32
    %scan3A_6 = arith.constant 62 : i32
    %scan3A_7 = arith.addi %scan3A_5, %scan3A_6 : i32
    %scan3A_8 = arith.constant 1 : i32
    scf.for %scan3A_20 = %scan3A_5 to %scan3A_7 step %scan3A_8  : i32 {
      %mul3A_21 = arith.constant 10000 : i32
      %mul3A_22 = arith.muli %add3A, %mul3A_21 : i32
      %mul3A_23 = arith.constant 2 : i32
      %mul3A_24 = arith.muli %mul3A_23, %scan3A_20 : i32
      %mul3A_25 = arith.constant 80 : i32
      %mul3A_26 = arith.muli %mul3A_24, %mul3A_25 : i32
      %add3A_27 = arith.addi %mul3A_22, %mul3A_26 : i32
      %add3A_28 = arith.constant 80 : i32
      %add3A_29 = arith.addi %add3A_27, %add3A_28 : i32
      "tpu.region"() ({
        %run_scoped3A = tpu.sem_alloc : memref<!tpu.dma_semaphore, #tpu.memory_space<semaphore_mem>>
        %dma_start3A_40 = tpu.memref_slice %arg3[%add3A_27] : memref<320000xi32, #tpu.memory_space<hbm>> -> memref<80xi32, #tpu.memory_space<hbm>>
        %dma_start3A_41 = tpu.memref_slice %arg3[%add3A_27] : memref<320000xi32, #tpu.memory_space<hbm>> -> memref<80xi32, #tpu.memory_space<hbm>>
        tpu.enqueue_dma source(%dma_start3A_41 : memref<80xi32, #tpu.memory_space<hbm>>) target(%arg6 : memref<80xi32, #tpu.memory_space<vmem>>) target_semaphore(%run_scoped3A : memref<!tpu.dma_semaphore, #tpu.memory_space<semaphore_mem>>)
        %dma_wait3A_42 = tpu.memref_slice %arg3[%add3A_27] : memref<320000xi32, #tpu.memory_space<hbm>> -> memref<80xi32, #tpu.memory_space<hbm>>
        %dma_wait3A_43 = tpu.memref_slice %arg3[%add3A_27] : memref<320000xi32, #tpu.memory_space<hbm>> -> memref<80xi32, #tpu.memory_space<hbm>>
        tpu.wait_dma2 semaphore(%run_scoped3A : memref<!tpu.dma_semaphore, #tpu.memory_space<semaphore_mem>>) src(%dma_wait3A_43 : memref<80xi32, #tpu.memory_space<hbm>>) dst(%arg6 : memref<80xi32, #tpu.memory_space<vmem>>)
        tpu.yield
      }) : () -> ()
      "tpu.region"() ({
        %run_scoped3A = tpu.sem_alloc : memref<!tpu.dma_semaphore, #tpu.memory_space<semaphore_mem>>
        %dma_start3A_40 = arith.constant 0 : i32
        %dma_start3A_41 = tpu.memref_slice %arg2[%add3A_27, %dma_start3A_40] : memref<320000x128xf32, #tpu.memory_space<hbm>> -> memref<80x128xf32, #tpu.memory_space<hbm>>
        %dma_start3A_42 = arith.constant 0 : i32
        %dma_start3A_43 = tpu.memref_slice %arg2[%add3A_27, %dma_start3A_42] : memref<320000x128xf32, #tpu.memory_space<hbm>> -> memref<80x128xf32, #tpu.memory_space<hbm>>
        tpu.enqueue_dma source(%dma_start3A_43 : memref<80x128xf32, #tpu.memory_space<hbm>>) target(%arg7 : memref<80x128xf32, #tpu.memory_space<vmem>>) target_semaphore(%run_scoped3A : memref<!tpu.dma_semaphore, #tpu.memory_space<semaphore_mem>>)
        %dma_wait3A_44 = arith.constant 0 : i32
        %dma_wait3A_45 = tpu.memref_slice %arg2[%add3A_27, %dma_wait3A_44] : memref<320000x128xf32, #tpu.memory_space<hbm>> -> memref<80x128xf32, #tpu.memory_space<hbm>>
        %dma_wait3A_46 = arith.constant 0 : i32
        %dma_wait3A_47 = tpu.memref_slice %arg2[%add3A_27, %dma_wait3A_46] : memref<320000x128xf32, #tpu.memory_space<hbm>> -> memref<80x128xf32, #tpu.memory_space<hbm>>
        tpu.wait_dma2 semaphore(%run_scoped3A : memref<!tpu.dma_semaphore, #tpu.memory_space<semaphore_mem>>) src(%dma_wait3A_47 : memref<80x128xf32, #tpu.memory_space<hbm>>) dst(%arg7 : memref<80x128xf32, #tpu.memory_space<vmem>>)
        tpu.yield
      }) : () -> ()
      %dma_start3A = arith.constant 0 : i32
      %dma_start3A_30 = arith.constant 0 : i32
      %dma_start3A_31 = tpu.memref_slice %arg12[%dma_start3A, %dma_start3A_30] : memref<10240x128xf32, #tpu.memory_space<vmem_shared>> -> memref<10240x128xf32, #tpu.memory_space<vmem_shared>>
      tpu.enqueue_indirect_dma source(%arg7 : memref<80x128xf32, #tpu.memory_space<vmem>>) target(%dma_start3A_31 : memref<10240x128xf32, #tpu.memory_space<vmem_shared>>) offsets(%arg6 : memref<80xi32, #tpu.memory_space<vmem>>) semaphore(%arg8 : memref<!tpu.dma_semaphore, #tpu.memory_space<semaphore_mem>>) {add = true}
      "tpu.region"() ({
        %run_scoped3A = tpu.sem_alloc : memref<!tpu.dma_semaphore, #tpu.memory_space<semaphore_mem>>
        %dma_start3A_40 = tpu.memref_slice %arg3[%add3A_29] : memref<320000xi32, #tpu.memory_space<hbm>> -> memref<80xi32, #tpu.memory_space<hbm>>
        %dma_start3A_41 = tpu.memref_slice %arg3[%add3A_29] : memref<320000xi32, #tpu.memory_space<hbm>> -> memref<80xi32, #tpu.memory_space<hbm>>
        tpu.enqueue_dma source(%dma_start3A_41 : memref<80xi32, #tpu.memory_space<hbm>>) target(%arg9 : memref<80xi32, #tpu.memory_space<vmem>>) target_semaphore(%run_scoped3A : memref<!tpu.dma_semaphore, #tpu.memory_space<semaphore_mem>>)
        %dma_wait3A_42 = tpu.memref_slice %arg3[%add3A_29] : memref<320000xi32, #tpu.memory_space<hbm>> -> memref<80xi32, #tpu.memory_space<hbm>>
        %dma_wait3A_43 = tpu.memref_slice %arg3[%add3A_29] : memref<320000xi32, #tpu.memory_space<hbm>> -> memref<80xi32, #tpu.memory_space<hbm>>
        tpu.wait_dma2 semaphore(%run_scoped3A : memref<!tpu.dma_semaphore, #tpu.memory_space<semaphore_mem>>) src(%dma_wait3A_43 : memref<80xi32, #tpu.memory_space<hbm>>) dst(%arg9 : memref<80xi32, #tpu.memory_space<vmem>>)
        tpu.yield
      }) : () -> ()
      "tpu.region"() ({
        %run_scoped3A = tpu.sem_alloc : memref<!tpu.dma_semaphore, #tpu.memory_space<semaphore_mem>>
        %dma_start3A_40 = arith.constant 0 : i32
        %dma_start3A_41 = tpu.memref_slice %arg2[%add3A_29, %dma_start3A_40] : memref<320000x128xf32, #tpu.memory_space<hbm>> -> memref<80x128xf32, #tpu.memory_space<hbm>>
        %dma_start3A_42 = arith.constant 0 : i32
        %dma_start3A_43 = tpu.memref_slice %arg2[%add3A_29, %dma_start3A_42] : memref<320000x128xf32, #tpu.memory_space<hbm>> -> memref<80x128xf32, #tpu.memory_space<hbm>>
        tpu.enqueue_dma source(%dma_start3A_43 : memref<80x128xf32, #tpu.memory_space<hbm>>) target(%arg10 : memref<80x128xf32, #tpu.memory_space<vmem>>) target_semaphore(%run_scoped3A : memref<!tpu.dma_semaphore, #tpu.memory_space<semaphore_mem>>)
        %dma_wait3A_44 = arith.constant 0 : i32
        %dma_wait3A_45 = tpu.memref_slice %arg2[%add3A_29, %dma_wait3A_44] : memref<320000x128xf32, #tpu.memory_space<hbm>> -> memref<80x128xf32, #tpu.memory_space<hbm>>
        %dma_wait3A_46 = arith.constant 0 : i32
        %dma_wait3A_47 = tpu.memref_slice %arg2[%add3A_29, %dma_wait3A_46] : memref<320000x128xf32, #tpu.memory_space<hbm>> -> memref<80x128xf32, #tpu.memory_space<hbm>>
        tpu.wait_dma2 semaphore(%run_scoped3A : memref<!tpu.dma_semaphore, #tpu.memory_space<semaphore_mem>>) src(%dma_wait3A_47 : memref<80x128xf32, #tpu.memory_space<hbm>>) dst(%arg10 : memref<80x128xf32, #tpu.memory_space<vmem>>)
        tpu.yield
      }) : () -> ()
      %dma_start3A_32 = arith.constant 0 : i32
      %dma_start3A_33 = arith.constant 0 : i32
      %dma_start3A_34 = tpu.memref_slice %arg12[%dma_start3A_32, %dma_start3A_33] : memref<10240x128xf32, #tpu.memory_space<vmem_shared>> -> memref<10240x128xf32, #tpu.memory_space<vmem_shared>>
      tpu.enqueue_indirect_dma source(%arg10 : memref<80x128xf32, #tpu.memory_space<vmem>>) target(%dma_start3A_34 : memref<10240x128xf32, #tpu.memory_space<vmem_shared>>) offsets(%arg9 : memref<80xi32, #tpu.memory_space<vmem>>) semaphore(%arg11 : memref<!tpu.dma_semaphore, #tpu.memory_space<semaphore_mem>>) {add = true}
      %dma_wait3A = arith.constant 0 : i32
      %dma_wait3A_35 = arith.constant 0 : i32
      %dma_wait3A_36 = tpu.memref_slice %arg12[%dma_wait3A, %dma_wait3A_35] : memref<10240x128xf32, #tpu.memory_space<vmem_shared>> -> memref<10240x128xf32, #tpu.memory_space<vmem_shared>>
      tpu.wait_indirect_dma semaphore(%arg8 : memref<!tpu.dma_semaphore, #tpu.memory_space<semaphore_mem>>) src(%arg7 : memref<80x128xf32, #tpu.memory_space<vmem>>) dst(%dma_wait3A_36 : memref<10240x128xf32, #tpu.memory_space<vmem_shared>>)
      %dma_wait3A_37 = arith.constant 0 : i32
      %dma_wait3A_38 = arith.constant 0 : i32
      %dma_wait3A_39 = tpu.memref_slice %arg12[%dma_wait3A_37, %dma_wait3A_38] : memref<10240x128xf32, #tpu.memory_space<vmem_shared>> -> memref<10240x128xf32, #tpu.memory_space<vmem_shared>>
      tpu.wait_indirect_dma semaphore(%arg11 : memref<!tpu.dma_semaphore, #tpu.memory_space<semaphore_mem>>) src(%arg10 : memref<80x128xf32, #tpu.memory_space<vmem>>) dst(%dma_wait3A_39 : memref<10240x128xf32, #tpu.memory_space<vmem_shared>>)
    }
    %scan3A_9 = arith.constant 62 : i32
    %mul3A_10 = arith.constant 10000 : i32
    %mul3A_11 = arith.muli %add3A, %mul3A_10 : i32
    %add3A_12 = arith.constant 9920 : i32
    %add3A_13 = arith.addi %mul3A_11, %add3A_12 : i32
    "tpu.region"() ({
      %run_scoped3A = tpu.sem_alloc : memref<!tpu.dma_semaphore, #tpu.memory_space<semaphore_mem>>
      %dma_start3A = tpu.memref_slice %arg3[%add3A_13] : memref<320000xi32, #tpu.memory_space<hbm>> -> memref<80xi32, #tpu.memory_space<hbm>>
      %dma_start3A_20 = tpu.memref_slice %arg3[%add3A_13] : memref<320000xi32, #tpu.memory_space<hbm>> -> memref<80xi32, #tpu.memory_space<hbm>>
      tpu.enqueue_dma source(%dma_start3A_20 : memref<80xi32, #tpu.memory_space<hbm>>) target(%arg6 : memref<80xi32, #tpu.memory_space<vmem>>) target_semaphore(%run_scoped3A : memref<!tpu.dma_semaphore, #tpu.memory_space<semaphore_mem>>)
      %dma_wait3A = tpu.memref_slice %arg3[%add3A_13] : memref<320000xi32, #tpu.memory_space<hbm>> -> memref<80xi32, #tpu.memory_space<hbm>>
      %dma_wait3A_21 = tpu.memref_slice %arg3[%add3A_13] : memref<320000xi32, #tpu.memory_space<hbm>> -> memref<80xi32, #tpu.memory_space<hbm>>
      tpu.wait_dma2 semaphore(%run_scoped3A : memref<!tpu.dma_semaphore, #tpu.memory_space<semaphore_mem>>) src(%dma_wait3A_21 : memref<80xi32, #tpu.memory_space<hbm>>) dst(%arg6 : memref<80xi32, #tpu.memory_space<vmem>>)
      tpu.yield
    }) : () -> ()
    "tpu.region"() ({
      %run_scoped3A = tpu.sem_alloc : memref<!tpu.dma_semaphore, #tpu.memory_space<semaphore_mem>>
      %dma_start3A = arith.constant 0 : i32
      %dma_start3A_20 = tpu.memref_slice %arg2[%add3A_13, %dma_start3A] : memref<320000x128xf32, #tpu.memory_space<hbm>> -> memref<80x128xf32, #tpu.memory_space<hbm>>
      %dma_start3A_21 = arith.constant 0 : i32
      %dma_start3A_22 = tpu.memref_slice %arg2[%add3A_13, %dma_start3A_21] : memref<320000x128xf32, #tpu.memory_space<hbm>> -> memref<80x128xf32, #tpu.memory_space<hbm>>
      tpu.enqueue_dma source(%dma_start3A_22 : memref<80x128xf32, #tpu.memory_space<hbm>>) target(%arg7 : memref<80x128xf32, #tpu.memory_space<vmem>>) target_semaphore(%run_scoped3A : memref<!tpu.dma_semaphore, #tpu.memory_space<semaphore_mem>>)
      %dma_wait3A = arith.constant 0 : i32
      %dma_wait3A_23 = tpu.memref_slice %arg2[%add3A_13, %dma_wait3A] : memref<320000x128xf32, #tpu.memory_space<hbm>> -> memref<80x128xf32, #tpu.memory_space<hbm>>
      %dma_wait3A_24 = arith.constant 0 : i32
      %dma_wait3A_25 = tpu.memref_slice %arg2[%add3A_13, %dma_wait3A_24] : memref<320000x128xf32, #tpu.memory_space<hbm>> -> memref<80x128xf32, #tpu.memory_space<hbm>>
      tpu.wait_dma2 semaphore(%run_scoped3A : memref<!tpu.dma_semaphore, #tpu.memory_space<semaphore_mem>>) src(%dma_wait3A_25 : memref<80x128xf32, #tpu.memory_space<hbm>>) dst(%arg7 : memref<80x128xf32, #tpu.memory_space<vmem>>)
      tpu.yield
    }) : () -> ()
    "tpu.region"() ({
      %run_scoped3A = tpu.sem_alloc : memref<!tpu.dma_semaphore, #tpu.memory_space<semaphore_mem>>
      %dma_start3A = arith.constant 0 : i32
      %dma_start3A_20 = arith.constant 0 : i32
      %dma_start3A_21 = tpu.memref_slice %arg12[%dma_start3A, %dma_start3A_20] : memref<10240x128xf32, #tpu.memory_space<vmem_shared>> -> memref<10240x128xf32, #tpu.memory_space<vmem_shared>>
      tpu.enqueue_indirect_dma source(%arg7 : memref<80x128xf32, #tpu.memory_space<vmem>>) target(%dma_start3A_21 : memref<10240x128xf32, #tpu.memory_space<vmem_shared>>) offsets(%arg6 : memref<80xi32, #tpu.memory_space<vmem>>) semaphore(%run_scoped3A : memref<!tpu.dma_semaphore, #tpu.memory_space<semaphore_mem>>) {add = true}
      %dma_wait3A = arith.constant 0 : i32
      %dma_wait3A_22 = arith.constant 0 : i32
      %dma_wait3A_23 = tpu.memref_slice %arg12[%dma_wait3A, %dma_wait3A_22] : memref<10240x128xf32, #tpu.memory_space<vmem_shared>> -> memref<10240x128xf32, #tpu.memory_space<vmem_shared>>
      tpu.wait_indirect_dma semaphore(%run_scoped3A : memref<!tpu.dma_semaphore, #tpu.memory_space<semaphore_mem>>) src(%arg7 : memref<80x128xf32, #tpu.memory_space<vmem>>) dst(%dma_wait3A_23 : memref<10240x128xf32, #tpu.memory_space<vmem_shared>>)
      tpu.yield
    }) : () -> ()
    %barrier3A_14 = arith.constant 0 : index
    tpu.barrier barrier_id(%barrier3A_14)
    %mul3A_15 = arith.constant 640 : i32
    %mul3A_16 = arith.muli %arg1, %mul3A_15 : i32
    %mul3A_17 = arith.constant 640 : i32
    %mul3A_18 = arith.muli %arg1, %mul3A_17 : i32
    "tpu.region"() ({
      %run_scoped3A = tpu.sem_alloc : memref<!tpu.dma_semaphore, #tpu.memory_space<semaphore_mem>>
      %dma_start3A = arith.constant 0 : i32
      %dma_start3A_20 = tpu.memref_slice %arg5[%arg0, %mul3A_18, %dma_start3A] : memref<2x10240x128xf32, #tpu.memory_space<hbm>> -> memref<1x640x128xf32, #tpu.memory_space<hbm>>
      %dma_start3A_21 = tpu.memref_squeeze %dma_start3A_20 : memref<1x640x128xf32, #tpu.memory_space<hbm>> -> memref<640x128xf32, #tpu.memory_space<hbm>>
      %dma_start3A_22 = arith.constant 0 : i32
      %dma_start3A_23 = tpu.memref_slice %arg12[%mul3A_16, %dma_start3A_22] : memref<10240x128xf32, #tpu.memory_space<vmem_shared>> -> memref<640x128xf32, #tpu.memory_space<vmem_shared>>
      tpu.enqueue_dma source(%dma_start3A_23 : memref<640x128xf32, #tpu.memory_space<vmem_shared>>) target(%dma_start3A_21 : memref<640x128xf32, #tpu.memory_space<hbm>>) target_semaphore(%run_scoped3A : memref<!tpu.dma_semaphore, #tpu.memory_space<semaphore_mem>>)
      %dma_wait3A = arith.constant 0 : i32
      %dma_wait3A_24 = tpu.memref_slice %arg5[%arg0, %mul3A_18, %dma_wait3A] : memref<2x10240x128xf32, #tpu.memory_space<hbm>> -> memref<1x640x128xf32, #tpu.memory_space<hbm>>
      %dma_wait3A_25 = tpu.memref_squeeze %dma_wait3A_24 : memref<1x640x128xf32, #tpu.memory_space<hbm>> -> memref<640x128xf32, #tpu.memory_space<hbm>>
      %dma_wait3A_26 = arith.constant 0 : i32
      %dma_wait3A_27 = tpu.memref_slice %arg12[%mul3A_16, %dma_wait3A_26] : memref<10240x128xf32, #tpu.memory_space<vmem_shared>> -> memref<640x128xf32, #tpu.memory_space<vmem_shared>>
      tpu.wait_dma2 semaphore(%run_scoped3A : memref<!tpu.dma_semaphore, #tpu.memory_space<semaphore_mem>>) src(%dma_wait3A_27 : memref<640x128xf32, #tpu.memory_space<vmem_shared>>) dst(%dma_wait3A_25 : memref<640x128xf32, #tpu.memory_space<hbm>>)
      tpu.yield
    }) : () -> ()
    %barrier3A_19 = arith.constant 0 : index
    tpu.barrier barrier_id(%barrier3A_19)
    return
  }
}

module attributes {stable_mosaic.version = 14 : i64} {
  func.func @_mm_body(%arg0: i32, %arg1: memref<1000x128xf32, #tpu.memory_space<vmem>>, %arg2: memref<128x512xf32, #tpu.memory_space<vmem>>, %arg3: memref<1000x512xf32, #tpu.memory_space<vmem>>) attributes {dimension_semantics = [#tpu.dimension_semantics<arbitrary>], iteration_bounds = array<i64: 10>, scalar_prefetch = 0 : i64, scratch_operands = 0 : i64, tpu.core_type = #tpu.core_type<tc>, window_params = [{transform_indices = @transform_0, window_bounds = array<i64: 1000, 128>}, {pipeline_mode = #tpu.pipeline_mode<synchronous>, transform_indices = @transform_1, window_bounds = array<i64: 128, 512>}, {transform_indices = @transform_2, window_bounds = array<i64: 1000, 512>}]} {
    %get3A = arith.constant 0 : index
    %get3A_0 = arith.constant 0 : index
    %get3A_1 = vector.load %arg1[%get3A, %get3A_0] : memref<1000x128xf32, #tpu.memory_space<vmem>>, vector<1000x128xf32>
    %get3A_2 = arith.constant 0 : index
    %get3A_3 = arith.constant 0 : index
    %get3A_4 = vector.load %arg2[%get3A_2, %get3A_3] : memref<128x512xf32, #tpu.memory_space<vmem>>, vector<128x512xf32>
    %dot_general3A = arith.constant dense<0.000000e+00> : vector<1000x512xf32>
    %dot_general3A_5 = tpu.matmul %get3A_1, %get3A_4, %dot_general3A {dimension_numbers = #tpu.dot_dimension_numbers<[1], [0], [0], [1], [0, 0, 1, 1], [], []>, transpose_lhs_hint = false} : vector<1000x128xf32>, vector<128x512xf32>, vector<1000x512xf32> -> vector<1000x512xf32>
    %swap3A = arith.constant 0 : index
    %swap3A_6 = arith.constant 0 : index
    %swap3A_7 = vector.load %arg3[%swap3A, %swap3A_6] : memref<1000x512xf32, #tpu.memory_space<vmem>>, vector<1000x512xf32>
    tpu.vector_store %arg3[%swap3A, %swap3A_6], %dot_general3A_5 {strides = array<i32>} : memref<1000x512xf32, #tpu.memory_space<vmem>>, vector<1000x512xf32>,
    return
  }
  func.func @transform_0(%arg0: i32) -> (i32, i32) {
    %c0_i32 = arith.constant 0 : i32
    %c0_i32_0 = arith.constant 0 : i32
    return %arg0, %c0_i32 : i32, i32
  }
  func.func @transform_1(%arg0: i32) -> (i32, i32) {
    %c0_i32 = arith.constant 0 : i32
    %c0_i32_0 = arith.constant 0 : i32
    %c0_i32_1 = arith.constant 0 : i32
    return %c0_i32, %c0_i32_0 : i32, i32
  }
  func.func @transform_2(%arg0: i32) -> (i32, i32) {
    %c0_i32 = arith.constant 0 : i32
    %c0_i32_0 = arith.constant 0 : i32
    return %arg0, %c0_i32 : i32, i32
  }
}

module attributes {stable_mosaic.version = 14 : i64} {
  func.func @_edge_body(%arg0: i32, %arg1: memref<1000x512xf32, #tpu.memory_space<vmem>>, %arg2: memref<1000x512xf32, #tpu.memory_space<vmem>>, %arg3: memref<1x512xf32, #tpu.memory_space<vmem>>, %arg4: memref<1000x512xf32, #tpu.memory_space<vmem>>, %arg5: memref<1000x128xf32, #tpu.memory_space<vmem>>) attributes {dimension_semantics = [#tpu.dimension_semantics<arbitrary>], iteration_bounds = array<i64: 320>, scalar_prefetch = 0 : i64, scratch_operands = 0 : i64, tpu.core_type = #tpu.core_type<tc>, window_params = [{transform_indices = @transform_0, window_bounds = array<i64: 1000, 512>}, {transform_indices = @transform_1, window_bounds = array<i64: 1000, 512>}, {pipeline_mode = #tpu.pipeline_mode<synchronous>, transform_indices = @transform_2, window_bounds = array<i64: 1, 512>}, {transform_indices = @transform_3, window_bounds = array<i64: 1000, 512>}, {transform_indices = @transform_4, window_bounds = array<i64: 1000, 128>}]} {
    %get3A = arith.constant 0 : index
    %get3A_0 = arith.constant 0 : index
    %get3A_1 = vector.load %arg1[%get3A, %get3A_0] : memref<1000x512xf32, #tpu.memory_space<vmem>>, vector<1000x512xf32>
    %get3A_2 = arith.constant 0 : index
    %get3A_3 = arith.constant 0 : index
    %get3A_4 = vector.load %arg2[%get3A_2, %get3A_3] : memref<1000x512xf32, #tpu.memory_space<vmem>>, vector<1000x512xf32>
    %add3A = arith.addf %get3A_1, %get3A_4 : vector<1000x512xf32>
    %ge3A = arith.constant 0.000000e+00 : f32
    %ge3A_5 = vector.broadcast %ge3A : f32 to vector<1000x512xf32>
    %ge3A_6 = arith.cmpf oge, %add3A, %ge3A_5 : vector<1000x512xf32>
    %mul3A = arith.constant 2.000000e-01 : f32
    %mul3A_7 = vector.broadcast %mul3A : f32 to vector<1000x512xf32>
    %mul3A_8 = arith.mulf %mul3A_7, %add3A : vector<1000x512xf32>
    %select_n3A = arith.select %ge3A_6, %add3A, %mul3A_8 : vector<1000x512xi1>, vector<1000x512xf32>
    %get3A_9 = arith.constant 0 : index
    %get3A_10 = arith.constant 0 : index
    %get3A_11 = vector.load %arg3[%get3A_9, %get3A_10] : memref<1x512xf32, #tpu.memory_space<vmem>>, vector<1x512xf32>
    %mul3A_12 = vector.broadcast %get3A_11 : vector<1x512xf32> to vector<1000x512xf32>
    %mul3A_13 = arith.mulf %select_n3A, %mul3A_12 : vector<1000x512xf32>
    %slice3A = vector.extract_strided_slice %mul3A_13 {offsets = [0, 0], sizes = [1000, 128], strides = [1, 1]} : vector<1000x512xf32> to vector<1000x128xf32>
    %reduce_sum3A = arith.constant dense<0.000000e+00> : vector<1000xf32>
    %reduce_sum3A_14 = vector.multi_reduction <add>, %slice3A, %reduce_sum3A [1] : vector<1000x128xf32> to vector<1000xf32>
    %exp3A = math.exp %reduce_sum3A_14 : vector<1000xf32>
    %broadcast_in_dim3A = vector.shape_cast %exp3A : vector<1000xf32> to vector<1000x1xf32>
    %slice3A_15 = vector.extract_strided_slice %get3A_1 {offsets = [0, 0], sizes = [1000, 128], strides = [1, 1]} : vector<1000x512xf32> to vector<1000x128xf32>
    %broadcast_in_dim3A_16 = vector.shape_cast %exp3A : vector<1000xf32> to vector<1000x1xf32>
    %mul3A_17 = vector.broadcast %broadcast_in_dim3A_16 : vector<1000x1xf32> to vector<1000x128xf32>
    %mul3A_18 = arith.mulf %slice3A_15, %mul3A_17 : vector<1000x128xf32>
    %swap3A = arith.constant 0 : index
    %swap3A_19 = arith.constant 0 : index
    %swap3A_20 = vector.load %arg4[%swap3A, %swap3A_19] : memref<1000x512xf32, #tpu.memory_space<vmem>>, vector<1000x128xf32>
    tpu.vector_store %arg4[%swap3A, %swap3A_19], %mul3A_18 {strides = array<i32>} : memref<1000x512xf32, #tpu.memory_space<vmem>>, vector<1000x128xf32>,
    %slice3A_21 = vector.extract_strided_slice %mul3A_13 {offsets = [0, 128], sizes = [1000, 128], strides = [1, 1]} : vector<1000x512xf32> to vector<1000x128xf32>
    %reduce_sum3A_22 = arith.constant dense<0.000000e+00> : vector<1000xf32>
    %reduce_sum3A_23 = vector.multi_reduction <add>, %slice3A_21, %reduce_sum3A_22 [1] : vector<1000x128xf32> to vector<1000xf32>
    %exp3A_24 = math.exp %reduce_sum3A_23 : vector<1000xf32>
    %broadcast_in_dim3A_25 = vector.shape_cast %exp3A_24 : vector<1000xf32> to vector<1000x1xf32>
    %slice3A_26 = vector.extract_strided_slice %get3A_1 {offsets = [0, 128], sizes = [1000, 128], strides = [1, 1]} : vector<1000x512xf32> to vector<1000x128xf32>
    %broadcast_in_dim3A_27 = vector.shape_cast %exp3A_24 : vector<1000xf32> to vector<1000x1xf32>
    %mul3A_28 = vector.broadcast %broadcast_in_dim3A_27 : vector<1000x1xf32> to vector<1000x128xf32>
    %mul3A_29 = arith.mulf %slice3A_26, %mul3A_28 : vector<1000x128xf32>
    %swap3A_30 = arith.constant 0 : index
    %swap3A_31 = arith.constant 128 : index
    %swap3A_32 = vector.load %arg4[%swap3A_30, %swap3A_31] : memref<1000x512xf32, #tpu.memory_space<vmem>>, vector<1000x128xf32>
    tpu.vector_store %arg4[%swap3A_30, %swap3A_31], %mul3A_29 {strides = array<i32>} : memref<1000x512xf32, #tpu.memory_space<vmem>>, vector<1000x128xf32>,
    %slice3A_33 = vector.extract_strided_slice %mul3A_13 {offsets = [0, 256], sizes = [1000, 128], strides = [1, 1]} : vector<1000x512xf32> to vector<1000x128xf32>
    %reduce_sum3A_34 = arith.constant dense<0.000000e+00> : vector<1000xf32>
    %reduce_sum3A_35 = vector.multi_reduction <add>, %slice3A_33, %reduce_sum3A_34 [1] : vector<1000x128xf32> to vector<1000xf32>
    %exp3A_36 = math.exp %reduce_sum3A_35 : vector<1000xf32>
    %broadcast_in_dim3A_37 = vector.shape_cast %exp3A_36 : vector<1000xf32> to vector<1000x1xf32>
    %slice3A_38 = vector.extract_strided_slice %get3A_1 {offsets = [0, 256], sizes = [1000, 128], strides = [1, 1]} : vector<1000x512xf32> to vector<1000x128xf32>
    %broadcast_in_dim3A_39 = vector.shape_cast %exp3A_36 : vector<1000xf32> to vector<1000x1xf32>
    %mul3A_40 = vector.broadcast %broadcast_in_dim3A_39 : vector<1000x1xf32> to vector<1000x128xf32>
    %mul3A_41 = arith.mulf %slice3A_38, %mul3A_40 : vector<1000x128xf32>
    %swap3A_42 = arith.constant 0 : index
    %swap3A_43 = arith.constant 256 : index
    %swap3A_44 = vector.load %arg4[%swap3A_42, %swap3A_43] : memref<1000x512xf32, #tpu.memory_space<vmem>>, vector<1000x128xf32>
    tpu.vector_store %arg4[%swap3A_42, %swap3A_43], %mul3A_41 {strides = array<i32>} : memref<1000x512xf32, #tpu.memory_space<vmem>>, vector<1000x128xf32>,
    %slice3A_45 = vector.extract_strided_slice %mul3A_13 {offsets = [0, 384], sizes = [1000, 128], strides = [1, 1]} : vector<1000x512xf32> to vector<1000x128xf32>
    %reduce_sum3A_46 = arith.constant dense<0.000000e+00> : vector<1000xf32>
    %reduce_sum3A_47 = vector.multi_reduction <add>, %slice3A_45, %reduce_sum3A_46 [1] : vector<1000x128xf32> to vector<1000xf32>
    %exp3A_48 = math.exp %reduce_sum3A_47 : vector<1000xf32>
    %broadcast_in_dim3A_49 = vector.shape_cast %exp3A_48 : vector<1000xf32> to vector<1000x1xf32>
    %slice3A_50 = vector.extract_strided_slice %get3A_1 {offsets = [0, 384], sizes = [1000, 128], strides = [1, 1]} : vector<1000x512xf32> to vector<1000x128xf32>
    %broadcast_in_dim3A_51 = vector.shape_cast %exp3A_48 : vector<1000xf32> to vector<1000x1xf32>
    %mul3A_52 = vector.broadcast %broadcast_in_dim3A_51 : vector<1000x1xf32> to vector<1000x128xf32>
    %mul3A_53 = arith.mulf %slice3A_50, %mul3A_52 : vector<1000x128xf32>
    %swap3A_54 = arith.constant 0 : index
    %swap3A_55 = arith.constant 384 : index
    %swap3A_56 = vector.load %arg4[%swap3A_54, %swap3A_55] : memref<1000x512xf32, #tpu.memory_space<vmem>>, vector<1000x128xf32>
    tpu.vector_store %arg4[%swap3A_54, %swap3A_55], %mul3A_53 {strides = array<i32>} : memref<1000x512xf32, #tpu.memory_space<vmem>>, vector<1000x128xf32>,
    %broadcast_in_dim3A_57 = arith.constant 0.000000e+00 : f32
    %broadcast_in_dim3A_58 = vector.broadcast %broadcast_in_dim3A_57 : f32 to vector<1000x124xf32>
    %concatenate3A = tpu.concatenate %broadcast_in_dim3A, %broadcast_in_dim3A_25, %broadcast_in_dim3A_37, %broadcast_in_dim3A_49, %broadcast_in_dim3A_58 in 1 : vector<1000x1xf32>, vector<1000x1xf32>, vector<1000x1xf32>, vector<1000x1xf32>, vector<1000x124xf32> -> vector<1000x128xf32>
    %swap3A_59 = arith.constant 0 : index
    %swap3A_60 = arith.constant 0 : index
    %swap3A_61 = vector.load %arg5[%swap3A_59, %swap3A_60] : memref<1000x128xf32, #tpu.memory_space<vmem>>, vector<1000x128xf32>
    tpu.vector_store %arg5[%swap3A_59, %swap3A_60], %concatenate3A {strides = array<i32>} : memref<1000x128xf32, #tpu.memory_space<vmem>>, vector<1000x128xf32>,
    return
  }
  func.func @transform_0(%arg0: i32) -> (i32, i32) {
    %c0_i32 = arith.constant 0 : i32
    %c0_i32_0 = arith.constant 0 : i32
    return %arg0, %c0_i32 : i32, i32
  }
  func.func @transform_1(%arg0: i32) -> (i32, i32) {
    %c0_i32 = arith.constant 0 : i32
    %c0_i32_0 = arith.constant 0 : i32
    return %arg0, %c0_i32 : i32, i32
  }
  func.func @transform_2(%arg0: i32) -> (i32, i32) {
    %c0_i32 = arith.constant 0 : i32
    %c0_i32_0 = arith.constant 0 : i32
    %c0_i32_1 = arith.constant 0 : i32
    return %c0_i32, %c0_i32_0 : i32, i32
  }
  func.func @transform_3(%arg0: i32) -> (i32, i32) {
    %c0_i32 = arith.constant 0 : i32
    %c0_i32_0 = arith.constant 0 : i32
    return %arg0, %c0_i32 : i32, i32
  }
  func.func @transform_4(%arg0: i32) -> (i32, i32) {
    %c0_i32 = arith.constant 0 : i32
    %c0_i32_0 = arith.constant 0 : i32
    return %arg0, %c0_i32 : i32, i32
  }
}

module attributes {stable_mosaic.version = 14 : i64} {
  func.func @_mm_body(%arg0: i32, %arg1: memref<1000x512xf32, #tpu.memory_space<vmem>>, %arg2: memref<512x128xf32, #tpu.memory_space<vmem>>, %arg3: memref<1000x128xf32, #tpu.memory_space<vmem>>) attributes {dimension_semantics = [#tpu.dimension_semantics<arbitrary>], iteration_bounds = array<i64: 10>, scalar_prefetch = 0 : i64, scratch_operands = 0 : i64, tpu.core_type = #tpu.core_type<tc>, window_params = [{transform_indices = @transform_0, window_bounds = array<i64: 1000, 512>}, {pipeline_mode = #tpu.pipeline_mode<synchronous>, transform_indices = @transform_1, window_bounds = array<i64: 512, 128>}, {transform_indices = @transform_2, window_bounds = array<i64: 1000, 128>}]} {
    %get3A = arith.constant 0 : index
    %get3A_0 = arith.constant 0 : index
    %get3A_1 = vector.load %arg1[%get3A, %get3A_0] : memref<1000x512xf32, #tpu.memory_space<vmem>>, vector<1000x512xf32>
    %get3A_2 = arith.constant 0 : index
    %get3A_3 = arith.constant 0 : index
    %get3A_4 = vector.load %arg2[%get3A_2, %get3A_3] : memref<512x128xf32, #tpu.memory_space<vmem>>, vector<512x128xf32>
    %dot_general3A = arith.constant dense<0.000000e+00> : vector<1000x128xf32>
    %dot_general3A_5 = tpu.matmul %get3A_1, %get3A_4, %dot_general3A {dimension_numbers = #tpu.dot_dimension_numbers<[1], [0], [0], [1], [0, 0, 1, 1], [], []>, transpose_lhs_hint = false} : vector<1000x512xf32>, vector<512x128xf32>, vector<1000x128xf32> -> vector<1000x128xf32>
    %swap3A = arith.constant 0 : index
    %swap3A_6 = arith.constant 0 : index
    %swap3A_7 = vector.load %arg3[%swap3A, %swap3A_6] : memref<1000x128xf32, #tpu.memory_space<vmem>>, vector<1000x128xf32>
    tpu.vector_store %arg3[%swap3A, %swap3A_6], %dot_general3A_5 {strides = array<i32>} : memref<1000x128xf32, #tpu.memory_space<vmem>>, vector<1000x128xf32>,
    return
  }
  func.func @transform_0(%arg0: i32) -> (i32, i32) {
    %c0_i32 = arith.constant 0 : i32
    %c0_i32_0 = arith.constant 0 : i32
    return %arg0, %c0_i32 : i32, i32
  }
  func.func @transform_1(%arg0: i32) -> (i32, i32) {
    %c0_i32 = arith.constant 0 : i32
    %c0_i32_0 = arith.constant 0 : i32
    %c0_i32_1 = arith.constant 0 : i32
    return %c0_i32, %c0_i32_0 : i32, i32
  }
  func.func @transform_2(%arg0: i32) -> (i32, i32) {
    %c0_i32 = arith.constant 0 : i32
    %c0_i32_0 = arith.constant 0 : i32
    return %arg0, %c0_i32 : i32, i32
  }
}

module attributes {stable_mosaic.version = 14 : i64} {
  func.func @_comb0_body(%arg0: i32, %arg1: memref<1x1000x512xf32, #tpu.memory_space<vmem>>, %arg2: memref<1x1000x512xf32, #tpu.memory_space<vmem>>, %arg3: memref<1x1000x128xf32, #tpu.memory_space<vmem>>, %arg4: memref<1x1000x128xf32, #tpu.memory_space<vmem>>, %arg5: memref<1000x512xf32, #tpu.memory_space<vmem>>) attributes {dimension_semantics = [#tpu.dimension_semantics<arbitrary>], iteration_bounds = array<i64: 10>, scalar_prefetch = 0 : i64, scratch_operands = 0 : i64, tpu.core_type = #tpu.core_type<tc>, window_params = [{transform_indices = @transform_0, window_bounds = array<i64: 1, 1000, 512>}, {transform_indices = @transform_1, window_bounds = array<i64: 1, 1000, 512>}, {transform_indices = @transform_2, window_bounds = array<i64: 1, 1000, 128>}, {transform_indices = @transform_3, window_bounds = array<i64: 1, 1000, 128>}, {transform_indices = @transform_4, window_bounds = array<i64: 1000, 512>}]} {
    %get3A = arith.constant 0 : index
    %get3A_0 = arith.constant 0 : index
    %get3A_1 = arith.constant 0 : index
    %get3A_2 = vector.load %arg1[%get3A, %get3A_0, %get3A_1] : memref<1x1000x512xf32, #tpu.memory_space<vmem>>, vector<1x1000x512xf32>
    %get3A_3 = vector.shape_cast %get3A_2 : vector<1x1000x512xf32> to vector<1000x512xf32>
    %get3A_4 = arith.constant 0 : index
    %get3A_5 = arith.constant 0 : index
    %get3A_6 = arith.constant 0 : index
    %get3A_7 = vector.load %arg2[%get3A_4, %get3A_5, %get3A_6] : memref<1x1000x512xf32, #tpu.memory_space<vmem>>, vector<1x1000x512xf32>
    %get3A_8 = vector.shape_cast %get3A_7 : vector<1x1000x512xf32> to vector<1000x512xf32>
    %add3A = arith.addf %get3A_3, %get3A_8 : vector<1000x512xf32>
    %get3A_9 = arith.constant 0 : index
    %get3A_10 = arith.constant 0 : index
    %get3A_11 = arith.constant 0 : index
    %get3A_12 = vector.load %arg3[%get3A_9, %get3A_10, %get3A_11] : memref<1x1000x128xf32, #tpu.memory_space<vmem>>, vector<1x1000x128xf32>
    %get3A_13 = vector.shape_cast %get3A_12 : vector<1x1000x128xf32> to vector<1000x128xf32>
    %get3A_14 = arith.constant 0 : index
    %get3A_15 = arith.constant 0 : index
    %get3A_16 = arith.constant 0 : index
    %get3A_17 = vector.load %arg4[%get3A_14, %get3A_15, %get3A_16] : memref<1x1000x128xf32, #tpu.memory_space<vmem>>, vector<1x1000x128xf32>
    %get3A_18 = vector.shape_cast %get3A_17 : vector<1x1000x128xf32> to vector<1000x128xf32>
    %add3A_19 = arith.addf %get3A_13, %get3A_18 : vector<1000x128xf32>
    %slice3A = vector.extract_strided_slice %add3A {offsets = [0, 0], sizes = [1000, 128], strides = [1, 1]} : vector<1000x512xf32> to vector<1000x128xf32>
    %slice3A_20 = vector.extract_strided_slice %add3A_19 {offsets = [0, 0], sizes = [1000, 1], strides = [1, 1]} : vector<1000x128xf32> to vector<1000x1xf32>
    %add3A_21 = arith.constant 9.99999971E-10 : f32
    %add3A_22 = vector.broadcast %add3A_21 : f32 to vector<1000x1xf32>
    %add3A_23 = arith.addf %slice3A_20, %add3A_22 : vector<1000x1xf32>
    %div3A = vector.broadcast %add3A_23 : vector<1000x1xf32> to vector<1000x128xf32>
    %div3A_24 = arith.divf %slice3A, %div3A : vector<1000x128xf32>
    %max3A = arith.constant 0.000000e+00 : f32
    %max3A_25 = vector.broadcast %max3A : f32 to vector<1000x128xf32>
    %max3A_26 = arith.maximumf %div3A_24, %max3A_25 : vector<1000x128xf32>
    %swap3A = arith.constant 0 : index
    %swap3A_27 = arith.constant 0 : index
    %swap3A_28 = vector.load %arg5[%swap3A, %swap3A_27] : memref<1000x512xf32, #tpu.memory_space<vmem>>, vector<1000x128xf32>
    tpu.vector_store %arg5[%swap3A, %swap3A_27], %max3A_26 {strides = array<i32>} : memref<1000x512xf32, #tpu.memory_space<vmem>>, vector<1000x128xf32>,
    %slice3A_29 = vector.extract_strided_slice %add3A {offsets = [0, 128], sizes = [1000, 128], strides = [1, 1]} : vector<1000x512xf32> to vector<1000x128xf32>
    %slice3A_30 = vector.extract_strided_slice %add3A_19 {offsets = [0, 1], sizes = [1000, 1], strides = [1, 1]} : vector<1000x128xf32> to vector<1000x1xf32>
    %add3A_31 = arith.constant 9.99999971E-10 : f32
    %add3A_32 = vector.broadcast %add3A_31 : f32 to vector<1000x1xf32>
    %add3A_33 = arith.addf %slice3A_30, %add3A_32 : vector<1000x1xf32>
    %div3A_34 = vector.broadcast %add3A_33 : vector<1000x1xf32> to vector<1000x128xf32>
    %div3A_35 = arith.divf %slice3A_29, %div3A_34 : vector<1000x128xf32>
    %max3A_36 = arith.constant 0.000000e+00 : f32
    %max3A_37 = vector.broadcast %max3A_36 : f32 to vector<1000x128xf32>
    %max3A_38 = arith.maximumf %div3A_35, %max3A_37 : vector<1000x128xf32>
    %swap3A_39 = arith.constant 0 : index
    %swap3A_40 = arith.constant 128 : index
    %swap3A_41 = vector.load %arg5[%swap3A_39, %swap3A_40] : memref<1000x512xf32, #tpu.memory_space<vmem>>, vector<1000x128xf32>
    tpu.vector_store %arg5[%swap3A_39, %swap3A_40], %max3A_38 {strides = array<i32>} : memref<1000x512xf32, #tpu.memory_space<vmem>>, vector<1000x128xf32>,
    %slice3A_42 = vector.extract_strided_slice %add3A {offsets = [0, 256], sizes = [1000, 128], strides = [1, 1]} : vector<1000x512xf32> to vector<1000x128xf32>
    %slice3A_43 = vector.extract_strided_slice %add3A_19 {offsets = [0, 2], sizes = [1000, 1], strides = [1, 1]} : vector<1000x128xf32> to vector<1000x1xf32>
    %add3A_44 = arith.constant 9.99999971E-10 : f32
    %add3A_45 = vector.broadcast %add3A_44 : f32 to vector<1000x1xf32>
    %add3A_46 = arith.addf %slice3A_43, %add3A_45 : vector<1000x1xf32>
    %div3A_47 = vector.broadcast %add3A_46 : vector<1000x1xf32> to vector<1000x128xf32>
    %div3A_48 = arith.divf %slice3A_42, %div3A_47 : vector<1000x128xf32>
    %max3A_49 = arith.constant 0.000000e+00 : f32
    %max3A_50 = vector.broadcast %max3A_49 : f32 to vector<1000x128xf32>
    %max3A_51 = arith.maximumf %div3A_48, %max3A_50 : vector<1000x128xf32>
    %swap3A_52 = arith.constant 0 : index
    %swap3A_53 = arith.constant 256 : index
    %swap3A_54 = vector.load %arg5[%swap3A_52, %swap3A_53] : memref<1000x512xf32, #tpu.memory_space<vmem>>, vector<1000x128xf32>
    tpu.vector_store %arg5[%swap3A_52, %swap3A_53], %max3A_51 {strides = array<i32>} : memref<1000x512xf32, #tpu.memory_space<vmem>>, vector<1000x128xf32>,
    %slice3A_55 = vector.extract_strided_slice %add3A {offsets = [0, 384], sizes = [1000, 128], strides = [1, 1]} : vector<1000x512xf32> to vector<1000x128xf32>
    %slice3A_56 = vector.extract_strided_slice %add3A_19 {offsets = [0, 3], sizes = [1000, 1], strides = [1, 1]} : vector<1000x128xf32> to vector<1000x1xf32>
    %add3A_57 = arith.constant 9.99999971E-10 : f32
    %add3A_58 = vector.broadcast %add3A_57 : f32 to vector<1000x1xf32>
    %add3A_59 = arith.addf %slice3A_56, %add3A_58 : vector<1000x1xf32>
    %div3A_60 = vector.broadcast %add3A_59 : vector<1000x1xf32> to vector<1000x128xf32>
    %div3A_61 = arith.divf %slice3A_55, %div3A_60 : vector<1000x128xf32>
    %max3A_62 = arith.constant 0.000000e+00 : f32
    %max3A_63 = vector.broadcast %max3A_62 : f32 to vector<1000x128xf32>
    %max3A_64 = arith.maximumf %div3A_61, %max3A_63 : vector<1000x128xf32>
    %swap3A_65 = arith.constant 0 : index
    %swap3A_66 = arith.constant 384 : index
    %swap3A_67 = vector.load %arg5[%swap3A_65, %swap3A_66] : memref<1000x512xf32, #tpu.memory_space<vmem>>, vector<1000x128xf32>
    tpu.vector_store %arg5[%swap3A_65, %swap3A_66], %max3A_64 {strides = array<i32>} : memref<1000x512xf32, #tpu.memory_space<vmem>>, vector<1000x128xf32>,
    return
  }
  func.func @transform_0(%arg0: i32) -> (i32, i32, i32) {
    %c0_i32 = arith.constant 0 : i32
    %c0_i32_0 = arith.constant 0 : i32
    %c0_i32_1 = arith.constant 0 : i32
    return %c0_i32, %arg0, %c0_i32_0 : i32, i32, i32
  }
  func.func @transform_1(%arg0: i32) -> (i32, i32, i32) {
    %c1_i32 = arith.constant 1 : i32
    %c0_i32 = arith.constant 0 : i32
    %c0_i32_0 = arith.constant 0 : i32
    return %c1_i32, %arg0, %c0_i32 : i32, i32, i32
  }
  func.func @transform_2(%arg0: i32) -> (i32, i32, i32) {
    %c0_i32 = arith.constant 0 : i32
    %c0_i32_0 = arith.constant 0 : i32
    %c0_i32_1 = arith.constant 0 : i32
    return %c0_i32, %arg0, %c0_i32_0 : i32, i32, i32
  }
  func.func @transform_3(%arg0: i32) -> (i32, i32, i32) {
    %c1_i32 = arith.constant 1 : i32
    %c0_i32 = arith.constant 0 : i32
    %c0_i32_0 = arith.constant 0 : i32
    return %c1_i32, %arg0, %c0_i32 : i32, i32, i32
  }
  func.func @transform_4(%arg0: i32) -> (i32, i32) {
    %c0_i32 = arith.constant 0 : i32
    %c0_i32_0 = arith.constant 0 : i32
    return %arg0, %c0_i32 : i32, i32
  }
}

module attributes {stable_mosaic.version = 14 : i64} {
  func.func @_edge_body(%arg0: i32, %arg1: memref<1000x128xf32, #tpu.memory_space<vmem>>, %arg2: memref<1000x128xf32, #tpu.memory_space<vmem>>, %arg3: memref<1x128xf32, #tpu.memory_space<vmem>>, %arg4: memref<1000x128xf32, #tpu.memory_space<vmem>>, %arg5: memref<1000x128xf32, #tpu.memory_space<vmem>>) attributes {dimension_semantics = [#tpu.dimension_semantics<arbitrary>], iteration_bounds = array<i64: 320>, scalar_prefetch = 0 : i64, scratch_operands = 0 : i64, tpu.core_type = #tpu.core_type<tc>, window_params = [{transform_indices = @transform_0, window_bounds = array<i64: 1000, 128>}, {transform_indices = @transform_1, window_bounds = array<i64: 1000, 128>}, {pipeline_mode = #tpu.pipeline_mode<synchronous>, transform_indices = @transform_2, window_bounds = array<i64: 1, 128>}, {transform_indices = @transform_3, window_bounds = array<i64: 1000, 128>}, {transform_indices = @transform_4, window_bounds = array<i64: 1000, 128>}]} {
    %get3A = arith.constant 0 : index
    %get3A_0 = arith.constant 0 : index
    %get3A_1 = vector.load %arg1[%get3A, %get3A_0] : memref<1000x128xf32, #tpu.memory_space<vmem>>, vector<1000x128xf32>
    %get3A_2 = arith.constant 0 : index
    %get3A_3 = arith.constant 0 : index
    %get3A_4 = vector.load %arg2[%get3A_2, %get3A_3] : memref<1000x128xf32, #tpu.memory_space<vmem>>, vector<1000x128xf32>
    %add3A = arith.addf %get3A_1, %get3A_4 : vector<1000x128xf32>
    %ge3A = arith.constant 0.000000e+00 : f32
    %ge3A_5 = vector.broadcast %ge3A : f32 to vector<1000x128xf32>
    %ge3A_6 = arith.cmpf oge, %add3A, %ge3A_5 : vector<1000x128xf32>
    %mul3A = arith.constant 2.000000e-01 : f32
    %mul3A_7 = vector.broadcast %mul3A : f32 to vector<1000x128xf32>
    %mul3A_8 = arith.mulf %mul3A_7, %add3A : vector<1000x128xf32>
    %select_n3A = arith.select %ge3A_6, %add3A, %mul3A_8 : vector<1000x128xi1>, vector<1000x128xf32>
    %get3A_9 = arith.constant 0 : index
    %get3A_10 = arith.constant 0 : index
    %get3A_11 = vector.load %arg3[%get3A_9, %get3A_10] : memref<1x128xf32, #tpu.memory_space<vmem>>, vector<1x128xf32>
    %mul3A_12 = vector.broadcast %get3A_11 : vector<1x128xf32> to vector<1000x128xf32>
    %mul3A_13 = arith.mulf %select_n3A, %mul3A_12 : vector<1000x128xf32>
    %reduce_sum3A = arith.constant dense<0.000000e+00> : vector<1000xf32>
    %reduce_sum3A_14 = vector.multi_reduction <add>, %mul3A_13, %reduce_sum3A [1] : vector<1000x128xf32> to vector<1000xf32>
    %exp3A = math.exp %reduce_sum3A_14 : vector<1000xf32>
    %broadcast_in_dim3A = vector.shape_cast %exp3A : vector<1000xf32> to vector<1000x1xf32>
    %broadcast_in_dim3A_15 = vector.shape_cast %exp3A : vector<1000xf32> to vector<1000x1xf32>
    %mul3A_16 = vector.broadcast %broadcast_in_dim3A_15 : vector<1000x1xf32> to vector<1000x128xf32>
    %mul3A_17 = arith.mulf %get3A_1, %mul3A_16 : vector<1000x128xf32>
    %swap3A = arith.constant 0 : index
    %swap3A_18 = arith.constant 0 : index
    %swap3A_19 = vector.load %arg4[%swap3A, %swap3A_18] : memref<1000x128xf32, #tpu.memory_space<vmem>>, vector<1000x128xf32>
    tpu.vector_store %arg4[%swap3A, %swap3A_18], %mul3A_17 {strides = array<i32>} : memref<1000x128xf32, #tpu.memory_space<vmem>>, vector<1000x128xf32>,
    %broadcast_in_dim3A_20 = arith.constant 0.000000e+00 : f32
    %broadcast_in_dim3A_21 = vector.broadcast %broadcast_in_dim3A_20 : f32 to vector<1000x127xf32>
    %concatenate3A = tpu.concatenate %broadcast_in_dim3A, %broadcast_in_dim3A_21 in 1 : vector<1000x1xf32>, vector<1000x127xf32> -> vector<1000x128xf32>
    %swap3A_22 = arith.constant 0 : index
    %swap3A_23 = arith.constant 0 : index
    %swap3A_24 = vector.load %arg5[%swap3A_22, %swap3A_23] : memref<1000x128xf32, #tpu.memory_space<vmem>>, vector<1000x128xf32>
    tpu.vector_store %arg5[%swap3A_22, %swap3A_23], %concatenate3A {strides = array<i32>} : memref<1000x128xf32, #tpu.memory_space<vmem>>, vector<1000x128xf32>,
    return
  }
  func.func @transform_0(%arg0: i32) -> (i32, i32) {
    %c0_i32 = arith.constant 0 : i32
    %c0_i32_0 = arith.constant 0 : i32
    return %arg0, %c0_i32 : i32, i32
  }
  func.func @transform_1(%arg0: i32) -> (i32, i32) {
    %c0_i32 = arith.constant 0 : i32
    %c0_i32_0 = arith.constant 0 : i32
    return %arg0, %c0_i32 : i32, i32
  }
  func.func @transform_2(%arg0: i32) -> (i32, i32) {
    %c0_i32 = arith.constant 0 : i32
    %c0_i32_0 = arith.constant 0 : i32
    %c0_i32_1 = arith.constant 0 : i32
    return %c0_i32, %c0_i32_0 : i32, i32
  }
  func.func @transform_3(%arg0: i32) -> (i32, i32) {
    %c0_i32 = arith.constant 0 : i32
    %c0_i32_0 = arith.constant 0 : i32
    return %arg0, %c0_i32 : i32, i32
  }
  func.func @transform_4(%arg0: i32) -> (i32, i32) {
    %c0_i32 = arith.constant 0 : i32
    %c0_i32_0 = arith.constant 0 : i32
    return %arg0, %c0_i32 : i32, i32
  }
}

module attributes {stable_mosaic.version = 14 : i64} {
  func.func @_comb1_body(%arg0: i32, %arg1: memref<1x1000x128xf32, #tpu.memory_space<vmem>>, %arg2: memref<1x1000x128xf32, #tpu.memory_space<vmem>>, %arg3: memref<1x1000x128xf32, #tpu.memory_space<vmem>>, %arg4: memref<1x1000x128xf32, #tpu.memory_space<vmem>>, %arg5: memref<1000x128xf32, #tpu.memory_space<vmem>>, %arg6: memref<1000x48xf32, #tpu.memory_space<vmem>>) attributes {dimension_semantics = [#tpu.dimension_semantics<arbitrary>], iteration_bounds = array<i64: 10>, scalar_prefetch = 0 : i64, scratch_operands = 0 : i64, tpu.core_type = #tpu.core_type<tc>, window_params = [{transform_indices = @transform_0, window_bounds = array<i64: 1, 1000, 128>}, {transform_indices = @transform_1, window_bounds = array<i64: 1, 1000, 128>}, {transform_indices = @transform_2, window_bounds = array<i64: 1, 1000, 128>}, {transform_indices = @transform_3, window_bounds = array<i64: 1, 1000, 128>}, {transform_indices = @transform_4, window_bounds = array<i64: 1000, 128>}, {transform_indices = @transform_5, window_bounds = array<i64: 1000, 48>}]} {
    %get3A = arith.constant 0 : index
    %get3A_0 = arith.constant 0 : index
    %get3A_1 = arith.constant 0 : index
    %get3A_2 = vector.load %arg1[%get3A, %get3A_0, %get3A_1] : memref<1x1000x128xf32, #tpu.memory_space<vmem>>, vector<1x1000x128xf32>
    %get3A_3 = vector.shape_cast %get3A_2 : vector<1x1000x128xf32> to vector<1000x128xf32>
    %get3A_4 = arith.constant 0 : index
    %get3A_5 = arith.constant 0 : index
    %get3A_6 = arith.constant 0 : index
    %get3A_7 = vector.load %arg2[%get3A_4, %get3A_5, %get3A_6] : memref<1x1000x128xf32, #tpu.memory_space<vmem>>, vector<1x1000x128xf32>
    %get3A_8 = vector.shape_cast %get3A_7 : vector<1x1000x128xf32> to vector<1000x128xf32>
    %add3A = arith.addf %get3A_3, %get3A_8 : vector<1000x128xf32>
    %get3A_9 = arith.constant 0 : index
    %get3A_10 = arith.constant 0 : index
    %get3A_11 = arith.constant 0 : index
    %get3A_12 = vector.load %arg3[%get3A_9, %get3A_10, %get3A_11] : memref<1x1000x128xf32, #tpu.memory_space<vmem>>, vector<1x1000x128xf32>
    %get3A_13 = vector.shape_cast %get3A_12 : vector<1x1000x128xf32> to vector<1000x128xf32>
    %get3A_14 = arith.constant 0 : index
    %get3A_15 = arith.constant 0 : index
    %get3A_16 = arith.constant 0 : index
    %get3A_17 = vector.load %arg4[%get3A_14, %get3A_15, %get3A_16] : memref<1x1000x128xf32, #tpu.memory_space<vmem>>, vector<1x1000x128xf32>
    %get3A_18 = vector.shape_cast %get3A_17 : vector<1x1000x128xf32> to vector<1000x128xf32>
    %add3A_19 = arith.addf %get3A_13, %get3A_18 : vector<1000x128xf32>
    %slice3A = vector.extract_strided_slice %add3A {offsets = [0, 0], sizes = [1000, 48], strides = [1, 1]} : vector<1000x128xf32> to vector<1000x48xf32>
    %slice3A_20 = vector.extract_strided_slice %add3A_19 {offsets = [0, 0], sizes = [1000, 1], strides = [1, 1]} : vector<1000x128xf32> to vector<1000x1xf32>
    %add3A_21 = arith.constant 9.99999971E-10 : f32
    %add3A_22 = vector.broadcast %add3A_21 : f32 to vector<1000x1xf32>
    %add3A_23 = arith.addf %slice3A_20, %add3A_22 : vector<1000x1xf32>
    %div3A = vector.broadcast %add3A_23 : vector<1000x1xf32> to vector<1000x48xf32>
    %div3A_24 = arith.divf %slice3A, %div3A : vector<1000x48xf32>
    %get3A_25 = arith.constant 0 : index
    %get3A_26 = arith.constant 48 : index
    %get3A_27 = vector.load %arg5[%get3A_25, %get3A_26] : memref<1000x128xf32, #tpu.memory_space<vmem>>, vector<1000x48xf32>
    %add3A_28 = arith.addf %div3A_24, %get3A_27 : vector<1000x48xf32>
    %swap3A = arith.constant 0 : index
    %swap3A_29 = arith.constant 0 : index
    %swap3A_30 = vector.load %arg6[%swap3A, %swap3A_29] : memref<1000x48xf32, #tpu.memory_space<vmem>>, vector<1000x48xf32>
    tpu.vector_store %arg6[%swap3A, %swap3A_29], %add3A_28 {strides = array<i32>} : memref<1000x48xf32, #tpu.memory_space<vmem>>, vector<1000x48xf32>,
    return
  }
  func.func @transform_0(%arg0: i32) -> (i32, i32, i32) {
    %c0_i32 = arith.constant 0 : i32
    %c0_i32_0 = arith.constant 0 : i32
    %c0_i32_1 = arith.constant 0 : i32
    return %c0_i32, %arg0, %c0_i32_0 : i32, i32, i32
  }
  func.func @transform_1(%arg0: i32) -> (i32, i32, i32) {
    %c1_i32 = arith.constant 1 : i32
    %c0_i32 = arith.constant 0 : i32
    %c0_i32_0 = arith.constant 0 : i32
    return %c1_i32, %arg0, %c0_i32 : i32, i32, i32
  }
  func.func @transform_2(%arg0: i32) -> (i32, i32, i32) {
    %c0_i32 = arith.constant 0 : i32
    %c0_i32_0 = arith.constant 0 : i32
    %c0_i32_1 = arith.constant 0 : i32
    return %c0_i32, %arg0, %c0_i32_0 : i32, i32, i32
  }
  func.func @transform_3(%arg0: i32) -> (i32, i32, i32) {
    %c1_i32 = arith.constant 1 : i32
    %c0_i32 = arith.constant 0 : i32
    %c0_i32_0 = arith.constant 0 : i32
    return %c1_i32, %arg0, %c0_i32 : i32, i32, i32
  }
  func.func @transform_4(%arg0: i32) -> (i32, i32) {
    %c0_i32 = arith.constant 0 : i32
    %c0_i32_0 = arith.constant 0 : i32
    return %arg0, %c0_i32 : i32, i32
  }
  func.func @transform_5(%arg0: i32) -> (i32, i32) {
    %c0_i32 = arith.constant 0 : i32
    %c0_i32_0 = arith.constant 0 : i32
    return %arg0, %c0_i32 : i32, i32
  }
}

</mosaic_0001>

<sc_bundles>
// kernel: kernel.16.cloned.1.call-start
scs
__scs_entry_jumppad:
0x0: {  	(pc) =	sbr.rel $0x88, $3  }
0x1: {  	(tag) =	ssettag $0x0;
	lr =	simm.s32 $0x1  }
0x2: {  	[smem:$0x3F9A] =	sst lr;
	_ =	strace $0xD0000000  }
0x3: {  	_ = 	snop  }
0x4: {  	_ = 	snop  }
0x5: {  	_ = 	snop  }
0x6: {  	_ = 	snop  }
0x7: {  	_ = 	snop  }
__scs_overlays_trampoline_lowered:
0x8: {  	[smem:$0x3FA9] =	sst s0  }
0x9: {  	[smem:$0x3FAA] =	sst s1  }
0xa: {  	[smem:$0x3FAB] =	sst s2  }
0xb: {  	[smem:$0x3FAC] =	sst s3  }
0xc: {  	[smem:$0x3FAD] =	sst s4  }
0xd: {  	[smem:$0x3FAE] =	sst s5  }
0xe: {  	[smem:$0x3FAF] =	sst s6  }
0xf: {  	[smem:$0x3FB0] =	sst s7  }
0x10: {  	[smem:$0x3FB1] =	sst s8  }
0x11: {  	[smem:$0x3FB2] =	sst s9;
	s0 =	simm.s32 @!p0 $0x0  }
0x12: {  	s1 =	sld [smem:$0x3F98];
	s0 =	simm.s32 @p0 $0x1  }
0x13: {  	[smem:$0x3FB3] =	sst s0;
	s0 =	simm.s32 @!p1 $0x0  }
0x14: {  	s2 =	sld [smem:$0x3F97];
	s0 =	simm.s32 @p1 $0x1  }
0x15: {  	[smem:$0x3FB4] =	sst s0;
	s0 =	simm.s32 @!p2 $0x0  }
0x16: {  	s3 =	sld [smem:$0x3FDB];
	s0 =	simm.s32 @p2 $0x1  }
0x17: {  	s4 =	simm.s32 $0x1BF5;
	[smem:$0x3FB6] =	sst s0  }
0x18: {  	s0 =	sld [smem:$0x3F99];
	_ =	swait.ge [sflag:s4], $0x0  }
0x19: {  	s7 =	sld [smem:$0x3F9A]  }
0x1a: {  	s8 =	sadd.s32 $0xFFFFE003, lr  }
0x1b: {  	s9 =	sadd.s32 $0xFFFFFEF7, lr;
	s5 =	simm.s32 $0xFFFFFFFF;
	p2 =	slt.u32 s8, $0xFFFFF086  }
0x1c: {  	p1 =	slt.u32 s9, $0xF7A;
	s5 =	simm.s32 @!p2 $0x0  }
0x1d: {  	s5 =	simm.s32 @p1 $0x1;
	p0 =	seq.s32 s7, s2  }
0x1e: {  	s7 =	smul.u32 @!p0 $0xF7A, s2;
	p2 =	seq.s32 @!p0 s5, $0x0  }
0x1f: {  	s9 =	smul.u32 $0xF7A, s1;
	s8 =	simm.s32 @!p0 $0x1BF5;
	p2 =	por !p2, p0  }
0x20: {  	[sflag:s8] =	ssyncset.s32 @!p0 $0xFFFFF086;
	s6 =	sadd.s32 @!p0 s3, s7;
	s7 =	simm.s32 @!p0 $0x108  }
0x21: {  	s3 =	sadd.s32 s3, s9;
	s6 =	sadd.s32 @!p0 $0x88, s6;
	s7 =	simm.s32 @p2 $0x1082  }
0x22: {  	[simem:s7], [sflag:s8] =	dma.local @!p0 [hbm:s6], $0xF7A  }
0x23: {  	s9 =	sor.u32 $0xD0000000, s2;
	s6 =	simm.s32 $0x108;
	_ =	swait.ge @!p0 [sflag:s8], $0x0  }
0x24: {  	s3 =	sadd.s32 $0x88, s3;
	s6 =	simm.s32 @!p1 $0x1082;
	[sflag:s4] =	ssyncset.s32 $0xFFFFF086  }
0x25: {  	[simem:s6], [sflag:s4] =	dma.local [hbm:s3], $0xF7A  }
0x26: {  	[smem:$0x3F9A] =	sst s1;
	(tag) =	ssettag s2;
	_ =	strace s9  }
0x27: {  	s1 =	sld [smem:$0x3FAA]  }
0x28: {  	s2 =	sld [smem:$0x3FAB]  }
0x29: {  	s4 =	sld [smem:$0x3FAD]  }
0x2a: {  	p0 =	seq.s32 s5, $0x0;
	s5 =	sld [smem:$0x3FAE]  }
0x2b: {  	s6 =	sld [smem:$0x3FAF]  }
0x2c: {  	s7 =	sld [smem:$0x3FB0]  }
0x2d: {  	s3 =	simm.s32 $0x108;
	s8 =	sld [smem:$0x3FB1]  }
0x2e: {  	s3 =	simm.s32 @!p0 $0x1082;
	s9 =	sld [smem:$0x3FB2]  }
0x2f: {  	lr =	sadd.s32 s0, s3;
	s0 =	sld [smem:$0x3FA9]  }
0x30: {  	s3 =	sld [smem:$0x3FAC]  }
0x31: {  	[smem:$0x3FB5] =	sst s10  }
0x32: {  	s10 =	sld [smem:$0x3FB3];
	_ =	sdelay $0x3  }
0x33: {  	p0 =	seq.s32 s10, $0x1;
	s10 =	sld [smem:$0x3FB5];
	_ =	sdelay $0x3  }
0x34: {  	[smem:$0x3FB5] =	sst s10  }
0x35: {  	s10 =	sld [smem:$0x3FB4];
	_ =	sdelay $0x3  }
0x36: {  	p1 =	seq.s32 s10, $0x1;
	s10 =	sld [smem:$0x3FB5];
	_ =	sdelay $0x3  }
0x37: {  	[smem:$0x3FB5] =	sst s10  }
0x38: {  	s10 =	sld [smem:$0x3FB6]  }
0x39: {  	_ = 	snop;
	(pc) =	sbr.ind lr, $3  }
0x3a: {  	_ = 	snop  }
0x3b: {  	_ = 	snop  }
0x3c: {  	p2 =	seq.s32 s10, $0x1;
	s10 =	sld [smem:$0x3FB5]  }
0x3d: {  	_ =	shalt  }
0x3e: {  	_ =	shalt  }
0x3f: {  	_ =	shalt  }
0x40: {  	_ =	shalt  }
0x41: {  	_ =	shalt  }
0x42: {  	_ =	shalt  }
0x43: {  	_ =	shalt  }
0x44: {  	_ =	shalt  }
0x45: {  	_ =	shalt  }
0x46: {  	_ =	shalt  }
0x47: {  	_ =	shalt  }
0x48: {  	_ =	shalt  }
0x49: {  	_ =	shalt  }
0x4a: {  	_ =	shalt  }
0x4b: {  	_ =	shalt  }
0x4c: {  	_ =	shalt  }
0x4d: {  	_ =	shalt  }
0x4e: {  	_ =	shalt  }
0x4f: {  	_ =	shalt  }
0x50: {  	_ =	shalt  }
0x51: {  	_ =	shalt  }
0x52: {  	_ =	shalt  }
0x53: {  	_ =	shalt  }
0x54: {  	_ =	shalt  }
0x55: {  	_ =	shalt  }
0x56: {  	_ =	shalt  }
0x57: {  	_ =	shalt  }
0x58: {  	_ =	shalt  }
0x59: {  	_ =	shalt  }
0x5a: {  	_ =	shalt  }
0x5b: {  	_ =	shalt  }
0x5c: {  	_ =	shalt  }
0x5d: {  	_ =	shalt  }
0x5e: {  	_ =	shalt  }
0x5f: {  	_ =	shalt  }
0x60: {  	_ =	shalt  }
0x61: {  	_ =	shalt  }
0x62: {  	_ =	shalt  }
0x63: {  	_ =	shalt  }
0x64: {  	_ =	shalt  }
0x65: {  	_ =	shalt  }
0x66: {  	_ =	shalt  }
0x67: {  	_ =	shalt  }
0x68: {  	_ =	shalt  }
0x69: {  	_ =	shalt  }
0x6a: {  	_ =	shalt  }
0x6b: {  	_ =	shalt  }
0x6c: {  	_ =	shalt  }
0x6d: {  	_ =	shalt  }
0x6e: {  	_ =	shalt  }
0x6f: {  	_ =	shalt  }
0x70: {  	_ =	shalt  }
0x71: {  	_ =	shalt  }
0x72: {  	_ =	shalt  }
0x73: {  	_ =	shalt  }
0x74: {  	_ =	shalt  }
0x75: {  	_ =	shalt  }
0x76: {  	_ =	shalt  }
0x77: {  	_ =	shalt  }
0x78: {  	_ =	shalt  }
0x79: {  	_ =	shalt  }
0x7a: {  	_ =	shalt  }
0x7b: {  	_ =	shalt  }
0x7c: {  	_ =	shalt  }
0x7d: {  	_ =	shalt  }
0x7e: {  	_ =	shalt  }
0x7f: {  	_ =	shalt  }
0x80: {  	_ =	shalt  }
0x81: {  	_ =	shalt  }
0x82: {  	_ =	shalt  }
0x83: {  	_ =	shalt  }
0x84: {  	_ =	shalt  }
0x85: {  	_ =	shalt  }
0x86: {  	_ =	shalt  }
0x87: {  	_ =	shalt  }
.Lfunc_end0:
.L_simem_size_0:
called_computation_lowered:
.L_overlay_start_0:
0x88: {  	s2 =	sld [smem:$0x3FD9]  }
0x89: {  	s3 =	sld [smem:$0x3FFE];
	_ =	sdelay $0x1  }
0x8a: {  	s1 =	srdreg.scid  }
0x8b: {  	s0 =	sand.u32 $0x1, s1  }
0x8c: {  	s17 =	sshll.u32 s0, $0xA;
	s2 =	sadd.s32 s3, s2  }
0x8d: {  	s2 =	sadd.s32 s2, s17  }
0x8e: {  	[smem:$0x3FC1] =	sst s2  }
0x8f: {  	_ = 	snop  }
0x90: {  	(tm) =	ssettm $0x1  }
0x91: {  	s18 =	sld [smem:$0x3FFB];
	_ =	sdelay $0x3  }
0x92: {  	_ =	strace s18  }
0x93: {  	s2 =	sld [smem:$0x3FFC];
	_ =	sdelay $0x3  }
0x94: {  	_ =	strace s2  }
0x95: {  	s2 =	sld [smem:$0x3FFD];
	_ =	sdelay $0x3  }
0x96: {  	_ =	strace s2  }
0x97: {  	_ =	strace $0x8FFFFFFF  }
0x98: {  	s19 =	sld [smem:$0x3FDB];
	_ =	sdelay $0x1  }
0x99: {  	s20 =	simm.s32 $_scs_section_size  }
0x9a: {  	s4 =	simm.s32 $_size__tile_overlayer_lowered;
	s5 =	simm.s32 $_tile_overlayer_lowered  }
0x9b: {  	s6 =	simm.s32 $0x1BFF;
	s21 =	sshll.u32 s5, $0x1;
	s3 =	sadd.s32 s20, s19  }
0x9c: {  	s22 =	simm.s32 $0x0;
	s4 =	sshll.u32 s4, $0x1;
	s5 =	sadd.s32 s21, s3  }
0x9d: {  	[timem:s22], [sflag:s6] =	dma.local [hbm:s5], s4  }
0x9e: {  	_ =	swait.ge [sflag:s6], s4  }
0x9f: {  	s4 =	ssub.s32 $0x0, s4;
	[sflag:s6] =	ssyncset.done $0x0  }
0xa0: {  	[sflag:s6] =	ssyncadd.s32 s4;
	_ =	sdelay $0x1  }
0xa1: {  	s23 =	simm.s32 $0x1B8B  }
0xa2: {  	_ =	swait.ge [sflag:s23], $0x1  }
0xa3: {  	[sflag:s23] =	ssyncset.done $0x0  }
0xa4: {  	[sflag:s23] =	ssyncadd.s32 $0xFFFFFFFF  }
0xa5: {  	s4 =	sld [smem:$0x0]  }
0xa6: {  	s5 =	sand.u32 $0xFFFFFFFE, s1  }
0xa7: {  	p0 =	sne.s32 s1, s5  }
0xa8: {  	s5 =	sshll.u32 @p0 s5, $0xE  }
0xa9: {  	s5 =	sadd.s32 @p0 $0x11B8D, s5;
	s6 =	sshll.u32 @p0 s4, $0x11  }
0xaa: {  	s5 =	sor.u32 @p0 s6, s5  }
0xab: {  	[sflag:s5] =	ssyncadd.remote.s32 @p0 $0x1;
	_ =	sdelay $0x1  }
0xac: {  	s5 =	simm.s32 @p0 $0x1B8D  }
0xad: {  	_ =	swait.eq @p0 [sflag:s5], $0x1  }
0xae: {  	[sflag:s5] =	ssyncadd.s32 @p0 $0xFFFFFFFF  }
0xaf: {  	s6 =	sshll.u32 @!p0 s1, $0xE  }
0xb0: {  	s6 =	sor.u32 @!p0 $0x4000, s6;
	s5 =	simm.s32 @!p0 $0x1B8D  }
0xb1: {  	s4 =	sshll.u32 @!p0 s4, $0x11;
	s6 =	sadd.s32 @!p0 $0x11B8D, s6;
	_ =	swait.eq @!p0 [sflag:s5], $0x1  }
0xb2: {  	s4 =	sor.u32 @!p0 s4, s6;
	[sflag:s5] =	ssyncadd.s32 @!p0 $0xFFFFFFFF  }
0xb3: {  	s25 =	simm.s32 $0x1B8E;
	s24 =	sld [smem:$0x3FFE];
	[sflag:s4] =	ssyncadd.remote.s32 @!p0 $0x1  }
0xb4: {  	s26 =	simm.s32 $execute0_lowered;
	[smem:$0x3FD2] =	sst s25  }
0xb5: {  	s5 =	sshll.u32 s26, $0x1;
	_ =	strace $0x80000049;
	[dreg:$0x1] =	wrdreg $0xFFFFFFFF  }
0xb6: {  	s28 =	simm.s32 $_size_execute0_lowered;
	s3 =	sadd.s32 s3, s5;
	[dreg:$0x0] =	wrdreg $0x0  }
0xb7: {  	s5 =	sshll.u32 s28, $0x1;
	[dreg:$0x2] =	wrdreg s3  }
0xb8: {  	[dreg:$0x3] =	wrdreg s5  }
0xb9: {  	[dreg:$0x4] =	wrdreg $0xC0  }
0xba: {  	_ =	task [dreg:s22], $0x5FFFF  }
0xbb: {  	[dreg:$0x1] =	wrdreg $0xFFFFFFFF  }
0xbc: {  	[dreg:$0x0] =	wrdreg $0x60  }
0xbd: {  	[dreg:$0x2] =	wrdreg s24  }
0xbe: {  	[dreg:$0x3] =	wrdreg $0x9  }
0xbf: {  	_ =	task.clear_ibuf [dreg:s22], $0x4FFFF;
	_ =	strace $0x90000049  }
0xc0: {  	s29 =	simm.s32 $0x9;
	_ =	strace $0x8000004B  }
0xc1: {  	_ =	swait.ge [sflag:s29], $0x1  }
0xc2: {  	[sflag:s29] =	ssyncadd.s32 $0xFFFFFFFF  }
0xc3: {  	_ =	strace $0x9000004B  }
0xc4: {  	_ =	sfence  }
0xc5: {  	s30 =	sld [smem:$0x0];
	_ =	sdelay $0x2  }
0xc6: {  	s31 =	sshll.u32 s1, $0xD;
	s1 =	sshrl.u32 s1, $0x2  }
0xc7: {  	s4 =	sand.u32 $0x4000, s31;
	s1 =	sadd.s32 s1, s30  }
0xc8: {  	s0 =	sor.u32 s4, s0;
	s1 =	sshll.u32 s1, $0x11  }
0xc9: {  	s0 =	sor.u32 s1, s0  }
0xca: {  	s0 =	sadd.s32 $0x8F2B, s0  }
0xcb: {  	[sflag:s0] =	ssyncadd.remote.s32 $0x1  }
0xcc: {  	_ =	sfence.sel $0xFFFF  }
0xcd: {  	[dreg:$0x0] =	wrdreg $0xFFFFFFFF;
	(pc) =	sbr.abs _section_cstart, $3  }
0xce: {  	[dreg:$0x1] =	wrdreg $0xFFFFFFFF  }
0xcf: {  	_ =	task.clear_ibuf [dreg:s22], $0x2FFFF;
	_ =	strace $0x9FFFFFFF  }
0xd0: {  	(tm) =	ssettm $0x7FFFFFFF  }
0xd1: {  	_ =	shalt  }
tec
execute0_lowered:
.L_overlay_start_1:
0x0: {  	(tag) =	ssettag $0x1  }
0x1: {  	s0 =	srdreg.scid  }
0x2: {  	s11 =	stileid.u32;
	s1 =	rddreg [dreg:$0x0];
	s2 =	simm.s32 $0x0  }
0x3: {  	s25 =	simm.s32 $0xA080;
	s12 =	simm.s32 $0xC900;
	s13 =	simm.s32 $0xD100  }
0x4: {  	s14 =	simm.s32 $0xD900;
	s15 =	simm.s32 $0xE100;
	s16 =	simm.s32 $0xE900  }
0x5: {  	s17 =	simm.s32 $0xF100;
	s18 =	simm.s32 $0xF900;
	s19 =	simm.s32 $0x10100  }
0x6: {  	s20 =	simm.s32 $0x10900;
	s28 =	simm.s32 $0x8880;
	[smem:$0x7FF] =	sst s2  }
0x7: {  	s29 =	simm.s32 $0x9080;
	_ =	strace $0x8000004A;
	[dreg:$0x4] =	wrdreg s25  }
0x8: {  	s30 =	simm.s32 $0x9880;
	s31 =	simm.s32 $0xA100;
	[dreg:$0x9] =	wrdreg s12  }
0x9: {  	s0 =	sand.u32 $0x1, s0;
	s3 =	sshll.u32 s11, $0x1;
	[dreg:$0xa] =	wrdreg s13  }
0xa: {  	s6 =	smul.u32 $0x4E20, s11;
	s9 =	sadd.s32 $0x3000, s1;
	[dreg:$0xb] =	wrdreg s14  }
0xb: {  	s10 =	sadd.s32 $0x1431200, s1;
	s3 =	sor.u32 s0, s3;
	[dreg:$0xc] =	wrdreg s15  }
0xc: {  	s4 =	ssub.s32 $0x2, s0;
	s8 =	smul.u32 $0x2710, s0;
	[dreg:$0xd] =	wrdreg s16  }
0xd: {  	s0 =	smul.u32 $0x9C400, s0;
	s12 =	simm.s32 $0x1080;
	[dreg:$0xe] =	wrdreg s17  }
0xe: {  	s13 =	simm.s32 $0x1880;
	s14 =	simm.s32 $0x2080;
	[dreg:$0xf] =	wrdreg s18  }
0xf: {  	s15 =	simm.s32 $0x2880;
	s16 =	simm.s32 $0x3080;
	[dreg:$0x10] =	wrdreg s19  }
0x10: {  	s17 =	simm.s32 $0x3880;
	[dreg:$0x11] =	wrdreg s20;
	s18 =	simm.s32 $0x4080  }
0x11: {  	s19 =	simm.s32 $0x4880;
	s20 =	simm.s32 $0x5080;
	s25 =	simm.s32 $0x13100  }
0x12: {  	s5 =	smul.u32 $0x2710, s3;
	s3 =	sadd.s32 $0xCE00, s1;
	s7 =	sshrl.u32 s4, $0x1  }
0x13: {  	[dreg:$0x16] =	wrdreg s25;
	s25 =	simm.s32 $0x7880;
	s7 =	ssub.s32 s4, s7  }
0x14: {  	s4 =	sadd.s32 $0xCF00, s1;
	s22 =	sadd.s32 s8, s6;
	s21 =	sadd.s32 $0x26C0, s5  }
0x15: {  	s8 =	sshrl.u32 s22, $0x3;
	s5 =	sadd.s32 $0x50, s22;
	s26 =	smax.u32 s7, $0x1  }
0x16: {  	s7 =	smul.u32 $0x138800, s11;
	s11 =	simm.s32 $0xC100;
	[dreg:$0x1a] =	wrdreg s26  }
0x17: {  	s22 =	simm.s32 $0x11900;
	s23 =	sshrl.u32 s21, $0x3;
	[dreg:$0x8] =	wrdreg s11  }
0x18: {  	s24 =	sadd.s32 s8, s9;
	s5 =	sshrl.u32 s5, $0x3;
	[dreg:$0x13] =	wrdreg s22  }
0x19: {  	s1 =	sshll.u32 s21, $0x6;
	s8 =	simm.s32 $0xB100;
	[dreg:$0x2] =	wrdreg s24  }
0x1a: {  	s11 =	simm.s32 $0x880;
	s21 =	simm.s32 $0x11100;
	[dreg:$0x6] =	wrdreg s8  }
0x1b: {  	s22 =	simm.s32 $0x6080;
	s26 =	simm.s32 $0x13900;
	[dreg:$0x12] =	wrdreg s21  }
0x1c: {  	s6 =	sadd.s32 s9, s23;
	s5 =	sadd.s32 s5, s9;
	[dreg:$0x17] =	wrdreg s26  }
0x1d: {  	s1 =	sadd.s32 s10, s1;
	s9 =	simm.s32 $0xB900;
	[dreg:$0x18] =	wrdreg s6  }
0x1e: {  	s23 =	simm.s32 $0x12100;
	s24 =	simm.s32 $0x12900;
	[dreg:$0x19] =	wrdreg s1  }
0x1f: {  	s21 =	simm.s32 $0x5880;
	s26 =	simm.s32 $0x8080;
	[dreg:$0x3] =	wrdreg s5  }
0x20: {  	s6 =	simm.s32 $0xA900;
	s5 =	sadd.s32 s7, s10;
	[dreg:$0x7] =	wrdreg s9  }
0x21: {  	s9 =	simm.s32 $0x3;
	s10 =	simm.s32 $0x80;
	[dreg:$0x14] =	wrdreg s23  }
0x22: {  	v2 =	vlaneseq.u32;
	[dreg:$0x15] =	wrdreg s24;
	s23 =	simm.s32 $0x6880;
	s24 =	simm.s32 $0x7080  }
0x23: {  	vm0 =	vmmov $0xffff;
	v1 =	vshrl.u32 v2, $0x3;
	s1 =	simm.s32 $0x1;
	[dreg:$0x5] =	wrdreg s6;
	s0 =	sadd.s32 s0, s5  }
0x24: {  	v0 =	vand.u32 $0x7, v2;
	v2 =	vor.u32 $0x8, v2;
	v1 =	vmul.u32 $0x8, v1;
	s6 =	simm.s32 $0x0;
	[dreg:$0x1b] =	wrdreg s0;
	s0 =	simm.s32 $0x2  }
.LBB2_1:
0x25: {  	[dreg:$0x1c] =	wrdreg s6  }
0x26: {  	s8 =	rddreg [dreg:$0x1b];
	s7 =	simm.s32 $0x0  }
.LBB2_2:
0x27: {  	s6 =	rddreg [dreg:$0x2]  }
0x28: {  	s6 =	sadd.s32 s7, s6  }
0x29: {  	[tilespmem:s2], [sflag:$0x3] =	stream.linear.gather [hbm4b:s6+s2], $0x50, $0x38;
	[tilespmem:$0x14100] =	vst v63  }
0x2a: {  	_ =	swait.ge [sflag:s9], $0x50  }
0x2b: {  	s6 =	rddreg [dreg:$0x3];
	[sflag:s9] =	ssyncset.done $0x0  }
0x2c: {  	s5 =	rddreg [dreg:$0x4];
	[sflag:s9] =	ssyncadd.s32 $0xFFFFFFB0;
	s6 =	sadd.s32 s7, s6  }
0x2d: {  	[tilespmem:s5], [sflag:$0x3] =	stream.linear.gather [hbm4b:s6+s2], $0x50, $0x38;
	[tilespmem:$0x14100] =	vst v63  }
0x2e: {  	_ =	swait.ge [sflag:s9], $0x50  }
0x2f: {  	[sflag:s9] =	ssyncset.done $0x0  }
0x30: {  	[sflag:s9] =	ssyncadd.s32 $0xFFFFFFB0  }
0x31: {  	v3 =	vld [tilespmem:$0x0];
	_ =	sdelay $0x4  }
0x32: {  	v4 =	vshll.u32 v3, $0x2  }
0x33: {  	v3 =	vand.u32 $0x7, v3;
	v4 =	vand.u32 $0xFFFFFFE0, v4  }
0x34: {  	v3 =	vor.u32 v3, v4  }
0x35: {  	v4 =	vperm.xlane v3, v0;
	_ =	sdelay $0x1  }
0x36: {  	v4 =	vadd.s32 v1, v4;
	_ =	sdelay $0x1  }
0x37: {  	v3 =	vperm.xlane v3, v2;
	_ =	sdelay $0x1  }
0x38: {  	v3 =	vadd.s32 v1, v3  }
0x39: {  	[tilespmem:s10], [sflag:$0x1] =	stream.indirect_vreg.gather [hbm4b:s3+s2], $0x80, v4, vm0, $0xb8;
	[tilespmem:$0x14100] =	vst v63  }
0x3a: {  	_ = 	snop  }
0x3b: {  	[tilespmem:s11], [sflag:$0x1] =	stream.indirect_vreg.gather [hbm4b:s4+s2], $0x80, v4, vm0, $0xb8;
	[tilespmem:$0x14100] =	vst v63  }
0x3c: {  	_ = 	snop  }
0x3d: {  	[tilespmem:s12], [sflag:$0x1] =	stream.indirect_vreg.gather [hbm4b:s3+s2], $0x80, v3, vm0, $0xb8;
	[tilespmem:$0x14100] =	vst v63  }
0x3e: {  	_ = 	snop  }
0x3f: {  	[tilespmem:s13], [sflag:$0x1] =	stream.indirect_vreg.gather [hbm4b:s4+s2], $0x80, v3, vm0, $0xb8;
	[tilespmem:$0x14100] =	vst v63  }
0x40: {  	v3 =	vld [tilespmem:$0x10];
	_ =	sdelay $0x4  }
0x41: {  	v55 =	vshll.u32 v3, $0x2  }
0x42: {  	v3 =	vand.u32 $0x7, v3;
	v4 =	vand.u32 $0xFFFFFFE0, v55  }
0x43: {  	v3 =	vor.u32 v3, v4  }
0x44: {  	v4 =	vperm.xlane v3, v0;
	_ =	sdelay $0x1  }
0x45: {  	v4 =	vadd.s32 v1, v4;
	_ =	sdelay $0x1  }
0x46: {  	v3 =	vperm.xlane v3, v2;
	_ =	sdelay $0x1  }
0x47: {  	v3 =	vadd.s32 v1, v3  }
0x48: {  	[tilespmem:s14], [sflag:$0x1] =	stream.indirect_vreg.gather [hbm4b:s3+s2], $0x80, v4, vm0, $0xb8;
	[tilespmem:$0x14100] =	vst v63  }
0x49: {  	_ = 	snop  }
0x4a: {  	[tilespmem:s15], [sflag:$0x1] =	stream.indirect_vreg.gather [hbm4b:s4+s2], $0x80, v4, vm0, $0xb8;
	[tilespmem:$0x14100] =	vst v63  }
0x4b: {  	_ = 	snop  }
0x4c: {  	[tilespmem:s16], [sflag:$0x1] =	stream.indirect_vreg.gather [hbm4b:s3+s2], $0x80, v3, vm0, $0xb8;
	[tilespmem:$0x14100] =	vst v63  }
0x4d: {  	_ = 	snop  }
0x4e: {  	[tilespmem:s17], [sflag:$0x1] =	stream.indirect_vreg.gather [hbm4b:s4+s2], $0x80, v3, vm0, $0xb8;
	[tilespmem:$0x14100] =	vst v63  }
0x4f: {  	v3 =	vld [tilespmem:$0x20];
	_ =	sdelay $0x4  }
0x50: {  	v56 =	vshll.u32 v3, $0x2  }
0x51: {  	v3 =	vand.u32 $0x7, v3;
	v4 =	vand.u32 $0xFFFFFFE0, v56  }
0x52: {  	v3 =	vor.u32 v3, v4  }
0x53: {  	v4 =	vperm.xlane v3, v0;
	_ =	sdelay $0x1  }
0x54: {  	v4 =	vadd.s32 v1, v4;
	_ =	sdelay $0x1  }
0x55: {  	v3 =	vperm.xlane v3, v2;
	_ =	sdelay $0x1  }
0x56: {  	v3 =	vadd.s32 v1, v3  }
0x57: {  	[tilespmem:s18], [sflag:$0x1] =	stream.indirect_vreg.gather [hbm4b:s3+s2], $0x80, v4, vm0, $0xb8;
	[tilespmem:$0x14100] =	vst v63  }
0x58: {  	_ = 	snop  }
0x59: {  	[tilespmem:s19], [sflag:$0x1] =	stream.indirect_vreg.gather [hbm4b:s4+s2], $0x80, v4, vm0, $0xb8;
	[tilespmem:$0x14100] =	vst v63  }
0x5a: {  	_ = 	snop  }
0x5b: {  	[tilespmem:s20], [sflag:$0x1] =	stream.indirect_vreg.gather [hbm4b:s3+s2], $0x80, v3, vm0, $0xb8;
	[tilespmem:$0x14100] =	vst v63  }
0x5c: {  	_ = 	snop  }
0x5d: {  	[tilespmem:s21], [sflag:$0x1] =	stream.indirect_vreg.gather [hbm4b:s4+s2], $0x80, v3, vm0, $0xb8;
	[tilespmem:$0x14100] =	vst v63  }
0x5e: {  	v3 =	vld [tilespmem:$0x30];
	_ =	sdelay $0x4  }
0x5f: {  	v57 =	vshll.u32 v3, $0x2  }
0x60: {  	v3 =	vand.u32 $0x7, v3;
	v4 =	vand.u32 $0xFFFFFFE0, v57  }
0x61: {  	v3 =	vor.u32 v3, v4  }
0x62: {  	v4 =	vperm.xlane v3, v0;
	_ =	sdelay $0x1  }
0x63: {  	v4 =	vadd.s32 v1, v4;
	_ =	sdelay $0x1  }
0x64: {  	v3 =	vperm.xlane v3, v2;
	_ =	sdelay $0x1  }
0x65: {  	v3 =	vadd.s32 v1, v3  }
0x66: {  	[tilespmem:s22], [sflag:$0x1] =	stream.indirect_vreg.gather [hbm4b:s3+s2], $0x80, v4, vm0, $0xb8;
	[tilespmem:$0x14100] =	vst v63  }
0x67: {  	_ = 	snop  }
0x68: {  	[tilespmem:s23], [sflag:$0x1] =	stream.indirect_vreg.gather [hbm4b:s4+s2], $0x80, v4, vm0, $0xb8;
	[tilespmem:$0x14100] =	vst v63  }
0x69: {  	_ = 	snop  }
0x6a: {  	[tilespmem:s24], [sflag:$0x1] =	stream.indirect_vreg.gather [hbm4b:s3+s2], $0x80, v3, vm0, $0xb8;
	[tilespmem:$0x14100] =	vst v63  }
0x6b: {  	_ = 	snop  }
0x6c: {  	[tilespmem:s25], [sflag:$0x1] =	stream.indirect_vreg.gather [hbm4b:s4+s2], $0x80, v3, vm0, $0xb8;
	[tilespmem:$0x14100] =	vst v63  }
0x6d: {  	v3 =	vld [tilespmem:$0x40];
	_ =	sdelay $0x4  }
0x6e: {  	v58 =	vshll.u32 v3, $0x2  }
0x6f: {  	v3 =	vand.u32 $0x7, v3;
	v4 =	vand.u32 $0xFFFFFFE0, v58  }
0x70: {  	v3 =	vor.u32 v3, v4  }
0x71: {  	v4 =	vperm.xlane v3, v0;
	_ =	sdelay $0x1  }
0x72: {  	v4 =	vadd.s32 v1, v4;
	_ =	sdelay $0x1  }
0x73: {  	v3 =	vperm.xlane v3, v2;
	_ =	sdelay $0x1  }
0x74: {  	v3 =	vadd.s32 v1, v3  }
0x75: {  	[tilespmem:s26], [sflag:$0x1] =	stream.indirect_vreg.gather [hbm4b:s3+s2], $0x80, v4, vm0, $0xb8;
	[tilespmem:$0x14100] =	vst v63  }
0x76: {  	_ = 	snop  }
0x77: {  	[tilespmem:s28], [sflag:$0x1] =	stream.indirect_vreg.gather [hbm4b:s4+s2], $0x80, v4, vm0, $0xb8;
	[tilespmem:$0x14100] =	vst v63  }
0x78: {  	_ = 	snop  }
0x79: {  	[tilespmem:s29], [sflag:$0x1] =	stream.indirect_vreg.gather [hbm4b:s3+s2], $0x80, v3, vm0, $0xb8;
	[tilespmem:$0x14100] =	vst v63  }
0x7a: {  	_ = 	snop  }
0x7b: {  	[tilespmem:s30], [sflag:$0x1] =	stream.indirect_vreg.gather [hbm4b:s4+s2], $0x80, v3, vm0, $0xb8;
	[tilespmem:$0x14100] =	vst v63  }
0x7c: {  	v3 =	vld [tilespmem:$0xA080];
	_ =	sdelay $0x4  }
0x7d: {  	v59 =	vshll.u32 v3, $0x2  }
0x7e: {  	v3 =	vand.u32 $0x7, v3;
	v4 =	vand.u32 $0xFFFFFFE0, v59  }
0x7f: {  	v3 =	vor.u32 v3, v4  }
0x80: {  	v4 =	vperm.xlane v3, v0;
	_ =	sdelay $0x1  }
0x81: {  	v4 =	vadd.s32 v1, v4;
	_ =	sdelay $0x1  }
0x82: {  	v3 =	vperm.xlane v3, v2;
	_ =	sdelay $0x1  }
0x83: {  	v3 =	vadd.s32 v1, v3  }
0x84: {  	[tilespmem:s31], [sflag:$0x2] =	stream.indirect_vreg.gather [hbm4b:s3+s2], $0x80, v4, vm0, $0xb8;
	[tilespmem:$0x14100] =	vst v63  }
0x85: {  	s5 =	rddreg [dreg:$0x5]  }
0x86: {  	[tilespmem:s5], [sflag:$0x2] =	stream.indirect_vreg.gather [hbm4b:s4+s2], $0x80, v4, vm0, $0xb8;
	[tilespmem:$0x14100] =	vst v63  }
0x87: {  	s6 =	rddreg [dreg:$0x6]  }
0x88: {  	[tilespmem:s6], [sflag:$0x2] =	stream.indirect_vreg.gather [hbm4b:s3+s2], $0x80, v3, vm0, $0xb8;
	[tilespmem:$0x14100] =	vst v63  }
0x89: {  	s5 =	rddreg [dreg:$0x7]  }
0x8a: {  	[tilespmem:s5], [sflag:$0x2] =	stream.indirect_vreg.gather [hbm4b:s4+s2], $0x80, v3, vm0, $0xb8;
	[tilespmem:$0x14100] =	vst v63  }
0x8b: {  	v3 =	vld [tilespmem:$0xA090];
	_ =	sdelay $0x4  }
0x8c: {  	v60 =	vshll.u32 v3, $0x2  }
0x8d: {  	v3 =	vand.u32 $0x7, v3;
	v4 =	vand.u32 $0xFFFFFFE0, v60  }
0x8e: {  	v3 =	vor.u32 v3, v4  }
0x8f: {  	v4 =	vperm.xlane v3, v0;
	_ =	sdelay $0x1  }
0x90: {  	v4 =	vadd.s32 v1, v4;
	_ =	sdelay $0x1  }
0x91: {  	v3 =	vperm.xlane v3, v2;
	_ =	sdelay $0x1  }
0x92: {  	s5 =	rddreg [dreg:$0x8];
	v3 =	vadd.s32 v1, v3  }
0x93: {  	[tilespmem:s5], [sflag:$0x2] =	stream.indirect_vreg.gather [hbm4b:s3+s2], $0x80, v4, vm0, $0xb8;
	[tilespmem:$0x14100] =	vst v63  }
0x94: {  	s6 =	rddreg [dreg:$0x9]  }
0x95: {  	[tilespmem:s6], [sflag:$0x2] =	stream.indirect_vreg.gather [hbm4b:s4+s2], $0x80, v4, vm0, $0xb8;
	[tilespmem:$0x14100] =	vst v63  }
0x96: {  	s5 =	rddreg [dreg:$0xa]  }
0x97: {  	[tilespmem:s5], [sflag:$0x2] =	stream.indirect_vreg.gather [hbm4b:s3+s2], $0x80, v3, vm0, $0xb8;
	[tilespmem:$0x14100] =	vst v63  }
0x98: {  	s6 =	rddreg [dreg:$0xb]  }
0x99: {  	[tilespmem:s6], [sflag:$0x2] =	stream.indirect_vreg.gather [hbm4b:s4+s2], $0x80, v3, vm0, $0xb8;
	[tilespmem:$0x14100] =	vst v63  }
0x9a: {  	v3 =	vld [tilespmem:$0xA0A0];
	_ =	sdelay $0x4  }
0x9b: {  	v61 =	vshll.u32 v3, $0x2  }
0x9c: {  	v3 =	vand.u32 $0x7, v3;
	v4 =	vand.u32 $0xFFFFFFE0, v61  }
0x9d: {  	v3 =	vor.u32 v3, v4  }
0x9e: {  	v4 =	vperm.xlane v3, v0;
	_ =	sdelay $0x1  }
0x9f: {  	v4 =	vadd.s32 v1, v4;
	_ =	sdelay $0x1  }
0xa0: {  	v3 =	vperm.xlane v3, v2;
	_ =	sdelay $0x1  }
0xa1: {  	s5 =	rddreg [dreg:$0xc];
	v3 =	vadd.s32 v1, v3  }
0xa2: {  	[tilespmem:s5], [sflag:$0x2] =	stream.indirect_vreg.gather [hbm4b:s3+s2], $0x80, v4, vm0, $0xb8;
	[tilespmem:$0x14100] =	vst v63  }
0xa3: {  	s6 =	rddreg [dreg:$0xd]  }
0xa4: {  	[tilespmem:s6], [sflag:$0x2] =	stream.indirect_vreg.gather [hbm4b:s4+s2], $0x80, v4, vm0, $0xb8;
	[tilespmem:$0x14100] =	vst v63  }
0xa5: {  	s5 =	rddreg [dreg:$0xe]  }
0xa6: {  	[tilespmem:s5], [sflag:$0x2] =	stream.indirect_vreg.gather [hbm4b:s3+s2], $0x80, v3, vm0, $0xb8;
	[tilespmem:$0x14100] =	vst v63  }
0xa7: {  	s6 =	rddreg [dreg:$0xf]  }
0xa8: {  	[tilespmem:s6], [sflag:$0x2] =	stream.indirect_vreg.gather [hbm4b:s4+s2], $0x80, v3, vm0, $0xb8;
	[tilespmem:$0x14100] =	vst v63  }
0xa9: {  	v3 =	vld [tilespmem:$0xA0B0];
	_ =	sdelay $0x4  }
0xaa: {  	v62 =	vshll.u32 v3, $0x2  }
0xab: {  	v3 =	vand.u32 $0x7, v3;
	v4 =	vand.u32 $0xFFFFFFE0, v62  }
0xac: {  	v3 =	vor.u32 v3, v4  }
0xad: {  	v4 =	vperm.xlane v3, v0;
	_ =	sdelay $0x1  }
0xae: {  	v4 =	vadd.s32 v1, v4;
	_ =	sdelay $0x1  }
0xaf: {  	v3 =	vperm.xlane v3, v2;
	_ =	sdelay $0x1  }
0xb0: {  	s5 =	rddreg [dreg:$0x10];
	v3 =	vadd.s32 v1, v3  }
0xb1: {  	[tilespmem:s5], [sflag:$0x2] =	stream.indirect_vreg.gather [hbm4b:s3+s2], $0x80, v4, vm0, $0xb8;
	[tilespmem:$0x14100] =	vst v63  }
0xb2: {  	s6 =	rddreg [dreg:$0x11]  }
0xb3: {  	[tilespmem:s6], [sflag:$0x2] =	stream.indirect_vreg.gather [hbm4b:s4+s2], $0x80, v4, vm0, $0xb8;
	[tilespmem:$0x14100] =	vst v63  }
0xb4: {  	s5 =	rddreg [dreg:$0x12]  }
0xb5: {  	[tilespmem:s5], [sflag:$0x2] =	stream.indirect_vreg.gather [hbm4b:s3+s2], $0x80, v3, vm0, $0xb8;
	[tilespmem:$0x14100] =	vst v63  }
0xb6: {  	s6 =	rddreg [dreg:$0x13]  }
0xb7: {  	[tilespmem:s6], [sflag:$0x2] =	stream.indirect_vreg.gather [hbm4b:s4+s2], $0x80, v3, vm0, $0xb8;
	[tilespmem:$0x14100] =	vst v63  }
0xb8: {  	v3 =	vld [tilespmem:$0xA0C0];
	_ =	sdelay $0x4  }
0xb9: {  	v63 =	vshll.u32 v3, $0x2  }
0xba: {  	v3 =	vand.u32 $0x7, v3;
	v4 =	vand.u32 $0xFFFFFFE0, v63  }
0xbb: {  	v3 =	vor.u32 v3, v4  }
0xbc: {  	v4 =	vperm.xlane v3, v0;
	_ =	sdelay $0x1  }
0xbd: {  	v4 =	vadd.s32 v1, v4;
	_ =	sdelay $0x1  }
0xbe: {  	v3 =	vperm.xlane v3, v2;
	_ =	sdelay $0x1  }
0xbf: {  	s5 =	rddreg [dreg:$0x14];
	v3 =	vadd.s32 v1, v3  }
0xc0: {  	[tilespmem:s5], [sflag:$0x2] =	stream.indirect_vreg.gather [hbm4b:s3+s2], $0x80, v4, vm0, $0xb8;
	[tilespmem:$0x14100] =	vst v63  }
0xc1: {  	s6 =	rddreg [dreg:$0x15]  }
0xc2: {  	[tilespmem:s6], [sflag:$0x2] =	stream.indirect_vreg.gather [hbm4b:s4+s2], $0x80, v4, vm0, $0xb8;
	[tilespmem:$0x14100] =	vst v63  }
0xc3: {  	s5 =	rddreg [dreg:$0x16]  }
0xc4: {  	[tilespmem:s5], [sflag:$0x2] =	stream.indirect_vreg.gather [hbm4b:s3+s2], $0x80, v3, vm0, $0xb8;
	[tilespmem:$0x14100] =	vst v63  }
0xc5: {  	s6 =	rddreg [dreg:$0x17]  }
0xc6: {  	[tilespmem:s6], [sflag:$0x2] =	stream.indirect_vreg.gather [hbm4b:s4+s2], $0x80, v3, vm0, $0xb8;
	[tilespmem:$0x14100] =	vst v63  }
0xc7: {  	_ =	swait.ge [sflag:s1], $0xA000  }
0xc8: {  	[sflag:s1] =	ssyncset.done $0x0  }
0xc9: {  	[sflag:s1] =	ssyncadd.s32 $0xFFFF6000  }
0xca: {  	[hbm4b:s8+s2] =	stream.linear.scatter [tilespmem:s10], [sflag:$0x3], $0xA000, $0x38;
	[tilespmem:$0x14100] =	vst v63  }
0xcb: {  	_ =	swait.ge [sflag:s9], $0xA000  }
0xcc: {  	[sflag:s9] =	ssyncset.done $0x0  }
0xcd: {  	[sflag:s9] =	ssyncadd.s32 $0xFFFF6000  }
0xce: {  	_ =	swait.ge [sflag:s0], $0xA000  }
0xcf: {  	p0 =	sne.s32 s7, $0x4C4;
	[sflag:s0] =	ssyncset.done $0x0  }
.Ltmp0:
0xd0: {  	s6 =	sadd.s32 $0x1400, s8;
	[sflag:s0] =	ssyncadd.s32 $0xFFFF6000;
	(pc) =	sbr.rel @p0 .LBB2_2-.Ltmp0, $4  }
0xd1: {  	[hbm4b:s6+s2] =	stream.linear.scatter [tilespmem:s31], [sflag:$0x3], $0xA000, $0x38;
	[tilespmem:$0x14100] =	vst v63  }
0xd2: {  	_ =	swait.ge [sflag:s9], $0xA000  }
0xd3: {  	[sflag:s9] =	ssyncset.done $0x0  }
0xd4: {  	s7 =	sadd.s32 $0x14, s7;
	s8 =	sadd.s32 $0x2800, s8;
	[sflag:s9] =	ssyncadd.s32 $0xFFFF6000  }
0xd5: {  	s5 =	rddreg [dreg:$0x18]  }
0xd6: {  	[tilespmem:s2], [sflag:$0x3] =	stream.linear.gather [hbm4b:s5+s2], $0x50, $0x38;
	[tilespmem:$0x14100] =	vst v63  }
0xd7: {  	_ =	swait.ge [sflag:s9], $0x50  }
0xd8: {  	[sflag:s9] =	ssyncset.done $0x0  }
0xd9: {  	[sflag:s9] =	ssyncadd.s32 $0xFFFFFFB0  }
0xda: {  	v3 =	vld [tilespmem:$0x0];
	_ =	sdelay $0x4  }
0xdb: {  	v4 =	vshll.u32 v3, $0x2  }
0xdc: {  	v3 =	vand.u32 $0x7, v3;
	v4 =	vand.u32 $0xFFFFFFE0, v4  }
0xdd: {  	v3 =	vor.u32 v3, v4  }
0xde: {  	v4 =	vperm.xlane v3, v0;
	_ =	sdelay $0x1  }
0xdf: {  	v4 =	vadd.s32 v1, v4;
	_ =	sdelay $0x1  }
0xe0: {  	v3 =	vperm.xlane v3, v2;
	_ =	sdelay $0x1  }
0xe1: {  	v3 =	vadd.s32 v1, v3  }
0xe2: {  	[tilespmem:s10], [sflag:$0x1] =	stream.indirect_vreg.gather [hbm4b:s3+s2], $0x80, v4, vm0, $0xb8;
	[tilespmem:$0x14100] =	vst v63  }
0xe3: {  	_ = 	snop  }
0xe4: {  	[tilespmem:s11], [sflag:$0x1] =	stream.indirect_vreg.gather [hbm4b:s4+s2], $0x80, v4, vm0, $0xb8;
	[tilespmem:$0x14100] =	vst v63  }
0xe5: {  	_ = 	snop  }
0xe6: {  	[tilespmem:s12], [sflag:$0x1] =	stream.indirect_vreg.gather [hbm4b:s3+s2], $0x80, v3, vm0, $0xb8;
	[tilespmem:$0x14100] =	vst v63  }
0xe7: {  	_ = 	snop  }
0xe8: {  	[tilespmem:s13], [sflag:$0x1] =	stream.indirect_vreg.gather [hbm4b:s4+s2], $0x80, v3, vm0, $0xb8;
	[tilespmem:$0x14100] =	vst v63  }
0xe9: {  	v3 =	vld [tilespmem:$0x10];
	_ =	sdelay $0x4  }
0xea: {  	v60 =	vshll.u32 v3, $0x2  }
0xeb: {  	v3 =	vand.u32 $0x7, v3;
	v4 =	vand.u32 $0xFFFFFFE0, v60  }
0xec: {  	v3 =	vor.u32 v3, v4  }
0xed: {  	v4 =	vperm.xlane v3, v0;
	_ =	sdelay $0x1  }
0xee: {  	v4 =	vadd.s32 v1, v4;
	_ =	sdelay $0x1  }
0xef: {  	v3 =	vperm.xlane v3, v2;
	_ =	sdelay $0x1  }
0xf0: {  	v3 =	vadd.s32 v1, v3  }
0xf1: {  	[tilespmem:s14], [sflag:$0x1] =	stream.indirect_vreg.gather [hbm4b:s3+s2], $0x80, v4, vm0, $0xb8;
	[tilespmem:$0x14100] =	vst v63  }
0xf2: {  	_ = 	snop  }
0xf3: {  	[tilespmem:s15], [sflag:$0x1] =	stream.indirect_vreg.gather [hbm4b:s4+s2], $0x80, v4, vm0, $0xb8;
	[tilespmem:$0x14100] =	vst v63  }
0xf4: {  	_ = 	snop  }
0xf5: {  	[tilespmem:s16], [sflag:$0x1] =	stream.indirect_vreg.gather [hbm4b:s3+s2], $0x80, v3, vm0, $0xb8;
	[tilespmem:$0x14100] =	vst v63  }
0xf6: {  	_ = 	snop  }
0xf7: {  	[tilespmem:s17], [sflag:$0x1] =	stream.indirect_vreg.gather [hbm4b:s4+s2], $0x80, v3, vm0, $0xb8;
	[tilespmem:$0x14100] =	vst v63  }
0xf8: {  	v3 =	vld [tilespmem:$0x20];
	_ =	sdelay $0x4  }
0xf9: {  	v61 =	vshll.u32 v3, $0x2  }
0xfa: {  	v3 =	vand.u32 $0x7, v3;
	v4 =	vand.u32 $0xFFFFFFE0, v61  }
0xfb: {  	v3 =	vor.u32 v3, v4  }
0xfc: {  	v4 =	vperm.xlane v3, v0;
	_ =	sdelay $0x1  }
0xfd: {  	v4 =	vadd.s32 v1, v4;
	_ =	sdelay $0x1  }
0xfe: {  	v3 =	vperm.xlane v3, v2;
	_ =	sdelay $0x1  }
0xff: {  	v3 =	vadd.s32 v1, v3  }
0x100: {  	[tilespmem:s18], [sflag:$0x1] =	stream.indirect_vreg.gather [hbm4b:s3+s2], $0x80, v4, vm0, $0xb8;
	[tilespmem:$0x14100] =	vst v63  }
0x101: {  	_ = 	snop  }
0x102: {  	[tilespmem:s19], [sflag:$0x1] =	stream.indirect_vreg.gather [hbm4b:s4+s2], $0x80, v4, vm0, $0xb8;
	[tilespmem:$0x14100] =	vst v63  }
0x103: {  	_ = 	snop  }
0x104: {  	[tilespmem:s20], [sflag:$0x1] =	stream.indirect_vreg.gather [hbm4b:s3+s2], $0x80, v3, vm0, $0xb8;
	[tilespmem:$0x14100] =	vst v63  }
0x105: {  	_ = 	snop  }
0x106: {  	[tilespmem:s21], [sflag:$0x1] =	stream.indirect_vreg.gather [hbm4b:s4+s2], $0x80, v3, vm0, $0xb8;
	[tilespmem:$0x14100] =	vst v63  }
0x107: {  	v3 =	vld [tilespmem:$0x30];
	_ =	sdelay $0x4  }
0x108: {  	v62 =	vshll.u32 v3, $0x2  }
0x109: {  	v3 =	vand.u32 $0x7, v3;
	v4 =	vand.u32 $0xFFFFFFE0, v62  }
0x10a: {  	v3 =	vor.u32 v3, v4  }
0x10b: {  	v4 =	vperm.xlane v3, v0;
	_ =	sdelay $0x1  }
0x10c: {  	v4 =	vadd.s32 v1, v4;
	_ =	sdelay $0x1  }
0x10d: {  	v3 =	vperm.xlane v3, v2;
	_ =	sdelay $0x1  }
0x10e: {  	v3 =	vadd.s32 v1, v3  }
0x10f: {  	[tilespmem:s22], [sflag:$0x1] =	stream.indirect_vreg.gather [hbm4b:s3+s2], $0x80, v4, vm0, $0xb8;
	[tilespmem:$0x14100] =	vst v63  }
0x110: {  	_ = 	snop  }
0x111: {  	[tilespmem:s23], [sflag:$0x1] =	stream.indirect_vreg.gather [hbm4b:s4+s2], $0x80, v4, vm0, $0xb8;
	[tilespmem:$0x14100] =	vst v63  }
0x112: {  	_ = 	snop  }
0x113: {  	[tilespmem:s24], [sflag:$0x1] =	stream.indirect_vreg.gather [hbm4b:s3+s2], $0x80, v3, vm0, $0xb8;
	[tilespmem:$0x14100] =	vst v63  }
0x114: {  	_ = 	snop  }
0x115: {  	[tilespmem:s25], [sflag:$0x1] =	stream.indirect_vreg.gather [hbm4b:s4+s2], $0x80, v3, vm0, $0xb8;
	[tilespmem:$0x14100] =	vst v63  }
0x116: {  	v3 =	vld [tilespmem:$0x40];
	_ =	sdelay $0x4  }
0x117: {  	v63 =	vshll.u32 v3, $0x2  }
0x118: {  	v3 =	vand.u32 $0x7, v3;
	v4 =	vand.u32 $0xFFFFFFE0, v63  }
0x119: {  	v3 =	vor.u32 v3, v4  }
0x11a: {  	v4 =	vperm.xlane v3, v0;
	_ =	sdelay $0x1  }
0x11b: {  	v4 =	vadd.s32 v1, v4;
	_ =	sdelay $0x1  }
0x11c: {  	v3 =	vperm.xlane v3, v2;
	_ =	sdelay $0x1  }
0x11d: {  	v3 =	vadd.s32 v1, v3  }
0x11e: {  	[tilespmem:s26], [sflag:$0x1] =	stream.indirect_vreg.gather [hbm4b:s3+s2], $0x80, v4, vm0, $0xb8;
	[tilespmem:$0x14100] =	vst v63  }
0x11f: {  	_ = 	snop  }
0x120: {  	[tilespmem:s28], [sflag:$0x1] =	stream.indirect_vreg.gather [hbm4b:s4+s2], $0x80, v4, vm0, $0xb8;
	[tilespmem:$0x14100] =	vst v63  }
0x121: {  	_ = 	snop  }
0x122: {  	[tilespmem:s29], [sflag:$0x1] =	stream.indirect_vreg.gather [hbm4b:s3+s2], $0x80, v3, vm0, $0xb8;
	[tilespmem:$0x14100] =	vst v63  }
0x123: {  	_ = 	snop  }
0x124: {  	[tilespmem:s30], [sflag:$0x1] =	stream.indirect_vreg.gather [hbm4b:s4+s2], $0x80, v3, vm0, $0xb8;
	[tilespmem:$0x14100] =	vst v63  }
0x125: {  	_ =	swait.ge [sflag:s1], $0xA000  }
0x126: {  	[sflag:s1] =	ssyncset.done $0x0  }
0x127: {  	s7 =	rddreg [dreg:$0x19];
	[sflag:s1] =	ssyncadd.s32 $0xFFFF6000  }
0x128: {  	[hbm4b:s7+s2] =	stream.linear.scatter [tilespmem:s10], [sflag:$0x3], $0xA000, $0x38;
	[tilespmem:$0x14100] =	vst v63  }
0x129: {  	_ =	swait.ge [sflag:s9], $0xA000  }
0x12a: {  	s6 =	rddreg [dreg:$0x1c]  }
0x12b: {  	s8 =	rddreg [dreg:$0x1a];
	s6 =	sadd.s32 $0x1, s6  }
0x12c: {  	p0 =	sne.s32 s6, s8  }
.Ltmp1:
0x12d: {  	_ = 	snop;
	(pc) =	sbr.rel @p0 .LBB2_1-.Ltmp1, $3  }
0x12e: {  	_ =	sdelay $0x1  }
0x12f: {  	[sflag:s9] =	ssyncset.done $0x0  }
0x130: {  	[sflag:s9] =	ssyncadd.s32 $0xFFFF6000  }
0x131: {  	_ =	sfence.sel $0x180000  }
0x132: {  	[bflag:$0x0] =	sbarrier.arrive $0xFFFF  }
0x133: {  	_ =	strace $0x9000004A  }
0x134: {  	s0 =	stileid.u32;
	[bflag:$0x2] =	sbarrier.arrive $0xFFFF  }
0x135: {  	p0 =	sne.s32 s0, $0x0;
	s0 =	rddreg [dreg:$0x1]  }
0x136: {  	s0 =	sadd.s32 @!p0 $0x100000, s0  }
0x137: {  	[sflag:s0] =	ssyncadd.tile.s32 @!p0 $0x1;
	_ =	shalt  }
.Lfunc_end2:
_tile_overlayer_lowered:
.L_overlay_start_2:
0x138: {  	(tag) =	ssettag $0x2  }
0x139: {  	s0 =	rddreg [dreg:$0x0];
	s2 =	stileid.u32  }
0x13a: {  	s1 =	rddreg [dreg:$0x1];
	p0 =	sne.s32 s2, $0x0  }
0x13b: {  	s3 =	rddreg [dreg:$0x2];
	[bflag:$0x3] =	sbarrier.arrive $0xFFFF;
	s2 =	simm.s32 @!p0 $0x1C03  }
0x13c: {  	[timem:s3], [sflag:s2] =	dma.local @!p0 [hbm:s0], s1  }
0x13d: {  	s0 =	simm.s32 @!p0 $0x3  }
0x13e: {  	_ =	swait.ge @!p0 [sflag:s0], s1  }
0x13f: {  	s1 =	ssub.s32 @!p0 $0x0, s1;
	[sflag:s0] =	ssyncset.done @!p0 $0x0  }
0x140: {  	[sflag:s0] =	ssyncadd.s32 @!p0 s1  }
0x141: {  	[bflag:$0x3] =	sbarrier.arrive $0xFFFF  }
0x142: {  	_ =	shalt  }

// kernel: kernel.19.cloned.1.call-start
scs
__scs_entry_jumppad:
0x0: {  	(pc) =	sbr.rel $0x88, $3  }
0x1: {  	(tag) =	ssettag $0x0;
	lr =	simm.s32 $0x1  }
0x2: {  	[smem:$0x3F9A] =	sst lr;
	_ =	strace $0xD0000000  }
0x3: {  	_ = 	snop  }
0x4: {  	_ = 	snop  }
0x5: {  	_ = 	snop  }
0x6: {  	_ = 	snop  }
0x7: {  	_ = 	snop  }
__scs_overlays_trampoline_lowered:
0x8: {  	[smem:$0x3FA9] =	sst s0  }
0x9: {  	[smem:$0x3FAA] =	sst s1  }
0xa: {  	[smem:$0x3FAB] =	sst s2  }
0xb: {  	[smem:$0x3FAC] =	sst s3  }
0xc: {  	[smem:$0x3FAD] =	sst s4  }
0xd: {  	[smem:$0x3FAE] =	sst s5  }
0xe: {  	[smem:$0x3FAF] =	sst s6  }
0xf: {  	[smem:$0x3FB0] =	sst s7  }
0x10: {  	[smem:$0x3FB1] =	sst s8  }
0x11: {  	[smem:$0x3FB2] =	sst s9;
	s0 =	simm.s32 @!p0 $0x0  }
0x12: {  	s1 =	sld [smem:$0x3F98];
	s0 =	simm.s32 @p0 $0x1  }
0x13: {  	[smem:$0x3FB3] =	sst s0;
	s0 =	simm.s32 @!p1 $0x0  }
0x14: {  	s2 =	sld [smem:$0x3F97];
	s0 =	simm.s32 @p1 $0x1  }
0x15: {  	[smem:$0x3FB4] =	sst s0;
	s0 =	simm.s32 @!p2 $0x0  }
0x16: {  	s3 =	sld [smem:$0x3FDB];
	s0 =	simm.s32 @p2 $0x1  }
0x17: {  	s4 =	simm.s32 $0x1BF5;
	[smem:$0x3FB6] =	sst s0  }
0x18: {  	s0 =	sld [smem:$0x3F99];
	_ =	swait.ge [sflag:s4], $0x0  }
0x19: {  	s7 =	sld [smem:$0x3F9A]  }
0x1a: {  	s8 =	sadd.s32 $0xFFFFE003, lr  }
0x1b: {  	s9 =	sadd.s32 $0xFFFFFEF7, lr;
	s5 =	simm.s32 $0xFFFFFFFF;
	p2 =	slt.u32 s8, $0xFFFFF086  }
0x1c: {  	p1 =	slt.u32 s9, $0xF7A;
	s5 =	simm.s32 @!p2 $0x0  }
0x1d: {  	s5 =	simm.s32 @p1 $0x1;
	p0 =	seq.s32 s7, s2  }
0x1e: {  	s7 =	smul.u32 @!p0 $0xF7A, s2;
	p2 =	seq.s32 @!p0 s5, $0x0  }
0x1f: {  	s9 =	smul.u32 $0xF7A, s1;
	s8 =	simm.s32 @!p0 $0x1BF5;
	p2 =	por !p2, p0  }
0x20: {  	[sflag:s8] =	ssyncset.s32 @!p0 $0xFFFFF086;
	s6 =	sadd.s32 @!p0 s3, s7;
	s7 =	simm.s32 @!p0 $0x108  }
0x21: {  	s3 =	sadd.s32 s3, s9;
	s6 =	sadd.s32 @!p0 $0x88, s6;
	s7 =	simm.s32 @p2 $0x1082  }
0x22: {  	[simem:s7], [sflag:s8] =	dma.local @!p0 [hbm:s6], $0xF7A  }
0x23: {  	s9 =	sor.u32 $0xD0000000, s2;
	s6 =	simm.s32 $0x108;
	_ =	swait.ge @!p0 [sflag:s8], $0x0  }
0x24: {  	s3 =	sadd.s32 $0x88, s3;
	s6 =	simm.s32 @!p1 $0x1082;
	[sflag:s4] =	ssyncset.s32 $0xFFFFF086  }
0x25: {  	[simem:s6], [sflag:s4] =	dma.local [hbm:s3], $0xF7A  }
0x26: {  	[smem:$0x3F9A] =	sst s1;
	(tag) =	ssettag s2;
	_ =	strace s9  }
0x27: {  	s1 =	sld [smem:$0x3FAA]  }
0x28: {  	s2 =	sld [smem:$0x3FAB]  }
0x29: {  	s4 =	sld [smem:$0x3FAD]  }
0x2a: {  	p0 =	seq.s32 s5, $0x0;
	s5 =	sld [smem:$0x3FAE]  }
0x2b: {  	s6 =	sld [smem:$0x3FAF]  }
0x2c: {  	s7 =	sld [smem:$0x3FB0]  }
0x2d: {  	s3 =	simm.s32 $0x108;
	s8 =	sld [smem:$0x3FB1]  }
0x2e: {  	s3 =	simm.s32 @!p0 $0x1082;
	s9 =	sld [smem:$0x3FB2]  }
0x2f: {  	lr =	sadd.s32 s0, s3;
	s0 =	sld [smem:$0x3FA9]  }
0x30: {  	s3 =	sld [smem:$0x3FAC]  }
0x31: {  	[smem:$0x3FB5] =	sst s10  }
0x32: {  	s10 =	sld [smem:$0x3FB3];
	_ =	sdelay $0x3  }
0x33: {  	p0 =	seq.s32 s10, $0x1;
	s10 =	sld [smem:$0x3FB5];
	_ =	sdelay $0x3  }
0x34: {  	[smem:$0x3FB5] =	sst s10  }
0x35: {  	s10 =	sld [smem:$0x3FB4];
	_ =	sdelay $0x3  }
0x36: {  	p1 =	seq.s32 s10, $0x1;
	s10 =	sld [smem:$0x3FB5];
	_ =	sdelay $0x3  }
0x37: {  	[smem:$0x3FB5] =	sst s10  }
0x38: {  	s10 =	sld [smem:$0x3FB6]  }
0x39: {  	_ = 	snop;
	(pc) =	sbr.ind lr, $3  }
0x3a: {  	_ = 	snop  }
0x3b: {  	_ = 	snop  }
0x3c: {  	p2 =	seq.s32 s10, $0x1;
	s10 =	sld [smem:$0x3FB5]  }
0x3d: {  	_ =	shalt  }
0x3e: {  	_ =	shalt  }
0x3f: {  	_ =	shalt  }
0x40: {  	_ =	shalt  }
0x41: {  	_ =	shalt  }
0x42: {  	_ =	shalt  }
0x43: {  	_ =	shalt  }
0x44: {  	_ =	shalt  }
0x45: {  	_ =	shalt  }
0x46: {  	_ =	shalt  }
0x47: {  	_ =	shalt  }
0x48: {  	_ =	shalt  }
0x49: {  	_ =	shalt  }
0x4a: {  	_ =	shalt  }
0x4b: {  	_ =	shalt  }
0x4c: {  	_ =	shalt  }
0x4d: {  	_ =	shalt  }
0x4e: {  	_ =	shalt  }
0x4f: {  	_ =	shalt  }
0x50: {  	_ =	shalt  }
0x51: {  	_ =	shalt  }
0x52: {  	_ =	shalt  }
0x53: {  	_ =	shalt  }
0x54: {  	_ =	shalt  }
0x55: {  	_ =	shalt  }
0x56: {  	_ =	shalt  }
0x57: {  	_ =	shalt  }
0x58: {  	_ =	shalt  }
0x59: {  	_ =	shalt  }
0x5a: {  	_ =	shalt  }
0x5b: {  	_ =	shalt  }
0x5c: {  	_ =	shalt  }
0x5d: {  	_ =	shalt  }
0x5e: {  	_ =	shalt  }
0x5f: {  	_ =	shalt  }
0x60: {  	_ =	shalt  }
0x61: {  	_ =	shalt  }
0x62: {  	_ =	shalt  }
0x63: {  	_ =	shalt  }
0x64: {  	_ =	shalt  }
0x65: {  	_ =	shalt  }
0x66: {  	_ =	shalt  }
0x67: {  	_ =	shalt  }
0x68: {  	_ =	shalt  }
0x69: {  	_ =	shalt  }
0x6a: {  	_ =	shalt  }
0x6b: {  	_ =	shalt  }
0x6c: {  	_ =	shalt  }
0x6d: {  	_ =	shalt  }
0x6e: {  	_ =	shalt  }
0x6f: {  	_ =	shalt  }
0x70: {  	_ =	shalt  }
0x71: {  	_ =	shalt  }
0x72: {  	_ =	shalt  }
0x73: {  	_ =	shalt  }
0x74: {  	_ =	shalt  }
0x75: {  	_ =	shalt  }
0x76: {  	_ =	shalt  }
0x77: {  	_ =	shalt  }
0x78: {  	_ =	shalt  }
0x79: {  	_ =	shalt  }
0x7a: {  	_ =	shalt  }
0x7b: {  	_ =	shalt  }
0x7c: {  	_ =	shalt  }
0x7d: {  	_ =	shalt  }
0x7e: {  	_ =	shalt  }
0x7f: {  	_ =	shalt  }
0x80: {  	_ =	shalt  }
0x81: {  	_ =	shalt  }
0x82: {  	_ =	shalt  }
0x83: {  	_ =	shalt  }
0x84: {  	_ =	shalt  }
0x85: {  	_ =	shalt  }
0x86: {  	_ =	shalt  }
0x87: {  	_ =	shalt  }
.Lfunc_end0:
.L_simem_size_0:
called_computation.1_lowered:
.L_overlay_start_0:
0x88: {  	s2 =	sld [smem:$0x3FD9]  }
0x89: {  	s3 =	sld [smem:$0x3FFE];
	_ =	sdelay $0x1  }
0x8a: {  	s1 =	srdreg.scid  }
0x8b: {  	s0 =	sand.u32 $0x1, s1  }
0x8c: {  	s17 =	sshll.u32 s0, $0xA;
	s2 =	sadd.s32 s3, s2  }
0x8d: {  	s2 =	sadd.s32 s2, s17  }
0x8e: {  	[smem:$0x3FC1] =	sst s2  }
0x8f: {  	_ = 	snop  }
0x90: {  	s2 =	sld [smem:$0x3FD0];
	(tm) =	ssettm $0x1  }
0x91: {  	s18 =	sld [smem:$0x3FFB];
	_ =	sdelay $0x3  }
0x92: {  	_ =	strace s18  }
0x93: {  	s3 =	sld [smem:$0x3FFC];
	_ =	sdelay $0x3  }
0x94: {  	_ =	strace s3  }
0x95: {  	s3 =	sld [smem:$0x3FFD];
	_ =	sdelay $0x3  }
0x96: {  	_ =	strace s3  }
0x97: {  	_ =	strace $0x8FFFFFFF  }
0x98: {  	s19 =	sld [smem:$0x3FDB];
	_ =	sdelay $0x1  }
0x99: {  	s4 =	simm.s32 $_scs_section_size  }
0x9a: {  	s5 =	simm.s32 $_size__tile_overlayer_lowered;
	s6 =	simm.s32 $_tile_overlayer_lowered  }
0x9b: {  	s22 =	simm.s32 $0x1BFF;
	s21 =	sshll.u32 s6, $0x1;
	s3 =	sadd.s32 s4, s19  }
0x9c: {  	s7 =	simm.s32 $0x0;
	s20 =	sshll.u32 s5, $0x1;
	s5 =	sadd.s32 s21, s3  }
0x9d: {  	[timem:s7], [sflag:s22] =	dma.local [hbm:s5], s20  }
0x9e: {  	_ =	swait.ge [sflag:s22], s20  }
0x9f: {  	s4 =	ssub.s32 $0x0, s20;
	[sflag:s22] =	ssyncset.done $0x0  }
0xa0: {  	[sflag:s22] =	ssyncadd.s32 s4;
	_ =	sdelay $0x1  }
0xa1: {  	s23 =	simm.s32 $0x1B8B  }
0xa2: {  	_ =	swait.ge [sflag:s23], $0x1  }
0xa3: {  	[sflag:s23] =	ssyncset.done $0x0  }
0xa4: {  	s25 =	simm.s32 $0x1B8E;
	s24 =	sld [smem:$0x3FFE];
	[sflag:s23] =	ssyncadd.s32 $0xFFFFFFFF  }
0xa5: {  	s26 =	simm.s32 $execute0_lowered;
	[smem:$0x3FD2] =	sst s25  }
0xa6: {  	s5 =	sshll.u32 s26, $0x1;
	_ =	strace $0x80000046;
	[dreg:$0x1] =	wrdreg $0xFFFFFFFF  }
0xa7: {  	s28 =	simm.s32 $_size_execute0_lowered;
	s3 =	sadd.s32 s3, s5;
	[dreg:$0x0] =	wrdreg $0x0  }
0xa8: {  	s5 =	sshll.u32 s28, $0x1;
	[dreg:$0x2] =	wrdreg s3  }
0xa9: {  	[dreg:$0x3] =	wrdreg s5  }
0xaa: {  	[dreg:$0x4] =	wrdreg $0xC0  }
0xab: {  	_ =	task [dreg:s7], $0x5FFFF  }
0xac: {  	[dreg:$0x1] =	wrdreg $0xFFFFFFFF  }
0xad: {  	[dreg:$0x0] =	wrdreg $0x60  }
0xae: {  	[dreg:$0x2] =	wrdreg s24  }
0xaf: {  	[dreg:$0x3] =	wrdreg s2  }
0xb0: {  	[dreg:$0x4] =	wrdreg $0xA  }
0xb1: {  	_ =	task.clear_ibuf [dreg:s7], $0x5FFFF;
	_ =	strace $0x90000046  }
0xb2: {  	s29 =	simm.s32 $0xA;
	_ =	strace $0x80000048  }
0xb3: {  	_ =	swait.ge [sflag:s29], $0x1  }
0xb4: {  	[sflag:s29] =	ssyncadd.s32 $0xFFFFFFFF  }
0xb5: {  	_ =	strace $0x90000048  }
0xb6: {  	_ =	sfence  }
0xb7: {  	s30 =	sld [smem:$0x0];
	_ =	sdelay $0x2  }
0xb8: {  	s31 =	sshll.u32 s1, $0xD;
	s1 =	sshrl.u32 s1, $0x2  }
0xb9: {  	s3 =	sand.u32 $0x4000, s31;
	s1 =	sadd.s32 s1, s30  }
0xba: {  	s0 =	sor.u32 s3, s0;
	s1 =	sshll.u32 s1, $0x11  }
0xbb: {  	s0 =	sor.u32 s1, s0  }
0xbc: {  	s0 =	sadd.s32 $0x8F2B, s0  }
0xbd: {  	[sflag:s0] =	ssyncadd.remote.s32 $0x1  }
0xbe: {  	_ =	sfence.sel $0xFFFF  }
0xbf: {  	[dreg:$0x0] =	wrdreg $0xFFFFFFFF;
	(pc) =	sbr.abs _section_cstart, $3  }
0xc0: {  	[dreg:$0x1] =	wrdreg $0xFFFFFFFF  }
0xc1: {  	_ =	task.clear_ibuf [dreg:s7], $0x2FFFF;
	_ =	strace $0x9FFFFFFF  }
0xc2: {  	(tm) =	ssettm $0x7FFFFFFF  }
0xc3: {  	_ =	shalt  }
tec
execute0_lowered:
.L_overlay_start_1:
0x0: {  	(tag) =	ssettag $0x1  }
0x1: {  	s0 =	srdreg.scid;
	s1 =	rddreg [dreg:$0x0]  }
0x2: {  	s11 =	stileid.u32;
	s5 =	rddreg [dreg:$0x1]  }
0x3: {  	s25 =	simm.s32 $0xA080;
	s12 =	simm.s32 $0xC900;
	s13 =	simm.s32 $0xD100  }
0x4: {  	s14 =	simm.s32 $0xD900;
	s15 =	simm.s32 $0xE100;
	s16 =	simm.s32 $0xE900  }
0x5: {  	s17 =	simm.s32 $0xF100;
	s18 =	simm.s32 $0xF900;
	s19 =	simm.s32 $0x10100  }
0x6: {  	s20 =	simm.s32 $0x10900;
	s0 =	sand.u32 $0x1, s0;
	s2 =	sshll.u32 s11, $0x1  }
0x7: {  	s28 =	simm.s32 $0x8880;
	s3 =	sor.u32 s0, s2;
	s2 =	simm.s32 $0x0  }
0x8: {  	s29 =	simm.s32 $0x9080;
	s30 =	simm.s32 $0x9880;
	[smem:$0x7FF] =	sst s2  }
0x9: {  	s7 =	smul.u32 $0x4E20, s11;
	_ =	strace $0x80000047;
	[dreg:$0x5] =	wrdreg s25  }
0xa: {  	s31 =	simm.s32 $0xA100;
	s9 =	smul.u32 $0x2710, s0;
	[dreg:$0xa] =	wrdreg s12  }
0xb: {  	s4 =	ssub.s32 $0x2, s0;
	s0 =	smul.u32 $0x9C400, s0;
	[dreg:$0xb] =	wrdreg s13  }
0xc: {  	s10 =	sadd.s32 $0xA9200, s1;
	s6 =	smul.u32 $0x2710, s3;
	[dreg:$0xc] =	wrdreg s14  }
0xd: {  	s8 =	sshrl.u32 s4, $0x1;
	s3 =	sadd.s32 $0xCE00, s1;
	[dreg:$0xd] =	wrdreg s15  }
0xe: {  	s8 =	ssub.s32 s4, s8;
	s4 =	sadd.s32 $0xCF00, s1;
	[dreg:$0xe] =	wrdreg s16  }
0xf: {  	s22 =	sadd.s32 s9, s7;
	s12 =	simm.s32 $0x1080;
	[dreg:$0xf] =	wrdreg s17  }
0x10: {  	s13 =	simm.s32 $0x1880;
	s14 =	simm.s32 $0x2080;
	[dreg:$0x10] =	wrdreg s18  }
0x11: {  	s15 =	simm.s32 $0x2880;
	s16 =	simm.s32 $0x3080;
	[dreg:$0x11] =	wrdreg s19  }
0x12: {  	s17 =	simm.s32 $0x3880;
	[dreg:$0x12] =	wrdreg s20;
	s18 =	simm.s32 $0x4080  }
0x13: {  	s19 =	simm.s32 $0x4880;
	s20 =	simm.s32 $0x5080;
	s25 =	simm.s32 $0x13100  }
0x14: {  	s21 =	sadd.s32 $0x26C0, s6;
	s26 =	smax.u32 s8, $0x1;
	[dreg:$0x17] =	wrdreg s25  }
0x15: {  	s9 =	sshrl.u32 s22, $0x3;
	s8 =	simm.s32 $0xB100;
	[dreg:$0x1b] =	wrdreg s26  }
0x16: {  	s6 =	sadd.s32 $0x50, s22;
	s22 =	simm.s32 $0x11900;
	[dreg:$0x7] =	wrdreg s8  }
0x17: {  	s25 =	simm.s32 $0x7880;
	s24 =	sadd.s32 s9, s5;
	[dreg:$0x14] =	wrdreg s22  }
0x18: {  	s23 =	sshrl.u32 s21, $0x3;
	s9 =	simm.s32 $0xB900;
	[dreg:$0x3] =	wrdreg s24  }
0x19: {  	s1 =	sshll.u32 s21, $0x6;
	s21 =	simm.s32 $0x11100;
	[dreg:$0x8] =	wrdreg s9  }
0x1a: {  	s6 =	sshrl.u32 s6, $0x3;
	s26 =	simm.s32 $0x13900;
	[dreg:$0x13] =	wrdreg s21  }
0x1b: {  	s22 =	simm.s32 $0x6080;
	s7 =	sadd.s32 s5, s23;
	[dreg:$0x18] =	wrdreg s26  }
0x1c: {  	s5 =	sadd.s32 s6, s5;
	s1 =	sadd.s32 s10, s1;
	[dreg:$0x19] =	wrdreg s7  }
0x1d: {  	s6 =	simm.s32 $0xA900;
	s9 =	simm.s32 $0x3;
	[dreg:$0x1a] =	wrdreg s1  }
0x1e: {  	s23 =	simm.s32 $0x12100;
	s24 =	simm.s32 $0x12900;
	[dreg:$0x4] =	wrdreg s5  }
0x1f: {  	s21 =	simm.s32 $0x5880;
	s26 =	simm.s32 $0x8080;
	[dreg:$0x6] =	wrdreg s6  }
0x20: {  	s7 =	smul.u32 $0x138800, s11;
	s11 =	simm.s32 $0xC100;
	[dreg:$0x15] =	wrdreg s23  }
0x21: {  	[dreg:$0x16] =	wrdreg s24;
	s23 =	simm.s32 $0x6880;
	s24 =	simm.s32 $0x7080  }
0x22: {  	v2 =	vlaneseq.u32;
	s1 =	simm.s32 $0x1;
	s6 =	simm.s32 $0x0;
	s5 =	sadd.s32 s7, s10  }
0x23: {  	vm0 =	vmmov $0xffff;
	v1 =	vshrl.u32 v2, $0x3;
	[dreg:$0x9] =	wrdreg s11;
	s11 =	simm.s32 $0x880;
	s0 =	sadd.s32 s0, s5  }
0x24: {  	v0 =	vand.u32 $0x7, v2;
	v2 =	vor.u32 $0x8, v2;
	v1 =	vmul.u32 $0x8, v1;
	s10 =	simm.s32 $0x80;
	[dreg:$0x1c] =	wrdreg s0;
	s0 =	simm.s32 $0x2  }
.LBB2_1:
0x25: {  	[dreg:$0x1d] =	wrdreg s6  }
0x26: {  	s8 =	rddreg [dreg:$0x1c];
	s7 =	simm.s32 $0x0  }
.LBB2_2:
0x27: {  	s6 =	rddreg [dreg:$0x3]  }
0x28: {  	s6 =	sadd.s32 s7, s6  }
0x29: {  	[tilespmem:s2], [sflag:$0x3] =	stream.linear.gather [hbm4b:s6+s2], $0x50, $0x38;
	[tilespmem:$0x14100] =	vst v63  }
0x2a: {  	_ =	swait.ge [sflag:s9], $0x50  }
0x2b: {  	s6 =	rddreg [dreg:$0x4];
	[sflag:s9] =	ssyncset.done $0x0  }
0x2c: {  	s5 =	rddreg [dreg:$0x5];
	[sflag:s9] =	ssyncadd.s32 $0xFFFFFFB0;
	s6 =	sadd.s32 s7, s6  }
0x2d: {  	[tilespmem:s5], [sflag:$0x3] =	stream.linear.gather [hbm4b:s6+s2], $0x50, $0x38;
	[tilespmem:$0x14100] =	vst v63  }
0x2e: {  	_ =	swait.ge [sflag:s9], $0x50  }
0x2f: {  	[sflag:s9] =	ssyncset.done $0x0  }
0x30: {  	[sflag:s9] =	ssyncadd.s32 $0xFFFFFFB0  }
0x31: {  	v3 =	vld [tilespmem:$0x0];
	_ =	sdelay $0x4  }
0x32: {  	v4 =	vshll.u32 v3, $0x2  }
0x33: {  	v3 =	vand.u32 $0x7, v3;
	v4 =	vand.u32 $0xFFFFFFE0, v4  }
0x34: {  	v3 =	vor.u32 v3, v4  }
0x35: {  	v4 =	vperm.xlane v3, v0;
	_ =	sdelay $0x1  }
0x36: {  	v4 =	vadd.s32 v1, v4;
	_ =	sdelay $0x1  }
0x37: {  	v3 =	vperm.xlane v3, v2;
	_ =	sdelay $0x1  }
0x38: {  	v3 =	vadd.s32 v1, v3  }
0x39: {  	[tilespmem:s10], [sflag:$0x1] =	stream.indirect_vreg.gather [hbm4b:s3+s2], $0x80, v4, vm0, $0xb8;
	[tilespmem:$0x14100] =	vst v63  }
0x3a: {  	_ = 	snop  }
0x3b: {  	[tilespmem:s11], [sflag:$0x1] =	stream.indirect_vreg.gather [hbm4b:s4+s2], $0x80, v4, vm0, $0xb8;
	[tilespmem:$0x14100] =	vst v63  }
0x3c: {  	_ = 	snop  }
0x3d: {  	[tilespmem:s12], [sflag:$0x1] =	stream.indirect_vreg.gather [hbm4b:s3+s2], $0x80, v3, vm0, $0xb8;
	[tilespmem:$0x14100] =	vst v63  }
0x3e: {  	_ = 	snop  }
0x3f: {  	[tilespmem:s13], [sflag:$0x1] =	stream.indirect_vreg.gather [hbm4b:s4+s2], $0x80, v3, vm0, $0xb8;
	[tilespmem:$0x14100] =	vst v63  }
0x40: {  	v3 =	vld [tilespmem:$0x10];
	_ =	sdelay $0x4  }
0x41: {  	v55 =	vshll.u32 v3, $0x2  }
0x42: {  	v3 =	vand.u32 $0x7, v3;
	v4 =	vand.u32 $0xFFFFFFE0, v55  }
0x43: {  	v3 =	vor.u32 v3, v4  }
0x44: {  	v4 =	vperm.xlane v3, v0;
	_ =	sdelay $0x1  }
0x45: {  	v4 =	vadd.s32 v1, v4;
	_ =	sdelay $0x1  }
0x46: {  	v3 =	vperm.xlane v3, v2;
	_ =	sdelay $0x1  }
0x47: {  	v3 =	vadd.s32 v1, v3  }
0x48: {  	[tilespmem:s14], [sflag:$0x1] =	stream.indirect_vreg.gather [hbm4b:s3+s2], $0x80, v4, vm0, $0xb8;
	[tilespmem:$0x14100] =	vst v63  }
0x49: {  	_ = 	snop  }
0x4a: {  	[tilespmem:s15], [sflag:$0x1] =	stream.indirect_vreg.gather [hbm4b:s4+s2], $0x80, v4, vm0, $0xb8;
	[tilespmem:$0x14100] =	vst v63  }
0x4b: {  	_ = 	snop  }
0x4c: {  	[tilespmem:s16], [sflag:$0x1] =	stream.indirect_vreg.gather [hbm4b:s3+s2], $0x80, v3, vm0, $0xb8;
	[tilespmem:$0x14100] =	vst v63  }
0x4d: {  	_ = 	snop  }
0x4e: {  	[tilespmem:s17], [sflag:$0x1] =	stream.indirect_vreg.gather [hbm4b:s4+s2], $0x80, v3, vm0, $0xb8;
	[tilespmem:$0x14100] =	vst v63  }
0x4f: {  	v3 =	vld [tilespmem:$0x20];
	_ =	sdelay $0x4  }
0x50: {  	v56 =	vshll.u32 v3, $0x2  }
0x51: {  	v3 =	vand.u32 $0x7, v3;
	v4 =	vand.u32 $0xFFFFFFE0, v56  }
0x52: {  	v3 =	vor.u32 v3, v4  }
0x53: {  	v4 =	vperm.xlane v3, v0;
	_ =	sdelay $0x1  }
0x54: {  	v4 =	vadd.s32 v1, v4;
	_ =	sdelay $0x1  }
0x55: {  	v3 =	vperm.xlane v3, v2;
	_ =	sdelay $0x1  }
0x56: {  	v3 =	vadd.s32 v1, v3  }
0x57: {  	[tilespmem:s18], [sflag:$0x1] =	stream.indirect_vreg.gather [hbm4b:s3+s2], $0x80, v4, vm0, $0xb8;
	[tilespmem:$0x14100] =	vst v63  }
0x58: {  	_ = 	snop  }
0x59: {  	[tilespmem:s19], [sflag:$0x1] =	stream.indirect_vreg.gather [hbm4b:s4+s2], $0x80, v4, vm0, $0xb8;
	[tilespmem:$0x14100] =	vst v63  }
0x5a: {  	_ = 	snop  }
0x5b: {  	[tilespmem:s20], [sflag:$0x1] =	stream.indirect_vreg.gather [hbm4b:s3+s2], $0x80, v3, vm0, $0xb8;
	[tilespmem:$0x14100] =	vst v63  }
0x5c: {  	_ = 	snop  }
0x5d: {  	[tilespmem:s21], [sflag:$0x1] =	stream.indirect_vreg.gather [hbm4b:s4+s2], $0x80, v3, vm0, $0xb8;
	[tilespmem:$0x14100] =	vst v63  }
0x5e: {  	v3 =	vld [tilespmem:$0x30];
	_ =	sdelay $0x4  }
0x5f: {  	v57 =	vshll.u32 v3, $0x2  }
0x60: {  	v3 =	vand.u32 $0x7, v3;
	v4 =	vand.u32 $0xFFFFFFE0, v57  }
0x61: {  	v3 =	vor.u32 v3, v4  }
0x62: {  	v4 =	vperm.xlane v3, v0;
	_ =	sdelay $0x1  }
0x63: {  	v4 =	vadd.s32 v1, v4;
	_ =	sdelay $0x1  }
0x64: {  	v3 =	vperm.xlane v3, v2;
	_ =	sdelay $0x1  }
0x65: {  	v3 =	vadd.s32 v1, v3  }
0x66: {  	[tilespmem:s22], [sflag:$0x1] =	stream.indirect_vreg.gather [hbm4b:s3+s2], $0x80, v4, vm0, $0xb8;
	[tilespmem:$0x14100] =	vst v63  }
0x67: {  	_ = 	snop  }
0x68: {  	[tilespmem:s23], [sflag:$0x1] =	stream.indirect_vreg.gather [hbm4b:s4+s2], $0x80, v4, vm0, $0xb8;
	[tilespmem:$0x14100] =	vst v63  }
0x69: {  	_ = 	snop  }
0x6a: {  	[tilespmem:s24], [sflag:$0x1] =	stream.indirect_vreg.gather [hbm4b:s3+s2], $0x80, v3, vm0, $0xb8;
	[tilespmem:$0x14100] =	vst v63  }
0x6b: {  	_ = 	snop  }
0x6c: {  	[tilespmem:s25], [sflag:$0x1] =	stream.indirect_vreg.gather [hbm4b:s4+s2], $0x80, v3, vm0, $0xb8;
	[tilespmem:$0x14100] =	vst v63  }
0x6d: {  	v3 =	vld [tilespmem:$0x40];
	_ =	sdelay $0x4  }
0x6e: {  	v58 =	vshll.u32 v3, $0x2  }
0x6f: {  	v3 =	vand.u32 $0x7, v3;
	v4 =	vand.u32 $0xFFFFFFE0, v58  }
0x70: {  	v3 =	vor.u32 v3, v4  }
0x71: {  	v4 =	vperm.xlane v3, v0;
	_ =	sdelay $0x1  }
0x72: {  	v4 =	vadd.s32 v1, v4;
	_ =	sdelay $0x1  }
0x73: {  	v3 =	vperm.xlane v3, v2;
	_ =	sdelay $0x1  }
0x74: {  	v3 =	vadd.s32 v1, v3  }
0x75: {  	[tilespmem:s26], [sflag:$0x1] =	stream.indirect_vreg.gather [hbm4b:s3+s2], $0x80, v4, vm0, $0xb8;
	[tilespmem:$0x14100] =	vst v63  }
0x76: {  	_ = 	snop  }
0x77: {  	[tilespmem:s28], [sflag:$0x1] =	stream.indirect_vreg.gather [hbm4b:s4+s2], $0x80, v4, vm0, $0xb8;
	[tilespmem:$0x14100] =	vst v63  }
0x78: {  	_ = 	snop  }
0x79: {  	[tilespmem:s29], [sflag:$0x1] =	stream.indirect_vreg.gather [hbm4b:s3+s2], $0x80, v3, vm0, $0xb8;
	[tilespmem:$0x14100] =	vst v63  }
0x7a: {  	_ = 	snop  }
0x7b: {  	[tilespmem:s30], [sflag:$0x1] =	stream.indirect_vreg.gather [hbm4b:s4+s2], $0x80, v3, vm0, $0xb8;
	[tilespmem:$0x14100] =	vst v63  }
0x7c: {  	v3 =	vld [tilespmem:$0xA080];
	_ =	sdelay $0x4  }
0x7d: {  	v59 =	vshll.u32 v3, $0x2  }
0x7e: {  	v3 =	vand.u32 $0x7, v3;
	v4 =	vand.u32 $0xFFFFFFE0, v59  }
0x7f: {  	v3 =	vor.u32 v3, v4  }
0x80: {  	v4 =	vperm.xlane v3, v0;
	_ =	sdelay $0x1  }
0x81: {  	v4 =	vadd.s32 v1, v4;
	_ =	sdelay $0x1  }
0x82: {  	v3 =	vperm.xlane v3, v2;
	_ =	sdelay $0x1  }
0x83: {  	v3 =	vadd.s32 v1, v3  }
0x84: {  	[tilespmem:s31], [sflag:$0x2] =	stream.indirect_vreg.gather [hbm4b:s3+s2], $0x80, v4, vm0, $0xb8;
	[tilespmem:$0x14100] =	vst v63  }
0x85: {  	s5 =	rddreg [dreg:$0x6]  }
0x86: {  	[tilespmem:s5], [sflag:$0x2] =	stream.indirect_vreg.gather [hbm4b:s4+s2], $0x80, v4, vm0, $0xb8;
	[tilespmem:$0x14100] =	vst v63  }
0x87: {  	s6 =	rddreg [dreg:$0x7]  }
0x88: {  	[tilespmem:s6], [sflag:$0x2] =	stream.indirect_vreg.gather [hbm4b:s3+s2], $0x80, v3, vm0, $0xb8;
	[tilespmem:$0x14100] =	vst v63  }
0x89: {  	s5 =	rddreg [dreg:$0x8]  }
0x8a: {  	[tilespmem:s5], [sflag:$0x2] =	stream.indirect_vreg.gather [hbm4b:s4+s2], $0x80, v3, vm0, $0xb8;
	[tilespmem:$0x14100] =	vst v63  }
0x8b: {  	v3 =	vld [tilespmem:$0xA090];
	_ =	sdelay $0x4  }
0x8c: {  	v60 =	vshll.u32 v3, $0x2  }
0x8d: {  	v3 =	vand.u32 $0x7, v3;
	v4 =	vand.u32 $0xFFFFFFE0, v60  }
0x8e: {  	v3 =	vor.u32 v3, v4  }
0x8f: {  	v4 =	vperm.xlane v3, v0;
	_ =	sdelay $0x1  }
0x90: {  	v4 =	vadd.s32 v1, v4;
	_ =	sdelay $0x1  }
0x91: {  	v3 =	vperm.xlane v3, v2;
	_ =	sdelay $0x1  }
0x92: {  	s5 =	rddreg [dreg:$0x9];
	v3 =	vadd.s32 v1, v3  }
0x93: {  	[tilespmem:s5], [sflag:$0x2] =	stream.indirect_vreg.gather [hbm4b:s3+s2], $0x80, v4, vm0, $0xb8;
	[tilespmem:$0x14100] =	vst v63  }
0x94: {  	s6 =	rddreg [dreg:$0xa]  }
0x95: {  	[tilespmem:s6], [sflag:$0x2] =	stream.indirect_vreg.gather [hbm4b:s4+s2], $0x80, v4, vm0, $0xb8;
	[tilespmem:$0x14100] =	vst v63  }
0x96: {  	s5 =	rddreg [dreg:$0xb]  }
0x97: {  	[tilespmem:s5], [sflag:$0x2] =	stream.indirect_vreg.gather [hbm4b:s3+s2], $0x80, v3, vm0, $0xb8;
	[tilespmem:$0x14100] =	vst v63  }
0x98: {  	s6 =	rddreg [dreg:$0xc]  }
0x99: {  	[tilespmem:s6], [sflag:$0x2] =	stream.indirect_vreg.gather [hbm4b:s4+s2], $0x80, v3, vm0, $0xb8;
	[tilespmem:$0x14100] =	vst v63  }
0x9a: {  	v3 =	vld [tilespmem:$0xA0A0];
	_ =	sdelay $0x4  }
0x9b: {  	v61 =	vshll.u32 v3, $0x2  }
0x9c: {  	v3 =	vand.u32 $0x7, v3;
	v4 =	vand.u32 $0xFFFFFFE0, v61  }
0x9d: {  	v3 =	vor.u32 v3, v4  }
0x9e: {  	v4 =	vperm.xlane v3, v0;
	_ =	sdelay $0x1  }
0x9f: {  	v4 =	vadd.s32 v1, v4;
	_ =	sdelay $0x1  }
0xa0: {  	v3 =	vperm.xlane v3, v2;
	_ =	sdelay $0x1  }
0xa1: {  	s5 =	rddreg [dreg:$0xd];
	v3 =	vadd.s32 v1, v3  }
0xa2: {  	[tilespmem:s5], [sflag:$0x2] =	stream.indirect_vreg.gather [hbm4b:s3+s2], $0x80, v4, vm0, $0xb8;
	[tilespmem:$0x14100] =	vst v63  }
0xa3: {  	s6 =	rddreg [dreg:$0xe]  }
0xa4: {  	[tilespmem:s6], [sflag:$0x2] =	stream.indirect_vreg.gather [hbm4b:s4+s2], $0x80, v4, vm0, $0xb8;
	[tilespmem:$0x14100] =	vst v63  }
0xa5: {  	s5 =	rddreg [dreg:$0xf]  }
0xa6: {  	[tilespmem:s5], [sflag:$0x2] =	stream.indirect_vreg.gather [hbm4b:s3+s2], $0x80, v3, vm0, $0xb8;
	[tilespmem:$0x14100] =	vst v63  }
0xa7: {  	s6 =	rddreg [dreg:$0x10]  }
0xa8: {  	[tilespmem:s6], [sflag:$0x2] =	stream.indirect_vreg.gather [hbm4b:s4+s2], $0x80, v3, vm0, $0xb8;
	[tilespmem:$0x14100] =	vst v63  }
0xa9: {  	v3 =	vld [tilespmem:$0xA0B0];
	_ =	sdelay $0x4  }
0xaa: {  	v62 =	vshll.u32 v3, $0x2  }
0xab: {  	v3 =	vand.u32 $0x7, v3;
	v4 =	vand.u32 $0xFFFFFFE0, v62  }
0xac: {  	v3 =	vor.u32 v3, v4  }
0xad: {  	v4 =	vperm.xlane v3, v0;
	_ =	sdelay $0x1  }
0xae: {  	v4 =	vadd.s32 v1, v4;
	_ =	sdelay $0x1  }
0xaf: {  	v3 =	vperm.xlane v3, v2;
	_ =	sdelay $0x1  }
0xb0: {  	s5 =	rddreg [dreg:$0x11];
	v3 =	vadd.s32 v1, v3  }
0xb1: {  	[tilespmem:s5], [sflag:$0x2] =	stream.indirect_vreg.gather [hbm4b:s3+s2], $0x80, v4, vm0, $0xb8;
	[tilespmem:$0x14100] =	vst v63  }
0xb2: {  	s6 =	rddreg [dreg:$0x12]  }
0xb3: {  	[tilespmem:s6], [sflag:$0x2] =	stream.indirect_vreg.gather [hbm4b:s4+s2], $0x80, v4, vm0, $0xb8;
	[tilespmem:$0x14100] =	vst v63  }
0xb4: {  	s5 =	rddreg [dreg:$0x13]  }
0xb5: {  	[tilespmem:s5], [sflag:$0x2] =	stream.indirect_vreg.gather [hbm4b:s3+s2], $0x80, v3, vm0, $0xb8;
	[tilespmem:$0x14100] =	vst v63  }
0xb6: {  	s6 =	rddreg [dreg:$0x14]  }
0xb7: {  	[tilespmem:s6], [sflag:$0x2] =	stream.indirect_vreg.gather [hbm4b:s4+s2], $0x80, v3, vm0, $0xb8;
	[tilespmem:$0x14100] =	vst v63  }
0xb8: {  	v3 =	vld [tilespmem:$0xA0C0];
	_ =	sdelay $0x4  }
0xb9: {  	v63 =	vshll.u32 v3, $0x2  }
0xba: {  	v3 =	vand.u32 $0x7, v3;
	v4 =	vand.u32 $0xFFFFFFE0, v63  }
0xbb: {  	v3 =	vor.u32 v3, v4  }
0xbc: {  	v4 =	vperm.xlane v3, v0;
	_ =	sdelay $0x1  }
0xbd: {  	v4 =	vadd.s32 v1, v4;
	_ =	sdelay $0x1  }
0xbe: {  	v3 =	vperm.xlane v3, v2;
	_ =	sdelay $0x1  }
0xbf: {  	s5 =	rddreg [dreg:$0x15];
	v3 =	vadd.s32 v1, v3  }
0xc0: {  	[tilespmem:s5], [sflag:$0x2] =	stream.indirect_vreg.gather [hbm4b:s3+s2], $0x80, v4, vm0, $0xb8;
	[tilespmem:$0x14100] =	vst v63  }
0xc1: {  	s6 =	rddreg [dreg:$0x16]  }
0xc2: {  	[tilespmem:s6], [sflag:$0x2] =	stream.indirect_vreg.gather [hbm4b:s4+s2], $0x80, v4, vm0, $0xb8;
	[tilespmem:$0x14100] =	vst v63  }
0xc3: {  	s5 =	rddreg [dreg:$0x17]  }
0xc4: {  	[tilespmem:s5], [sflag:$0x2] =	stream.indirect_vreg.gather [hbm4b:s3+s2], $0x80, v3, vm0, $0xb8;
	[tilespmem:$0x14100] =	vst v63  }
0xc5: {  	s6 =	rddreg [dreg:$0x18]  }
0xc6: {  	[tilespmem:s6], [sflag:$0x2] =	stream.indirect_vreg.gather [hbm4b:s4+s2], $0x80, v3, vm0, $0xb8;
	[tilespmem:$0x14100] =	vst v63  }
0xc7: {  	_ =	swait.ge [sflag:s1], $0xA000  }
0xc8: {  	[sflag:s1] =	ssyncset.done $0x0  }
0xc9: {  	[sflag:s1] =	ssyncadd.s32 $0xFFFF6000  }
0xca: {  	[hbm4b:s8+s2] =	stream.linear.scatter [tilespmem:s10], [sflag:$0x3], $0xA000, $0x38;
	[tilespmem:$0x14100] =	vst v63  }
0xcb: {  	_ =	swait.ge [sflag:s9], $0xA000  }
0xcc: {  	[sflag:s9] =	ssyncset.done $0x0  }
0xcd: {  	[sflag:s9] =	ssyncadd.s32 $0xFFFF6000  }
0xce: {  	_ =	swait.ge [sflag:s0], $0xA000  }
0xcf: {  	p0 =	sne.s32 s7, $0x4C4;
	[sflag:s0] =	ssyncset.done $0x0  }
.Ltmp0:
0xd0: {  	s6 =	sadd.s32 $0x1400, s8;
	[sflag:s0] =	ssyncadd.s32 $0xFFFF6000;
	(pc) =	sbr.rel @p0 .LBB2_2-.Ltmp0, $4  }
0xd1: {  	[hbm4b:s6+s2] =	stream.linear.scatter [tilespmem:s31], [sflag:$0x3], $0xA000, $0x38;
	[tilespmem:$0x14100] =	vst v63  }
0xd2: {  	_ =	swait.ge [sflag:s9], $0xA000  }
0xd3: {  	[sflag:s9] =	ssyncset.done $0x0  }
0xd4: {  	s7 =	sadd.s32 $0x14, s7;
	s8 =	sadd.s32 $0x2800, s8;
	[sflag:s9] =	ssyncadd.s32 $0xFFFF6000  }
0xd5: {  	s5 =	rddreg [dreg:$0x19]  }
0xd6: {  	[tilespmem:s2], [sflag:$0x3] =	stream.linear.gather [hbm4b:s5+s2], $0x50, $0x38;
	[tilespmem:$0x14100] =	vst v63  }
0xd7: {  	_ =	swait.ge [sflag:s9], $0x50  }
0xd8: {  	[sflag:s9] =	ssyncset.done $0x0  }
0xd9: {  	[sflag:s9] =	ssyncadd.s32 $0xFFFFFFB0  }
0xda: {  	v3 =	vld [tilespmem:$0x0];
	_ =	sdelay $0x4  }
0xdb: {  	v4 =	vshll.u32 v3, $0x2  }
0xdc: {  	v3 =	vand.u32 $0x7, v3;
	v4 =	vand.u32 $0xFFFFFFE0, v4  }
0xdd: {  	v3 =	vor.u32 v3, v4  }
0xde: {  	v4 =	vperm.xlane v3, v0;
	_ =	sdelay $0x1  }
0xdf: {  	v4 =	vadd.s32 v1, v4;
	_ =	sdelay $0x1  }
0xe0: {  	v3 =	vperm.xlane v3, v2;
	_ =	sdelay $0x1  }
0xe1: {  	v3 =	vadd.s32 v1, v3  }
0xe2: {  	[tilespmem:s10], [sflag:$0x1] =	stream.indirect_vreg.gather [hbm4b:s3+s2], $0x80, v4, vm0, $0xb8;
	[tilespmem:$0x14100] =	vst v63  }
0xe3: {  	_ = 	snop  }
0xe4: {  	[tilespmem:s11], [sflag:$0x1] =	stream.indirect_vreg.gather [hbm4b:s4+s2], $0x80, v4, vm0, $0xb8;
	[tilespmem:$0x14100] =	vst v63  }
0xe5: {  	_ = 	snop  }
0xe6: {  	[tilespmem:s12], [sflag:$0x1] =	stream.indirect_vreg.gather [hbm4b:s3+s2], $0x80, v3, vm0, $0xb8;
	[tilespmem:$0x14100] =	vst v63  }
0xe7: {  	_ = 	snop  }
0xe8: {  	[tilespmem:s13], [sflag:$0x1] =	stream.indirect_vreg.gather [hbm4b:s4+s2], $0x80, v3, vm0, $0xb8;
	[tilespmem:$0x14100] =	vst v63  }
0xe9: {  	v3 =	vld [tilespmem:$0x10];
	_ =	sdelay $0x4  }
0xea: {  	v60 =	vshll.u32 v3, $0x2  }
0xeb: {  	v3 =	vand.u32 $0x7, v3;
	v4 =	vand.u32 $0xFFFFFFE0, v60  }
0xec: {  	v3 =	vor.u32 v3, v4  }
0xed: {  	v4 =	vperm.xlane v3, v0;
	_ =	sdelay $0x1  }
0xee: {  	v4 =	vadd.s32 v1, v4;
	_ =	sdelay $0x1  }
0xef: {  	v3 =	vperm.xlane v3, v2;
	_ =	sdelay $0x1  }
0xf0: {  	v3 =	vadd.s32 v1, v3  }
0xf1: {  	[tilespmem:s14], [sflag:$0x1] =	stream.indirect_vreg.gather [hbm4b:s3+s2], $0x80, v4, vm0, $0xb8;
	[tilespmem:$0x14100] =	vst v63  }
0xf2: {  	_ = 	snop  }
0xf3: {  	[tilespmem:s15], [sflag:$0x1] =	stream.indirect_vreg.gather [hbm4b:s4+s2], $0x80, v4, vm0, $0xb8;
	[tilespmem:$0x14100] =	vst v63  }
0xf4: {  	_ = 	snop  }
0xf5: {  	[tilespmem:s16], [sflag:$0x1] =	stream.indirect_vreg.gather [hbm4b:s3+s2], $0x80, v3, vm0, $0xb8;
	[tilespmem:$0x14100] =	vst v63  }
0xf6: {  	_ = 	snop  }
0xf7: {  	[tilespmem:s17], [sflag:$0x1] =	stream.indirect_vreg.gather [hbm4b:s4+s2], $0x80, v3, vm0, $0xb8;
	[tilespmem:$0x14100] =	vst v63  }
0xf8: {  	v3 =	vld [tilespmem:$0x20];
	_ =	sdelay $0x4  }
0xf9: {  	v61 =	vshll.u32 v3, $0x2  }
0xfa: {  	v3 =	vand.u32 $0x7, v3;
	v4 =	vand.u32 $0xFFFFFFE0, v61  }
0xfb: {  	v3 =	vor.u32 v3, v4  }
0xfc: {  	v4 =	vperm.xlane v3, v0;
	_ =	sdelay $0x1  }
0xfd: {  	v4 =	vadd.s32 v1, v4;
	_ =	sdelay $0x1  }
0xfe: {  	v3 =	vperm.xlane v3, v2;
	_ =	sdelay $0x1  }
0xff: {  	v3 =	vadd.s32 v1, v3  }
0x100: {  	[tilespmem:s18], [sflag:$0x1] =	stream.indirect_vreg.gather [hbm4b:s3+s2], $0x80, v4, vm0, $0xb8;
	[tilespmem:$0x14100] =	vst v63  }
0x101: {  	_ = 	snop  }
0x102: {  	[tilespmem:s19], [sflag:$0x1] =	stream.indirect_vreg.gather [hbm4b:s4+s2], $0x80, v4, vm0, $0xb8;
	[tilespmem:$0x14100] =	vst v63  }
0x103: {  	_ = 	snop  }
0x104: {  	[tilespmem:s20], [sflag:$0x1] =	stream.indirect_vreg.gather [hbm4b:s3+s2], $0x80, v3, vm0, $0xb8;
	[tilespmem:$0x14100] =	vst v63  }
0x105: {  	_ = 	snop  }
0x106: {  	[tilespmem:s21], [sflag:$0x1] =	stream.indirect_vreg.gather [hbm4b:s4+s2], $0x80, v3, vm0, $0xb8;
	[tilespmem:$0x14100] =	vst v63  }
0x107: {  	v3 =	vld [tilespmem:$0x30];
	_ =	sdelay $0x4  }
0x108: {  	v62 =	vshll.u32 v3, $0x2  }
0x109: {  	v3 =	vand.u32 $0x7, v3;
	v4 =	vand.u32 $0xFFFFFFE0, v62  }
0x10a: {  	v3 =	vor.u32 v3, v4  }
0x10b: {  	v4 =	vperm.xlane v3, v0;
	_ =	sdelay $0x1  }
0x10c: {  	v4 =	vadd.s32 v1, v4;
	_ =	sdelay $0x1  }
0x10d: {  	v3 =	vperm.xlane v3, v2;
	_ =	sdelay $0x1  }
0x10e: {  	v3 =	vadd.s32 v1, v3  }
0x10f: {  	[tilespmem:s22], [sflag:$0x1] =	stream.indirect_vreg.gather [hbm4b:s3+s2], $0x80, v4, vm0, $0xb8;
	[tilespmem:$0x14100] =	vst v63  }
0x110: {  	_ = 	snop  }
0x111: {  	[tilespmem:s23], [sflag:$0x1] =	stream.indirect_vreg.gather [hbm4b:s4+s2], $0x80, v4, vm0, $0xb8;
	[tilespmem:$0x14100] =	vst v63  }
0x112: {  	_ = 	snop  }
0x113: {  	[tilespmem:s24], [sflag:$0x1] =	stream.indirect_vreg.gather [hbm4b:s3+s2], $0x80, v3, vm0, $0xb8;
	[tilespmem:$0x14100] =	vst v63  }
0x114: {  	_ = 	snop  }
0x115: {  	[tilespmem:s25], [sflag:$0x1] =	stream.indirect_vreg.gather [hbm4b:s4+s2], $0x80, v3, vm0, $0xb8;
	[tilespmem:$0x14100] =	vst v63  }
0x116: {  	v3 =	vld [tilespmem:$0x40];
	_ =	sdelay $0x4  }
0x117: {  	v63 =	vshll.u32 v3, $0x2  }
0x118: {  	v3 =	vand.u32 $0x7, v3;
	v4 =	vand.u32 $0xFFFFFFE0, v63  }
0x119: {  	v3 =	vor.u32 v3, v4  }
0x11a: {  	v4 =	vperm.xlane v3, v0;
	_ =	sdelay $0x1  }
0x11b: {  	v4 =	vadd.s32 v1, v4;
	_ =	sdelay $0x1  }
0x11c: {  	v3 =	vperm.xlane v3, v2;
	_ =	sdelay $0x1  }
0x11d: {  	v3 =	vadd.s32 v1, v3  }
0x11e: {  	[tilespmem:s26], [sflag:$0x1] =	stream.indirect_vreg.gather [hbm4b:s3+s2], $0x80, v4, vm0, $0xb8;
	[tilespmem:$0x14100] =	vst v63  }
0x11f: {  	_ = 	snop  }
0x120: {  	[tilespmem:s28], [sflag:$0x1] =	stream.indirect_vreg.gather [hbm4b:s4+s2], $0x80, v4, vm0, $0xb8;
	[tilespmem:$0x14100] =	vst v63  }
0x121: {  	_ = 	snop  }
0x122: {  	[tilespmem:s29], [sflag:$0x1] =	stream.indirect_vreg.gather [hbm4b:s3+s2], $0x80, v3, vm0, $0xb8;
	[tilespmem:$0x14100] =	vst v63  }
0x123: {  	_ = 	snop  }
0x124: {  	[tilespmem:s30], [sflag:$0x1] =	stream.indirect_vreg.gather [hbm4b:s4+s2], $0x80, v3, vm0, $0xb8;
	[tilespmem:$0x14100] =	vst v63  }
0x125: {  	_ =	swait.ge [sflag:s1], $0xA000  }
0x126: {  	[sflag:s1] =	ssyncset.done $0x0  }
0x127: {  	s7 =	rddreg [dreg:$0x1a];
	[sflag:s1] =	ssyncadd.s32 $0xFFFF6000  }
0x128: {  	[hbm4b:s7+s2] =	stream.linear.scatter [tilespmem:s10], [sflag:$0x3], $0xA000, $0x38;
	[tilespmem:$0x14100] =	vst v63  }
0x129: {  	_ =	swait.ge [sflag:s9], $0xA000  }
0x12a: {  	s6 =	rddreg [dreg:$0x1d]  }
0x12b: {  	s8 =	rddreg [dreg:$0x1b];
	s6 =	sadd.s32 $0x1, s6  }
0x12c: {  	p0 =	sne.s32 s6, s8  }
.Ltmp1:
0x12d: {  	_ = 	snop;
	(pc) =	sbr.rel @p0 .LBB2_1-.Ltmp1, $3  }
0x12e: {  	_ =	sdelay $0x1  }
0x12f: {  	[sflag:s9] =	ssyncset.done $0x0  }
0x130: {  	[sflag:s9] =	ssyncadd.s32 $0xFFFF6000  }
0x131: {  	_ =	sfence.sel $0x180000  }
0x132: {  	[bflag:$0x0] =	sbarrier.arrive $0xFFFF  }
0x133: {  	_ =	strace $0x90000047  }
0x134: {  	s0 =	stileid.u32;
	[bflag:$0x2] =	sbarrier.arrive $0xFFFF  }
0x135: {  	p0 =	sne.s32 s0, $0x0;
	s0 =	rddreg [dreg:$0x2]  }
0x136: {  	s0 =	sadd.s32 @!p0 $0x100000, s0  }
0x137: {  	[sflag:s0] =	ssyncadd.tile.s32 @!p0 $0x1;
	_ =	shalt  }
.Lfunc_end2:
_tile_overlayer_lowered:
.L_overlay_start_2:
0x138: {  	(tag) =	ssettag $0x2  }
0x139: {  	s0 =	rddreg [dreg:$0x0];
	s2 =	stileid.u32  }
0x13a: {  	s1 =	rddreg [dreg:$0x1];
	p0 =	sne.s32 s2, $0x0  }
0x13b: {  	s3 =	rddreg [dreg:$0x2];
	[bflag:$0x3] =	sbarrier.arrive $0xFFFF;
	s2 =	simm.s32 @!p0 $0x1C03  }
0x13c: {  	[timem:s3], [sflag:s2] =	dma.local @!p0 [hbm:s0], s1  }
0x13d: {  	s0 =	simm.s32 @!p0 $0x3  }
0x13e: {  	_ =	swait.ge @!p0 [sflag:s0], s1  }
0x13f: {  	s1 =	ssub.s32 @!p0 $0x0, s1;
	[sflag:s0] =	ssyncset.done @!p0 $0x0  }
0x140: {  	[sflag:s0] =	ssyncadd.s32 @!p0 s1  }
0x141: {  	[bflag:$0x3] =	sbarrier.arrive $0xFFFF  }
0x142: {  	_ =	shalt  }

// kernel: kernel.22.cloned.1.call-start
scs
__scs_entry_jumppad:
0x0: {  	(pc) =	sbr.rel $0x88, $3  }
0x1: {  	(tag) =	ssettag $0x0;
	lr =	simm.s32 $0x1  }
0x2: {  	[smem:$0x3F9A] =	sst lr;
	_ =	strace $0xD0000000  }
0x3: {  	_ = 	snop  }
0x4: {  	_ = 	snop  }
0x5: {  	_ = 	snop  }
0x6: {  	_ = 	snop  }
0x7: {  	_ = 	snop  }
__scs_overlays_trampoline_lowered:
0x8: {  	[smem:$0x3FA9] =	sst s0  }
0x9: {  	[smem:$0x3FAA] =	sst s1  }
0xa: {  	[smem:$0x3FAB] =	sst s2  }
0xb: {  	[smem:$0x3FAC] =	sst s3  }
0xc: {  	[smem:$0x3FAD] =	sst s4  }
0xd: {  	[smem:$0x3FAE] =	sst s5  }
0xe: {  	[smem:$0x3FAF] =	sst s6  }
0xf: {  	[smem:$0x3FB0] =	sst s7  }
0x10: {  	[smem:$0x3FB1] =	sst s8  }
0x11: {  	[smem:$0x3FB2] =	sst s9;
	s0 =	simm.s32 @!p0 $0x0  }
0x12: {  	s1 =	sld [smem:$0x3F98];
	s0 =	simm.s32 @p0 $0x1  }
0x13: {  	[smem:$0x3FB3] =	sst s0;
	s0 =	simm.s32 @!p1 $0x0  }
0x14: {  	s2 =	sld [smem:$0x3F97];
	s0 =	simm.s32 @p1 $0x1  }
0x15: {  	[smem:$0x3FB4] =	sst s0;
	s0 =	simm.s32 @!p2 $0x0  }
0x16: {  	s3 =	sld [smem:$0x3FDB];
	s0 =	simm.s32 @p2 $0x1  }
0x17: {  	s4 =	simm.s32 $0x1BF5;
	[smem:$0x3FB6] =	sst s0  }
0x18: {  	s0 =	sld [smem:$0x3F99];
	_ =	swait.ge [sflag:s4], $0x0  }
0x19: {  	s7 =	sld [smem:$0x3F9A]  }
0x1a: {  	s8 =	sadd.s32 $0xFFFFE003, lr  }
0x1b: {  	s9 =	sadd.s32 $0xFFFFFEF7, lr;
	s5 =	simm.s32 $0xFFFFFFFF;
	p2 =	slt.u32 s8, $0xFFFFF086  }
0x1c: {  	p1 =	slt.u32 s9, $0xF7A;
	s5 =	simm.s32 @!p2 $0x0  }
0x1d: {  	s5 =	simm.s32 @p1 $0x1;
	p0 =	seq.s32 s7, s2  }
0x1e: {  	s7 =	smul.u32 @!p0 $0xF7A, s2;
	p2 =	seq.s32 @!p0 s5, $0x0  }
0x1f: {  	s9 =	smul.u32 $0xF7A, s1;
	s8 =	simm.s32 @!p0 $0x1BF5;
	p2 =	por !p2, p0  }
0x20: {  	[sflag:s8] =	ssyncset.s32 @!p0 $0xFFFFF086;
	s6 =	sadd.s32 @!p0 s3, s7;
	s7 =	simm.s32 @!p0 $0x108  }
0x21: {  	s3 =	sadd.s32 s3, s9;
	s6 =	sadd.s32 @!p0 $0x88, s6;
	s7 =	simm.s32 @p2 $0x1082  }
0x22: {  	[simem:s7], [sflag:s8] =	dma.local @!p0 [hbm:s6], $0xF7A  }
0x23: {  	s9 =	sor.u32 $0xD0000000, s2;
	s6 =	simm.s32 $0x108;
	_ =	swait.ge @!p0 [sflag:s8], $0x0  }
0x24: {  	s3 =	sadd.s32 $0x88, s3;
	s6 =	simm.s32 @!p1 $0x1082;
	[sflag:s4] =	ssyncset.s32 $0xFFFFF086  }
0x25: {  	[simem:s6], [sflag:s4] =	dma.local [hbm:s3], $0xF7A  }
0x26: {  	[smem:$0x3F9A] =	sst s1;
	(tag) =	ssettag s2;
	_ =	strace s9  }
0x27: {  	s1 =	sld [smem:$0x3FAA]  }
0x28: {  	s2 =	sld [smem:$0x3FAB]  }
0x29: {  	s4 =	sld [smem:$0x3FAD]  }
0x2a: {  	p0 =	seq.s32 s5, $0x0;
	s5 =	sld [smem:$0x3FAE]  }
0x2b: {  	s6 =	sld [smem:$0x3FAF]  }
0x2c: {  	s7 =	sld [smem:$0x3FB0]  }
0x2d: {  	s3 =	simm.s32 $0x108;
	s8 =	sld [smem:$0x3FB1]  }
0x2e: {  	s3 =	simm.s32 @!p0 $0x1082;
	s9 =	sld [smem:$0x3FB2]  }
0x2f: {  	lr =	sadd.s32 s0, s3;
	s0 =	sld [smem:$0x3FA9]  }
0x30: {  	s3 =	sld [smem:$0x3FAC]  }
0x31: {  	[smem:$0x3FB5] =	sst s10  }
0x32: {  	s10 =	sld [smem:$0x3FB3];
	_ =	sdelay $0x3  }
0x33: {  	p0 =	seq.s32 s10, $0x1;
	s10 =	sld [smem:$0x3FB5];
	_ =	sdelay $0x3  }
0x34: {  	[smem:$0x3FB5] =	sst s10  }
0x35: {  	s10 =	sld [smem:$0x3FB4];
	_ =	sdelay $0x3  }
0x36: {  	p1 =	seq.s32 s10, $0x1;
	s10 =	sld [smem:$0x3FB5];
	_ =	sdelay $0x3  }
0x37: {  	[smem:$0x3FB5] =	sst s10  }
0x38: {  	s10 =	sld [smem:$0x3FB6]  }
0x39: {  	_ = 	snop;
	(pc) =	sbr.ind lr, $3  }
0x3a: {  	_ = 	snop  }
0x3b: {  	_ = 	snop  }
0x3c: {  	p2 =	seq.s32 s10, $0x1;
	s10 =	sld [smem:$0x3FB5]  }
0x3d: {  	_ =	shalt  }
0x3e: {  	_ =	shalt  }
0x3f: {  	_ =	shalt  }
0x40: {  	_ =	shalt  }
0x41: {  	_ =	shalt  }
0x42: {  	_ =	shalt  }
0x43: {  	_ =	shalt  }
0x44: {  	_ =	shalt  }
0x45: {  	_ =	shalt  }
0x46: {  	_ =	shalt  }
0x47: {  	_ =	shalt  }
0x48: {  	_ =	shalt  }
0x49: {  	_ =	shalt  }
0x4a: {  	_ =	shalt  }
0x4b: {  	_ =	shalt  }
0x4c: {  	_ =	shalt  }
0x4d: {  	_ =	shalt  }
0x4e: {  	_ =	shalt  }
0x4f: {  	_ =	shalt  }
0x50: {  	_ =	shalt  }
0x51: {  	_ =	shalt  }
0x52: {  	_ =	shalt  }
0x53: {  	_ =	shalt  }
0x54: {  	_ =	shalt  }
0x55: {  	_ =	shalt  }
0x56: {  	_ =	shalt  }
0x57: {  	_ =	shalt  }
0x58: {  	_ =	shalt  }
0x59: {  	_ =	shalt  }
0x5a: {  	_ =	shalt  }
0x5b: {  	_ =	shalt  }
0x5c: {  	_ =	shalt  }
0x5d: {  	_ =	shalt  }
0x5e: {  	_ =	shalt  }
0x5f: {  	_ =	shalt  }
0x60: {  	_ =	shalt  }
0x61: {  	_ =	shalt  }
0x62: {  	_ =	shalt  }
0x63: {  	_ =	shalt  }
0x64: {  	_ =	shalt  }
0x65: {  	_ =	shalt  }
0x66: {  	_ =	shalt  }
0x67: {  	_ =	shalt  }
0x68: {  	_ =	shalt  }
0x69: {  	_ =	shalt  }
0x6a: {  	_ =	shalt  }
0x6b: {  	_ =	shalt  }
0x6c: {  	_ =	shalt  }
0x6d: {  	_ =	shalt  }
0x6e: {  	_ =	shalt  }
0x6f: {  	_ =	shalt  }
0x70: {  	_ =	shalt  }
0x71: {  	_ =	shalt  }
0x72: {  	_ =	shalt  }
0x73: {  	_ =	shalt  }
0x74: {  	_ =	shalt  }
0x75: {  	_ =	shalt  }
0x76: {  	_ =	shalt  }
0x77: {  	_ =	shalt  }
0x78: {  	_ =	shalt  }
0x79: {  	_ =	shalt  }
0x7a: {  	_ =	shalt  }
0x7b: {  	_ =	shalt  }
0x7c: {  	_ =	shalt  }
0x7d: {  	_ =	shalt  }
0x7e: {  	_ =	shalt  }
0x7f: {  	_ =	shalt  }
0x80: {  	_ =	shalt  }
0x81: {  	_ =	shalt  }
0x82: {  	_ =	shalt  }
0x83: {  	_ =	shalt  }
0x84: {  	_ =	shalt  }
0x85: {  	_ =	shalt  }
0x86: {  	_ =	shalt  }
0x87: {  	_ =	shalt  }
.Lfunc_end0:
.L_simem_size_0:
called_computation.2_lowered:
.L_overlay_start_0:
0x88: {  	s2 =	sld [smem:$0x3FD9]  }
0x89: {  	s3 =	sld [smem:$0x3FFE];
	_ =	sdelay $0x1  }
0x8a: {  	s1 =	srdreg.scid  }
0x8b: {  	s0 =	sand.u32 $0x1, s1  }
0x8c: {  	s17 =	sshll.u32 s0, $0xA;
	s2 =	sadd.s32 s3, s2  }
0x8d: {  	s2 =	sadd.s32 s2, s17  }
0x8e: {  	[smem:$0x3FC1] =	sst s2  }
0x8f: {  	_ = 	snop  }
0x90: {  	s18 =	sld [smem:$0x3FD0];
	(tm) =	ssettm $0x1  }
0x91: {  	s19 =	sld [smem:$0x3FFB];
	_ =	sdelay $0x3  }
0x92: {  	_ =	strace s19  }
0x93: {  	s2 =	sld [smem:$0x3FFC];
	_ =	sdelay $0x3  }
0x94: {  	_ =	strace s2  }
0x95: {  	s2 =	sld [smem:$0x3FFD];
	_ =	sdelay $0x3  }
0x96: {  	_ =	strace s2  }
0x97: {  	_ =	strace $0x8FFFFFFF  }
0x98: {  	s20 =	sld [smem:$0x3FDB];
	_ =	sdelay $0x1  }
0x99: {  	s4 =	simm.s32 $_scs_section_size  }
0x9a: {  	s5 =	simm.s32 $_size__tile_overlayer_lowered;
	s6 =	simm.s32 $_tile_overlayer_lowered  }
0x9b: {  	s7 =	simm.s32 $0x1BFF;
	s21 =	sshll.u32 s6, $0x1;
	s4 =	sadd.s32 s4, s20  }
0x9c: {  	s22 =	simm.s32 $0x0;
	s5 =	sshll.u32 s5, $0x1;
	s6 =	sadd.s32 s21, s4  }
0x9d: {  	[timem:s22], [sflag:s7] =	dma.local [hbm:s6], s5  }
0x9e: {  	_ =	swait.ge [sflag:s7], s5  }
0x9f: {  	s5 =	ssub.s32 $0x0, s5;
	[sflag:s7] =	ssyncset.done $0x0  }
0xa0: {  	[sflag:s7] =	ssyncadd.s32 s5;
	_ =	sdelay $0x1  }
0xa1: {  	s23 =	simm.s32 $0x1B8B  }
0xa2: {  	_ =	swait.ge [sflag:s23], $0x1  }
0xa3: {  	[sflag:s23] =	ssyncset.done $0x0  }
0xa4: {  	[sflag:s23] =	ssyncadd.s32 $0xFFFFFFFF  }
0xa5: {  	s5 =	sld [smem:$0x0]  }
0xa6: {  	s6 =	sand.u32 $0xFFFFFFFE, s1  }
0xa7: {  	p0 =	sne.s32 s1, s6  }
0xa8: {  	s6 =	sshll.u32 @p0 s6, $0xE  }
0xa9: {  	s6 =	sadd.s32 @p0 $0x11B8D, s6;
	s7 =	sshll.u32 @p0 s5, $0x11  }
0xaa: {  	s6 =	sor.u32 @p0 s7, s6  }
0xab: {  	[sflag:s6] =	ssyncadd.remote.s32 @p0 $0x1;
	_ =	sdelay $0x1  }
0xac: {  	s6 =	simm.s32 @p0 $0x1B8D  }
0xad: {  	_ =	swait.eq @p0 [sflag:s6], $0x1  }
0xae: {  	[sflag:s6] =	ssyncadd.s32 @p0 $0xFFFFFFFF  }
0xaf: {  	s7 =	sshll.u32 @!p0 s1, $0xE  }
0xb0: {  	s7 =	sor.u32 @!p0 $0x4000, s7;
	s6 =	simm.s32 @!p0 $0x1B8D  }
0xb1: {  	s5 =	sshll.u32 @!p0 s5, $0x11;
	s7 =	sadd.s32 @!p0 $0x11B8D, s7;
	_ =	swait.eq @!p0 [sflag:s6], $0x1  }
0xb2: {  	s5 =	sor.u32 @!p0 s5, s7;
	[sflag:s6] =	ssyncadd.s32 @!p0 $0xFFFFFFFF  }
0xb3: {  	s25 =	simm.s32 $0x1B8E;
	s24 =	sld [smem:$0x3FFE];
	[sflag:s5] =	ssyncadd.remote.s32 @!p0 $0x1  }
0xb4: {  	s26 =	simm.s32 $execute0_lowered;
	[smem:$0x3FD2] =	sst s25  }
0xb5: {  	s6 =	sshll.u32 s26, $0x1;
	_ =	strace $0x8000004F;
	[dreg:$0x1] =	wrdreg $0xFFFFFFFF  }
0xb6: {  	s28 =	simm.s32 $_size_execute0_lowered;
	s4 =	sadd.s32 s4, s6;
	[dreg:$0x0] =	wrdreg $0x0  }
0xb7: {  	s6 =	sshll.u32 s28, $0x1;
	[dreg:$0x2] =	wrdreg s4  }
0xb8: {  	[dreg:$0x3] =	wrdreg s6  }
0xb9: {  	[dreg:$0x4] =	wrdreg $0xC0  }
0xba: {  	_ =	task [dreg:s22], $0x5FFFF  }
0xbb: {  	[dreg:$0x1] =	wrdreg $0xFFFFFFFF  }
0xbc: {  	[dreg:$0x0] =	wrdreg $0x60  }
0xbd: {  	[dreg:$0x2] =	wrdreg s24  }
0xbe: {  	[dreg:$0x3] =	wrdreg s18  }
0xbf: {  	[dreg:$0x4] =	wrdreg $0x51000  }
0xc0: {  	[dreg:$0x5] =	wrdreg $0x9  }
0xc1: {  	_ =	task.clear_ibuf [dreg:s22], $0x6FFFF;
	_ =	strace $0x9000004F  }
0xc2: {  	s29 =	simm.s32 $0x9;
	_ =	strace $0x80000051  }
0xc3: {  	_ =	swait.ge [sflag:s29], $0x1  }
0xc4: {  	[sflag:s29] =	ssyncadd.s32 $0xFFFFFFFF  }
0xc5: {  	_ =	strace $0x90000051  }
0xc6: {  	_ =	sfence  }
0xc7: {  	s30 =	sld [smem:$0x0];
	_ =	sdelay $0x2  }
0xc8: {  	s31 =	sshll.u32 s1, $0xD;
	s1 =	sshrl.u32 s1, $0x2  }
0xc9: {  	s4 =	sand.u32 $0x4000, s31;
	s1 =	sadd.s32 s1, s30  }
0xca: {  	s0 =	sor.u32 s4, s0;
	s1 =	sshll.u32 s1, $0x11  }
0xcb: {  	s0 =	sor.u32 s1, s0  }
0xcc: {  	s0 =	sadd.s32 $0x8F2B, s0  }
0xcd: {  	[sflag:s0] =	ssyncadd.remote.s32 $0x1  }
0xce: {  	_ =	sfence.sel $0xFFFF  }
0xcf: {  	[dreg:$0x0] =	wrdreg $0xFFFFFFFF;
	(pc) =	sbr.abs _section_cstart, $3  }
0xd0: {  	[dreg:$0x1] =	wrdreg $0xFFFFFFFF  }
0xd1: {  	_ =	task.clear_ibuf [dreg:s22], $0x2FFFF;
	_ =	strace $0x9FFFFFFF  }
0xd2: {  	(tm) =	ssettm $0x7FFFFFFF  }
0xd3: {  	_ =	shalt  }
tec
execute0_lowered:
.L_overlay_start_1:
0x0: {  	(tag) =	ssettag $0x1  }
0x1: {  	s0 =	rddreg [dreg:$0x0]  }
0x2: {  	s1 =	rddreg [dreg:$0x1]  }
0x3: {  	s2 =	rddreg [dreg:$0x2]  }
0x4: {  	s13 =	stileid.u32;
	s5 =	srdreg.scid  }
0x5: {  	s3 =	simm.s32 $0x0;
	s28 =	simm.s32 $0x50;
	s4 =	smul.u32 $0x2800, s13  }
0x6: {  	s29 =	simm.s32 $0x2880;
	s30 =	simm.s32 $0x2900;
	s12 =	smul.u32 $0x50000, s13  }
0x7: {  	s31 =	simm.s32 $0x1;
	[smem:$0x7FF] =	sst s3;
	s19 =	smul.u32 $0x4E20, s13  }
0x8: {  	s9 =	sand.u32 $0x1, s5;
	s10 =	sadd.s32 $0x2C9B200, s0;
	s24 =	smul.u32 $0x138800, s13  }
0x9: {  	s7 =	sshll.u32 s13, $0x1;
	s16 =	sshll.u32 s13, $0x6;
	s6 =	smul.u32 $0x500000, s9  }
0xa: {  	_ =	strace $0x80000050;
	s7 =	sor.u32 s9, s7;
	s21 =	smul.u32 $0x2710, s9  }
0xb: {  	s8 =	ssub.s32 $0x2, s9;
	s9 =	smul.u32 $0x9C400, s9;
	s4 =	sadd.s32 s4, s0  }
0xc: {  	s7 =	smul.u32 $0x2710, s7;
	s14 =	sshrl.u32 s8, $0x1;
	s5 =	sshrl.u32 s12, $0x2  }
0xd: {  	s6 =	sadd.s32 s12, s6;
	s11 =	ssub.s32 s8, s14;
	s5 =	sadd.s32 s5, s2  }
0xe: {  	s6 =	sshrl.u32 s6, $0x3;
	[dreg:$0x4] =	wrdreg s5;
	s15 =	sadd.s32 $0x26C0, s7  }
0xf: {  	s5 =	sadd.s32 $0xCE00, s4;
	s4 =	sadd.s32 s21, s19;
	s11 =	smax.u32 s11, $0x1  }
0x10: {  	s0 =	sadd.s32 s6, s0;
	s7 =	sshrl.u32 s15, $0x3;
	s6 =	sor.u32 $0x1C03, s16  }
0x11: {  	s17 =	sshll.u32 s15, $0x6;
	[dreg:$0xc] =	wrdreg s11;
	s25 =	sadd.s32 $0x50, s4  }
0x12: {  	s4 =	sshrl.u32 s4, $0x3;
	s7 =	sadd.s32 s1, s7;
	s8 =	sadd.s32 s10, s17  }
0x13: {  	s18 =	sadd.s32 $0x84E00, s0;
	s20 =	sadd.s32 $0x84E80, s0;
	s22 =	sadd.s32 $0x84F00, s0  }
0x14: {  	s0 =	sadd.s32 $0x84F80, s0;
	s26 =	sshrl.u32 s25, $0x3;
	[dreg:$0x5] =	wrdreg s18  }
0x15: {  	s25 =	simm.s32 $0x1000;
	s12 =	sadd.s32 $0x80, s8;
	[dreg:$0x7] =	wrdreg s20  }
0x16: {  	s14 =	sadd.s32 $0x100, s8;
	[dreg:$0x9] =	wrdreg s22;
	s23 =	sadd.s32 $0x180, s8  }
0x17: {  	[dreg:$0xb] =	wrdreg s0;
	s0 =	sadd.s32 s24, s10;
	s18 =	sadd.s32 s4, s1  }
0x18: {  	s19 =	sadd.s32 s26, s1;
	s24 =	simm.s32 $0x400;
	[dreg:$0x6] =	wrdreg s12  }
0x19: {  	s26 =	simm.s32 $0x80;
	s1 =	simm.s32 $0x8;
	[dreg:$0x8] =	wrdreg s14  }
0x1a: {  	s4 =	simm.s32 $0x200;
	[dreg:$0xa] =	wrdreg s23;
	s17 =	sadd.s32 s9, s0  }
0x1b: {  	s23 =	simm.s32 $0x3;
	s0 =	simm.s32 $0x2;
	s9 =	simm.s32 $0x0  }
0x1c: {  	s20 =	sadd.s32 $0x1480, s17;
	s21 =	sadd.s32 $0x1500, s17;
	s22 =	sadd.s32 $0x1580, s17  }
.LBB2_1:
0x1d: {  	s10 =	rddreg [dreg:$0x4]  }
0x1e: {  	s10 =	sshrl.u32 s10, $0x3  }
0x1f: {  	[spmem:s10], [sflag:s6] =	dma.local [hbm:s5], $0x2800  }
0x20: {  	_ =	swait.ge [sflag:s23], $0x2800  }
0x21: {  	[sflag:s23] =	ssyncset.done $0x0  }
0x22: {  	[sflag:s23] =	ssyncadd.s32 $0xFFFFD800  }
0x23: {  	s11 =	sadd.s32 $0x0, s18;
	[bflag:$0x0] =	sbarrier.arrive $0xFFFF  }
0x24: {  	[tilespmem:s3], [sflag:$0x3] =	stream.linear.gather [hbm4b:s11+s3], $0x50, $0x38;
	[tilespmem:$0x19100] =	vst v63  }
0x25: {  	_ =	swait.ge [sflag:s23], $0x50  }
0x26: {  	[sflag:s23] =	ssyncset.done $0x0  }
0x27: {  	[sflag:s23] =	ssyncadd.s32 $0xFFFFFFB0  }
0x28: {  	[tilespmem:s26], [sflag:$0x3] =	stream.strided.gather [hbm4b:s17+s24], $0x2800, s25, s24, $0x38;
	[tilespmem:$0x19100] =	vst v63  }
0x29: {  	_ =	swait.ge [sflag:s23], $0x2800  }
0x2a: {  	[sflag:s23] =	ssyncset.done $0x0  }
0x2b: {  	[sflag:s23] =	ssyncadd.s32 $0xFFFFD800  }
0x2c: {  	[spmem:s2] =	stream.indirect.scatter.add.f32 [tilespmem:s26], [sflag:$0x1], $0x80, s3, s28, $0xb8;
	[tilespmem:$0x19100] =	vst v63  }
0x2d: {  	s15 =	sadd.s32 $0x0, s19  }
0x2e: {  	[tilespmem:s29], [sflag:$0x3] =	stream.linear.gather [hbm4b:s15+s3], $0x50, $0x38;
	[tilespmem:$0x19100] =	vst v63  }
0x2f: {  	_ =	swait.ge [sflag:s23], $0x50  }
0x30: {  	[sflag:s23] =	ssyncset.done $0x0  }
0x31: {  	s16 =	sadd.s32 $0x1400, s17;
	[sflag:s23] =	ssyncadd.s32 $0xFFFFFFB0  }
0x32: {  	[tilespmem:s30], [sflag:$0x3] =	stream.strided.gather [hbm4b:s16+s24], $0x2800, s25, s24, $0x38;
	[tilespmem:$0x19100] =	vst v63  }
0x33: {  	_ =	swait.ge [sflag:s23], $0x2800  }
0x34: {  	[sflag:s23] =	ssyncset.done $0x0  }
0x35: {  	[sflag:s23] =	ssyncadd.s32 $0xFFFFD800  }
0x36: {  	[spmem:s2] =	stream.indirect.scatter.add.f32 [tilespmem:s30], [sflag:$0x2], $0x80, s29, s28, $0xb8;
	[tilespmem:$0x19100] =	vst v63  }
0x37: {  	_ =	swait.ge [sflag:s31], $0x2800  }
0x38: {  	[sflag:s31] =	ssyncset.done $0x0  }
0x39: {  	[sflag:s31] =	ssyncadd.s32 $0xFFFFD800  }
0x3a: {  	s12 =	simm.s32 $0x14;
	_ =	swait.ge [sflag:s0], $0x2800  }
0x3b: {  	s13 =	simm.s32 $0x28;
	s11 =	sadd.s32 $0x2800, s17;
	[sflag:s0] =	ssyncset.done $0x0  }
.LBB2_2:
0x3c: {  	s14 =	sadd.s32 s12, s18  }
0x3d: {  	[sflag:s0] =	ssyncadd.s32 $0xFFFFD800;
	s15 =	smov.u32 s13;
	s16 =	sadd.s32 $0x14, s13  }
0x3e: {  	[tilespmem:s3], [sflag:$0x3] =	stream.linear.gather [hbm4b:s14+s3], $0x50, $0x38;
	[tilespmem:$0x19100] =	vst v63  }
0x3f: {  	p0 =	sne.s32 s13, $0x4C4;
	_ =	swait.ge [sflag:s23], $0x50  }
0x40: {  	[sflag:s23] =	ssyncset.done $0x0  }
0x41: {  	[sflag:s23] =	ssyncadd.s32 $0xFFFFFFB0  }
0x42: {  	[tilespmem:s26], [sflag:$0x3] =	stream.strided.gather [hbm4b:s11+s24], $0x2800, s25, s24, $0x38;
	[tilespmem:$0x19100] =	vst v63  }
0x43: {  	_ =	swait.ge [sflag:s23], $0x2800  }
0x44: {  	[sflag:s23] =	ssyncset.done $0x0  }
0x45: {  	[sflag:s23] =	ssyncadd.s32 $0xFFFFD800  }
0x46: {  	[spmem:s2] =	stream.indirect.scatter.add.f32 [tilespmem:s26], [sflag:$0x1], $0x80, s3, s28, $0xb8;
	[tilespmem:$0x19100] =	vst v63  }
0x47: {  	s13 =	sadd.s32 s12, s19;
	s12 =	smov.u32 s15  }
0x48: {  	[tilespmem:s29], [sflag:$0x3] =	stream.linear.gather [hbm4b:s13+s3], $0x50, $0x38;
	[tilespmem:$0x19100] =	vst v63  }
0x49: {  	_ =	swait.ge [sflag:s23], $0x50  }
0x4a: {  	[sflag:s23] =	ssyncset.done $0x0  }
0x4b: {  	s13 =	sadd.s32 $0x1400, s11;
	[sflag:s23] =	ssyncadd.s32 $0xFFFFFFB0  }
0x4c: {  	[tilespmem:s30], [sflag:$0x3] =	stream.strided.gather [hbm4b:s13+s24], $0x2800, s25, s24, $0x38;
	[tilespmem:$0x19100] =	vst v63  }
0x4d: {  	_ =	swait.ge [sflag:s23], $0x2800  }
0x4e: {  	[sflag:s23] =	ssyncset.done $0x0  }
0x4f: {  	[sflag:s23] =	ssyncadd.s32 $0xFFFFD800  }
0x50: {  	[spmem:s2] =	stream.indirect.scatter.add.f32 [tilespmem:s30], [sflag:$0x2], $0x80, s29, s28, $0xb8;
	[tilespmem:$0x19100] =	vst v63  }
.Ltmp0:
0x51: {  	_ =	swait.ge [sflag:s31], $0x2800;
	(pc) =	sbr.rel @p0 .LBB2_2-.Ltmp0, $4  }
0x52: {  	[sflag:s31] =	ssyncset.done $0x0  }
0x53: {  	[sflag:s31] =	ssyncadd.s32 $0xFFFFD800  }
0x54: {  	_ =	swait.ge [sflag:s0], $0x2800  }
0x55: {  	s11 =	sadd.s32 $0x2800, s11;
	s13 =	smov.u32 s16;
	[sflag:s0] =	ssyncset.done $0x0  }
0x56: {  	s13 =	sadd.s32 s12, s18;
	[sflag:s0] =	ssyncadd.s32 $0xFFFFD800  }
0x57: {  	[tilespmem:s3], [sflag:$0x3] =	stream.linear.gather [hbm4b:s13+s3], $0x50, $0x38;
	[tilespmem:$0x19100] =	vst v63  }
0x58: {  	_ =	swait.ge [sflag:s23], $0x50  }
0x59: {  	[sflag:s23] =	ssyncset.done $0x0  }
0x5a: {  	[sflag:s23] =	ssyncadd.s32 $0xFFFFFFB0  }
0x5b: {  	[tilespmem:s26], [sflag:$0x3] =	stream.strided.gather [hbm4b:s11+s24], $0x2800, s25, s24, $0x38;
	[tilespmem:$0x19100] =	vst v63  }
0x5c: {  	_ =	swait.ge [sflag:s23], $0x2800  }
0x5d: {  	[sflag:s23] =	ssyncset.done $0x0  }
0x5e: {  	[sflag:s23] =	ssyncadd.s32 $0xFFFFD800  }
0x5f: {  	[spmem:s2] =	stream.indirect.scatter.add.f32 [tilespmem:s26], [sflag:$0x1], $0x80, s3, s28, $0xb8;
	[tilespmem:$0x19100] =	vst v63  }
0x60: {  	s15 =	sadd.s32 s12, s19  }
0x61: {  	[tilespmem:s29], [sflag:$0x3] =	stream.linear.gather [hbm4b:s15+s3], $0x50, $0x38;
	[tilespmem:$0x19100] =	vst v63  }
0x62: {  	_ =	swait.ge [sflag:s23], $0x50  }
0x63: {  	[sflag:s23] =	ssyncset.done $0x0  }
0x64: {  	s16 =	sadd.s32 $0x1400, s11;
	[sflag:s23] =	ssyncadd.s32 $0xFFFFFFB0  }
0x65: {  	[tilespmem:s30], [sflag:$0x3] =	stream.strided.gather [hbm4b:s16+s24], $0x2800, s25, s24, $0x38;
	[tilespmem:$0x19100] =	vst v63  }
0x66: {  	_ =	swait.ge [sflag:s23], $0x2800  }
0x67: {  	[sflag:s23] =	ssyncset.done $0x0  }
0x68: {  	[sflag:s23] =	ssyncadd.s32 $0xFFFFD800  }
0x69: {  	[spmem:s2] =	stream.indirect.scatter.add.f32 [tilespmem:s30], [sflag:$0x2], $0x80, s29, s28, $0xb8;
	[tilespmem:$0x19100] =	vst v63  }
0x6a: {  	_ =	swait.ge [sflag:s31], $0x2800  }
0x6b: {  	[sflag:s31] =	ssyncset.done $0x0  }
0x6c: {  	[sflag:s31] =	ssyncadd.s32 $0xFFFFD800  }
0x6d: {  	_ =	swait.ge [sflag:s0], $0x2800  }
0x6e: {  	[sflag:s0] =	ssyncset.done $0x0  }
0x6f: {  	s12 =	simm.s32 $0x0;
	[sflag:s0] =	ssyncadd.s32 $0xFFFFD800  }
0x70: {  	[tilespmem:s12], [sflag:$0x3] =	stream.linear.gather [hbm4b:s7+s12], $0x50, $0x38;
	[tilespmem:$0x19100] =	vst v63  }
0x71: {  	_ =	swait.ge [sflag:s23], $0x50  }
0x72: {  	[sflag:s23] =	ssyncset.done $0x0  }
0x73: {  	[sflag:s23] =	ssyncadd.s32 $0xFFFFFFB0  }
0x74: {  	[tilespmem:s26], [sflag:$0x3] =	stream.strided.gather [hbm4b:s8+s24], $0x2800, s25, s24, $0x38;
	[tilespmem:$0x19100] =	vst v63  }
0x75: {  	_ =	swait.ge [sflag:s23], $0x2800  }
0x76: {  	[sflag:s23] =	ssyncset.done $0x0  }
0x77: {  	[sflag:s23] =	ssyncadd.s32 $0xFFFFD800  }
0x78: {  	[spmem:s2] =	stream.indirect.scatter.add.f32 [tilespmem:s26], [sflag:$0x3], $0x80, s12, s28, $0xb8;
	[tilespmem:$0x19100] =	vst v63  }
0x79: {  	_ =	swait.ge [sflag:s23], $0x2800  }
0x7a: {  	[sflag:s23] =	ssyncset.done $0x0  }
0x7b: {  	[sflag:s23] =	ssyncadd.s32 $0xFFFFD800  }
0x7c: {  	[bflag:$0x0] =	sbarrier.arrive $0xFFFF  }
0x7d: {  	s13 =	rddreg [dreg:$0x5]  }
0x7e: {  	[hbm:s13@s4], [sflag:s6] =	dma.strided [spmem:s10@s26], $0x2800, s1, $0x10   }
0x7f: {  	_ =	swait.ge [sflag:s23], $0x2800  }
0x80: {  	[sflag:s23] =	ssyncset.done $0x0  }
0x81: {  	[sflag:s23] =	ssyncadd.s32 $0xFFFFD800  }
0x82: {  	[bflag:$0x0] =	sbarrier.arrive $0xFFFF  }
0x83: {  	[spmem:s10], [sflag:s6] =	dma.local [hbm:s5], $0x2800  }
0x84: {  	_ =	swait.ge [sflag:s23], $0x2800  }
0x85: {  	[sflag:s23] =	ssyncset.done $0x0  }
0x86: {  	[sflag:s23] =	ssyncadd.s32 $0xFFFFD800  }
0x87: {  	s14 =	sadd.s32 $0x0, s18;
	[bflag:$0x0] =	sbarrier.arrive $0xFFFF  }
0x88: {  	[tilespmem:s3], [sflag:$0x3] =	stream.linear.gather [hbm4b:s14+s3], $0x50, $0x38;
	[tilespmem:$0x19100] =	vst v63  }
0x89: {  	_ =	swait.ge [sflag:s23], $0x50  }
0x8a: {  	[sflag:s23] =	ssyncset.done $0x0  }
0x8b: {  	s15 =	sadd.s32 $0xFFFFEC00, s20;
	[sflag:s23] =	ssyncadd.s32 $0xFFFFFFB0  }
0x8c: {  	[tilespmem:s26], [sflag:$0x3] =	stream.strided.gather [hbm4b:s15+s24], $0x2800, s25, s24, $0x38;
	[tilespmem:$0x19100] =	vst v63  }
0x8d: {  	_ =	swait.ge [sflag:s23], $0x2800  }
0x8e: {  	[sflag:s23] =	ssyncset.done $0x0  }
0x8f: {  	[sflag:s23] =	ssyncadd.s32 $0xFFFFD800  }
0x90: {  	[spmem:s2] =	stream.indirect.scatter.add.f32 [tilespmem:s26], [sflag:$0x1], $0x80, s3, s28, $0xb8;
	[tilespmem:$0x19100] =	vst v63  }
0x91: {  	s16 =	sadd.s32 $0x0, s19  }
0x92: {  	[tilespmem:s29], [sflag:$0x3] =	stream.linear.gather [hbm4b:s16+s3], $0x50, $0x38;
	[tilespmem:$0x19100] =	vst v63  }
0x93: {  	_ =	swait.ge [sflag:s23], $0x50  }
0x94: {  	[sflag:s23] =	ssyncset.done $0x0  }
0x95: {  	[sflag:s23] =	ssyncadd.s32 $0xFFFFFFB0  }
0x96: {  	[tilespmem:s30], [sflag:$0x3] =	stream.strided.gather [hbm4b:s20+s24], $0x2800, s25, s24, $0x38;
	[tilespmem:$0x19100] =	vst v63  }
0x97: {  	_ =	swait.ge [sflag:s23], $0x2800  }
0x98: {  	[sflag:s23] =	ssyncset.done $0x0  }
0x99: {  	[sflag:s23] =	ssyncadd.s32 $0xFFFFD800  }
0x9a: {  	[spmem:s2] =	stream.indirect.scatter.add.f32 [tilespmem:s30], [sflag:$0x2], $0x80, s29, s28, $0xb8;
	[tilespmem:$0x19100] =	vst v63  }
0x9b: {  	_ =	swait.ge [sflag:s31], $0x2800  }
0x9c: {  	[sflag:s31] =	ssyncset.done $0x0  }
0x9d: {  	[sflag:s31] =	ssyncadd.s32 $0xFFFFD800  }
0x9e: {  	s11 =	sadd.s32 $0x2800, s20;
	_ =	swait.ge [sflag:s0], $0x2800  }
0x9f: {  	s12 =	simm.s32 $0x14;
	s13 =	simm.s32 $0x28;
	[sflag:s0] =	ssyncset.done $0x0  }
.LBB2_4:
0xa0: {  	s14 =	sadd.s32 s12, s18  }
0xa1: {  	[sflag:s0] =	ssyncadd.s32 $0xFFFFD800;
	s15 =	smov.u32 s13;
	s16 =	sadd.s32 $0x14, s13  }
0xa2: {  	[tilespmem:s3], [sflag:$0x3] =	stream.linear.gather [hbm4b:s14+s3], $0x50, $0x38;
	[tilespmem:$0x19100] =	vst v63  }
0xa3: {  	p0 =	sne.s32 s13, $0x4C4;
	_ =	swait.ge [sflag:s23], $0x50  }
0xa4: {  	[sflag:s23] =	ssyncset.done $0x0  }
0xa5: {  	s13 =	sadd.s32 $0xFFFFEC00, s11;
	[sflag:s23] =	ssyncadd.s32 $0xFFFFFFB0  }
0xa6: {  	[tilespmem:s26], [sflag:$0x3] =	stream.strided.gather [hbm4b:s13+s24], $0x2800, s25, s24, $0x38;
	[tilespmem:$0x19100] =	vst v63  }
0xa7: {  	_ =	swait.ge [sflag:s23], $0x2800  }
0xa8: {  	[sflag:s23] =	ssyncset.done $0x0  }
0xa9: {  	[sflag:s23] =	ssyncadd.s32 $0xFFFFD800  }
0xaa: {  	[spmem:s2] =	stream.indirect.scatter.add.f32 [tilespmem:s26], [sflag:$0x1], $0x80, s3, s28, $0xb8;
	[tilespmem:$0x19100] =	vst v63  }
0xab: {  	s13 =	sadd.s32 s12, s19;
	s12 =	smov.u32 s15  }
0xac: {  	[tilespmem:s29], [sflag:$0x3] =	stream.linear.gather [hbm4b:s13+s3], $0x50, $0x38;
	[tilespmem:$0x19100] =	vst v63  }
0xad: {  	_ =	swait.ge [sflag:s23], $0x50  }
0xae: {  	[sflag:s23] =	ssyncset.done $0x0  }
0xaf: {  	[sflag:s23] =	ssyncadd.s32 $0xFFFFFFB0  }
0xb0: {  	[tilespmem:s30], [sflag:$0x3] =	stream.strided.gather [hbm4b:s11+s24], $0x2800, s25, s24, $0x38;
	[tilespmem:$0x19100] =	vst v63  }
0xb1: {  	_ =	swait.ge [sflag:s23], $0x2800  }
0xb2: {  	[sflag:s23] =	ssyncset.done $0x0  }
0xb3: {  	[sflag:s23] =	ssyncadd.s32 $0xFFFFD800  }
0xb4: {  	[spmem:s2] =	stream.indirect.scatter.add.f32 [tilespmem:s30], [sflag:$0x2], $0x80, s29, s28, $0xb8;
	[tilespmem:$0x19100] =	vst v63  }
.Ltmp1:
0xb5: {  	_ =	swait.ge [sflag:s31], $0x2800;
	(pc) =	sbr.rel @p0 .LBB2_4-.Ltmp1, $4  }
0xb6: {  	[sflag:s31] =	ssyncset.done $0x0  }
0xb7: {  	[sflag:s31] =	ssyncadd.s32 $0xFFFFD800  }
0xb8: {  	_ =	swait.ge [sflag:s0], $0x2800  }
0xb9: {  	s13 =	smov.u32 s16;
	s11 =	sadd.s32 $0x2800, s11;
	[sflag:s0] =	ssyncset.done $0x0  }
0xba: {  	s13 =	sadd.s32 s12, s18;
	[sflag:s0] =	ssyncadd.s32 $0xFFFFD800  }
0xbb: {  	[tilespmem:s3], [sflag:$0x3] =	stream.linear.gather [hbm4b:s13+s3], $0x50, $0x38;
	[tilespmem:$0x19100] =	vst v63  }
0xbc: {  	_ =	swait.ge [sflag:s23], $0x50  }
0xbd: {  	[sflag:s23] =	ssyncset.done $0x0  }
0xbe: {  	s16 =	sadd.s32 $0xFFFFEC00, s11;
	[sflag:s23] =	ssyncadd.s32 $0xFFFFFFB0  }
0xbf: {  	[tilespmem:s26], [sflag:$0x3] =	stream.strided.gather [hbm4b:s16+s24], $0x2800, s25, s24, $0x38;
	[tilespmem:$0x19100] =	vst v63  }
0xc0: {  	_ =	swait.ge [sflag:s23], $0x2800  }
0xc1: {  	[sflag:s23] =	ssyncset.done $0x0  }
0xc2: {  	[sflag:s23] =	ssyncadd.s32 $0xFFFFD800  }
0xc3: {  	[spmem:s2] =	stream.indirect.scatter.add.f32 [tilespmem:s26], [sflag:$0x1], $0x80, s3, s28, $0xb8;
	[tilespmem:$0x19100] =	vst v63  }
0xc4: {  	s14 =	sadd.s32 s12, s19  }
0xc5: {  	[tilespmem:s29], [sflag:$0x3] =	stream.linear.gather [hbm4b:s14+s3], $0x50, $0x38;
	[tilespmem:$0x19100] =	vst v63  }
0xc6: {  	_ =	swait.ge [sflag:s23], $0x50  }
0xc7: {  	[sflag:s23] =	ssyncset.done $0x0  }
0xc8: {  	[sflag:s23] =	ssyncadd.s32 $0xFFFFFFB0  }
0xc9: {  	[tilespmem:s30], [sflag:$0x3] =	stream.strided.gather [hbm4b:s11+s24], $0x2800, s25, s24, $0x38;
	[tilespmem:$0x19100] =	vst v63  }
0xca: {  	_ =	swait.ge [sflag:s23], $0x2800  }
0xcb: {  	[sflag:s23] =	ssyncset.done $0x0  }
0xcc: {  	[sflag:s23] =	ssyncadd.s32 $0xFFFFD800  }
0xcd: {  	[spmem:s2] =	stream.indirect.scatter.add.f32 [tilespmem:s30], [sflag:$0x2], $0x80, s29, s28, $0xb8;
	[tilespmem:$0x19100] =	vst v63  }
0xce: {  	_ =	swait.ge [sflag:s31], $0x2800  }
0xcf: {  	[sflag:s31] =	ssyncset.done $0x0  }
0xd0: {  	[sflag:s31] =	ssyncadd.s32 $0xFFFFD800  }
0xd1: {  	_ =	swait.ge [sflag:s0], $0x2800  }
0xd2: {  	[sflag:s0] =	ssyncset.done $0x0  }
0xd3: {  	s15 =	simm.s32 $0x0;
	[sflag:s0] =	ssyncadd.s32 $0xFFFFD800  }
0xd4: {  	[tilespmem:s15], [sflag:$0x3] =	stream.linear.gather [hbm4b:s7+s15], $0x50, $0x38;
	[tilespmem:$0x19100] =	vst v63  }
0xd5: {  	_ =	swait.ge [sflag:s23], $0x50  }
0xd6: {  	[sflag:s23] =	ssyncset.done $0x0  }
0xd7: {  	s16 =	rddreg [dreg:$0x6];
	[sflag:s23] =	ssyncadd.s32 $0xFFFFFFB0  }
0xd8: {  	[tilespmem:s26], [sflag:$0x3] =	stream.strided.gather [hbm4b:s16+s24], $0x2800, s25, s24, $0x38;
	[tilespmem:$0x19100] =	vst v63  }
0xd9: {  	_ =	swait.ge [sflag:s23], $0x2800  }
0xda: {  	[sflag:s23] =	ssyncset.done $0x0  }
0xdb: {  	[sflag:s23] =	ssyncadd.s32 $0xFFFFD800  }
0xdc: {  	[spmem:s2] =	stream.indirect.scatter.add.f32 [tilespmem:s26], [sflag:$0x3], $0x80, s15, s28, $0xb8;
	[tilespmem:$0x19100] =	vst v63  }
0xdd: {  	_ =	swait.ge [sflag:s23], $0x2800  }
0xde: {  	[sflag:s23] =	ssyncset.done $0x0  }
0xdf: {  	[sflag:s23] =	ssyncadd.s32 $0xFFFFD800  }
0xe0: {  	[bflag:$0x0] =	sbarrier.arrive $0xFFFF  }
0xe1: {  	s13 =	rddreg [dreg:$0x7]  }
0xe2: {  	[hbm:s13@s4], [sflag:s6] =	dma.strided [spmem:s10@s26], $0x2800, s1, $0x10   }
0xe3: {  	_ =	swait.ge [sflag:s23], $0x2800  }
0xe4: {  	[sflag:s23] =	ssyncset.done $0x0  }
0xe5: {  	[sflag:s23] =	ssyncadd.s32 $0xFFFFD800  }
0xe6: {  	[bflag:$0x0] =	sbarrier.arrive $0xFFFF  }
0xe7: {  	[spmem:s10], [sflag:s6] =	dma.local [hbm:s5], $0x2800  }
0xe8: {  	_ =	swait.ge [sflag:s23], $0x2800  }
0xe9: {  	[sflag:s23] =	ssyncset.done $0x0  }
0xea: {  	[sflag:s23] =	ssyncadd.s32 $0xFFFFD800  }
0xeb: {  	s14 =	sadd.s32 $0x0, s18;
	[bflag:$0x0] =	sbarrier.arrive $0xFFFF  }
0xec: {  	[tilespmem:s3], [sflag:$0x3] =	stream.linear.gather [hbm4b:s14+s3], $0x50, $0x38;
	[tilespmem:$0x19100] =	vst v63  }
0xed: {  	_ =	swait.ge [sflag:s23], $0x50  }
0xee: {  	[sflag:s23] =	ssyncset.done $0x0  }
0xef: {  	s15 =	sadd.s32 $0xFFFFEC00, s21;
	[sflag:s23] =	ssyncadd.s32 $0xFFFFFFB0  }
0xf0: {  	[tilespmem:s26], [sflag:$0x3] =	stream.strided.gather [hbm4b:s15+s24], $0x2800, s25, s24, $0x38;
	[tilespmem:$0x19100] =	vst v63  }
0xf1: {  	_ =	swait.ge [sflag:s23], $0x2800  }
0xf2: {  	[sflag:s23] =	ssyncset.done $0x0  }
0xf3: {  	[sflag:s23] =	ssyncadd.s32 $0xFFFFD800  }
0xf4: {  	[spmem:s2] =	stream.indirect.scatter.add.f32 [tilespmem:s26], [sflag:$0x1], $0x80, s3, s28, $0xb8;
	[tilespmem:$0x19100] =	vst v63  }
0xf5: {  	s16 =	sadd.s32 $0x0, s19  }
0xf6: {  	[tilespmem:s29], [sflag:$0x3] =	stream.linear.gather [hbm4b:s16+s3], $0x50, $0x38;
	[tilespmem:$0x19100] =	vst v63  }
0xf7: {  	_ =	swait.ge [sflag:s23], $0x50  }
0xf8: {  	[sflag:s23] =	ssyncset.done $0x0  }
0xf9: {  	[sflag:s23] =	ssyncadd.s32 $0xFFFFFFB0  }
0xfa: {  	[tilespmem:s30], [sflag:$0x3] =	stream.strided.gather [hbm4b:s21+s24], $0x2800, s25, s24, $0x38;
	[tilespmem:$0x19100] =	vst v63  }
0xfb: {  	_ =	swait.ge [sflag:s23], $0x2800  }
0xfc: {  	[sflag:s23] =	ssyncset.done $0x0  }
0xfd: {  	[sflag:s23] =	ssyncadd.s32 $0xFFFFD800  }
0xfe: {  	[spmem:s2] =	stream.indirect.scatter.add.f32 [tilespmem:s30], [sflag:$0x2], $0x80, s29, s28, $0xb8;
	[tilespmem:$0x19100] =	vst v63  }
0xff: {  	_ =	swait.ge [sflag:s31], $0x2800  }
0x100: {  	[sflag:s31] =	ssyncset.done $0x0  }
0x101: {  	[sflag:s31] =	ssyncadd.s32 $0xFFFFD800  }
0x102: {  	s12 =	simm.s32 $0x14;
	_ =	swait.ge [sflag:s0], $0x2800  }
0x103: {  	s11 =	sadd.s32 $0x2800, s21;
	s13 =	simm.s32 $0x28;
	[sflag:s0] =	ssyncset.done $0x0  }
.LBB2_6:
0x104: {  	s14 =	sadd.s32 s12, s18  }
0x105: {  	[sflag:s0] =	ssyncadd.s32 $0xFFFFD800;
	s15 =	smov.u32 s13;
	s16 =	sadd.s32 $0x14, s13  }
0x106: {  	[tilespmem:s3], [sflag:$0x3] =	stream.linear.gather [hbm4b:s14+s3], $0x50, $0x38;
	[tilespmem:$0x19100] =	vst v63  }
0x107: {  	p0 =	sne.s32 s13, $0x4C4;
	_ =	swait.ge [sflag:s23], $0x50  }
0x108: {  	[sflag:s23] =	ssyncset.done $0x0  }
0x109: {  	s13 =	sadd.s32 $0xFFFFEC00, s11;
	[sflag:s23] =	ssyncadd.s32 $0xFFFFFFB0  }
0x10a: {  	[tilespmem:s26], [sflag:$0x3] =	stream.strided.gather [hbm4b:s13+s24], $0x2800, s25, s24, $0x38;
	[tilespmem:$0x19100] =	vst v63  }
0x10b: {  	_ =	swait.ge [sflag:s23], $0x2800  }
0x10c: {  	[sflag:s23] =	ssyncset.done $0x0  }
0x10d: {  	[sflag:s23] =	ssyncadd.s32 $0xFFFFD800  }
0x10e: {  	[spmem:s2] =	stream.indirect.scatter.add.f32 [tilespmem:s26], [sflag:$0x1], $0x80, s3, s28, $0xb8;
	[tilespmem:$0x19100] =	vst v63  }
0x10f: {  	s13 =	sadd.s32 s12, s19;
	s12 =	smov.u32 s15  }
0x110: {  	[tilespmem:s29], [sflag:$0x3] =	stream.linear.gather [hbm4b:s13+s3], $0x50, $0x38;
	[tilespmem:$0x19100] =	vst v63  }
0x111: {  	_ =	swait.ge [sflag:s23], $0x50  }
0x112: {  	[sflag:s23] =	ssyncset.done $0x0  }
0x113: {  	[sflag:s23] =	ssyncadd.s32 $0xFFFFFFB0  }
0x114: {  	[tilespmem:s30], [sflag:$0x3] =	stream.strided.gather [hbm4b:s11+s24], $0x2800, s25, s24, $0x38;
	[tilespmem:$0x19100] =	vst v63  }
0x115: {  	_ =	swait.ge [sflag:s23], $0x2800  }
0x116: {  	[sflag:s23] =	ssyncset.done $0x0  }
0x117: {  	[sflag:s23] =	ssyncadd.s32 $0xFFFFD800  }
0x118: {  	[spmem:s2] =	stream.indirect.scatter.add.f32 [tilespmem:s30], [sflag:$0x2], $0x80, s29, s28, $0xb8;
	[tilespmem:$0x19100] =	vst v63  }
.Ltmp2:
0x119: {  	_ =	swait.ge [sflag:s31], $0x2800;
	(pc) =	sbr.rel @p0 .LBB2_6-.Ltmp2, $4  }
0x11a: {  	[sflag:s31] =	ssyncset.done $0x0  }
0x11b: {  	[sflag:s31] =	ssyncadd.s32 $0xFFFFD800  }
0x11c: {  	_ =	swait.ge [sflag:s0], $0x2800  }
0x11d: {  	s13 =	smov.u32 s16;
	s11 =	sadd.s32 $0x2800, s11;
	[sflag:s0] =	ssyncset.done $0x0  }
0x11e: {  	s13 =	sadd.s32 s12, s18;
	[sflag:s0] =	ssyncadd.s32 $0xFFFFD800  }
0x11f: {  	[tilespmem:s3], [sflag:$0x3] =	stream.linear.gather [hbm4b:s13+s3], $0x50, $0x38;
	[tilespmem:$0x19100] =	vst v63  }
0x120: {  	_ =	swait.ge [sflag:s23], $0x50  }
0x121: {  	[sflag:s23] =	ssyncset.done $0x0  }
0x122: {  	s16 =	sadd.s32 $0xFFFFEC00, s11;
	[sflag:s23] =	ssyncadd.s32 $0xFFFFFFB0  }
0x123: {  	[tilespmem:s26], [sflag:$0x3] =	stream.strided.gather [hbm4b:s16+s24], $0x2800, s25, s24, $0x38;
	[tilespmem:$0x19100] =	vst v63  }
0x124: {  	_ =	swait.ge [sflag:s23], $0x2800  }
0x125: {  	[sflag:s23] =	ssyncset.done $0x0  }
0x126: {  	[sflag:s23] =	ssyncadd.s32 $0xFFFFD800  }
0x127: {  	[spmem:s2] =	stream.indirect.scatter.add.f32 [tilespmem:s26], [sflag:$0x1], $0x80, s3, s28, $0xb8;
	[tilespmem:$0x19100] =	vst v63  }
0x128: {  	s14 =	sadd.s32 s12, s19  }
0x129: {  	[tilespmem:s29], [sflag:$0x3] =	stream.linear.gather [hbm4b:s14+s3], $0x50, $0x38;
	[tilespmem:$0x19100] =	vst v63  }
0x12a: {  	_ =	swait.ge [sflag:s23], $0x50  }
0x12b: {  	[sflag:s23] =	ssyncset.done $0x0  }
0x12c: {  	[sflag:s23] =	ssyncadd.s32 $0xFFFFFFB0  }
0x12d: {  	[tilespmem:s30], [sflag:$0x3] =	stream.strided.gather [hbm4b:s11+s24], $0x2800, s25, s24, $0x38;
	[tilespmem:$0x19100] =	vst v63  }
0x12e: {  	_ =	swait.ge [sflag:s23], $0x2800  }
0x12f: {  	[sflag:s23] =	ssyncset.done $0x0  }
0x130: {  	[sflag:s23] =	ssyncadd.s32 $0xFFFFD800  }
0x131: {  	[spmem:s2] =	stream.indirect.scatter.add.f32 [tilespmem:s30], [sflag:$0x2], $0x80, s29, s28, $0xb8;
	[tilespmem:$0x19100] =	vst v63  }
0x132: {  	_ =	swait.ge [sflag:s31], $0x2800  }
0x133: {  	[sflag:s31] =	ssyncset.done $0x0  }
0x134: {  	[sflag:s31] =	ssyncadd.s32 $0xFFFFD800  }
0x135: {  	_ =	swait.ge [sflag:s0], $0x2800  }
0x136: {  	[sflag:s0] =	ssyncset.done $0x0  }
0x137: {  	s15 =	simm.s32 $0x0;
	[sflag:s0] =	ssyncadd.s32 $0xFFFFD800  }
0x138: {  	[tilespmem:s15], [sflag:$0x3] =	stream.linear.gather [hbm4b:s7+s15], $0x50, $0x38;
	[tilespmem:$0x19100] =	vst v63  }
0x139: {  	_ =	swait.ge [sflag:s23], $0x50  }
0x13a: {  	[sflag:s23] =	ssyncset.done $0x0  }
0x13b: {  	s16 =	rddreg [dreg:$0x8];
	[sflag:s23] =	ssyncadd.s32 $0xFFFFFFB0  }
0x13c: {  	[tilespmem:s26], [sflag:$0x3] =	stream.strided.gather [hbm4b:s16+s24], $0x2800, s25, s24, $0x38;
	[tilespmem:$0x19100] =	vst v63  }
0x13d: {  	_ =	swait.ge [sflag:s23], $0x2800  }
0x13e: {  	[sflag:s23] =	ssyncset.done $0x0  }
0x13f: {  	[sflag:s23] =	ssyncadd.s32 $0xFFFFD800  }
0x140: {  	[spmem:s2] =	stream.indirect.scatter.add.f32 [tilespmem:s26], [sflag:$0x3], $0x80, s15, s28, $0xb8;
	[tilespmem:$0x19100] =	vst v63  }
0x141: {  	_ =	swait.ge [sflag:s23], $0x2800  }
0x142: {  	[sflag:s23] =	ssyncset.done $0x0  }
0x143: {  	[sflag:s23] =	ssyncadd.s32 $0xFFFFD800  }
0x144: {  	[bflag:$0x0] =	sbarrier.arrive $0xFFFF  }
0x145: {  	s13 =	rddreg [dreg:$0x9]  }
0x146: {  	[hbm:s13@s4], [sflag:s6] =	dma.strided [spmem:s10@s26], $0x2800, s1, $0x10   }
0x147: {  	_ =	swait.ge [sflag:s23], $0x2800  }
0x148: {  	[sflag:s23] =	ssyncset.done $0x0  }
0x149: {  	[sflag:s23] =	ssyncadd.s32 $0xFFFFD800  }
0x14a: {  	[bflag:$0x0] =	sbarrier.arrive $0xFFFF  }
0x14b: {  	[spmem:s10], [sflag:s6] =	dma.local [hbm:s5], $0x2800  }
0x14c: {  	_ =	swait.ge [sflag:s23], $0x2800  }
0x14d: {  	[sflag:s23] =	ssyncset.done $0x0  }
0x14e: {  	[sflag:s23] =	ssyncadd.s32 $0xFFFFD800  }
0x14f: {  	s14 =	sadd.s32 $0x0, s18;
	[bflag:$0x0] =	sbarrier.arrive $0xFFFF  }
0x150: {  	[tilespmem:s3], [sflag:$0x3] =	stream.linear.gather [hbm4b:s14+s3], $0x50, $0x38;
	[tilespmem:$0x19100] =	vst v63  }
0x151: {  	_ =	swait.ge [sflag:s23], $0x50  }
0x152: {  	[sflag:s23] =	ssyncset.done $0x0  }
0x153: {  	s15 =	sadd.s32 $0xFFFFEC00, s22;
	[sflag:s23] =	ssyncadd.s32 $0xFFFFFFB0  }
0x154: {  	[tilespmem:s26], [sflag:$0x3] =	stream.strided.gather [hbm4b:s15+s24], $0x2800, s25, s24, $0x38;
	[tilespmem:$0x19100] =	vst v63  }
0x155: {  	_ =	swait.ge [sflag:s23], $0x2800  }
0x156: {  	[sflag:s23] =	ssyncset.done $0x0  }
0x157: {  	[sflag:s23] =	ssyncadd.s32 $0xFFFFD800  }
0x158: {  	[spmem:s2] =	stream.indirect.scatter.add.f32 [tilespmem:s26], [sflag:$0x1], $0x80, s3, s28, $0xb8;
	[tilespmem:$0x19100] =	vst v63  }
0x159: {  	s16 =	sadd.s32 $0x0, s19  }
0x15a: {  	[tilespmem:s29], [sflag:$0x3] =	stream.linear.gather [hbm4b:s16+s3], $0x50, $0x38;
	[tilespmem:$0x19100] =	vst v63  }
0x15b: {  	_ =	swait.ge [sflag:s23], $0x50  }
0x15c: {  	[sflag:s23] =	ssyncset.done $0x0  }
0x15d: {  	[sflag:s23] =	ssyncadd.s32 $0xFFFFFFB0  }
0x15e: {  	[tilespmem:s30], [sflag:$0x3] =	stream.strided.gather [hbm4b:s22+s24], $0x2800, s25, s24, $0x38;
	[tilespmem:$0x19100] =	vst v63  }
0x15f: {  	_ =	swait.ge [sflag:s23], $0x2800  }
0x160: {  	[sflag:s23] =	ssyncset.done $0x0  }
0x161: {  	[sflag:s23] =	ssyncadd.s32 $0xFFFFD800  }
0x162: {  	[spmem:s2] =	stream.indirect.scatter.add.f32 [tilespmem:s30], [sflag:$0x2], $0x80, s29, s28, $0xb8;
	[tilespmem:$0x19100] =	vst v63  }
0x163: {  	_ =	swait.ge [sflag:s31], $0x2800  }
0x164: {  	[sflag:s31] =	ssyncset.done $0x0  }
0x165: {  	[sflag:s31] =	ssyncadd.s32 $0xFFFFD800  }
0x166: {  	s12 =	simm.s32 $0x14;
	_ =	swait.ge [sflag:s0], $0x2800  }
0x167: {  	s11 =	sadd.s32 $0x2800, s22;
	s13 =	simm.s32 $0x28;
	[sflag:s0] =	ssyncset.done $0x0  }
.LBB2_8:
0x168: {  	s14 =	sadd.s32 s12, s18  }
0x169: {  	[sflag:s0] =	ssyncadd.s32 $0xFFFFD800;
	s15 =	smov.u32 s13;
	s16 =	sadd.s32 $0x14, s13  }
0x16a: {  	[tilespmem:s3], [sflag:$0x3] =	stream.linear.gather [hbm4b:s14+s3], $0x50, $0x38;
	[tilespmem:$0x19100] =	vst v63  }
0x16b: {  	p0 =	sne.s32 s13, $0x4C4;
	_ =	swait.ge [sflag:s23], $0x50  }
0x16c: {  	[sflag:s23] =	ssyncset.done $0x0  }
0x16d: {  	s13 =	sadd.s32 $0xFFFFEC00, s11;
	[sflag:s23] =	ssyncadd.s32 $0xFFFFFFB0  }
0x16e: {  	[tilespmem:s26], [sflag:$0x3] =	stream.strided.gather [hbm4b:s13+s24], $0x2800, s25, s24, $0x38;
	[tilespmem:$0x19100] =	vst v63  }
0x16f: {  	_ =	swait.ge [sflag:s23], $0x2800  }
0x170: {  	[sflag:s23] =	ssyncset.done $0x0  }
0x171: {  	[sflag:s23] =	ssyncadd.s32 $0xFFFFD800  }
0x172: {  	[spmem:s2] =	stream.indirect.scatter.add.f32 [tilespmem:s26], [sflag:$0x1], $0x80, s3, s28, $0xb8;
	[tilespmem:$0x19100] =	vst v63  }
0x173: {  	s13 =	sadd.s32 s12, s19;
	s12 =	smov.u32 s15  }
0x174: {  	[tilespmem:s29], [sflag:$0x3] =	stream.linear.gather [hbm4b:s13+s3], $0x50, $0x38;
	[tilespmem:$0x19100] =	vst v63  }
0x175: {  	_ =	swait.ge [sflag:s23], $0x50  }
0x176: {  	[sflag:s23] =	ssyncset.done $0x0  }
0x177: {  	[sflag:s23] =	ssyncadd.s32 $0xFFFFFFB0  }
0x178: {  	[tilespmem:s30], [sflag:$0x3] =	stream.strided.gather [hbm4b:s11+s24], $0x2800, s25, s24, $0x38;
	[tilespmem:$0x19100] =	vst v63  }
0x179: {  	_ =	swait.ge [sflag:s23], $0x2800  }
0x17a: {  	[sflag:s23] =	ssyncset.done $0x0  }
0x17b: {  	[sflag:s23] =	ssyncadd.s32 $0xFFFFD800  }
0x17c: {  	[spmem:s2] =	stream.indirect.scatter.add.f32 [tilespmem:s30], [sflag:$0x2], $0x80, s29, s28, $0xb8;
	[tilespmem:$0x19100] =	vst v63  }
.Ltmp3:
0x17d: {  	_ =	swait.ge [sflag:s31], $0x2800;
	(pc) =	sbr.rel @p0 .LBB2_8-.Ltmp3, $4  }
0x17e: {  	[sflag:s31] =	ssyncset.done $0x0  }
0x17f: {  	[sflag:s31] =	ssyncadd.s32 $0xFFFFD800  }
0x180: {  	_ =	swait.ge [sflag:s0], $0x2800  }
0x181: {  	s13 =	smov.u32 s16;
	s11 =	sadd.s32 $0x2800, s11;
	[sflag:s0] =	ssyncset.done $0x0  }
0x182: {  	s13 =	sadd.s32 s12, s18;
	[sflag:s0] =	ssyncadd.s32 $0xFFFFD800  }
0x183: {  	[tilespmem:s3], [sflag:$0x3] =	stream.linear.gather [hbm4b:s13+s3], $0x50, $0x38;
	[tilespmem:$0x19100] =	vst v63  }
0x184: {  	_ =	swait.ge [sflag:s23], $0x50  }
0x185: {  	[sflag:s23] =	ssyncset.done $0x0  }
0x186: {  	s16 =	sadd.s32 $0xFFFFEC00, s11;
	[sflag:s23] =	ssyncadd.s32 $0xFFFFFFB0  }
0x187: {  	[tilespmem:s26], [sflag:$0x3] =	stream.strided.gather [hbm4b:s16+s24], $0x2800, s25, s24, $0x38;
	[tilespmem:$0x19100] =	vst v63  }
0x188: {  	_ =	swait.ge [sflag:s23], $0x2800  }
0x189: {  	[sflag:s23] =	ssyncset.done $0x0  }
0x18a: {  	[sflag:s23] =	ssyncadd.s32 $0xFFFFD800  }
0x18b: {  	[spmem:s2] =	stream.indirect.scatter.add.f32 [tilespmem:s26], [sflag:$0x1], $0x80, s3, s28, $0xb8;
	[tilespmem:$0x19100] =	vst v63  }
0x18c: {  	s13 =	sadd.s32 s12, s19  }
0x18d: {  	[tilespmem:s29], [sflag:$0x3] =	stream.linear.gather [hbm4b:s13+s3], $0x50, $0x38;
	[tilespmem:$0x19100] =	vst v63  }
0x18e: {  	_ =	swait.ge [sflag:s23], $0x50  }
0x18f: {  	[sflag:s23] =	ssyncset.done $0x0  }
0x190: {  	[sflag:s23] =	ssyncadd.s32 $0xFFFFFFB0  }
0x191: {  	[tilespmem:s30], [sflag:$0x3] =	stream.strided.gather [hbm4b:s11+s24], $0x2800, s25, s24, $0x38;
	[tilespmem:$0x19100] =	vst v63  }
0x192: {  	_ =	swait.ge [sflag:s23], $0x2800  }
0x193: {  	[sflag:s23] =	ssyncset.done $0x0  }
0x194: {  	[sflag:s23] =	ssyncadd.s32 $0xFFFFD800  }
0x195: {  	[spmem:s2] =	stream.indirect.scatter.add.f32 [tilespmem:s30], [sflag:$0x2], $0x80, s29, s28, $0xb8;
	[tilespmem:$0x19100] =	vst v63  }
0x196: {  	_ =	swait.ge [sflag:s31], $0x2800  }
0x197: {  	[sflag:s31] =	ssyncset.done $0x0  }
0x198: {  	[sflag:s31] =	ssyncadd.s32 $0xFFFFD800  }
0x199: {  	_ =	swait.ge [sflag:s0], $0x2800  }
0x19a: {  	[sflag:s0] =	ssyncset.done $0x0  }
0x19b: {  	[sflag:s0] =	ssyncadd.s32 $0xFFFFD800  }
0x19c: {  	[tilespmem:s3], [sflag:$0x3] =	stream.linear.gather [hbm4b:s7+s3], $0x50, $0x38;
	[tilespmem:$0x19100] =	vst v63  }
0x19d: {  	_ =	swait.ge [sflag:s23], $0x50  }
0x19e: {  	[sflag:s23] =	ssyncset.done $0x0  }
0x19f: {  	s14 =	rddreg [dreg:$0xa];
	[sflag:s23] =	ssyncadd.s32 $0xFFFFFFB0  }
0x1a0: {  	[tilespmem:s26], [sflag:$0x3] =	stream.strided.gather [hbm4b:s14+s24], $0x2800, s25, s24, $0x38;
	[tilespmem:$0x19100] =	vst v63  }
0x1a1: {  	_ =	swait.ge [sflag:s23], $0x2800  }
0x1a2: {  	[sflag:s23] =	ssyncset.done $0x0  }
0x1a3: {  	[sflag:s23] =	ssyncadd.s32 $0xFFFFD800  }
0x1a4: {  	[spmem:s2] =	stream.indirect.scatter.add.f32 [tilespmem:s26], [sflag:$0x3], $0x80, s3, s28, $0xb8;
	[tilespmem:$0x19100] =	vst v63  }
0x1a5: {  	_ =	swait.ge [sflag:s23], $0x2800  }
0x1a6: {  	[sflag:s23] =	ssyncset.done $0x0  }
0x1a7: {  	[sflag:s23] =	ssyncadd.s32 $0xFFFFD800  }
0x1a8: {  	[bflag:$0x0] =	sbarrier.arrive $0xFFFF  }
0x1a9: {  	s15 =	rddreg [dreg:$0xb]  }
0x1aa: {  	[hbm:s15@s4], [sflag:s6] =	dma.strided [spmem:s10@s26], $0x2800, s1, $0x10   }
0x1ab: {  	_ =	swait.ge [sflag:s23], $0x2800  }
0x1ac: {  	s9 =	sadd.s32 $0x1, s9;
	s16 =	rddreg [dreg:$0xc]  }
0x1ad: {  	p0 =	sne.s32 s9, s16  }
.Ltmp4:
0x1ae: {  	_ = 	snop;
	(pc) =	sbr.rel @p0 .LBB2_1-.Ltmp4, $3  }
0x1af: {  	[sflag:s23] =	ssyncset.done $0x0  }
0x1b0: {  	[sflag:s23] =	ssyncadd.s32 $0xFFFFD800  }
0x1b1: {  	[bflag:$0x0] =	sbarrier.arrive $0xFFFF;
	_ =	sdelay $0x1  }
0x1b2: {  	_ =	sfence.sel $0x180000  }
0x1b3: {  	[bflag:$0x0] =	sbarrier.arrive $0xFFFF  }
0x1b4: {  	_ =	strace $0x90000050  }
0x1b5: {  	s0 =	stileid.u32;
	[bflag:$0x2] =	sbarrier.arrive $0xFFFF  }
0x1b6: {  	p0 =	sne.s32 s0, $0x0;
	s0 =	rddreg [dreg:$0x3]  }
0x1b7: {  	s0 =	sadd.s32 @!p0 $0x100000, s0  }
0x1b8: {  	[sflag:s0] =	ssyncadd.tile.s32 @!p0 $0x1;
	_ =	shalt  }
.Lfunc_end2:
_tile_overlayer_lowered:
.L_overlay_start_2:
0x1b9: {  	(tag) =	ssettag $0x2  }
0x1ba: {  	s0 =	rddreg [dreg:$0x0];
	s2 =	stileid.u32  }
0x1bb: {  	s1 =	rddreg [dreg:$0x1];
	p0 =	sne.s32 s2, $0x0  }
0x1bc: {  	s3 =	rddreg [dreg:$0x2];
	[bflag:$0x3] =	sbarrier.arrive $0xFFFF;
	s2 =	simm.s32 @!p0 $0x1C03  }
0x1bd: {  	[timem:s3], [sflag:s2] =	dma.local @!p0 [hbm:s0], s1  }
0x1be: {  	s0 =	simm.s32 @!p0 $0x3  }
0x1bf: {  	_ =	swait.ge @!p0 [sflag:s0], s1  }
0x1c0: {  	s1 =	ssub.s32 @!p0 $0x0, s1;
	[sflag:s0] =	ssyncset.done @!p0 $0x0  }
0x1c1: {  	[sflag:s0] =	ssyncadd.s32 @!p0 s1  }
0x1c2: {  	[bflag:$0x3] =	sbarrier.arrive $0xFFFF  }
0x1c3: {  	_ =	shalt  }

// kernel: kernel.25.cloned.1.call-start
scs
__scs_entry_jumppad:
0x0: {  	(pc) =	sbr.rel $0x88, $3  }
0x1: {  	(tag) =	ssettag $0x0;
	lr =	simm.s32 $0x1  }
0x2: {  	[smem:$0x3F9A] =	sst lr;
	_ =	strace $0xD0000000  }
0x3: {  	_ = 	snop  }
0x4: {  	_ = 	snop  }
0x5: {  	_ = 	snop  }
0x6: {  	_ = 	snop  }
0x7: {  	_ = 	snop  }
__scs_overlays_trampoline_lowered:
0x8: {  	[smem:$0x3FA9] =	sst s0  }
0x9: {  	[smem:$0x3FAA] =	sst s1  }
0xa: {  	[smem:$0x3FAB] =	sst s2  }
0xb: {  	[smem:$0x3FAC] =	sst s3  }
0xc: {  	[smem:$0x3FAD] =	sst s4  }
0xd: {  	[smem:$0x3FAE] =	sst s5  }
0xe: {  	[smem:$0x3FAF] =	sst s6  }
0xf: {  	[smem:$0x3FB0] =	sst s7  }
0x10: {  	[smem:$0x3FB1] =	sst s8  }
0x11: {  	[smem:$0x3FB2] =	sst s9;
	s0 =	simm.s32 @!p0 $0x0  }
0x12: {  	s1 =	sld [smem:$0x3F98];
	s0 =	simm.s32 @p0 $0x1  }
0x13: {  	[smem:$0x3FB3] =	sst s0;
	s0 =	simm.s32 @!p1 $0x0  }
0x14: {  	s2 =	sld [smem:$0x3F97];
	s0 =	simm.s32 @p1 $0x1  }
0x15: {  	[smem:$0x3FB4] =	sst s0;
	s0 =	simm.s32 @!p2 $0x0  }
0x16: {  	s3 =	sld [smem:$0x3FDB];
	s0 =	simm.s32 @p2 $0x1  }
0x17: {  	s4 =	simm.s32 $0x1BF5;
	[smem:$0x3FB6] =	sst s0  }
0x18: {  	s0 =	sld [smem:$0x3F99];
	_ =	swait.ge [sflag:s4], $0x0  }
0x19: {  	s7 =	sld [smem:$0x3F9A]  }
0x1a: {  	s8 =	sadd.s32 $0xFFFFE003, lr  }
0x1b: {  	s9 =	sadd.s32 $0xFFFFFEF7, lr;
	s5 =	simm.s32 $0xFFFFFFFF;
	p2 =	slt.u32 s8, $0xFFFFF086  }
0x1c: {  	p1 =	slt.u32 s9, $0xF7A;
	s5 =	simm.s32 @!p2 $0x0  }
0x1d: {  	s5 =	simm.s32 @p1 $0x1;
	p0 =	seq.s32 s7, s2  }
0x1e: {  	s7 =	smul.u32 @!p0 $0xF7A, s2;
	p2 =	seq.s32 @!p0 s5, $0x0  }
0x1f: {  	s9 =	smul.u32 $0xF7A, s1;
	s8 =	simm.s32 @!p0 $0x1BF5;
	p2 =	por !p2, p0  }
0x20: {  	[sflag:s8] =	ssyncset.s32 @!p0 $0xFFFFF086;
	s6 =	sadd.s32 @!p0 s3, s7;
	s7 =	simm.s32 @!p0 $0x108  }
0x21: {  	s3 =	sadd.s32 s3, s9;
	s6 =	sadd.s32 @!p0 $0x88, s6;
	s7 =	simm.s32 @p2 $0x1082  }
0x22: {  	[simem:s7], [sflag:s8] =	dma.local @!p0 [hbm:s6], $0xF7A  }
0x23: {  	s9 =	sor.u32 $0xD0000000, s2;
	s6 =	simm.s32 $0x108;
	_ =	swait.ge @!p0 [sflag:s8], $0x0  }
0x24: {  	s3 =	sadd.s32 $0x88, s3;
	s6 =	simm.s32 @!p1 $0x1082;
	[sflag:s4] =	ssyncset.s32 $0xFFFFF086  }
0x25: {  	[simem:s6], [sflag:s4] =	dma.local [hbm:s3], $0xF7A  }
0x26: {  	[smem:$0x3F9A] =	sst s1;
	(tag) =	ssettag s2;
	_ =	strace s9  }
0x27: {  	s1 =	sld [smem:$0x3FAA]  }
0x28: {  	s2 =	sld [smem:$0x3FAB]  }
0x29: {  	s4 =	sld [smem:$0x3FAD]  }
0x2a: {  	p0 =	seq.s32 s5, $0x0;
	s5 =	sld [smem:$0x3FAE]  }
0x2b: {  	s6 =	sld [smem:$0x3FAF]  }
0x2c: {  	s7 =	sld [smem:$0x3FB0]  }
0x2d: {  	s3 =	simm.s32 $0x108;
	s8 =	sld [smem:$0x3FB1]  }
0x2e: {  	s3 =	simm.s32 @!p0 $0x1082;
	s9 =	sld [smem:$0x3FB2]  }
0x2f: {  	lr =	sadd.s32 s0, s3;
	s0 =	sld [smem:$0x3FA9]  }
0x30: {  	s3 =	sld [smem:$0x3FAC]  }
0x31: {  	[smem:$0x3FB5] =	sst s10  }
0x32: {  	s10 =	sld [smem:$0x3FB3];
	_ =	sdelay $0x3  }
0x33: {  	p0 =	seq.s32 s10, $0x1;
	s10 =	sld [smem:$0x3FB5];
	_ =	sdelay $0x3  }
0x34: {  	[smem:$0x3FB5] =	sst s10  }
0x35: {  	s10 =	sld [smem:$0x3FB4];
	_ =	sdelay $0x3  }
0x36: {  	p1 =	seq.s32 s10, $0x1;
	s10 =	sld [smem:$0x3FB5];
	_ =	sdelay $0x3  }
0x37: {  	[smem:$0x3FB5] =	sst s10  }
0x38: {  	s10 =	sld [smem:$0x3FB6]  }
0x39: {  	_ = 	snop;
	(pc) =	sbr.ind lr, $3  }
0x3a: {  	_ = 	snop  }
0x3b: {  	_ = 	snop  }
0x3c: {  	p2 =	seq.s32 s10, $0x1;
	s10 =	sld [smem:$0x3FB5]  }
0x3d: {  	_ =	shalt  }
0x3e: {  	_ =	shalt  }
0x3f: {  	_ =	shalt  }
0x40: {  	_ =	shalt  }
0x41: {  	_ =	shalt  }
0x42: {  	_ =	shalt  }
0x43: {  	_ =	shalt  }
0x44: {  	_ =	shalt  }
0x45: {  	_ =	shalt  }
0x46: {  	_ =	shalt  }
0x47: {  	_ =	shalt  }
0x48: {  	_ =	shalt  }
0x49: {  	_ =	shalt  }
0x4a: {  	_ =	shalt  }
0x4b: {  	_ =	shalt  }
0x4c: {  	_ =	shalt  }
0x4d: {  	_ =	shalt  }
0x4e: {  	_ =	shalt  }
0x4f: {  	_ =	shalt  }
0x50: {  	_ =	shalt  }
0x51: {  	_ =	shalt  }
0x52: {  	_ =	shalt  }
0x53: {  	_ =	shalt  }
0x54: {  	_ =	shalt  }
0x55: {  	_ =	shalt  }
0x56: {  	_ =	shalt  }
0x57: {  	_ =	shalt  }
0x58: {  	_ =	shalt  }
0x59: {  	_ =	shalt  }
0x5a: {  	_ =	shalt  }
0x5b: {  	_ =	shalt  }
0x5c: {  	_ =	shalt  }
0x5d: {  	_ =	shalt  }
0x5e: {  	_ =	shalt  }
0x5f: {  	_ =	shalt  }
0x60: {  	_ =	shalt  }
0x61: {  	_ =	shalt  }
0x62: {  	_ =	shalt  }
0x63: {  	_ =	shalt  }
0x64: {  	_ =	shalt  }
0x65: {  	_ =	shalt  }
0x66: {  	_ =	shalt  }
0x67: {  	_ =	shalt  }
0x68: {  	_ =	shalt  }
0x69: {  	_ =	shalt  }
0x6a: {  	_ =	shalt  }
0x6b: {  	_ =	shalt  }
0x6c: {  	_ =	shalt  }
0x6d: {  	_ =	shalt  }
0x6e: {  	_ =	shalt  }
0x6f: {  	_ =	shalt  }
0x70: {  	_ =	shalt  }
0x71: {  	_ =	shalt  }
0x72: {  	_ =	shalt  }
0x73: {  	_ =	shalt  }
0x74: {  	_ =	shalt  }
0x75: {  	_ =	shalt  }
0x76: {  	_ =	shalt  }
0x77: {  	_ =	shalt  }
0x78: {  	_ =	shalt  }
0x79: {  	_ =	shalt  }
0x7a: {  	_ =	shalt  }
0x7b: {  	_ =	shalt  }
0x7c: {  	_ =	shalt  }
0x7d: {  	_ =	shalt  }
0x7e: {  	_ =	shalt  }
0x7f: {  	_ =	shalt  }
0x80: {  	_ =	shalt  }
0x81: {  	_ =	shalt  }
0x82: {  	_ =	shalt  }
0x83: {  	_ =	shalt  }
0x84: {  	_ =	shalt  }
0x85: {  	_ =	shalt  }
0x86: {  	_ =	shalt  }
0x87: {  	_ =	shalt  }
.Lfunc_end0:
.L_simem_size_0:
called_computation.3_lowered:
.L_overlay_start_0:
0x88: {  	s2 =	sld [smem:$0x3FD9]  }
0x89: {  	s3 =	sld [smem:$0x3FFE];
	_ =	sdelay $0x1  }
0x8a: {  	s1 =	srdreg.scid  }
0x8b: {  	s0 =	sand.u32 $0x1, s1  }
0x8c: {  	s17 =	sshll.u32 s0, $0xA;
	s2 =	sadd.s32 s3, s2  }
0x8d: {  	s2 =	sadd.s32 s2, s17  }
0x8e: {  	[smem:$0x3FC1] =	sst s2  }
0x8f: {  	_ = 	snop  }
0x90: {  	s2 =	sld [smem:$0x3FD0];
	(tm) =	ssettm $0x1  }
0x91: {  	s18 =	sld [smem:$0x3FFB];
	_ =	sdelay $0x3  }
0x92: {  	_ =	strace s18  }
0x93: {  	s3 =	sld [smem:$0x3FFC];
	_ =	sdelay $0x3  }
0x94: {  	_ =	strace s3  }
0x95: {  	s3 =	sld [smem:$0x3FFD];
	_ =	sdelay $0x3  }
0x96: {  	_ =	strace s3  }
0x97: {  	_ =	strace $0x8FFFFFFF  }
0x98: {  	s19 =	sld [smem:$0x3FDB];
	_ =	sdelay $0x1  }
0x99: {  	s4 =	simm.s32 $_scs_section_size  }
0x9a: {  	s5 =	simm.s32 $_size__tile_overlayer_lowered;
	s6 =	simm.s32 $_tile_overlayer_lowered  }
0x9b: {  	s22 =	simm.s32 $0x1BFF;
	s21 =	sshll.u32 s6, $0x1;
	s3 =	sadd.s32 s4, s19  }
0x9c: {  	s7 =	simm.s32 $0x0;
	s20 =	sshll.u32 s5, $0x1;
	s5 =	sadd.s32 s21, s3  }
0x9d: {  	[timem:s7], [sflag:s22] =	dma.local [hbm:s5], s20  }
0x9e: {  	_ =	swait.ge [sflag:s22], s20  }
0x9f: {  	s4 =	ssub.s32 $0x0, s20;
	[sflag:s22] =	ssyncset.done $0x0  }
0xa0: {  	[sflag:s22] =	ssyncadd.s32 s4;
	_ =	sdelay $0x1  }
0xa1: {  	s23 =	simm.s32 $0x1B8B  }
0xa2: {  	_ =	swait.ge [sflag:s23], $0x1  }
0xa3: {  	[sflag:s23] =	ssyncset.done $0x0  }
0xa4: {  	s25 =	simm.s32 $0x1B8E;
	s24 =	sld [smem:$0x3FFE];
	[sflag:s23] =	ssyncadd.s32 $0xFFFFFFFF  }
0xa5: {  	s26 =	simm.s32 $execute0_lowered;
	[smem:$0x3FD2] =	sst s25  }
0xa6: {  	s5 =	sshll.u32 s26, $0x1;
	_ =	strace $0x8000004C;
	[dreg:$0x1] =	wrdreg $0xFFFFFFFF  }
0xa7: {  	s28 =	simm.s32 $_size_execute0_lowered;
	s3 =	sadd.s32 s3, s5;
	[dreg:$0x0] =	wrdreg $0x0  }
0xa8: {  	s5 =	sshll.u32 s28, $0x1;
	[dreg:$0x2] =	wrdreg s3  }
0xa9: {  	[dreg:$0x3] =	wrdreg s5  }
0xaa: {  	[dreg:$0x4] =	wrdreg $0xC0  }
0xab: {  	_ =	task [dreg:s7], $0x5FFFF  }
0xac: {  	[dreg:$0x1] =	wrdreg $0xFFFFFFFF  }
0xad: {  	[dreg:$0x0] =	wrdreg $0x60  }
0xae: {  	[dreg:$0x2] =	wrdreg s24  }
0xaf: {  	[dreg:$0x3] =	wrdreg s2  }
0xb0: {  	[dreg:$0x4] =	wrdreg $0x51000  }
0xb1: {  	[dreg:$0x5] =	wrdreg $0xA  }
0xb2: {  	_ =	task.clear_ibuf [dreg:s7], $0x6FFFF;
	_ =	strace $0x9000004C  }
0xb3: {  	s29 =	simm.s32 $0xA;
	_ =	strace $0x8000004E  }
0xb4: {  	_ =	swait.ge [sflag:s29], $0x1  }
0xb5: {  	[sflag:s29] =	ssyncadd.s32 $0xFFFFFFFF  }
0xb6: {  	_ =	strace $0x9000004E  }
0xb7: {  	_ =	sfence  }
0xb8: {  	s30 =	sld [smem:$0x0];
	_ =	sdelay $0x2  }
0xb9: {  	s31 =	sshll.u32 s1, $0xD;
	s1 =	sshrl.u32 s1, $0x2  }
0xba: {  	s3 =	sand.u32 $0x4000, s31;
	s1 =	sadd.s32 s1, s30  }
0xbb: {  	s0 =	sor.u32 s3, s0;
	s1 =	sshll.u32 s1, $0x11  }
0xbc: {  	s0 =	sor.u32 s1, s0  }
0xbd: {  	s0 =	sadd.s32 $0x8F2B, s0  }
0xbe: {  	[sflag:s0] =	ssyncadd.remote.s32 $0x1  }
0xbf: {  	_ =	sfence.sel $0xFFFF  }
0xc0: {  	[dreg:$0x0] =	wrdreg $0xFFFFFFFF;
	(pc) =	sbr.abs _section_cstart, $3  }
0xc1: {  	[dreg:$0x1] =	wrdreg $0xFFFFFFFF  }
0xc2: {  	_ =	task.clear_ibuf [dreg:s7], $0x2FFFF;
	_ =	strace $0x9FFFFFFF  }
0xc3: {  	(tm) =	ssettm $0x7FFFFFFF  }
tec
execute0_lowered:
.L_overlay_start_1:
0x0: {  	(tag) =	ssettag $0x1  }
0x1: {  	s4 =	rddreg [dreg:$0x0]  }
0x2: {  	s12 =	rddreg [dreg:$0x1]  }
0x3: {  	s2 =	rddreg [dreg:$0x2]  }
0x4: {  	s0 =	rddreg [dreg:$0x3]  }
0x5: {  	s1 =	stileid.u32;
	s5 =	srdreg.scid;
	s3 =	simm.s32 $0x0  }
0x6: {  	s18 =	simm.s32 $0x2900;
	s19 =	simm.s32 $0x1;
	s6 =	smul.u32 $0x14000, s1  }
0x7: {  	s20 =	simm.s32 $0x2;
	s21 =	simm.s32 $0x0;
	s8 =	smul.u32 $0x50000, s1  }
0x8: {  	s10 =	sand.u32 $0x1, s5;
	[smem:$0x7FF] =	sst s3;
	s15 =	smul.u32 $0x4E20, s1  }
0x9: {  	s11 =	sadd.s32 $0x27B9200, s4;
	s23 =	sshll.u32 s1, $0x1;
	s17 =	smul.u32 $0x4E200, s1  }
0xa: {  	s28 =	sshll.u32 s1, $0x6;
	s5 =	smul.u32 $0x140000, s10;
	_ =	strace $0x8000004D  }
0xb: {  	s24 =	ssub.s32 $0x2, s10;
	s25 =	sor.u32 s10, s23;
	s16 =	smul.u32 $0x2710, s10  }
0xc: {  	s10 =	smul.u32 $0x27100, s10;
	s7 =	sshrl.u32 s6, $0x3;
	s26 =	sshrl.u32 s24, $0x1  }
0xd: {  	s8 =	sshrl.u32 s8, $0x2;
	s7 =	sadd.s32 s7, s4;
	s5 =	sadd.s32 s6, s5  }
0xe: {  	s13 =	ssub.s32 s24, s26;
	s14 =	sadd.s32 s8, s2;
	s5 =	sshrl.u32 s5, $0x3  }
0xf: {  	s15 =	sadd.s32 s16, s15;
	s9 =	sadd.s32 s5, s4;
	s5 =	smul.u32 $0x2710, s25  }
0x10: {  	s16 =	simm.s32 $0x50;
	s31 =	sadd.s32 $0x50, s15;
	s15 =	sshrl.u32 s15, $0x3  }
0x11: {  	s4 =	sadd.s32 $0xCE00, s7;
	s8 =	sadd.s32 $0x34E00, s9;
	s5 =	sadd.s32 $0x26C0, s5  }
0x12: {  	s9 =	smax.u32 s13, $0x1;
	s13 =	sshrl.u32 s31, $0x3;
	s29 =	sshrl.u32 s5, $0x3  }
0x13: {  	s30 =	sshll.u32 s5, $0x4;
	s5 =	sor.u32 $0x1C03, s28;
	s6 =	sadd.s32 s12, s29  }
0x14: {  	s7 =	sadd.s32 s11, s30;
	s11 =	sadd.s32 s17, s11;
	s17 =	simm.s32 $0x2880  }
0x15: {  	s10 =	sadd.s32 s10, s11;
	s11 =	sadd.s32 s15, s12;
	s12 =	sadd.s32 s13, s12  }
0x16: {  	s13 =	sshrl.u32 s14, $0x3;
	s14 =	simm.s32 $0x3;
	s15 =	simm.s32 $0x80  }
.LBB2_1:
0x17: {  	[spmem:s13], [sflag:s5] =	dma.local [hbm:s4], $0x2800  }
0x18: {  	_ =	swait.ge [sflag:s14], $0x2800  }
0x19: {  	[sflag:s14] =	ssyncset.done $0x0  }
0x1a: {  	[sflag:s14] =	ssyncadd.s32 $0xFFFFD800  }
0x1b: {  	s22 =	sadd.s32 $0x0, s11;
	[bflag:$0x0] =	sbarrier.arrive $0xFFFF  }
0x1c: {  	[tilespmem:s3], [sflag:$0x3] =	stream.linear.gather [hbm4b:s22+s3], $0x50, $0x38;
	[tilespmem:$0x19100] =	vst v63  }
0x1d: {  	_ =	swait.ge [sflag:s14], $0x50  }
0x1e: {  	[sflag:s14] =	ssyncset.done $0x0  }
0x1f: {  	[sflag:s14] =	ssyncadd.s32 $0xFFFFFFB0  }
0x20: {  	[tilespmem:s15], [sflag:$0x3] =	stream.linear.gather [hbm4b:s10+s3], $0x2800, $0x38;
	[tilespmem:$0x19100] =	vst v63  }
0x21: {  	_ =	swait.ge [sflag:s14], $0x2800  }
0x22: {  	[sflag:s14] =	ssyncset.done $0x0  }
0x23: {  	[sflag:s14] =	ssyncadd.s32 $0xFFFFD800  }
0x24: {  	[spmem:s2] =	stream.indirect.scatter.add.f32 [tilespmem:s15], [sflag:$0x1], $0x80, s3, s16, $0xb8;
	[tilespmem:$0x19100] =	vst v63  }
0x25: {  	s30 =	sadd.s32 $0x0, s12  }
0x26: {  	[tilespmem:s17], [sflag:$0x3] =	stream.linear.gather [hbm4b:s30+s3], $0x50, $0x38;
	[tilespmem:$0x19100] =	vst v63  }
0x27: {  	_ =	swait.ge [sflag:s14], $0x50  }
0x28: {  	[sflag:s14] =	ssyncset.done $0x0  }
0x29: {  	s31 =	sadd.s32 $0x500, s10;
	[sflag:s14] =	ssyncadd.s32 $0xFFFFFFB0  }
0x2a: {  	[tilespmem:s18], [sflag:$0x3] =	stream.linear.gather [hbm4b:s31+s3], $0x2800, $0x38;
	[tilespmem:$0x19100] =	vst v63  }
0x2b: {  	_ =	swait.ge [sflag:s14], $0x2800  }
0x2c: {  	[sflag:s14] =	ssyncset.done $0x0  }
0x2d: {  	[sflag:s14] =	ssyncadd.s32 $0xFFFFD800  }
0x2e: {  	[spmem:s2] =	stream.indirect.scatter.add.f32 [tilespmem:s18], [sflag:$0x2], $0x80, s17, s16, $0xb8;
	[tilespmem:$0x19100] =	vst v63  }
0x2f: {  	_ =	swait.ge [sflag:s19], $0x2800  }
0x30: {  	[sflag:s19] =	ssyncset.done $0x0  }
0x31: {  	[sflag:s19] =	ssyncadd.s32 $0xFFFFD800  }
0x32: {  	s23 =	simm.s32 $0x14;
	_ =	swait.ge [sflag:s20], $0x2800  }
0x33: {  	s24 =	simm.s32 $0x28;
	s22 =	sadd.s32 $0xA00, s10;
	[sflag:s20] =	ssyncset.done $0x0  }
.LBB2_2:
0x34: {  	s25 =	sadd.s32 s23, s11  }
0x35: {  	[sflag:s20] =	ssyncadd.s32 $0xFFFFD800;
	s26 =	smov.u32 s24;
	s28 =	sadd.s32 $0x14, s24  }
0x36: {  	[tilespmem:s3], [sflag:$0x3] =	stream.linear.gather [hbm4b:s25+s3], $0x50, $0x38;
	[tilespmem:$0x19100] =	vst v63  }
0x37: {  	p0 =	sne.s32 s24, $0x4C4;
	_ =	swait.ge [sflag:s14], $0x50  }
0x38: {  	[sflag:s14] =	ssyncset.done $0x0  }
0x39: {  	[sflag:s14] =	ssyncadd.s32 $0xFFFFFFB0  }
0x3a: {  	[tilespmem:s15], [sflag:$0x3] =	stream.linear.gather [hbm4b:s22+s3], $0x2800, $0x38;
	[tilespmem:$0x19100] =	vst v63  }
0x3b: {  	_ =	swait.ge [sflag:s14], $0x2800  }
0x3c: {  	[sflag:s14] =	ssyncset.done $0x0  }
0x3d: {  	[sflag:s14] =	ssyncadd.s32 $0xFFFFD800  }
0x3e: {  	[spmem:s2] =	stream.indirect.scatter.add.f32 [tilespmem:s15], [sflag:$0x1], $0x80, s3, s16, $0xb8;
	[tilespmem:$0x19100] =	vst v63  }
0x3f: {  	s24 =	sadd.s32 s23, s12;
	s23 =	smov.u32 s26  }
0x40: {  	[tilespmem:s17], [sflag:$0x3] =	stream.linear.gather [hbm4b:s24+s3], $0x50, $0x38;
	[tilespmem:$0x19100] =	vst v63  }
0x41: {  	_ =	swait.ge [sflag:s14], $0x50  }
0x42: {  	[sflag:s14] =	ssyncset.done $0x0  }
0x43: {  	s24 =	sadd.s32 $0x500, s22;
	[sflag:s14] =	ssyncadd.s32 $0xFFFFFFB0  }
0x44: {  	[tilespmem:s18], [sflag:$0x3] =	stream.linear.gather [hbm4b:s24+s3], $0x2800, $0x38;
	[tilespmem:$0x19100] =	vst v63  }
0x45: {  	_ =	swait.ge [sflag:s14], $0x2800  }
0x46: {  	[sflag:s14] =	ssyncset.done $0x0  }
0x47: {  	[sflag:s14] =	ssyncadd.s32 $0xFFFFD800  }
0x48: {  	[spmem:s2] =	stream.indirect.scatter.add.f32 [tilespmem:s18], [sflag:$0x2], $0x80, s17, s16, $0xb8;
	[tilespmem:$0x19100] =	vst v63  }
.Ltmp0:
0x49: {  	_ =	swait.ge [sflag:s19], $0x2800;
	(pc) =	sbr.rel @p0 .LBB2_2-.Ltmp0, $4  }
0x4a: {  	[sflag:s19] =	ssyncset.done $0x0  }
0x4b: {  	[sflag:s19] =	ssyncadd.s32 $0xFFFFD800  }
0x4c: {  	_ =	swait.ge [sflag:s20], $0x2800  }
0x4d: {  	s22 =	sadd.s32 $0xA00, s22;
	s24 =	smov.u32 s28;
	[sflag:s20] =	ssyncset.done $0x0  }
0x4e: {  	s24 =	sadd.s32 s23, s11;
	[sflag:s20] =	ssyncadd.s32 $0xFFFFD800  }
0x4f: {  	[tilespmem:s3], [sflag:$0x3] =	stream.linear.gather [hbm4b:s24+s3], $0x50, $0x38;
	[tilespmem:$0x19100] =	vst v63  }
0x50: {  	_ =	swait.ge [sflag:s14], $0x50  }
0x51: {  	[sflag:s14] =	ssyncset.done $0x0  }
0x52: {  	[sflag:s14] =	ssyncadd.s32 $0xFFFFFFB0  }
0x53: {  	[tilespmem:s15], [sflag:$0x3] =	stream.linear.gather [hbm4b:s22+s3], $0x2800, $0x38;
	[tilespmem:$0x19100] =	vst v63  }
0x54: {  	_ =	swait.ge [sflag:s14], $0x2800  }
0x55: {  	[sflag:s14] =	ssyncset.done $0x0  }
0x56: {  	[sflag:s14] =	ssyncadd.s32 $0xFFFFD800  }
0x57: {  	[spmem:s2] =	stream.indirect.scatter.add.f32 [tilespmem:s15], [sflag:$0x1], $0x80, s3, s16, $0xb8;
	[tilespmem:$0x19100] =	vst v63  }
0x58: {  	s30 =	sadd.s32 s23, s12  }
0x59: {  	[tilespmem:s17], [sflag:$0x3] =	stream.linear.gather [hbm4b:s30+s3], $0x50, $0x38;
	[tilespmem:$0x19100] =	vst v63  }
0x5a: {  	_ =	swait.ge [sflag:s14], $0x50  }
0x5b: {  	[sflag:s14] =	ssyncset.done $0x0  }
0x5c: {  	s31 =	sadd.s32 $0x500, s22;
	[sflag:s14] =	ssyncadd.s32 $0xFFFFFFB0  }
0x5d: {  	[tilespmem:s18], [sflag:$0x3] =	stream.linear.gather [hbm4b:s31+s3], $0x2800, $0x38;
	[tilespmem:$0x19100] =	vst v63  }
0x5e: {  	_ =	swait.ge [sflag:s14], $0x2800  }
0x5f: {  	[sflag:s14] =	ssyncset.done $0x0  }
0x60: {  	[sflag:s14] =	ssyncadd.s32 $0xFFFFD800  }
0x61: {  	[spmem:s2] =	stream.indirect.scatter.add.f32 [tilespmem:s18], [sflag:$0x2], $0x80, s17, s16, $0xb8;
	[tilespmem:$0x19100] =	vst v63  }
0x62: {  	_ =	swait.ge [sflag:s19], $0x2800  }
0x63: {  	[sflag:s19] =	ssyncset.done $0x0  }
0x64: {  	[sflag:s19] =	ssyncadd.s32 $0xFFFFD800  }
0x65: {  	_ =	swait.ge [sflag:s20], $0x2800  }
0x66: {  	[sflag:s20] =	ssyncset.done $0x0  }
0x67: {  	[sflag:s20] =	ssyncadd.s32 $0xFFFFD800  }
0x68: {  	[tilespmem:s3], [sflag:$0x3] =	stream.linear.gather [hbm4b:s6+s3], $0x50, $0x38;
	[tilespmem:$0x19100] =	vst v63  }
0x69: {  	_ =	swait.ge [sflag:s14], $0x50  }
0x6a: {  	[sflag:s14] =	ssyncset.done $0x0  }
0x6b: {  	[sflag:s14] =	ssyncadd.s32 $0xFFFFFFB0  }
0x6c: {  	[tilespmem:s15], [sflag:$0x3] =	stream.linear.gather [hbm4b:s7+s3], $0x2800, $0x38;
	[tilespmem:$0x19100] =	vst v63  }
0x6d: {  	_ =	swait.ge [sflag:s14], $0x2800  }
0x6e: {  	[sflag:s14] =	ssyncset.done $0x0  }
0x6f: {  	[sflag:s14] =	ssyncadd.s32 $0xFFFFD800  }
0x70: {  	[spmem:s2] =	stream.indirect.scatter.add.f32 [tilespmem:s15], [sflag:$0x3], $0x80, s3, s16, $0xb8;
	[tilespmem:$0x19100] =	vst v63  }
0x71: {  	_ =	swait.ge [sflag:s14], $0x2800  }
0x72: {  	[sflag:s14] =	ssyncset.done $0x0  }
0x73: {  	s21 =	sadd.s32 $0x1, s21;
	[sflag:s14] =	ssyncadd.s32 $0xFFFFD800  }
0x74: {  	p0 =	sne.s32 s21, s9;
	[bflag:$0x0] =	sbarrier.arrive $0xFFFF  }
0x75: {  	[hbm:s8], [sflag:s5] =	dma.local [spmem:s13], $0x2800  }
.Ltmp1:
0x76: {  	_ =	swait.ge [sflag:s14], $0x2800;
	(pc) =	sbr.rel @p0 .LBB2_1-.Ltmp1, $3  }
0x77: {  	[sflag:s14] =	ssyncset.done $0x0  }
0x78: {  	[sflag:s14] =	ssyncadd.s32 $0xFFFFD800  }
0x79: {  	[bflag:$0x0] =	sbarrier.arrive $0xFFFF;
	_ =	sdelay $0x1  }
0x7a: {  	_ =	sfence.sel $0x180000  }
0x7b: {  	[bflag:$0x0] =	sbarrier.arrive $0xFFFF  }
0x7c: {  	p0 =	sne.s32 s1, $0x0;
	_ =	strace $0x9000004D  }
0x7d: {  	s0 =	sadd.s32 @!p0 $0x100000, s0;
	[bflag:$0x2] =	sbarrier.arrive $0xFFFF  }
0x7e: {  	[sflag:s0] =	ssyncadd.tile.s32 @!p0 $0x1;
	_ =	shalt  }
.Lfunc_end2:
_tile_overlayer_lowered:
.L_overlay_start_2:
0x7f: {  	(tag) =	ssettag $0x2  }
0x80: {  	s0 =	rddreg [dreg:$0x0];
	s2 =	stileid.u32  }
0x81: {  	s1 =	rddreg [dreg:$0x1];
	p0 =	sne.s32 s2, $0x0  }
0x82: {  	s3 =	rddreg [dreg:$0x2];
	[bflag:$0x3] =	sbarrier.arrive $0xFFFF;
	s2 =	simm.s32 @!p0 $0x1C03  }
0x83: {  	[timem:s3], [sflag:s2] =	dma.local @!p0 [hbm:s0], s1  }
0x84: {  	s0 =	simm.s32 @!p0 $0x3  }
0x85: {  	_ =	swait.ge @!p0 [sflag:s0], s1  }
0x86: {  	s1 =	ssub.s32 @!p0 $0x0, s1;
	[sflag:s0] =	ssyncset.done @!p0 $0x0  }
0x87: {  	[sflag:s0] =	ssyncadd.s32 @!p0 s1  }
0x88: {  	[bflag:$0x3] =	sbarrier.arrive $0xFFFF  }
0x89: {  	_ =	shalt  }

// kernel: kernel.28.cloned.1.call-start
scs
__scs_entry_jumppad:
0x0: {  	(pc) =	sbr.rel $0x88, $3  }
0x1: {  	(tag) =	ssettag $0x0;
	lr =	simm.s32 $0x1  }
0x2: {  	[smem:$0x3F9A] =	sst lr;
	_ =	strace $0xD0000000  }
0x3: {  	_ = 	snop  }
0x4: {  	_ = 	snop  }
0x5: {  	_ = 	snop  }
0x6: {  	_ = 	snop  }
0x7: {  	_ = 	snop  }
__scs_overlays_trampoline_lowered:
0x8: {  	[smem:$0x3FA9] =	sst s0  }
0x9: {  	[smem:$0x3FAA] =	sst s1  }
0xa: {  	[smem:$0x3FAB] =	sst s2  }
0xb: {  	[smem:$0x3FAC] =	sst s3  }
0xc: {  	[smem:$0x3FAD] =	sst s4  }
0xd: {  	[smem:$0x3FAE] =	sst s5  }
0xe: {  	[smem:$0x3FAF] =	sst s6  }
0xf: {  	[smem:$0x3FB0] =	sst s7  }
0x10: {  	[smem:$0x3FB1] =	sst s8  }
0x11: {  	[smem:$0x3FB2] =	sst s9;
	s0 =	simm.s32 @!p0 $0x0  }
0x12: {  	s1 =	sld [smem:$0x3F98];
	s0 =	simm.s32 @p0 $0x1  }
0x13: {  	[smem:$0x3FB3] =	sst s0;
	s0 =	simm.s32 @!p1 $0x0  }
0x14: {  	s2 =	sld [smem:$0x3F97];
	s0 =	simm.s32 @p1 $0x1  }
0x15: {  	[smem:$0x3FB4] =	sst s0;
	s0 =	simm.s32 @!p2 $0x0  }
0x16: {  	s3 =	sld [smem:$0x3FDB];
	s0 =	simm.s32 @p2 $0x1  }
0x17: {  	s4 =	simm.s32 $0x1BF5;
	[smem:$0x3FB6] =	sst s0  }
0x18: {  	s0 =	sld [smem:$0x3F99];
	_ =	swait.ge [sflag:s4], $0x0  }
0x19: {  	s7 =	sld [smem:$0x3F9A]  }
0x1a: {  	s8 =	sadd.s32 $0xFFFFE003, lr  }
0x1b: {  	s9 =	sadd.s32 $0xFFFFFEF7, lr;
	s5 =	simm.s32 $0xFFFFFFFF;
	p2 =	slt.u32 s8, $0xFFFFF086  }
0x1c: {  	p1 =	slt.u32 s9, $0xF7A;
	s5 =	simm.s32 @!p2 $0x0  }
0x1d: {  	s5 =	simm.s32 @p1 $0x1;
	p0 =	seq.s32 s7, s2  }
0x1e: {  	s7 =	smul.u32 @!p0 $0xF7A, s2;
	p2 =	seq.s32 @!p0 s5, $0x0  }
0x1f: {  	s9 =	smul.u32 $0xF7A, s1;
	s8 =	simm.s32 @!p0 $0x1BF5;
	p2 =	por !p2, p0  }
0x20: {  	[sflag:s8] =	ssyncset.s32 @!p0 $0xFFFFF086;
	s6 =	sadd.s32 @!p0 s3, s7;
	s7 =	simm.s32 @!p0 $0x108  }
0x21: {  	s3 =	sadd.s32 s3, s9;
	s6 =	sadd.s32 @!p0 $0x88, s6;
	s7 =	simm.s32 @p2 $0x1082  }
0x22: {  	[simem:s7], [sflag:s8] =	dma.local @!p0 [hbm:s6], $0xF7A  }
0x23: {  	s9 =	sor.u32 $0xD0000000, s2;
	s6 =	simm.s32 $0x108;
	_ =	swait.ge @!p0 [sflag:s8], $0x0  }
0x24: {  	s3 =	sadd.s32 $0x88, s3;
	s6 =	simm.s32 @!p1 $0x1082;
	[sflag:s4] =	ssyncset.s32 $0xFFFFF086  }
0x25: {  	[simem:s6], [sflag:s4] =	dma.local [hbm:s3], $0xF7A  }
0x26: {  	[smem:$0x3F9A] =	sst s1;
	(tag) =	ssettag s2;
	_ =	strace s9  }
0x27: {  	s1 =	sld [smem:$0x3FAA]  }
0x28: {  	s2 =	sld [smem:$0x3FAB]  }
0x29: {  	s4 =	sld [smem:$0x3FAD]  }
0x2a: {  	p0 =	seq.s32 s5, $0x0;
	s5 =	sld [smem:$0x3FAE]  }
0x2b: {  	s6 =	sld [smem:$0x3FAF]  }
0x2c: {  	s7 =	sld [smem:$0x3FB0]  }
0x2d: {  	s3 =	simm.s32 $0x108;
	s8 =	sld [smem:$0x3FB1]  }
0x2e: {  	s3 =	simm.s32 @!p0 $0x1082;
	s9 =	sld [smem:$0x3FB2]  }
0x2f: {  	lr =	sadd.s32 s0, s3;
	s0 =	sld [smem:$0x3FA9]  }
0x30: {  	s3 =	sld [smem:$0x3FAC]  }
0x31: {  	[smem:$0x3FB5] =	sst s10  }
0x32: {  	s10 =	sld [smem:$0x3FB3];
	_ =	sdelay $0x3  }
0x33: {  	p0 =	seq.s32 s10, $0x1;
	s10 =	sld [smem:$0x3FB5];
	_ =	sdelay $0x3  }
0x34: {  	[smem:$0x3FB5] =	sst s10  }
0x35: {  	s10 =	sld [smem:$0x3FB4];
	_ =	sdelay $0x3  }
0x36: {  	p1 =	seq.s32 s10, $0x1;
	s10 =	sld [smem:$0x3FB5];
	_ =	sdelay $0x3  }
0x37: {  	[smem:$0x3FB5] =	sst s10  }
0x38: {  	s10 =	sld [smem:$0x3FB6]  }
0x39: {  	_ = 	snop;
	(pc) =	sbr.ind lr, $3  }
0x3a: {  	_ = 	snop  }
0x3b: {  	_ = 	snop  }
0x3c: {  	p2 =	seq.s32 s10, $0x1;
	s10 =	sld [smem:$0x3FB5]  }
0x3d: {  	_ =	shalt  }
0x3e: {  	_ =	shalt  }
0x3f: {  	_ =	shalt  }
0x40: {  	_ =	shalt  }
0x41: {  	_ =	shalt  }
0x42: {  	_ =	shalt  }
0x43: {  	_ =	shalt  }
0x44: {  	_ =	shalt  }
0x45: {  	_ =	shalt  }
0x46: {  	_ =	shalt  }
0x47: {  	_ =	shalt  }
0x48: {  	_ =	shalt  }
0x49: {  	_ =	shalt  }
0x4a: {  	_ =	shalt  }
0x4b: {  	_ =	shalt  }
0x4c: {  	_ =	shalt  }
0x4d: {  	_ =	shalt  }
0x4e: {  	_ =	shalt  }
0x4f: {  	_ =	shalt  }
0x50: {  	_ =	shalt  }
0x51: {  	_ =	shalt  }
0x52: {  	_ =	shalt  }
0x53: {  	_ =	shalt  }
0x54: {  	_ =	shalt  }
0x55: {  	_ =	shalt  }
0x56: {  	_ =	shalt  }
0x57: {  	_ =	shalt  }
0x58: {  	_ =	shalt  }
0x59: {  	_ =	shalt  }
0x5a: {  	_ =	shalt  }
0x5b: {  	_ =	shalt  }
0x5c: {  	_ =	shalt  }
0x5d: {  	_ =	shalt  }
0x5e: {  	_ =	shalt  }
0x5f: {  	_ =	shalt  }
0x60: {  	_ =	shalt  }
0x61: {  	_ =	shalt  }
0x62: {  	_ =	shalt  }
0x63: {  	_ =	shalt  }
0x64: {  	_ =	shalt  }
0x65: {  	_ =	shalt  }
0x66: {  	_ =	shalt  }
0x67: {  	_ =	shalt  }
0x68: {  	_ =	shalt  }
0x69: {  	_ =	shalt  }
0x6a: {  	_ =	shalt  }
0x6b: {  	_ =	shalt  }
0x6c: {  	_ =	shalt  }
0x6d: {  	_ =	shalt  }
0x6e: {  	_ =	shalt  }
0x6f: {  	_ =	shalt  }
0x70: {  	_ =	shalt  }
0x71: {  	_ =	shalt  }
0x72: {  	_ =	shalt  }
0x73: {  	_ =	shalt  }
0x74: {  	_ =	shalt  }
0x75: {  	_ =	shalt  }
0x76: {  	_ =	shalt  }
0x77: {  	_ =	shalt  }
0x78: {  	_ =	shalt  }
0x79: {  	_ =	shalt  }
0x7a: {  	_ =	shalt  }
0x7b: {  	_ =	shalt  }
0x7c: {  	_ =	shalt  }
0x7d: {  	_ =	shalt  }
0x7e: {  	_ =	shalt  }
0x7f: {  	_ =	shalt  }
0x80: {  	_ =	shalt  }
0x81: {  	_ =	shalt  }
0x82: {  	_ =	shalt  }
0x83: {  	_ =	shalt  }
0x84: {  	_ =	shalt  }
0x85: {  	_ =	shalt  }
0x86: {  	_ =	shalt  }
0x87: {  	_ =	shalt  }
.Lfunc_end0:
.L_simem_size_0:
called_computation.4_lowered:
.L_overlay_start_0:
0x88: {  	s2 =	sld [smem:$0x3FD9]  }
0x89: {  	s3 =	sld [smem:$0x3FFE];
	_ =	sdelay $0x1  }
0x8a: {  	s1 =	srdreg.scid  }
0x8b: {  	s0 =	sand.u32 $0x1, s1  }
0x8c: {  	s17 =	sshll.u32 s0, $0xA;
	s2 =	sadd.s32 s3, s2  }
0x8d: {  	s2 =	sadd.s32 s2, s17  }
0x8e: {  	[smem:$0x3FC1] =	sst s2  }
0x8f: {  	_ = 	snop  }
0x90: {  	(tm) =	ssettm $0x1  }
0x91: {  	s18 =	sld [smem:$0x3FFB];
	_ =	sdelay $0x3  }
0x92: {  	_ =	strace s18  }
0x93: {  	s2 =	sld [smem:$0x3FFC];
	_ =	sdelay $0x3  }
0x94: {  	_ =	strace s2  }
0x95: {  	s2 =	sld [smem:$0x3FFD];
	_ =	sdelay $0x3  }
0x96: {  	_ =	strace s2  }
0x97: {  	_ =	strace $0x8FFFFFFF  }
0x98: {  	s19 =	sld [smem:$0x3FDB];
	_ =	sdelay $0x1  }
0x99: {  	s20 =	simm.s32 $_scs_section_size  }
0x9a: {  	s4 =	simm.s32 $_size__tile_overlayer_lowered;
	s5 =	simm.s32 $_tile_overlayer_lowered  }
0x9b: {  	s6 =	simm.s32 $0x1BFF;
	s21 =	sshll.u32 s5, $0x1;
	s3 =	sadd.s32 s20, s19  }
0x9c: {  	s22 =	simm.s32 $0x0;
	s4 =	sshll.u32 s4, $0x1;
	s5 =	sadd.s32 s21, s3  }
0x9d: {  	[timem:s22], [sflag:s6] =	dma.local [hbm:s5], s4  }
0x9e: {  	_ =	swait.ge [sflag:s6], s4  }
0x9f: {  	s4 =	ssub.s32 $0x0, s4;
	[sflag:s6] =	ssyncset.done $0x0  }
0xa0: {  	[sflag:s6] =	ssyncadd.s32 s4;
	_ =	sdelay $0x1  }
0xa1: {  	s23 =	simm.s32 $0x1B8B  }
0xa2: {  	_ =	swait.ge [sflag:s23], $0x1  }
0xa3: {  	[sflag:s23] =	ssyncset.done $0x0  }
0xa4: {  	[sflag:s23] =	ssyncadd.s32 $0xFFFFFFFF  }
0xa5: {  	s4 =	sld [smem:$0x0]  }
0xa6: {  	s5 =	sand.u32 $0xFFFFFFFE, s1  }
0xa7: {  	p0 =	sne.s32 s1, s5  }
0xa8: {  	s5 =	sshll.u32 @p0 s5, $0xE  }
0xa9: {  	s5 =	sadd.s32 @p0 $0x11B8D, s5;
	s6 =	sshll.u32 @p0 s4, $0x11  }
0xaa: {  	s5 =	sor.u32 @p0 s6, s5  }
0xab: {  	[sflag:s5] =	ssyncadd.remote.s32 @p0 $0x1;
	_ =	sdelay $0x1  }
0xac: {  	s5 =	simm.s32 @p0 $0x1B8D  }
0xad: {  	_ =	swait.eq @p0 [sflag:s5], $0x1  }
0xae: {  	[sflag:s5] =	ssyncadd.s32 @p0 $0xFFFFFFFF  }
0xaf: {  	s6 =	sshll.u32 @!p0 s1, $0xE  }
0xb0: {  	s6 =	sor.u32 @!p0 $0x4000, s6;
	s5 =	simm.s32 @!p0 $0x1B8D  }
0xb1: {  	s4 =	sshll.u32 @!p0 s4, $0x11;
	s6 =	sadd.s32 @!p0 $0x11B8D, s6;
	_ =	swait.eq @!p0 [sflag:s5], $0x1  }
0xb2: {  	s4 =	sor.u32 @!p0 s4, s6;
	[sflag:s5] =	ssyncadd.s32 @!p0 $0xFFFFFFFF  }
0xb3: {  	s25 =	simm.s32 $0x1B8E;
	s24 =	sld [smem:$0x3FFE];
	[sflag:s4] =	ssyncadd.remote.s32 @!p0 $0x1  }
0xb4: {  	s26 =	simm.s32 $execute0_lowered;
	[smem:$0x3FD2] =	sst s25  }
0xb5: {  	s5 =	sshll.u32 s26, $0x1;
	_ =	strace $0x80000055;
	[dreg:$0x1] =	wrdreg $0xFFFFFFFF  }
0xb6: {  	s28 =	simm.s32 $_size_execute0_lowered;
	s3 =	sadd.s32 s3, s5;
	[dreg:$0x0] =	wrdreg $0x0  }
0xb7: {  	s5 =	sshll.u32 s28, $0x1;
	[dreg:$0x2] =	wrdreg s3  }
0xb8: {  	[dreg:$0x3] =	wrdreg s5  }
0xb9: {  	[dreg:$0x4] =	wrdreg $0xC0  }
0xba: {  	_ =	task [dreg:s22], $0x5FFFF  }
0xbb: {  	[dreg:$0x1] =	wrdreg $0xFFFFFFFF  }
0xbc: {  	[dreg:$0x0] =	wrdreg $0x60  }
0xbd: {  	[dreg:$0x2] =	wrdreg s24  }
0xbe: {  	[dreg:$0x3] =	wrdreg $0x9  }
0xbf: {  	_ =	task.clear_ibuf [dreg:s22], $0x4FFFF;
	_ =	strace $0x90000055  }
0xc0: {  	s29 =	simm.s32 $0x9;
	_ =	strace $0x80000057  }
0xc1: {  	_ =	swait.ge [sflag:s29], $0x1  }
0xc2: {  	[sflag:s29] =	ssyncadd.s32 $0xFFFFFFFF  }
0xc3: {  	_ =	strace $0x90000057  }
0xc4: {  	_ =	sfence  }
0xc5: {  	s30 =	sld [smem:$0x0];
	_ =	sdelay $0x2  }
0xc6: {  	s31 =	sshll.u32 s1, $0xD;
	s1 =	sshrl.u32 s1, $0x2  }
0xc7: {  	s4 =	sand.u32 $0x4000, s31;
	s1 =	sadd.s32 s1, s30  }
0xc8: {  	s0 =	sor.u32 s4, s0;
	s1 =	sshll.u32 s1, $0x11  }
0xc9: {  	s0 =	sor.u32 s1, s0  }
0xca: {  	s0 =	sadd.s32 $0x8F2B, s0  }
0xcb: {  	[sflag:s0] =	ssyncadd.remote.s32 $0x1  }
0xcc: {  	_ =	sfence.sel $0xFFFF  }
0xcd: {  	[dreg:$0x0] =	wrdreg $0xFFFFFFFF;
	(pc) =	sbr.abs _section_cstart, $3  }
0xce: {  	[dreg:$0x1] =	wrdreg $0xFFFFFFFF  }
0xcf: {  	_ =	task.clear_ibuf [dreg:s22], $0x2FFFF;
	_ =	strace $0x9FFFFFFF  }
0xd0: {  	(tm) =	ssettm $0x7FFFFFFF  }
0xd1: {  	_ =	shalt  }
tec
execute0_lowered:
.L_overlay_start_1:
0x0: {  	(tag) =	ssettag $0x1  }
0x1: {  	s4 =	rddreg [dreg:$0x0]  }
0x2: {  	s0 =	rddreg [dreg:$0x1];
	s2 =	simm.s32 $0x0;
	s3 =	srdreg.scid  }
0x3: {  	s1 =	stileid.u32;
	s13 =	simm.s32 $0x80;
	s14 =	simm.s32 $0x2900  }
0x4: {  	s15 =	simm.s32 $0x1;
	s16 =	simm.s32 $0x2;
	s17 =	simm.s32 $0x0  }
0x5: {  	[smem:$0x7FF] =	sst s2;
	s7 =	sand.u32 $0x1, s3;
	s10 =	smul.u32 $0x4E20, s1  }
0x6: {  	s26 =	sshll.u32 s1, $0x1;
	s3 =	sadd.s32 $0x34E00, s4;
	s30 =	smul.u32 $0x4E200, s1  }
0x7: {  	s9 =	sadd.s32 $0x3000, s4;
	s8 =	sadd.s32 $0x53E000, s4;
	s12 =	smul.u32 $0x2710, s7  }
0x8: {  	s5 =	sor.u32 s7, s26;
	s6 =	ssub.s32 $0x2, s7;
	s7 =	smul.u32 $0x27100, s7  }
0x9: {  	_ =	strace $0x80000056;
	s5 =	smul.u32 $0x2710, s5;
	s28 =	sshrl.u32 s6, $0x1  }
0xa: {  	s6 =	ssub.s32 s6, s28;
	s10 =	sadd.s32 s12, s10;
	s12 =	simm.s32 $0x50  }
0xb: {  	s29 =	sadd.s32 $0x26C0, s5;
	s6 =	smax.u32 s6, $0x1;
	s31 =	sshrl.u32 s10, $0x3  }
0xc: {  	s10 =	sadd.s32 $0x50, s10;
	s5 =	sshrl.u32 s29, $0x3;
	s11 =	sshll.u32 s29, $0x4  }
0xd: {  	s4 =	sadd.s32 s9, s5;
	s5 =	sadd.s32 s8, s11;
	s8 =	sadd.s32 s30, s8  }
0xe: {  	s10 =	sshrl.u32 s10, $0x3;
	s11 =	simm.s32 $0x2880;
	s7 =	sadd.s32 s7, s8  }
0xf: {  	s8 =	sadd.s32 s31, s9;
	s9 =	sadd.s32 s10, s9;
	s10 =	simm.s32 $0x3  }
.LBB2_1:
0x10: {  	s18 =	sadd.s32 $0x0, s8  }
0x11: {  	[tilespmem:s2], [sflag:$0x3] =	stream.linear.gather [hbm4b:s18+s2], $0x50, $0x38;
	[tilespmem:$0x5100] =	vst v63  }
0x12: {  	_ =	swait.ge [sflag:s10], $0x50  }
0x13: {  	[sflag:s10] =	ssyncset.done $0x0  }
0x14: {  	s30 =	sadd.s32 $0x0, s9;
	[sflag:s10] =	ssyncadd.s32 $0xFFFFFFB0  }
0x15: {  	[tilespmem:s11], [sflag:$0x3] =	stream.linear.gather [hbm4b:s30+s2], $0x50, $0x38;
	[tilespmem:$0x5100] =	vst v63  }
0x16: {  	_ =	swait.ge [sflag:s10], $0x50  }
0x17: {  	[sflag:s10] =	ssyncset.done $0x0  }
0x18: {  	[sflag:s10] =	ssyncadd.s32 $0xFFFFFFB0  }
0x19: {  	[tilespmem:s13], [sflag:$0x1] =	stream.indirect.gather [hbm4b:s3+s12], $0x80, s2, s12, $0xb8;
	[tilespmem:$0x5100] =	vst v63  }
0x1a: {  	_ = 	snop  }
0x1b: {  	[tilespmem:s14], [sflag:$0x2] =	stream.indirect.gather [hbm4b:s3+s12], $0x80, s11, s12, $0xb8;
	[tilespmem:$0x5100] =	vst v63  }
0x1c: {  	_ =	swait.ge [sflag:s15], $0x2800  }
0x1d: {  	[sflag:s15] =	ssyncset.done $0x0  }
0x1e: {  	[sflag:s15] =	ssyncadd.s32 $0xFFFFD800  }
0x1f: {  	[hbm4b:s7+s2] =	stream.linear.scatter [tilespmem:s13], [sflag:$0x3], $0x2800, $0x38;
	[tilespmem:$0x5100] =	vst v63  }
0x20: {  	_ =	swait.ge [sflag:s10], $0x2800  }
0x21: {  	[sflag:s10] =	ssyncset.done $0x0  }
0x22: {  	[sflag:s10] =	ssyncadd.s32 $0xFFFFD800  }
0x23: {  	_ =	swait.ge [sflag:s16], $0x2800  }
0x24: {  	[sflag:s16] =	ssyncset.done $0x0  }
0x25: {  	s31 =	sadd.s32 $0x500, s7;
	[sflag:s16] =	ssyncadd.s32 $0xFFFFD800  }
0x26: {  	[hbm4b:s31+s2] =	stream.linear.scatter [tilespmem:s14], [sflag:$0x3], $0x2800, $0x38;
	[tilespmem:$0x5100] =	vst v63  }
0x27: {  	s19 =	simm.s32 $0x14;
	_ =	swait.ge [sflag:s10], $0x2800  }
0x28: {  	s20 =	simm.s32 $0x28;
	s18 =	sadd.s32 $0xA00, s7;
	[sflag:s10] =	ssyncset.done $0x0  }
.LBB2_2:
0x29: {  	s21 =	sadd.s32 s19, s8  }
0x2a: {  	[sflag:s10] =	ssyncadd.s32 $0xFFFFD800;
	s22 =	smov.u32 s20;
	s23 =	sadd.s32 $0x14, s20  }
0x2b: {  	[tilespmem:s2], [sflag:$0x3] =	stream.linear.gather [hbm4b:s21+s2], $0x50, $0x38;
	[tilespmem:$0x5100] =	vst v63  }
0x2c: {  	p0 =	sne.s32 s20, $0x4C4;
	_ =	swait.ge [sflag:s10], $0x50  }
0x2d: {  	[sflag:s10] =	ssyncset.done $0x0  }
0x2e: {  	s20 =	sadd.s32 s19, s9;
	s19 =	smov.u32 s22;
	[sflag:s10] =	ssyncadd.s32 $0xFFFFFFB0  }
0x2f: {  	[tilespmem:s11], [sflag:$0x3] =	stream.linear.gather [hbm4b:s20+s2], $0x50, $0x38;
	[tilespmem:$0x5100] =	vst v63  }
0x30: {  	_ =	swait.ge [sflag:s10], $0x50  }
0x31: {  	[sflag:s10] =	ssyncset.done $0x0  }
0x32: {  	[sflag:s10] =	ssyncadd.s32 $0xFFFFFFB0  }
0x33: {  	[tilespmem:s13], [sflag:$0x1] =	stream.indirect.gather [hbm4b:s3+s12], $0x80, s2, s12, $0xb8;
	[tilespmem:$0x5100] =	vst v63  }
0x34: {  	_ = 	snop  }
0x35: {  	[tilespmem:s14], [sflag:$0x2] =	stream.indirect.gather [hbm4b:s3+s12], $0x80, s11, s12, $0xb8;
	[tilespmem:$0x5100] =	vst v63  }
0x36: {  	_ =	swait.ge [sflag:s15], $0x2800  }
0x37: {  	[sflag:s15] =	ssyncset.done $0x0  }
0x38: {  	[sflag:s15] =	ssyncadd.s32 $0xFFFFD800  }
0x39: {  	[hbm4b:s18+s2] =	stream.linear.scatter [tilespmem:s13], [sflag:$0x3], $0x2800, $0x38;
	[tilespmem:$0x5100] =	vst v63  }
0x3a: {  	_ =	swait.ge [sflag:s10], $0x2800  }
0x3b: {  	[sflag:s10] =	ssyncset.done $0x0  }
0x3c: {  	[sflag:s10] =	ssyncadd.s32 $0xFFFFD800  }
0x3d: {  	_ =	swait.ge [sflag:s16], $0x2800  }
.Ltmp0:
0x3e: {  	[sflag:s16] =	ssyncset.done $0x0;
	(pc) =	sbr.rel @p0 .LBB2_2-.Ltmp0, $4  }
0x3f: {  	s20 =	sadd.s32 $0x500, s18;
	[sflag:s16] =	ssyncadd.s32 $0xFFFFD800  }
0x40: {  	[hbm4b:s20+s2] =	stream.linear.scatter [tilespmem:s14], [sflag:$0x3], $0x2800, $0x38;
	[tilespmem:$0x5100] =	vst v63  }
0x41: {  	_ =	swait.ge [sflag:s10], $0x2800  }
0x42: {  	s18 =	sadd.s32 $0xA00, s18;
	s20 =	smov.u32 s23;
	[sflag:s10] =	ssyncset.done $0x0  }
0x43: {  	s20 =	sadd.s32 s19, s8;
	[sflag:s10] =	ssyncadd.s32 $0xFFFFD800  }
0x44: {  	[tilespmem:s2], [sflag:$0x3] =	stream.linear.gather [hbm4b:s20+s2], $0x50, $0x38;
	[tilespmem:$0x5100] =	vst v63  }
0x45: {  	_ =	swait.ge [sflag:s10], $0x50  }
0x46: {  	[sflag:s10] =	ssyncset.done $0x0  }
0x47: {  	s30 =	sadd.s32 s19, s9;
	[sflag:s10] =	ssyncadd.s32 $0xFFFFFFB0  }
0x48: {  	[tilespmem:s11], [sflag:$0x3] =	stream.linear.gather [hbm4b:s30+s2], $0x50, $0x38;
	[tilespmem:$0x5100] =	vst v63  }
0x49: {  	_ =	swait.ge [sflag:s10], $0x50  }
0x4a: {  	[sflag:s10] =	ssyncset.done $0x0  }
0x4b: {  	[sflag:s10] =	ssyncadd.s32 $0xFFFFFFB0  }
0x4c: {  	[tilespmem:s13], [sflag:$0x1] =	stream.indirect.gather [hbm4b:s3+s12], $0x80, s2, s12, $0xb8;
	[tilespmem:$0x5100] =	vst v63  }
0x4d: {  	_ = 	snop  }
0x4e: {  	[tilespmem:s14], [sflag:$0x2] =	stream.indirect.gather [hbm4b:s3+s12], $0x80, s11, s12, $0xb8;
	[tilespmem:$0x5100] =	vst v63  }
0x4f: {  	_ =	swait.ge [sflag:s15], $0x2800  }
0x50: {  	[sflag:s15] =	ssyncset.done $0x0  }
0x51: {  	[sflag:s15] =	ssyncadd.s32 $0xFFFFD800  }
0x52: {  	[hbm4b:s18+s2] =	stream.linear.scatter [tilespmem:s13], [sflag:$0x3], $0x2800, $0x38;
	[tilespmem:$0x5100] =	vst v63  }
0x53: {  	_ =	swait.ge [sflag:s10], $0x2800  }
0x54: {  	[sflag:s10] =	ssyncset.done $0x0  }
0x55: {  	[sflag:s10] =	ssyncadd.s32 $0xFFFFD800  }
0x56: {  	_ =	swait.ge [sflag:s16], $0x2800  }
0x57: {  	[sflag:s16] =	ssyncset.done $0x0  }
0x58: {  	s31 =	sadd.s32 $0x500, s18;
	[sflag:s16] =	ssyncadd.s32 $0xFFFFD800  }
0x59: {  	[hbm4b:s31+s2] =	stream.linear.scatter [tilespmem:s14], [sflag:$0x3], $0x2800, $0x38;
	[tilespmem:$0x5100] =	vst v63  }
0x5a: {  	_ =	swait.ge [sflag:s10], $0x2800  }
0x5b: {  	[sflag:s10] =	ssyncset.done $0x0  }
0x5c: {  	[sflag:s10] =	ssyncadd.s32 $0xFFFFD800  }
0x5d: {  	[tilespmem:s2], [sflag:$0x3] =	stream.linear.gather [hbm4b:s4+s2], $0x50, $0x38;
	[tilespmem:$0x5100] =	vst v63  }
0x5e: {  	_ =	swait.ge [sflag:s10], $0x50  }
0x5f: {  	[sflag:s10] =	ssyncset.done $0x0  }
0x60: {  	[sflag:s10] =	ssyncadd.s32 $0xFFFFFFB0  }
0x61: {  	[tilespmem:s13], [sflag:$0x1] =	stream.indirect.gather [hbm4b:s3+s12], $0x80, s2, s12, $0xb8;
	[tilespmem:$0x5100] =	vst v63  }
0x62: {  	s17 =	sadd.s32 $0x1, s17;
	_ =	swait.ge [sflag:s15], $0x2800  }
0x63: {  	p0 =	sne.s32 s17, s6;
	[sflag:s15] =	ssyncset.done $0x0  }
.Ltmp1:
0x64: {  	[sflag:s15] =	ssyncadd.s32 $0xFFFFD800;
	(pc) =	sbr.rel @p0 .LBB2_1-.Ltmp1, $4  }
0x65: {  	[hbm4b:s5+s2] =	stream.linear.scatter [tilespmem:s13], [sflag:$0x3], $0x2800, $0x38;
	[tilespmem:$0x5100] =	vst v63  }
0x66: {  	_ =	swait.ge [sflag:s10], $0x2800  }
0x67: {  	[sflag:s10] =	ssyncset.done $0x0  }
0x68: {  	[sflag:s10] =	ssyncadd.s32 $0xFFFFD800  }
0x69: {  	_ =	sfence.sel $0x180000  }
0x6a: {  	[bflag:$0x0] =	sbarrier.arrive $0xFFFF  }
0x6b: {  	p0 =	sne.s32 s1, $0x0;
	_ =	strace $0x90000056  }
0x6c: {  	s0 =	sadd.s32 @!p0 $0x100000, s0;
	[bflag:$0x2] =	sbarrier.arrive $0xFFFF  }
0x6d: {  	[sflag:s0] =	ssyncadd.tile.s32 @!p0 $0x1;
	_ =	shalt  }
.Lfunc_end2:
_tile_overlayer_lowered:
.L_overlay_start_2:
0x6e: {  	(tag) =	ssettag $0x2  }
0x6f: {  	s0 =	rddreg [dreg:$0x0];
	s2 =	stileid.u32  }
0x70: {  	s1 =	rddreg [dreg:$0x1];
	p0 =	sne.s32 s2, $0x0  }
0x71: {  	s3 =	rddreg [dreg:$0x2];
	[bflag:$0x3] =	sbarrier.arrive $0xFFFF;
	s2 =	simm.s32 @!p0 $0x1C03  }
0x72: {  	[timem:s3], [sflag:s2] =	dma.local @!p0 [hbm:s0], s1  }
0x73: {  	s0 =	simm.s32 @!p0 $0x3  }
0x74: {  	_ =	swait.ge @!p0 [sflag:s0], s1  }
0x75: {  	s1 =	ssub.s32 @!p0 $0x0, s1;
	[sflag:s0] =	ssyncset.done @!p0 $0x0  }
0x76: {  	[sflag:s0] =	ssyncadd.s32 @!p0 s1  }
0x77: {  	[bflag:$0x3] =	sbarrier.arrive $0xFFFF  }
0x78: {  	_ =	shalt  }

// kernel: kernel.31.cloned.1.call-start
scs
__scs_entry_jumppad:
0x0: {  	(pc) =	sbr.rel $0x88, $3  }
0x1: {  	(tag) =	ssettag $0x0;
	lr =	simm.s32 $0x1  }
0x2: {  	[smem:$0x3F9A] =	sst lr;
	_ =	strace $0xD0000000  }
0x3: {  	_ = 	snop  }
0x4: {  	_ = 	snop  }
0x5: {  	_ = 	snop  }
0x6: {  	_ = 	snop  }
0x7: {  	_ = 	snop  }
__scs_overlays_trampoline_lowered:
0x8: {  	[smem:$0x3FA9] =	sst s0  }
0x9: {  	[smem:$0x3FAA] =	sst s1  }
0xa: {  	[smem:$0x3FAB] =	sst s2  }
0xb: {  	[smem:$0x3FAC] =	sst s3  }
0xc: {  	[smem:$0x3FAD] =	sst s4  }
0xd: {  	[smem:$0x3FAE] =	sst s5  }
0xe: {  	[smem:$0x3FAF] =	sst s6  }
0xf: {  	[smem:$0x3FB0] =	sst s7  }
0x10: {  	[smem:$0x3FB1] =	sst s8  }
0x11: {  	[smem:$0x3FB2] =	sst s9;
	s0 =	simm.s32 @!p0 $0x0  }
0x12: {  	s1 =	sld [smem:$0x3F98];
	s0 =	simm.s32 @p0 $0x1  }
0x13: {  	[smem:$0x3FB3] =	sst s0;
	s0 =	simm.s32 @!p1 $0x0  }
0x14: {  	s2 =	sld [smem:$0x3F97];
	s0 =	simm.s32 @p1 $0x1  }
0x15: {  	[smem:$0x3FB4] =	sst s0;
	s0 =	simm.s32 @!p2 $0x0  }
0x16: {  	s3 =	sld [smem:$0x3FDB];
	s0 =	simm.s32 @p2 $0x1  }
0x17: {  	s4 =	simm.s32 $0x1BF5;
	[smem:$0x3FB6] =	sst s0  }
0x18: {  	s0 =	sld [smem:$0x3F99];
	_ =	swait.ge [sflag:s4], $0x0  }
0x19: {  	s7 =	sld [smem:$0x3F9A]  }
0x1a: {  	s8 =	sadd.s32 $0xFFFFE003, lr  }
0x1b: {  	s9 =	sadd.s32 $0xFFFFFEF7, lr;
	s5 =	simm.s32 $0xFFFFFFFF;
	p2 =	slt.u32 s8, $0xFFFFF086  }
0x1c: {  	p1 =	slt.u32 s9, $0xF7A;
	s5 =	simm.s32 @!p2 $0x0  }
0x1d: {  	s5 =	simm.s32 @p1 $0x1;
	p0 =	seq.s32 s7, s2  }
0x1e: {  	s7 =	smul.u32 @!p0 $0xF7A, s2;
	p2 =	seq.s32 @!p0 s5, $0x0  }
0x1f: {  	s9 =	smul.u32 $0xF7A, s1;
	s8 =	simm.s32 @!p0 $0x1BF5;
	p2 =	por !p2, p0  }
0x20: {  	[sflag:s8] =	ssyncset.s32 @!p0 $0xFFFFF086;
	s6 =	sadd.s32 @!p0 s3, s7;
	s7 =	simm.s32 @!p0 $0x108  }
0x21: {  	s3 =	sadd.s32 s3, s9;
	s6 =	sadd.s32 @!p0 $0x88, s6;
	s7 =	simm.s32 @p2 $0x1082  }
0x22: {  	[simem:s7], [sflag:s8] =	dma.local @!p0 [hbm:s6], $0xF7A  }
0x23: {  	s9 =	sor.u32 $0xD0000000, s2;
	s6 =	simm.s32 $0x108;
	_ =	swait.ge @!p0 [sflag:s8], $0x0  }
0x24: {  	s3 =	sadd.s32 $0x88, s3;
	s6 =	simm.s32 @!p1 $0x1082;
	[sflag:s4] =	ssyncset.s32 $0xFFFFF086  }
0x25: {  	[simem:s6], [sflag:s4] =	dma.local [hbm:s3], $0xF7A  }
0x26: {  	[smem:$0x3F9A] =	sst s1;
	(tag) =	ssettag s2;
	_ =	strace s9  }
0x27: {  	s1 =	sld [smem:$0x3FAA]  }
0x28: {  	s2 =	sld [smem:$0x3FAB]  }
0x29: {  	s4 =	sld [smem:$0x3FAD]  }
0x2a: {  	p0 =	seq.s32 s5, $0x0;
	s5 =	sld [smem:$0x3FAE]  }
0x2b: {  	s6 =	sld [smem:$0x3FAF]  }
0x2c: {  	s7 =	sld [smem:$0x3FB0]  }
0x2d: {  	s3 =	simm.s32 $0x108;
	s8 =	sld [smem:$0x3FB1]  }
0x2e: {  	s3 =	simm.s32 @!p0 $0x1082;
	s9 =	sld [smem:$0x3FB2]  }
0x2f: {  	lr =	sadd.s32 s0, s3;
	s0 =	sld [smem:$0x3FA9]  }
0x30: {  	s3 =	sld [smem:$0x3FAC]  }
0x31: {  	[smem:$0x3FB5] =	sst s10  }
0x32: {  	s10 =	sld [smem:$0x3FB3];
	_ =	sdelay $0x3  }
0x33: {  	p0 =	seq.s32 s10, $0x1;
	s10 =	sld [smem:$0x3FB5];
	_ =	sdelay $0x3  }
0x34: {  	[smem:$0x3FB5] =	sst s10  }
0x35: {  	s10 =	sld [smem:$0x3FB4];
	_ =	sdelay $0x3  }
0x36: {  	p1 =	seq.s32 s10, $0x1;
	s10 =	sld [smem:$0x3FB5];
	_ =	sdelay $0x3  }
0x37: {  	[smem:$0x3FB5] =	sst s10  }
0x38: {  	s10 =	sld [smem:$0x3FB6]  }
0x39: {  	_ = 	snop;
	(pc) =	sbr.ind lr, $3  }
0x3a: {  	_ = 	snop  }
0x3b: {  	_ = 	snop  }
0x3c: {  	p2 =	seq.s32 s10, $0x1;
	s10 =	sld [smem:$0x3FB5]  }
0x3d: {  	_ =	shalt  }
0x3e: {  	_ =	shalt  }
0x3f: {  	_ =	shalt  }
0x40: {  	_ =	shalt  }
0x41: {  	_ =	shalt  }
0x42: {  	_ =	shalt  }
0x43: {  	_ =	shalt  }
0x44: {  	_ =	shalt  }
0x45: {  	_ =	shalt  }
0x46: {  	_ =	shalt  }
0x47: {  	_ =	shalt  }
0x48: {  	_ =	shalt  }
0x49: {  	_ =	shalt  }
0x4a: {  	_ =	shalt  }
0x4b: {  	_ =	shalt  }
0x4c: {  	_ =	shalt  }
0x4d: {  	_ =	shalt  }
0x4e: {  	_ =	shalt  }
0x4f: {  	_ =	shalt  }
0x50: {  	_ =	shalt  }
0x51: {  	_ =	shalt  }
0x52: {  	_ =	shalt  }
0x53: {  	_ =	shalt  }
0x54: {  	_ =	shalt  }
0x55: {  	_ =	shalt  }
0x56: {  	_ =	shalt  }
0x57: {  	_ =	shalt  }
0x58: {  	_ =	shalt  }
0x59: {  	_ =	shalt  }
0x5a: {  	_ =	shalt  }
0x5b: {  	_ =	shalt  }
0x5c: {  	_ =	shalt  }
0x5d: {  	_ =	shalt  }
0x5e: {  	_ =	shalt  }
0x5f: {  	_ =	shalt  }
0x60: {  	_ =	shalt  }
0x61: {  	_ =	shalt  }
0x62: {  	_ =	shalt  }
0x63: {  	_ =	shalt  }
0x64: {  	_ =	shalt  }
0x65: {  	_ =	shalt  }
0x66: {  	_ =	shalt  }
0x67: {  	_ =	shalt  }
0x68: {  	_ =	shalt  }
0x69: {  	_ =	shalt  }
0x6a: {  	_ =	shalt  }
0x6b: {  	_ =	shalt  }
0x6c: {  	_ =	shalt  }
0x6d: {  	_ =	shalt  }
0x6e: {  	_ =	shalt  }
0x6f: {  	_ =	shalt  }
0x70: {  	_ =	shalt  }
0x71: {  	_ =	shalt  }
0x72: {  	_ =	shalt  }
0x73: {  	_ =	shalt  }
0x74: {  	_ =	shalt  }
0x75: {  	_ =	shalt  }
0x76: {  	_ =	shalt  }
0x77: {  	_ =	shalt  }
0x78: {  	_ =	shalt  }
0x79: {  	_ =	shalt  }
0x7a: {  	_ =	shalt  }
0x7b: {  	_ =	shalt  }
0x7c: {  	_ =	shalt  }
0x7d: {  	_ =	shalt  }
0x7e: {  	_ =	shalt  }
0x7f: {  	_ =	shalt  }
0x80: {  	_ =	shalt  }
0x81: {  	_ =	shalt  }
0x82: {  	_ =	shalt  }
0x83: {  	_ =	shalt  }
0x84: {  	_ =	shalt  }
0x85: {  	_ =	shalt  }
0x86: {  	_ =	shalt  }
0x87: {  	_ =	shalt  }
.Lfunc_end0:
.L_simem_size_0:
called_computation.5_lowered:
.L_overlay_start_0:
0x88: {  	s2 =	sld [smem:$0x3FD9]  }
0x89: {  	s3 =	sld [smem:$0x3FFE];
	_ =	sdelay $0x1  }
0x8a: {  	s1 =	srdreg.scid  }
0x8b: {  	s0 =	sand.u32 $0x1, s1  }
0x8c: {  	s17 =	sshll.u32 s0, $0xA;
	s2 =	sadd.s32 s3, s2  }
0x8d: {  	s2 =	sadd.s32 s2, s17  }
0x8e: {  	[smem:$0x3FC1] =	sst s2  }
0x8f: {  	_ = 	snop  }
0x90: {  	s2 =	sld [smem:$0x3FD0];
	(tm) =	ssettm $0x1  }
0x91: {  	s18 =	sld [smem:$0x3FFB];
	_ =	sdelay $0x3  }
0x92: {  	_ =	strace s18  }
0x93: {  	s3 =	sld [smem:$0x3FFC];
	_ =	sdelay $0x3  }
0x94: {  	_ =	strace s3  }
0x95: {  	s3 =	sld [smem:$0x3FFD];
	_ =	sdelay $0x3  }
0x96: {  	_ =	strace s3  }
0x97: {  	_ =	strace $0x8FFFFFFF  }
0x98: {  	s19 =	sld [smem:$0x3FDB];
	_ =	sdelay $0x1  }
0x99: {  	s4 =	simm.s32 $_scs_section_size  }
0x9a: {  	s5 =	simm.s32 $_size__tile_overlayer_lowered;
	s6 =	simm.s32 $_tile_overlayer_lowered  }
0x9b: {  	s22 =	simm.s32 $0x1BFF;
	s21 =	sshll.u32 s6, $0x1;
	s3 =	sadd.s32 s4, s19  }
0x9c: {  	s7 =	simm.s32 $0x0;
	s20 =	sshll.u32 s5, $0x1;
	s5 =	sadd.s32 s21, s3  }
0x9d: {  	[timem:s7], [sflag:s22] =	dma.local [hbm:s5], s20  }
0x9e: {  	_ =	swait.ge [sflag:s22], s20  }
0x9f: {  	s4 =	ssub.s32 $0x0, s20;
	[sflag:s22] =	ssyncset.done $0x0  }
0xa0: {  	[sflag:s22] =	ssyncadd.s32 s4;
	_ =	sdelay $0x1  }
0xa1: {  	s23 =	simm.s32 $0x1B8B  }
0xa2: {  	_ =	swait.ge [sflag:s23], $0x1  }
0xa3: {  	[sflag:s23] =	ssyncset.done $0x0  }
0xa4: {  	s25 =	simm.s32 $0x1B8E;
	s24 =	sld [smem:$0x3FFE];
	[sflag:s23] =	ssyncadd.s32 $0xFFFFFFFF  }
0xa5: {  	s26 =	simm.s32 $execute0_lowered;
	[smem:$0x3FD2] =	sst s25  }
0xa6: {  	s5 =	sshll.u32 s26, $0x1;
	_ =	strace $0x80000052;
	[dreg:$0x1] =	wrdreg $0xFFFFFFFF  }
0xa7: {  	s28 =	simm.s32 $_size_execute0_lowered;
	s3 =	sadd.s32 s3, s5;
	[dreg:$0x0] =	wrdreg $0x0  }
0xa8: {  	s5 =	sshll.u32 s28, $0x1;
	[dreg:$0x2] =	wrdreg s3  }
0xa9: {  	[dreg:$0x3] =	wrdreg s5  }
0xaa: {  	[dreg:$0x4] =	wrdreg $0xC0  }
0xab: {  	_ =	task [dreg:s7], $0x5FFFF  }
0xac: {  	[dreg:$0x1] =	wrdreg $0xFFFFFFFF  }
0xad: {  	[dreg:$0x0] =	wrdreg $0x60  }
0xae: {  	[dreg:$0x2] =	wrdreg s24  }
0xaf: {  	[dreg:$0x3] =	wrdreg s2  }
0xb0: {  	[dreg:$0x4] =	wrdreg $0xA  }
0xb1: {  	_ =	task.clear_ibuf [dreg:s7], $0x5FFFF;
	_ =	strace $0x90000052  }
0xb2: {  	s29 =	simm.s32 $0xA;
	_ =	strace $0x80000054  }
0xb3: {  	_ =	swait.ge [sflag:s29], $0x1  }
0xb4: {  	[sflag:s29] =	ssyncadd.s32 $0xFFFFFFFF  }
0xb5: {  	_ =	strace $0x90000054  }
0xb6: {  	_ =	sfence  }
0xb7: {  	s30 =	sld [smem:$0x0];
	_ =	sdelay $0x2  }
0xb8: {  	s31 =	sshll.u32 s1, $0xD;
	s1 =	sshrl.u32 s1, $0x2  }
0xb9: {  	s3 =	sand.u32 $0x4000, s31;
	s1 =	sadd.s32 s1, s30  }
0xba: {  	s0 =	sor.u32 s3, s0;
	s1 =	sshll.u32 s1, $0x11  }
0xbb: {  	s0 =	sor.u32 s1, s0  }
0xbc: {  	s0 =	sadd.s32 $0x8F2B, s0  }
0xbd: {  	[sflag:s0] =	ssyncadd.remote.s32 $0x1  }
0xbe: {  	_ =	sfence.sel $0xFFFF  }
0xbf: {  	[dreg:$0x0] =	wrdreg $0xFFFFFFFF;
	(pc) =	sbr.abs _section_cstart, $3  }
0xc0: {  	[dreg:$0x1] =	wrdreg $0xFFFFFFFF  }
0xc1: {  	_ =	task.clear_ibuf [dreg:s7], $0x2FFFF;
	_ =	strace $0x9FFFFFFF  }
0xc2: {  	(tm) =	ssettm $0x7FFFFFFF  }
0xc3: {  	_ =	shalt  }
tec
execute0_lowered:
.L_overlay_start_1:
0x0: {  	(tag) =	ssettag $0x1  }
0x1: {  	s4 =	rddreg [dreg:$0x0]  }
0x2: {  	s9 =	rddreg [dreg:$0x1]  }
0x3: {  	s0 =	rddreg [dreg:$0x2];
	s3 =	srdreg.scid  }
0x4: {  	s1 =	stileid.u32;
	s2 =	simm.s32 $0x0;
	s14 =	simm.s32 $0x2900  }
0x5: {  	s15 =	simm.s32 $0x1;
	s16 =	simm.s32 $0x2;
	s17 =	simm.s32 $0x0  }
0x6: {  	s7 =	sand.u32 $0x1, s3;
	s26 =	sshll.u32 s1, $0x1;
	s11 =	smul.u32 $0x4E20, s1  }
0x7: {  	[smem:$0x7FF] =	sst s2;
	s8 =	sadd.s32 $0x5C000, s4;
	s13 =	smul.u32 $0x4E200, s1  }
0x8: {  	s3 =	sor.u32 s7, s26;
	s5 =	ssub.s32 $0x2, s7;
	s12 =	smul.u32 $0x2710, s7  }
0x9: {  	_ =	strace $0x80000053;
	s6 =	smul.u32 $0x2710, s3;
	s28 =	sshrl.u32 s5, $0x1  }
0xa: {  	s7 =	smul.u32 $0x27100, s7;
	s3 =	sadd.s32 $0x34E00, s4;
	s10 =	ssub.s32 s5, s28  }
0xb: {  	s31 =	sadd.s32 s12, s11;
	s12 =	simm.s32 $0x50;
	s29 =	sadd.s32 $0x26C0, s6  }
0xc: {  	s11 =	sshrl.u32 s31, $0x3;
	s30 =	sshrl.u32 s29, $0x3;
	s6 =	sshll.u32 s29, $0x4  }
0xd: {  	s4 =	sadd.s32 s9, s30;
	s5 =	sadd.s32 s8, s6;
	s6 =	smax.u32 s10, $0x1  }
0xe: {  	s8 =	sadd.s32 s13, s8;
	s10 =	sadd.s32 $0x50, s31;
	s13 =	simm.s32 $0x80  }
0xf: {  	s7 =	sadd.s32 s7, s8;
	s8 =	sadd.s32 s11, s9;
	s10 =	sshrl.u32 s10, $0x3  }
0x10: {  	s11 =	simm.s32 $0x2880;
	s9 =	sadd.s32 s10, s9;
	s10 =	simm.s32 $0x3  }
.LBB2_1:
0x11: {  	s18 =	sadd.s32 $0x0, s8  }
0x12: {  	[tilespmem:s2], [sflag:$0x3] =	stream.linear.gather [hbm4b:s18+s2], $0x50, $0x38;
	[tilespmem:$0x5100] =	vst v63  }
0x13: {  	_ =	swait.ge [sflag:s10], $0x50  }
0x14: {  	[sflag:s10] =	ssyncset.done $0x0  }
0x15: {  	s30 =	sadd.s32 $0x0, s9;
	[sflag:s10] =	ssyncadd.s32 $0xFFFFFFB0  }
0x16: {  	[tilespmem:s11], [sflag:$0x3] =	stream.linear.gather [hbm4b:s30+s2], $0x50, $0x38;
	[tilespmem:$0x5100] =	vst v63  }
0x17: {  	_ =	swait.ge [sflag:s10], $0x50  }
0x18: {  	[sflag:s10] =	ssyncset.done $0x0  }
0x19: {  	[sflag:s10] =	ssyncadd.s32 $0xFFFFFFB0  }
0x1a: {  	[tilespmem:s13], [sflag:$0x1] =	stream.indirect.gather [hbm4b:s3+s12], $0x80, s2, s12, $0xb8;
	[tilespmem:$0x5100] =	vst v63  }
0x1b: {  	_ = 	snop  }
0x1c: {  	[tilespmem:s14], [sflag:$0x2] =	stream.indirect.gather [hbm4b:s3+s12], $0x80, s11, s12, $0xb8;
	[tilespmem:$0x5100] =	vst v63  }
0x1d: {  	_ =	swait.ge [sflag:s15], $0x2800  }
0x1e: {  	[sflag:s15] =	ssyncset.done $0x0  }
0x1f: {  	[sflag:s15] =	ssyncadd.s32 $0xFFFFD800  }
0x20: {  	[hbm4b:s7+s2] =	stream.linear.scatter [tilespmem:s13], [sflag:$0x3], $0x2800, $0x38;
	[tilespmem:$0x5100] =	vst v63  }
0x21: {  	_ =	swait.ge [sflag:s10], $0x2800  }
0x22: {  	[sflag:s10] =	ssyncset.done $0x0  }
0x23: {  	[sflag:s10] =	ssyncadd.s32 $0xFFFFD800  }
0x24: {  	_ =	swait.ge [sflag:s16], $0x2800  }
0x25: {  	[sflag:s16] =	ssyncset.done $0x0  }
0x26: {  	s31 =	sadd.s32 $0x500, s7;
	[sflag:s16] =	ssyncadd.s32 $0xFFFFD800  }
0x27: {  	[hbm4b:s31+s2] =	stream.linear.scatter [tilespmem:s14], [sflag:$0x3], $0x2800, $0x38;
	[tilespmem:$0x5100] =	vst v63  }
0x28: {  	s19 =	simm.s32 $0x14;
	_ =	swait.ge [sflag:s10], $0x2800  }
0x29: {  	s20 =	simm.s32 $0x28;
	s18 =	sadd.s32 $0xA00, s7;
	[sflag:s10] =	ssyncset.done $0x0  }
.LBB2_2:
0x2a: {  	s21 =	sadd.s32 s19, s8  }
0x2b: {  	[sflag:s10] =	ssyncadd.s32 $0xFFFFD800;
	s22 =	smov.u32 s20;
	s23 =	sadd.s32 $0x14, s20  }
0x2c: {  	[tilespmem:s2], [sflag:$0x3] =	stream.linear.gather [hbm4b:s21+s2], $0x50, $0x38;
	[tilespmem:$0x5100] =	vst v63  }
0x2d: {  	p0 =	sne.s32 s20, $0x4C4;
	_ =	swait.ge [sflag:s10], $0x50  }
0x2e: {  	[sflag:s10] =	ssyncset.done $0x0  }
0x2f: {  	s20 =	sadd.s32 s19, s9;
	s19 =	smov.u32 s22;
	[sflag:s10] =	ssyncadd.s32 $0xFFFFFFB0  }
0x30: {  	[tilespmem:s11], [sflag:$0x3] =	stream.linear.gather [hbm4b:s20+s2], $0x50, $0x38;
	[tilespmem:$0x5100] =	vst v63  }
0x31: {  	_ =	swait.ge [sflag:s10], $0x50  }
0x32: {  	[sflag:s10] =	ssyncset.done $0x0  }
0x33: {  	[sflag:s10] =	ssyncadd.s32 $0xFFFFFFB0  }
0x34: {  	[tilespmem:s13], [sflag:$0x1] =	stream.indirect.gather [hbm4b:s3+s12], $0x80, s2, s12, $0xb8;
	[tilespmem:$0x5100] =	vst v63  }
0x35: {  	_ = 	snop  }
0x36: {  	[tilespmem:s14], [sflag:$0x2] =	stream.indirect.gather [hbm4b:s3+s12], $0x80, s11, s12, $0xb8;
	[tilespmem:$0x5100] =	vst v63  }
0x37: {  	_ =	swait.ge [sflag:s15], $0x2800  }
0x38: {  	[sflag:s15] =	ssyncset.done $0x0  }
0x39: {  	[sflag:s15] =	ssyncadd.s32 $0xFFFFD800  }
0x3a: {  	[hbm4b:s18+s2] =	stream.linear.scatter [tilespmem:s13], [sflag:$0x3], $0x2800, $0x38;
	[tilespmem:$0x5100] =	vst v63  }
0x3b: {  	_ =	swait.ge [sflag:s10], $0x2800  }
0x3c: {  	[sflag:s10] =	ssyncset.done $0x0  }
0x3d: {  	[sflag:s10] =	ssyncadd.s32 $0xFFFFD800  }
0x3e: {  	_ =	swait.ge [sflag:s16], $0x2800  }
.Ltmp0:
0x3f: {  	[sflag:s16] =	ssyncset.done $0x0;
	(pc) =	sbr.rel @p0 .LBB2_2-.Ltmp0, $4  }
0x40: {  	s20 =	sadd.s32 $0x500, s18;
	[sflag:s16] =	ssyncadd.s32 $0xFFFFD800  }
0x41: {  	[hbm4b:s20+s2] =	stream.linear.scatter [tilespmem:s14], [sflag:$0x3], $0x2800, $0x38;
	[tilespmem:$0x5100] =	vst v63  }
0x42: {  	_ =	swait.ge [sflag:s10], $0x2800  }
0x43: {  	s18 =	sadd.s32 $0xA00, s18;
	s20 =	smov.u32 s23;
	[sflag:s10] =	ssyncset.done $0x0  }
0x44: {  	s20 =	sadd.s32 s19, s8;
	[sflag:s10] =	ssyncadd.s32 $0xFFFFD800  }
0x45: {  	[tilespmem:s2], [sflag:$0x3] =	stream.linear.gather [hbm4b:s20+s2], $0x50, $0x38;
	[tilespmem:$0x5100] =	vst v63  }
0x46: {  	_ =	swait.ge [sflag:s10], $0x50  }
0x47: {  	[sflag:s10] =	ssyncset.done $0x0  }
0x48: {  	s30 =	sadd.s32 s19, s9;
	[sflag:s10] =	ssyncadd.s32 $0xFFFFFFB0  }
0x49: {  	[tilespmem:s11], [sflag:$0x3] =	stream.linear.gather [hbm4b:s30+s2], $0x50, $0x38;
	[tilespmem:$0x5100] =	vst v63  }
0x4a: {  	_ =	swait.ge [sflag:s10], $0x50  }
0x4b: {  	[sflag:s10] =	ssyncset.done $0x0  }
0x4c: {  	[sflag:s10] =	ssyncadd.s32 $0xFFFFFFB0  }
0x4d: {  	[tilespmem:s13], [sflag:$0x1] =	stream.indirect.gather [hbm4b:s3+s12], $0x80, s2, s12, $0xb8;
	[tilespmem:$0x5100] =	vst v63  }
0x4e: {  	_ = 	snop  }
0x4f: {  	[tilespmem:s14], [sflag:$0x2] =	stream.indirect.gather [hbm4b:s3+s12], $0x80, s11, s12, $0xb8;
	[tilespmem:$0x5100] =	vst v63  }
0x50: {  	_ =	swait.ge [sflag:s15], $0x2800  }
0x51: {  	[sflag:s15] =	ssyncset.done $0x0  }
0x52: {  	[sflag:s15] =	ssyncadd.s32 $0xFFFFD800  }
0x53: {  	[hbm4b:s18+s2] =	stream.linear.scatter [tilespmem:s13], [sflag:$0x3], $0x2800, $0x38;
	[tilespmem:$0x5100] =	vst v63  }
0x54: {  	_ =	swait.ge [sflag:s10], $0x2800  }
0x55: {  	[sflag:s10] =	ssyncset.done $0x0  }
0x56: {  	[sflag:s10] =	ssyncadd.s32 $0xFFFFD800  }
0x57: {  	_ =	swait.ge [sflag:s16], $0x2800  }
0x58: {  	[sflag:s16] =	ssyncset.done $0x0  }
0x59: {  	s31 =	sadd.s32 $0x500, s18;
	[sflag:s16] =	ssyncadd.s32 $0xFFFFD800  }
0x5a: {  	[hbm4b:s31+s2] =	stream.linear.scatter [tilespmem:s14], [sflag:$0x3], $0x2800, $0x38;
	[tilespmem:$0x5100] =	vst v63  }
0x5b: {  	_ =	swait.ge [sflag:s10], $0x2800  }
0x5c: {  	[sflag:s10] =	ssyncset.done $0x0  }
0x5d: {  	[sflag:s10] =	ssyncadd.s32 $0xFFFFD800  }
0x5e: {  	[tilespmem:s2], [sflag:$0x3] =	stream.linear.gather [hbm4b:s4+s2], $0x50, $0x38;
	[tilespmem:$0x5100] =	vst v63  }
0x5f: {  	_ =	swait.ge [sflag:s10], $0x50  }
0x60: {  	[sflag:s10] =	ssyncset.done $0x0  }
0x61: {  	[sflag:s10] =	ssyncadd.s32 $0xFFFFFFB0  }
0x62: {  	[tilespmem:s13], [sflag:$0x1] =	stream.indirect.gather [hbm4b:s3+s12], $0x80, s2, s12, $0xb8;
	[tilespmem:$0x5100] =	vst v63  }
0x63: {  	s17 =	sadd.s32 $0x1, s17;
	_ =	swait.ge [sflag:s15], $0x2800  }
0x64: {  	p0 =	sne.s32 s17, s6;
	[sflag:s15] =	ssyncset.done $0x0  }
.Ltmp1:
0x65: {  	[sflag:s15] =	ssyncadd.s32 $0xFFFFD800;
	(pc) =	sbr.rel @p0 .LBB2_1-.Ltmp1, $4  }
0x66: {  	[hbm4b:s5+s2] =	stream.linear.scatter [tilespmem:s13], [sflag:$0x3], $0x2800, $0x38;
	[tilespmem:$0x5100] =	vst v63  }
0x67: {  	_ =	swait.ge [sflag:s10], $0x2800  }
0x68: {  	[sflag:s10] =	ssyncset.done $0x0  }
0x69: {  	[sflag:s10] =	ssyncadd.s32 $0xFFFFD800  }
0x6a: {  	_ =	sfence.sel $0x180000  }
0x6b: {  	[bflag:$0x0] =	sbarrier.arrive $0xFFFF  }
0x6c: {  	p0 =	sne.s32 s1, $0x0;
	_ =	strace $0x90000053  }
0x6d: {  	s0 =	sadd.s32 @!p0 $0x100000, s0;
	[bflag:$0x2] =	sbarrier.arrive $0xFFFF  }
0x6e: {  	[sflag:s0] =	ssyncadd.tile.s32 @!p0 $0x1;
	_ =	shalt  }
.Lfunc_end2:
_tile_overlayer_lowered:
.L_overlay_start_2:
0x6f: {  	(tag) =	ssettag $0x2  }
0x70: {  	s0 =	rddreg [dreg:$0x0];
	s2 =	stileid.u32  }
0x71: {  	s1 =	rddreg [dreg:$0x1];
	p0 =	sne.s32 s2, $0x0  }
0x72: {  	s3 =	rddreg [dreg:$0x2];
	[bflag:$0x3] =	sbarrier.arrive $0xFFFF;
	s2 =	simm.s32 @!p0 $0x1C03  }
0x73: {  	[timem:s3], [sflag:s2] =	dma.local @!p0 [hbm:s0], s1  }
0x74: {  	s0 =	simm.s32 @!p0 $0x3  }
0x75: {  	_ =	swait.ge @!p0 [sflag:s0], s1  }
0x76: {  	s1 =	ssub.s32 @!p0 $0x0, s1;
	[sflag:s0] =	ssyncset.done @!p0 $0x0  }
0x77: {  	[sflag:s0] =	ssyncadd.s32 @!p0 s1  }
0x78: {  	[bflag:$0x3] =	sbarrier.arrive $0xFFFF  }
0x79: {  	_ =	shalt  }

// kernel: kernel.34.cloned.1.call-start
scs
__scs_entry_jumppad:
0x0: {  	(pc) =	sbr.rel $0x88, $3  }
0x1: {  	(tag) =	ssettag $0x0;
	lr =	simm.s32 $0x1  }
0x2: {  	[smem:$0x3F9A] =	sst lr;
	_ =	strace $0xD0000000  }
0x3: {  	_ = 	snop  }
0x4: {  	_ = 	snop  }
0x5: {  	_ = 	snop  }
0x6: {  	_ = 	snop  }
0x7: {  	_ = 	snop  }
__scs_overlays_trampoline_lowered:
0x8: {  	[smem:$0x3FA9] =	sst s0  }
0x9: {  	[smem:$0x3FAA] =	sst s1  }
0xa: {  	[smem:$0x3FAB] =	sst s2  }
0xb: {  	[smem:$0x3FAC] =	sst s3  }
0xc: {  	[smem:$0x3FAD] =	sst s4  }
0xd: {  	[smem:$0x3FAE] =	sst s5  }
0xe: {  	[smem:$0x3FAF] =	sst s6  }
0xf: {  	[smem:$0x3FB0] =	sst s7  }
0x10: {  	[smem:$0x3FB1] =	sst s8  }
0x11: {  	[smem:$0x3FB2] =	sst s9;
	s0 =	simm.s32 @!p0 $0x0  }
0x12: {  	s1 =	sld [smem:$0x3F98];
	s0 =	simm.s32 @p0 $0x1  }
0x13: {  	[smem:$0x3FB3] =	sst s0;
	s0 =	simm.s32 @!p1 $0x0  }
0x14: {  	s2 =	sld [smem:$0x3F97];
	s0 =	simm.s32 @p1 $0x1  }
0x15: {  	[smem:$0x3FB4] =	sst s0;
	s0 =	simm.s32 @!p2 $0x0  }
0x16: {  	s3 =	sld [smem:$0x3FDB];
	s0 =	simm.s32 @p2 $0x1  }
0x17: {  	s4 =	simm.s32 $0x1BF5;
	[smem:$0x3FB6] =	sst s0  }
0x18: {  	s0 =	sld [smem:$0x3F99];
	_ =	swait.ge [sflag:s4], $0x0  }
0x19: {  	s7 =	sld [smem:$0x3F9A]  }
0x1a: {  	s8 =	sadd.s32 $0xFFFFE003, lr  }
0x1b: {  	s9 =	sadd.s32 $0xFFFFFEF7, lr;
	s5 =	simm.s32 $0xFFFFFFFF;
	p2 =	slt.u32 s8, $0xFFFFF086  }
0x1c: {  	p1 =	slt.u32 s9, $0xF7A;
	s5 =	simm.s32 @!p2 $0x0  }
0x1d: {  	s5 =	simm.s32 @p1 $0x1;
	p0 =	seq.s32 s7, s2  }
0x1e: {  	s7 =	smul.u32 @!p0 $0xF7A, s2;
	p2 =	seq.s32 @!p0 s5, $0x0  }
0x1f: {  	s9 =	smul.u32 $0xF7A, s1;
	s8 =	simm.s32 @!p0 $0x1BF5;
	p2 =	por !p2, p0  }
0x20: {  	[sflag:s8] =	ssyncset.s32 @!p0 $0xFFFFF086;
	s6 =	sadd.s32 @!p0 s3, s7;
	s7 =	simm.s32 @!p0 $0x108  }
0x21: {  	s3 =	sadd.s32 s3, s9;
	s6 =	sadd.s32 @!p0 $0x88, s6;
	s7 =	simm.s32 @p2 $0x1082  }
0x22: {  	[simem:s7], [sflag:s8] =	dma.local @!p0 [hbm:s6], $0xF7A  }
0x23: {  	s9 =	sor.u32 $0xD0000000, s2;
	s6 =	simm.s32 $0x108;
	_ =	swait.ge @!p0 [sflag:s8], $0x0  }
0x24: {  	s3 =	sadd.s32 $0x88, s3;
	s6 =	simm.s32 @!p1 $0x1082;
	[sflag:s4] =	ssyncset.s32 $0xFFFFF086  }
0x25: {  	[simem:s6], [sflag:s4] =	dma.local [hbm:s3], $0xF7A  }
0x26: {  	[smem:$0x3F9A] =	sst s1;
	(tag) =	ssettag s2;
	_ =	strace s9  }
0x27: {  	s1 =	sld [smem:$0x3FAA]  }
0x28: {  	s2 =	sld [smem:$0x3FAB]  }
0x29: {  	s4 =	sld [smem:$0x3FAD]  }
0x2a: {  	p0 =	seq.s32 s5, $0x0;
	s5 =	sld [smem:$0x3FAE]  }
0x2b: {  	s6 =	sld [smem:$0x3FAF]  }
0x2c: {  	s7 =	sld [smem:$0x3FB0]  }
0x2d: {  	s3 =	simm.s32 $0x108;
	s8 =	sld [smem:$0x3FB1]  }
0x2e: {  	s3 =	simm.s32 @!p0 $0x1082;
	s9 =	sld [smem:$0x3FB2]  }
0x2f: {  	lr =	sadd.s32 s0, s3;
	s0 =	sld [smem:$0x3FA9]  }
0x30: {  	s3 =	sld [smem:$0x3FAC]  }
0x31: {  	[smem:$0x3FB5] =	sst s10  }
0x32: {  	s10 =	sld [smem:$0x3FB3];
	_ =	sdelay $0x3  }
0x33: {  	p0 =	seq.s32 s10, $0x1;
	s10 =	sld [smem:$0x3FB5];
	_ =	sdelay $0x3  }
0x34: {  	[smem:$0x3FB5] =	sst s10  }
0x35: {  	s10 =	sld [smem:$0x3FB4];
	_ =	sdelay $0x3  }
0x36: {  	p1 =	seq.s32 s10, $0x1;
	s10 =	sld [smem:$0x3FB5];
	_ =	sdelay $0x3  }
0x37: {  	[smem:$0x3FB5] =	sst s10  }
0x38: {  	s10 =	sld [smem:$0x3FB6]  }
0x39: {  	_ = 	snop;
	(pc) =	sbr.ind lr, $3  }
0x3a: {  	_ = 	snop  }
0x3b: {  	_ = 	snop  }
0x3c: {  	p2 =	seq.s32 s10, $0x1;
	s10 =	sld [smem:$0x3FB5]  }
0x3d: {  	_ =	shalt  }
0x3e: {  	_ =	shalt  }
0x3f: {  	_ =	shalt  }
0x40: {  	_ =	shalt  }
0x41: {  	_ =	shalt  }
0x42: {  	_ =	shalt  }
0x43: {  	_ =	shalt  }
0x44: {  	_ =	shalt  }
0x45: {  	_ =	shalt  }
0x46: {  	_ =	shalt  }
0x47: {  	_ =	shalt  }
0x48: {  	_ =	shalt  }
0x49: {  	_ =	shalt  }
0x4a: {  	_ =	shalt  }
0x4b: {  	_ =	shalt  }
0x4c: {  	_ =	shalt  }
0x4d: {  	_ =	shalt  }
0x4e: {  	_ =	shalt  }
0x4f: {  	_ =	shalt  }
0x50: {  	_ =	shalt  }
0x51: {  	_ =	shalt  }
0x52: {  	_ =	shalt  }
0x53: {  	_ =	shalt  }
0x54: {  	_ =	shalt  }
0x55: {  	_ =	shalt  }
0x56: {  	_ =	shalt  }
0x57: {  	_ =	shalt  }
0x58: {  	_ =	shalt  }
0x59: {  	_ =	shalt  }
0x5a: {  	_ =	shalt  }
0x5b: {  	_ =	shalt  }
0x5c: {  	_ =	shalt  }
0x5d: {  	_ =	shalt  }
0x5e: {  	_ =	shalt  }
0x5f: {  	_ =	shalt  }
0x60: {  	_ =	shalt  }
0x61: {  	_ =	shalt  }
0x62: {  	_ =	shalt  }
0x63: {  	_ =	shalt  }
0x64: {  	_ =	shalt  }
0x65: {  	_ =	shalt  }
0x66: {  	_ =	shalt  }
0x67: {  	_ =	shalt  }
0x68: {  	_ =	shalt  }
0x69: {  	_ =	shalt  }
0x6a: {  	_ =	shalt  }
0x6b: {  	_ =	shalt  }
0x6c: {  	_ =	shalt  }
0x6d: {  	_ =	shalt  }
0x6e: {  	_ =	shalt  }
0x6f: {  	_ =	shalt  }
0x70: {  	_ =	shalt  }
0x71: {  	_ =	shalt  }
0x72: {  	_ =	shalt  }
0x73: {  	_ =	shalt  }
0x74: {  	_ =	shalt  }
0x75: {  	_ =	shalt  }
0x76: {  	_ =	shalt  }
0x77: {  	_ =	shalt  }
0x78: {  	_ =	shalt  }
0x79: {  	_ =	shalt  }
0x7a: {  	_ =	shalt  }
0x7b: {  	_ =	shalt  }
0x7c: {  	_ =	shalt  }
0x7d: {  	_ =	shalt  }
0x7e: {  	_ =	shalt  }
0x7f: {  	_ =	shalt  }
0x80: {  	_ =	shalt  }
0x81: {  	_ =	shalt  }
0x82: {  	_ =	shalt  }
0x83: {  	_ =	shalt  }
0x84: {  	_ =	shalt  }
0x85: {  	_ =	shalt  }
0x86: {  	_ =	shalt  }
0x87: {  	_ =	shalt  }
.Lfunc_end0:
.L_simem_size_0:
called_computation.6_lowered:
.L_overlay_start_0:
0x88: {  	s2 =	sld [smem:$0x3FD9]  }
0x89: {  	s3 =	sld [smem:$0x3FFE];
	_ =	sdelay $0x1  }
0x8a: {  	s1 =	srdreg.scid  }
0x8b: {  	s0 =	sand.u32 $0x1, s1  }
0x8c: {  	s17 =	sshll.u32 s0, $0xA;
	s2 =	sadd.s32 s3, s2  }
0x8d: {  	s2 =	sadd.s32 s2, s17  }
0x8e: {  	[smem:$0x3FC1] =	sst s2  }
0x8f: {  	_ = 	snop  }
0x90: {  	s18 =	sld [smem:$0x3FD0];
	(tm) =	ssettm $0x1  }
0x91: {  	s19 =	sld [smem:$0x3FFB];
	_ =	sdelay $0x3  }
0x92: {  	_ =	strace s19  }
0x93: {  	s2 =	sld [smem:$0x3FFC];
	_ =	sdelay $0x3  }
0x94: {  	_ =	strace s2  }
0x95: {  	s2 =	sld [smem:$0x3FFD];
	_ =	sdelay $0x3  }
0x96: {  	_ =	strace s2  }
0x97: {  	_ =	strace $0x8FFFFFFF  }
0x98: {  	s20 =	sld [smem:$0x3FDB];
	_ =	sdelay $0x1  }
0x99: {  	s4 =	simm.s32 $_scs_section_size  }
0x9a: {  	s5 =	simm.s32 $_size__tile_overlayer_lowered;
	s6 =	simm.s32 $_tile_overlayer_lowered  }
0x9b: {  	s7 =	simm.s32 $0x1BFF;
	s21 =	sshll.u32 s6, $0x1;
	s4 =	sadd.s32 s4, s20  }
0x9c: {  	s22 =	simm.s32 $0x0;
	s5 =	sshll.u32 s5, $0x1;
	s6 =	sadd.s32 s21, s4  }
0x9d: {  	[timem:s22], [sflag:s7] =	dma.local [hbm:s6], s5  }
0x9e: {  	_ =	swait.ge [sflag:s7], s5  }
0x9f: {  	s5 =	ssub.s32 $0x0, s5;
	[sflag:s7] =	ssyncset.done $0x0  }
0xa0: {  	[sflag:s7] =	ssyncadd.s32 s5;
	_ =	sdelay $0x1  }
0xa1: {  	s23 =	simm.s32 $0x1B8B  }
0xa2: {  	_ =	swait.ge [sflag:s23], $0x1  }
0xa3: {  	[sflag:s23] =	ssyncset.done $0x0  }
0xa4: {  	[sflag:s23] =	ssyncadd.s32 $0xFFFFFFFF  }
0xa5: {  	s5 =	sld [smem:$0x0]  }
0xa6: {  	s6 =	sand.u32 $0xFFFFFFFE, s1  }
0xa7: {  	p0 =	sne.s32 s1, s6  }
0xa8: {  	s6 =	sshll.u32 @p0 s6, $0xE  }
0xa9: {  	s6 =	sadd.s32 @p0 $0x11B8D, s6;
	s7 =	sshll.u32 @p0 s5, $0x11  }
0xaa: {  	s6 =	sor.u32 @p0 s7, s6  }
0xab: {  	[sflag:s6] =	ssyncadd.remote.s32 @p0 $0x1;
	_ =	sdelay $0x1  }
0xac: {  	s6 =	simm.s32 @p0 $0x1B8D  }
0xad: {  	_ =	swait.eq @p0 [sflag:s6], $0x1  }
0xae: {  	[sflag:s6] =	ssyncadd.s32 @p0 $0xFFFFFFFF  }
0xaf: {  	s7 =	sshll.u32 @!p0 s1, $0xE  }
0xb0: {  	s7 =	sor.u32 @!p0 $0x4000, s7;
	s6 =	simm.s32 @!p0 $0x1B8D  }
0xb1: {  	s5 =	sshll.u32 @!p0 s5, $0x11;
	s7 =	sadd.s32 @!p0 $0x11B8D, s7;
	_ =	swait.eq @!p0 [sflag:s6], $0x1  }
0xb2: {  	s5 =	sor.u32 @!p0 s5, s7;
	[sflag:s6] =	ssyncadd.s32 @!p0 $0xFFFFFFFF  }
0xb3: {  	s25 =	simm.s32 $0x1B8E;
	s24 =	sld [smem:$0x3FFE];
	[sflag:s5] =	ssyncadd.remote.s32 @!p0 $0x1  }
0xb4: {  	s26 =	simm.s32 $execute0_lowered;
	[smem:$0x3FD2] =	sst s25  }
0xb5: {  	s6 =	sshll.u32 s26, $0x1;
	_ =	strace $0x8000005B;
	[dreg:$0x1] =	wrdreg $0xFFFFFFFF  }
0xb6: {  	s28 =	simm.s32 $_size_execute0_lowered;
	s4 =	sadd.s32 s4, s6;
	[dreg:$0x0] =	wrdreg $0x0  }
0xb7: {  	s6 =	sshll.u32 s28, $0x1;
	[dreg:$0x2] =	wrdreg s4  }
0xb8: {  	[dreg:$0x3] =	wrdreg s6  }
0xb9: {  	[dreg:$0x4] =	wrdreg $0xC0  }
0xba: {  	_ =	task [dreg:s22], $0x5FFFF  }
0xbb: {  	[dreg:$0x1] =	wrdreg $0xFFFFFFFF  }
0xbc: {  	[dreg:$0x0] =	wrdreg $0x60  }
0xbd: {  	[dreg:$0x2] =	wrdreg s24  }
0xbe: {  	[dreg:$0x3] =	wrdreg s18  }
0xbf: {  	[dreg:$0x4] =	wrdreg $0x51000  }
0xc0: {  	[dreg:$0x5] =	wrdreg $0x9  }
0xc1: {  	_ =	task.clear_ibuf [dreg:s22], $0x6FFFF;
	_ =	strace $0x9000005B  }
0xc2: {  	s29 =	simm.s32 $0x9;
	_ =	strace $0x8000005D  }
0xc3: {  	_ =	swait.ge [sflag:s29], $0x1  }
0xc4: {  	[sflag:s29] =	ssyncadd.s32 $0xFFFFFFFF  }
0xc5: {  	_ =	strace $0x9000005D  }
0xc6: {  	_ =	sfence  }
0xc7: {  	s30 =	sld [smem:$0x0];
	_ =	sdelay $0x2  }
0xc8: {  	s31 =	sshll.u32 s1, $0xD;
	s1 =	sshrl.u32 s1, $0x2  }
0xc9: {  	s4 =	sand.u32 $0x4000, s31;
	s1 =	sadd.s32 s1, s30  }
0xca: {  	s0 =	sor.u32 s4, s0;
	s1 =	sshll.u32 s1, $0x11  }
0xcb: {  	s0 =	sor.u32 s1, s0  }
0xcc: {  	s0 =	sadd.s32 $0x8F2B, s0  }
0xcd: {  	[sflag:s0] =	ssyncadd.remote.s32 $0x1  }
0xce: {  	_ =	sfence.sel $0xFFFF  }
0xcf: {  	[dreg:$0x0] =	wrdreg $0xFFFFFFFF;
	(pc) =	sbr.abs _section_cstart, $3  }
0xd0: {  	[dreg:$0x1] =	wrdreg $0xFFFFFFFF  }
0xd1: {  	_ =	task.clear_ibuf [dreg:s22], $0x2FFFF;
	_ =	strace $0x9FFFFFFF  }
0xd2: {  	(tm) =	ssettm $0x7FFFFFFF  }
0xd3: {  	_ =	shalt  }
tec
execute0_lowered:
.L_overlay_start_1:
0x0: {  	(tag) =	ssettag $0x1  }
0x1: {  	s4 =	rddreg [dreg:$0x0]  }
0x2: {  	s12 =	rddreg [dreg:$0x1]  }
0x3: {  	s2 =	rddreg [dreg:$0x2]  }
0x4: {  	s0 =	rddreg [dreg:$0x3]  }
0x5: {  	s1 =	stileid.u32;
	s5 =	srdreg.scid;
	s3 =	simm.s32 $0x0  }
0x6: {  	s18 =	simm.s32 $0x2900;
	s19 =	simm.s32 $0x1;
	s6 =	smul.u32 $0x14000, s1  }
0x7: {  	s20 =	simm.s32 $0x2;
	s21 =	simm.s32 $0x0;
	s8 =	smul.u32 $0x50000, s1  }
0x8: {  	s10 =	sand.u32 $0x1, s5;
	[smem:$0x7FF] =	sst s3;
	s15 =	smul.u32 $0x4E20, s1  }
0x9: {  	s11 =	sadd.s32 $0xF02000, s4;
	s23 =	sshll.u32 s1, $0x1;
	s17 =	smul.u32 $0x4E200, s1  }
0xa: {  	s28 =	sshll.u32 s1, $0x6;
	s5 =	smul.u32 $0x140000, s10;
	_ =	strace $0x8000005C  }
0xb: {  	s24 =	ssub.s32 $0x2, s10;
	s25 =	sor.u32 s10, s23;
	s16 =	smul.u32 $0x2710, s10  }
0xc: {  	s10 =	smul.u32 $0x27100, s10;
	s7 =	sshrl.u32 s6, $0x3;
	s26 =	sshrl.u32 s24, $0x1  }
0xd: {  	s8 =	sshrl.u32 s8, $0x2;
	s7 =	sadd.s32 s7, s4;
	s5 =	sadd.s32 s6, s5  }
0xe: {  	s13 =	ssub.s32 s24, s26;
	s14 =	sadd.s32 s8, s2;
	s5 =	sshrl.u32 s5, $0x3  }
0xf: {  	s15 =	sadd.s32 s16, s15;
	s9 =	sadd.s32 s5, s4;
	s5 =	smul.u32 $0x2710, s25  }
0x10: {  	s16 =	simm.s32 $0x50;
	s31 =	sadd.s32 $0x50, s15;
	s15 =	sshrl.u32 s15, $0x3  }
0x11: {  	s4 =	sadd.s32 $0xCE00, s7;
	s8 =	sadd.s32 $0xAC000, s9;
	s5 =	sadd.s32 $0x26C0, s5  }
0x12: {  	s9 =	smax.u32 s13, $0x1;
	s13 =	sshrl.u32 s31, $0x3;
	s29 =	sshrl.u32 s5, $0x3  }
0x13: {  	s30 =	sshll.u32 s5, $0x4;
	s5 =	sor.u32 $0x1C03, s28;
	s6 =	sadd.s32 s12, s29  }
0x14: {  	s7 =	sadd.s32 s11, s30;
	s11 =	sadd.s32 s17, s11;
	s17 =	simm.s32 $0x2880  }
0x15: {  	s10 =	sadd.s32 s10, s11;
	s11 =	sadd.s32 s15, s12;
	s12 =	sadd.s32 s13, s12  }
0x16: {  	s13 =	sshrl.u32 s14, $0x3;
	s14 =	simm.s32 $0x3;
	s15 =	simm.s32 $0x80  }
.LBB2_1:
0x17: {  	[spmem:s13], [sflag:s5] =	dma.local [hbm:s4], $0x2800  }
0x18: {  	_ =	swait.ge [sflag:s14], $0x2800  }
0x19: {  	[sflag:s14] =	ssyncset.done $0x0  }
0x1a: {  	[sflag:s14] =	ssyncadd.s32 $0xFFFFD800  }
0x1b: {  	s22 =	sadd.s32 $0x0, s11;
	[bflag:$0x0] =	sbarrier.arrive $0xFFFF  }
0x1c: {  	[tilespmem:s3], [sflag:$0x3] =	stream.linear.gather [hbm4b:s22+s3], $0x50, $0x38;
	[tilespmem:$0x19100] =	vst v63  }
0x1d: {  	_ =	swait.ge [sflag:s14], $0x50  }
0x1e: {  	[sflag:s14] =	ssyncset.done $0x0  }
0x1f: {  	[sflag:s14] =	ssyncadd.s32 $0xFFFFFFB0  }
0x20: {  	[tilespmem:s15], [sflag:$0x3] =	stream.linear.gather [hbm4b:s10+s3], $0x2800, $0x38;
	[tilespmem:$0x19100] =	vst v63  }
0x21: {  	_ =	swait.ge [sflag:s14], $0x2800  }
0x22: {  	[sflag:s14] =	ssyncset.done $0x0  }
0x23: {  	[sflag:s14] =	ssyncadd.s32 $0xFFFFD800  }
0x24: {  	[spmem:s2] =	stream.indirect.scatter.add.f32 [tilespmem:s15], [sflag:$0x1], $0x80, s3, s16, $0xb8;
	[tilespmem:$0x19100] =	vst v63  }
0x25: {  	s30 =	sadd.s32 $0x0, s12  }
0x26: {  	[tilespmem:s17], [sflag:$0x3] =	stream.linear.gather [hbm4b:s30+s3], $0x50, $0x38;
	[tilespmem:$0x19100] =	vst v63  }
0x27: {  	_ =	swait.ge [sflag:s14], $0x50  }
0x28: {  	[sflag:s14] =	ssyncset.done $0x0  }
0x29: {  	s31 =	sadd.s32 $0x500, s10;
	[sflag:s14] =	ssyncadd.s32 $0xFFFFFFB0  }
0x2a: {  	[tilespmem:s18], [sflag:$0x3] =	stream.linear.gather [hbm4b:s31+s3], $0x2800, $0x38;
	[tilespmem:$0x19100] =	vst v63  }
0x2b: {  	_ =	swait.ge [sflag:s14], $0x2800  }
0x2c: {  	[sflag:s14] =	ssyncset.done $0x0  }
0x2d: {  	[sflag:s14] =	ssyncadd.s32 $0xFFFFD800  }
0x2e: {  	[spmem:s2] =	stream.indirect.scatter.add.f32 [tilespmem:s18], [sflag:$0x2], $0x80, s17, s16, $0xb8;
	[tilespmem:$0x19100] =	vst v63  }
0x2f: {  	_ =	swait.ge [sflag:s19], $0x2800  }
0x30: {  	[sflag:s19] =	ssyncset.done $0x0  }
0x31: {  	[sflag:s19] =	ssyncadd.s32 $0xFFFFD800  }
0x32: {  	s23 =	simm.s32 $0x14;
	_ =	swait.ge [sflag:s20], $0x2800  }
0x33: {  	s24 =	simm.s32 $0x28;
	s22 =	sadd.s32 $0xA00, s10;
	[sflag:s20] =	ssyncset.done $0x0  }
.LBB2_2:
0x34: {  	s25 =	sadd.s32 s23, s11  }
0x35: {  	[sflag:s20] =	ssyncadd.s32 $0xFFFFD800;
	s26 =	smov.u32 s24;
	s28 =	sadd.s32 $0x14, s24  }
0x36: {  	[tilespmem:s3], [sflag:$0x3] =	stream.linear.gather [hbm4b:s25+s3], $0x50, $0x38;
	[tilespmem:$0x19100] =	vst v63  }
0x37: {  	p0 =	sne.s32 s24, $0x4C4;
	_ =	swait.ge [sflag:s14], $0x50  }
0x38: {  	[sflag:s14] =	ssyncset.done $0x0  }
0x39: {  	[sflag:s14] =	ssyncadd.s32 $0xFFFFFFB0  }
0x3a: {  	[tilespmem:s15], [sflag:$0x3] =	stream.linear.gather [hbm4b:s22+s3], $0x2800, $0x38;
	[tilespmem:$0x19100] =	vst v63  }
0x3b: {  	_ =	swait.ge [sflag:s14], $0x2800  }
0x3c: {  	[sflag:s14] =	ssyncset.done $0x0  }
0x3d: {  	[sflag:s14] =	ssyncadd.s32 $0xFFFFD800  }
0x3e: {  	[spmem:s2] =	stream.indirect.scatter.add.f32 [tilespmem:s15], [sflag:$0x1], $0x80, s3, s16, $0xb8;
	[tilespmem:$0x19100] =	vst v63  }
0x3f: {  	s24 =	sadd.s32 s23, s12;
	s23 =	smov.u32 s26  }
0x40: {  	[tilespmem:s17], [sflag:$0x3] =	stream.linear.gather [hbm4b:s24+s3], $0x50, $0x38;
	[tilespmem:$0x19100] =	vst v63  }
0x41: {  	_ =	swait.ge [sflag:s14], $0x50  }
0x42: {  	[sflag:s14] =	ssyncset.done $0x0  }
0x43: {  	s24 =	sadd.s32 $0x500, s22;
	[sflag:s14] =	ssyncadd.s32 $0xFFFFFFB0  }
0x44: {  	[tilespmem:s18], [sflag:$0x3] =	stream.linear.gather [hbm4b:s24+s3], $0x2800, $0x38;
	[tilespmem:$0x19100] =	vst v63  }
0x45: {  	_ =	swait.ge [sflag:s14], $0x2800  }
0x46: {  	[sflag:s14] =	ssyncset.done $0x0  }
0x47: {  	[sflag:s14] =	ssyncadd.s32 $0xFFFFD800  }
0x48: {  	[spmem:s2] =	stream.indirect.scatter.add.f32 [tilespmem:s18], [sflag:$0x2], $0x80, s17, s16, $0xb8;
	[tilespmem:$0x19100] =	vst v63  }
.Ltmp0:
0x49: {  	_ =	swait.ge [sflag:s19], $0x2800;
	(pc) =	sbr.rel @p0 .LBB2_2-.Ltmp0, $4  }
0x4a: {  	[sflag:s19] =	ssyncset.done $0x0  }
0x4b: {  	[sflag:s19] =	ssyncadd.s32 $0xFFFFD800  }
0x4c: {  	_ =	swait.ge [sflag:s20], $0x2800  }
0x4d: {  	s22 =	sadd.s32 $0xA00, s22;
	s24 =	smov.u32 s28;
	[sflag:s20] =	ssyncset.done $0x0  }
0x4e: {  	s24 =	sadd.s32 s23, s11;
	[sflag:s20] =	ssyncadd.s32 $0xFFFFD800  }
0x4f: {  	[tilespmem:s3], [sflag:$0x3] =	stream.linear.gather [hbm4b:s24+s3], $0x50, $0x38;
	[tilespmem:$0x19100] =	vst v63  }
0x50: {  	_ =	swait.ge [sflag:s14], $0x50  }
0x51: {  	[sflag:s14] =	ssyncset.done $0x0  }
0x52: {  	[sflag:s14] =	ssyncadd.s32 $0xFFFFFFB0  }
0x53: {  	[tilespmem:s15], [sflag:$0x3] =	stream.linear.gather [hbm4b:s22+s3], $0x2800, $0x38;
	[tilespmem:$0x19100] =	vst v63  }
0x54: {  	_ =	swait.ge [sflag:s14], $0x2800  }
0x55: {  	[sflag:s14] =	ssyncset.done $0x0  }
0x56: {  	[sflag:s14] =	ssyncadd.s32 $0xFFFFD800  }
0x57: {  	[spmem:s2] =	stream.indirect.scatter.add.f32 [tilespmem:s15], [sflag:$0x1], $0x80, s3, s16, $0xb8;
	[tilespmem:$0x19100] =	vst v63  }
0x58: {  	s30 =	sadd.s32 s23, s12  }
0x59: {  	[tilespmem:s17], [sflag:$0x3] =	stream.linear.gather [hbm4b:s30+s3], $0x50, $0x38;
	[tilespmem:$0x19100] =	vst v63  }
0x5a: {  	_ =	swait.ge [sflag:s14], $0x50  }
0x5b: {  	[sflag:s14] =	ssyncset.done $0x0  }
0x5c: {  	s31 =	sadd.s32 $0x500, s22;
	[sflag:s14] =	ssyncadd.s32 $0xFFFFFFB0  }
0x5d: {  	[tilespmem:s18], [sflag:$0x3] =	stream.linear.gather [hbm4b:s31+s3], $0x2800, $0x38;
	[tilespmem:$0x19100] =	vst v63  }
0x5e: {  	_ =	swait.ge [sflag:s14], $0x2800  }
0x5f: {  	[sflag:s14] =	ssyncset.done $0x0  }
0x60: {  	[sflag:s14] =	ssyncadd.s32 $0xFFFFD800  }
0x61: {  	[spmem:s2] =	stream.indirect.scatter.add.f32 [tilespmem:s18], [sflag:$0x2], $0x80, s17, s16, $0xb8;
	[tilespmem:$0x19100] =	vst v63  }
0x62: {  	_ =	swait.ge [sflag:s19], $0x2800  }
0x63: {  	[sflag:s19] =	ssyncset.done $0x0  }
0x64: {  	[sflag:s19] =	ssyncadd.s32 $0xFFFFD800  }
0x65: {  	_ =	swait.ge [sflag:s20], $0x2800  }
0x66: {  	[sflag:s20] =	ssyncset.done $0x0  }
0x67: {  	[sflag:s20] =	ssyncadd.s32 $0xFFFFD800  }
0x68: {  	[tilespmem:s3], [sflag:$0x3] =	stream.linear.gather [hbm4b:s6+s3], $0x50, $0x38;
	[tilespmem:$0x19100] =	vst v63  }
0x69: {  	_ =	swait.ge [sflag:s14], $0x50  }
0x6a: {  	[sflag:s14] =	ssyncset.done $0x0  }
0x6b: {  	[sflag:s14] =	ssyncadd.s32 $0xFFFFFFB0  }
0x6c: {  	[tilespmem:s15], [sflag:$0x3] =	stream.linear.gather [hbm4b:s7+s3], $0x2800, $0x38;
	[tilespmem:$0x19100] =	vst v63  }
0x6d: {  	_ =	swait.ge [sflag:s14], $0x2800  }
0x6e: {  	[sflag:s14] =	ssyncset.done $0x0  }
0x6f: {  	[sflag:s14] =	ssyncadd.s32 $0xFFFFD800  }
0x70: {  	[spmem:s2] =	stream.indirect.scatter.add.f32 [tilespmem:s15], [sflag:$0x3], $0x80, s3, s16, $0xb8;
	[tilespmem:$0x19100] =	vst v63  }
0x71: {  	_ =	swait.ge [sflag:s14], $0x2800  }
0x72: {  	[sflag:s14] =	ssyncset.done $0x0  }
0x73: {  	s21 =	sadd.s32 $0x1, s21;
	[sflag:s14] =	ssyncadd.s32 $0xFFFFD800  }
0x74: {  	p0 =	sne.s32 s21, s9;
	[bflag:$0x0] =	sbarrier.arrive $0xFFFF  }
0x75: {  	[hbm:s8], [sflag:s5] =	dma.local [spmem:s13], $0x2800  }
.Ltmp1:
0x76: {  	_ =	swait.ge [sflag:s14], $0x2800;
	(pc) =	sbr.rel @p0 .LBB2_1-.Ltmp1, $3  }
0x77: {  	[sflag:s14] =	ssyncset.done $0x0  }
0x78: {  	[sflag:s14] =	ssyncadd.s32 $0xFFFFD800  }
0x79: {  	[bflag:$0x0] =	sbarrier.arrive $0xFFFF;
	_ =	sdelay $0x1  }
0x7a: {  	_ =	sfence.sel $0x180000  }
0x7b: {  	[bflag:$0x0] =	sbarrier.arrive $0xFFFF  }
0x7c: {  	p0 =	sne.s32 s1, $0x0;
	_ =	strace $0x9000005C  }
0x7d: {  	s0 =	sadd.s32 @!p0 $0x100000, s0;
	[bflag:$0x2] =	sbarrier.arrive $0xFFFF  }
0x7e: {  	[sflag:s0] =	ssyncadd.tile.s32 @!p0 $0x1;
	_ =	shalt  }
.Lfunc_end2:
_tile_overlayer_lowered:
.L_overlay_start_2:
0x7f: {  	(tag) =	ssettag $0x2  }
0x80: {  	s0 =	rddreg [dreg:$0x0];
	s2 =	stileid.u32  }
0x81: {  	s1 =	rddreg [dreg:$0x1];
	p0 =	sne.s32 s2, $0x0  }
0x82: {  	s3 =	rddreg [dreg:$0x2];
	[bflag:$0x3] =	sbarrier.arrive $0xFFFF;
	s2 =	simm.s32 @!p0 $0x1C03  }
0x83: {  	[timem:s3], [sflag:s2] =	dma.local @!p0 [hbm:s0], s1  }
0x84: {  	s0 =	simm.s32 @!p0 $0x3  }
0x85: {  	_ =	swait.ge @!p0 [sflag:s0], s1  }
0x86: {  	s1 =	ssub.s32 @!p0 $0x0, s1;
	[sflag:s0] =	ssyncset.done @!p0 $0x0  }
0x87: {  	[sflag:s0] =	ssyncadd.s32 @!p0 s1  }
0x88: {  	[bflag:$0x3] =	sbarrier.arrive $0xFFFF  }
0x89: {  	_ =	shalt  }

// kernel: kernel.37.cloned.1.call-start
scs
__scs_entry_jumppad:
0x0: {  	(pc) =	sbr.rel $0x88, $3  }
0x1: {  	(tag) =	ssettag $0x0;
	lr =	simm.s32 $0x1  }
0x2: {  	[smem:$0x3F9A] =	sst lr;
	_ =	strace $0xD0000000  }
0x3: {  	_ = 	snop  }
0x4: {  	_ = 	snop  }
0x5: {  	_ = 	snop  }
0x6: {  	_ = 	snop  }
0x7: {  	_ = 	snop  }
__scs_overlays_trampoline_lowered:
0x8: {  	[smem:$0x3FA9] =	sst s0  }
0x9: {  	[smem:$0x3FAA] =	sst s1  }
0xa: {  	[smem:$0x3FAB] =	sst s2  }
0xb: {  	[smem:$0x3FAC] =	sst s3  }
0xc: {  	[smem:$0x3FAD] =	sst s4  }
0xd: {  	[smem:$0x3FAE] =	sst s5  }
0xe: {  	[smem:$0x3FAF] =	sst s6  }
0xf: {  	[smem:$0x3FB0] =	sst s7  }
0x10: {  	[smem:$0x3FB1] =	sst s8  }
0x11: {  	[smem:$0x3FB2] =	sst s9;
	s0 =	simm.s32 @!p0 $0x0  }
0x12: {  	s1 =	sld [smem:$0x3F98];
	s0 =	simm.s32 @p0 $0x1  }
0x13: {  	[smem:$0x3FB3] =	sst s0;
	s0 =	simm.s32 @!p1 $0x0  }
0x14: {  	s2 =	sld [smem:$0x3F97];
	s0 =	simm.s32 @p1 $0x1  }
0x15: {  	[smem:$0x3FB4] =	sst s0;
	s0 =	simm.s32 @!p2 $0x0  }
0x16: {  	s3 =	sld [smem:$0x3FDB];
	s0 =	simm.s32 @p2 $0x1  }
0x17: {  	s4 =	simm.s32 $0x1BF5;
	[smem:$0x3FB6] =	sst s0  }
0x18: {  	s0 =	sld [smem:$0x3F99];
	_ =	swait.ge [sflag:s4], $0x0  }
0x19: {  	s7 =	sld [smem:$0x3F9A]  }
0x1a: {  	s8 =	sadd.s32 $0xFFFFE003, lr  }
0x1b: {  	s9 =	sadd.s32 $0xFFFFFEF7, lr;
	s5 =	simm.s32 $0xFFFFFFFF;
	p2 =	slt.u32 s8, $0xFFFFF086  }
0x1c: {  	p1 =	slt.u32 s9, $0xF7A;
	s5 =	simm.s32 @!p2 $0x0  }
0x1d: {  	s5 =	simm.s32 @p1 $0x1;
	p0 =	seq.s32 s7, s2  }
0x1e: {  	s7 =	smul.u32 @!p0 $0xF7A, s2;
	p2 =	seq.s32 @!p0 s5, $0x0  }
0x1f: {  	s9 =	smul.u32 $0xF7A, s1;
	s8 =	simm.s32 @!p0 $0x1BF5;
	p2 =	por !p2, p0  }
0x20: {  	[sflag:s8] =	ssyncset.s32 @!p0 $0xFFFFF086;
	s6 =	sadd.s32 @!p0 s3, s7;
	s7 =	simm.s32 @!p0 $0x108  }
0x21: {  	s3 =	sadd.s32 s3, s9;
	s6 =	sadd.s32 @!p0 $0x88, s6;
	s7 =	simm.s32 @p2 $0x1082  }
0x22: {  	[simem:s7], [sflag:s8] =	dma.local @!p0 [hbm:s6], $0xF7A  }
0x23: {  	s9 =	sor.u32 $0xD0000000, s2;
	s6 =	simm.s32 $0x108;
	_ =	swait.ge @!p0 [sflag:s8], $0x0  }
0x24: {  	s3 =	sadd.s32 $0x88, s3;
	s6 =	simm.s32 @!p1 $0x1082;
	[sflag:s4] =	ssyncset.s32 $0xFFFFF086  }
0x25: {  	[simem:s6], [sflag:s4] =	dma.local [hbm:s3], $0xF7A  }
0x26: {  	[smem:$0x3F9A] =	sst s1;
	(tag) =	ssettag s2;
	_ =	strace s9  }
0x27: {  	s1 =	sld [smem:$0x3FAA]  }
0x28: {  	s2 =	sld [smem:$0x3FAB]  }
0x29: {  	s4 =	sld [smem:$0x3FAD]  }
0x2a: {  	p0 =	seq.s32 s5, $0x0;
	s5 =	sld [smem:$0x3FAE]  }
0x2b: {  	s6 =	sld [smem:$0x3FAF]  }
0x2c: {  	s7 =	sld [smem:$0x3FB0]  }
0x2d: {  	s3 =	simm.s32 $0x108;
	s8 =	sld [smem:$0x3FB1]  }
0x2e: {  	s3 =	simm.s32 @!p0 $0x1082;
	s9 =	sld [smem:$0x3FB2]  }
0x2f: {  	lr =	sadd.s32 s0, s3;
	s0 =	sld [smem:$0x3FA9]  }
0x30: {  	s3 =	sld [smem:$0x3FAC]  }
0x31: {  	[smem:$0x3FB5] =	sst s10  }
0x32: {  	s10 =	sld [smem:$0x3FB3];
	_ =	sdelay $0x3  }
0x33: {  	p0 =	seq.s32 s10, $0x1;
	s10 =	sld [smem:$0x3FB5];
	_ =	sdelay $0x3  }
0x34: {  	[smem:$0x3FB5] =	sst s10  }
0x35: {  	s10 =	sld [smem:$0x3FB4];
	_ =	sdelay $0x3  }
0x36: {  	p1 =	seq.s32 s10, $0x1;
	s10 =	sld [smem:$0x3FB5];
	_ =	sdelay $0x3  }
0x37: {  	[smem:$0x3FB5] =	sst s10  }
0x38: {  	s10 =	sld [smem:$0x3FB6]  }
0x39: {  	_ = 	snop;
	(pc) =	sbr.ind lr, $3  }
0x3a: {  	_ = 	snop  }
0x3b: {  	_ = 	snop  }
0x3c: {  	p2 =	seq.s32 s10, $0x1;
	s10 =	sld [smem:$0x3FB5]  }
0x3d: {  	_ =	shalt  }
0x3e: {  	_ =	shalt  }
0x3f: {  	_ =	shalt  }
0x40: {  	_ =	shalt  }
0x41: {  	_ =	shalt  }
0x42: {  	_ =	shalt  }
0x43: {  	_ =	shalt  }
0x44: {  	_ =	shalt  }
0x45: {  	_ =	shalt  }
0x46: {  	_ =	shalt  }
0x47: {  	_ =	shalt  }
0x48: {  	_ =	shalt  }
0x49: {  	_ =	shalt  }
0x4a: {  	_ =	shalt  }
0x4b: {  	_ =	shalt  }
0x4c: {  	_ =	shalt  }
0x4d: {  	_ =	shalt  }
0x4e: {  	_ =	shalt  }
0x4f: {  	_ =	shalt  }
0x50: {  	_ =	shalt  }
0x51: {  	_ =	shalt  }
0x52: {  	_ =	shalt  }
0x53: {  	_ =	shalt  }
0x54: {  	_ =	shalt  }
0x55: {  	_ =	shalt  }
0x56: {  	_ =	shalt  }
0x57: {  	_ =	shalt  }
0x58: {  	_ =	shalt  }
0x59: {  	_ =	shalt  }
0x5a: {  	_ =	shalt  }
0x5b: {  	_ =	shalt  }
0x5c: {  	_ =	shalt  }
0x5d: {  	_ =	shalt  }
0x5e: {  	_ =	shalt  }
0x5f: {  	_ =	shalt  }
0x60: {  	_ =	shalt  }
0x61: {  	_ =	shalt  }
0x62: {  	_ =	shalt  }
0x63: {  	_ =	shalt  }
0x64: {  	_ =	shalt  }
0x65: {  	_ =	shalt  }
0x66: {  	_ =	shalt  }
0x67: {  	_ =	shalt  }
0x68: {  	_ =	shalt  }
0x69: {  	_ =	shalt  }
0x6a: {  	_ =	shalt  }
0x6b: {  	_ =	shalt  }
0x6c: {  	_ =	shalt  }
0x6d: {  	_ =	shalt  }
0x6e: {  	_ =	shalt  }
0x6f: {  	_ =	shalt  }
0x70: {  	_ =	shalt  }
0x71: {  	_ =	shalt  }
0x72: {  	_ =	shalt  }
0x73: {  	_ =	shalt  }
0x74: {  	_ =	shalt  }
0x75: {  	_ =	shalt  }
0x76: {  	_ =	shalt  }
0x77: {  	_ =	shalt  }
0x78: {  	_ =	shalt  }
0x79: {  	_ =	shalt  }
0x7a: {  	_ =	shalt  }
0x7b: {  	_ =	shalt  }
0x7c: {  	_ =	shalt  }
0x7d: {  	_ =	shalt  }
0x7e: {  	_ =	shalt  }
0x7f: {  	_ =	shalt  }
0x80: {  	_ =	shalt  }
0x81: {  	_ =	shalt  }
0x82: {  	_ =	shalt  }
0x83: {  	_ =	shalt  }
0x84: {  	_ =	shalt  }
0x85: {  	_ =	shalt  }
0x86: {  	_ =	shalt  }
0x87: {  	_ =	shalt  }
.Lfunc_end0:
.L_simem_size_0:
called_computation.7_lowered:
.L_overlay_start_0:
0x88: {  	s2 =	sld [smem:$0x3FD9]  }
0x89: {  	s3 =	sld [smem:$0x3FFE];
	_ =	sdelay $0x1  }
0x8a: {  	s1 =	srdreg.scid  }
0x8b: {  	s0 =	sand.u32 $0x1, s1  }
0x8c: {  	s17 =	sshll.u32 s0, $0xA;
	s2 =	sadd.s32 s3, s2  }
0x8d: {  	s2 =	sadd.s32 s2, s17  }
0x8e: {  	[smem:$0x3FC1] =	sst s2  }
0x8f: {  	_ = 	snop  }
0x90: {  	s2 =	sld [smem:$0x3FD0];
	(tm) =	ssettm $0x1  }
0x91: {  	s18 =	sld [smem:$0x3FFB];
	_ =	sdelay $0x3  }
0x92: {  	_ =	strace s18  }
0x93: {  	s3 =	sld [smem:$0x3FFC];
	_ =	sdelay $0x3  }
0x94: {  	_ =	strace s3  }
0x95: {  	s3 =	sld [smem:$0x3FFD];
	_ =	sdelay $0x3  }
0x96: {  	_ =	strace s3  }
0x97: {  	_ =	strace $0x8FFFFFFF  }
0x98: {  	s19 =	sld [smem:$0x3FDB];
	_ =	sdelay $0x1  }
0x99: {  	s4 =	simm.s32 $_scs_section_size  }
0x9a: {  	s5 =	simm.s32 $_size__tile_overlayer_lowered;
	s6 =	simm.s32 $_tile_overlayer_lowered  }
0x9b: {  	s22 =	simm.s32 $0x1BFF;
	s21 =	sshll.u32 s6, $0x1;
	s3 =	sadd.s32 s4, s19  }
0x9c: {  	s7 =	simm.s32 $0x0;
	s20 =	sshll.u32 s5, $0x1;
	s5 =	sadd.s32 s21, s3  }
0x9d: {  	[timem:s7], [sflag:s22] =	dma.local [hbm:s5], s20  }
0x9e: {  	_ =	swait.ge [sflag:s22], s20  }
0x9f: {  	s4 =	ssub.s32 $0x0, s20;
	[sflag:s22] =	ssyncset.done $0x0  }
0xa0: {  	[sflag:s22] =	ssyncadd.s32 s4;
	_ =	sdelay $0x1  }
0xa1: {  	s23 =	simm.s32 $0x1B8B  }
0xa2: {  	_ =	swait.ge [sflag:s23], $0x1  }
0xa3: {  	[sflag:s23] =	ssyncset.done $0x0  }
0xa4: {  	s25 =	simm.s32 $0x1B8E;
	s24 =	sld [smem:$0x3FFE];
	[sflag:s23] =	ssyncadd.s32 $0xFFFFFFFF  }
0xa5: {  	s26 =	simm.s32 $execute0_lowered;
	[smem:$0x3FD2] =	sst s25  }
0xa6: {  	s5 =	sshll.u32 s26, $0x1;
	_ =	strace $0x80000058;
	[dreg:$0x1] =	wrdreg $0xFFFFFFFF  }
0xa7: {  	s28 =	simm.s32 $_size_execute0_lowered;
	s3 =	sadd.s32 s3, s5;
	[dreg:$0x0] =	wrdreg $0x0  }
0xa8: {  	s5 =	sshll.u32 s28, $0x1;
	[dreg:$0x2] =	wrdreg s3  }
0xa9: {  	[dreg:$0x3] =	wrdreg s5  }
0xaa: {  	[dreg:$0x4] =	wrdreg $0xC0  }
0xab: {  	_ =	task [dreg:s7], $0x5FFFF  }
0xac: {  	[dreg:$0x1] =	wrdreg $0xFFFFFFFF  }
0xad: {  	[dreg:$0x0] =	wrdreg $0x60  }
0xae: {  	[dreg:$0x2] =	wrdreg s24  }
0xaf: {  	[dreg:$0x3] =	wrdreg s2  }
0xb0: {  	[dreg:$0x4] =	wrdreg $0x51000  }
0xb1: {  	[dreg:$0x5] =	wrdreg $0xA  }
0xb2: {  	_ =	task.clear_ibuf [dreg:s7], $0x6FFFF;
	_ =	strace $0x90000058  }
0xb3: {  	s29 =	simm.s32 $0xA;
	_ =	strace $0x8000005A  }
0xb4: {  	_ =	swait.ge [sflag:s29], $0x1  }
0xb5: {  	[sflag:s29] =	ssyncadd.s32 $0xFFFFFFFF  }
0xb6: {  	_ =	strace $0x9000005A  }
0xb7: {  	_ =	sfence  }
0xb8: {  	s30 =	sld [smem:$0x0];
	_ =	sdelay $0x2  }
0xb9: {  	s31 =	sshll.u32 s1, $0xD;
	s1 =	sshrl.u32 s1, $0x2  }
0xba: {  	s3 =	sand.u32 $0x4000, s31;
	s1 =	sadd.s32 s1, s30  }
0xbb: {  	s0 =	sor.u32 s3, s0;
	s1 =	sshll.u32 s1, $0x11  }
0xbc: {  	s0 =	sor.u32 s1, s0  }
0xbd: {  	s0 =	sadd.s32 $0x8F2B, s0  }
0xbe: {  	[sflag:s0] =	ssyncadd.remote.s32 $0x1  }
0xbf: {  	_ =	sfence.sel $0xFFFF  }
0xc0: {  	[dreg:$0x0] =	wrdreg $0xFFFFFFFF;
	(pc) =	sbr.abs _section_cstart, $3  }
0xc1: {  	[dreg:$0x1] =	wrdreg $0xFFFFFFFF  }
0xc2: {  	_ =	task.clear_ibuf [dreg:s7], $0x2FFFF;
	_ =	strace $0x9FFFFFFF  }
0xc3: {  	(tm) =	ssettm $0x7FFFFFFF  }
tec
execute0_lowered:
.L_overlay_start_1:
0x0: {  	(tag) =	ssettag $0x1  }
0x1: {  	s4 =	rddreg [dreg:$0x0]  }
0x2: {  	s12 =	rddreg [dreg:$0x1]  }
0x3: {  	s2 =	rddreg [dreg:$0x2]  }
0x4: {  	s0 =	rddreg [dreg:$0x3]  }
0x5: {  	s1 =	stileid.u32;
	s5 =	srdreg.scid;
	s3 =	simm.s32 $0x0  }
0x6: {  	s18 =	simm.s32 $0x2900;
	s19 =	simm.s32 $0x1;
	s6 =	smul.u32 $0x14000, s1  }
0x7: {  	s20 =	simm.s32 $0x2;
	s21 =	simm.s32 $0x0;
	s8 =	smul.u32 $0x50000, s1  }
0x8: {  	s10 =	sand.u32 $0x1, s5;
	[smem:$0x7FF] =	sst s3;
	s15 =	smul.u32 $0x4E20, s1  }
0x9: {  	s11 =	sadd.s32 $0xA20000, s4;
	s23 =	sshll.u32 s1, $0x1;
	s17 =	smul.u32 $0x4E200, s1  }
0xa: {  	s28 =	sshll.u32 s1, $0x6;
	s5 =	smul.u32 $0x140000, s10;
	_ =	strace $0x80000059  }
0xb: {  	s24 =	ssub.s32 $0x2, s10;
	s25 =	sor.u32 s10, s23;
	s16 =	smul.u32 $0x2710, s10  }
0xc: {  	s10 =	smul.u32 $0x27100, s10;
	s7 =	sshrl.u32 s6, $0x3;
	s26 =	sshrl.u32 s24, $0x1  }
0xd: {  	s8 =	sshrl.u32 s8, $0x2;
	s7 =	sadd.s32 s7, s4;
	s5 =	sadd.s32 s6, s5  }
0xe: {  	s13 =	ssub.s32 s24, s26;
	s14 =	sadd.s32 s8, s2;
	s5 =	sshrl.u32 s5, $0x3  }
0xf: {  	s15 =	sadd.s32 s16, s15;
	s9 =	sadd.s32 s5, s4;
	s5 =	smul.u32 $0x2710, s25  }
0x10: {  	s16 =	simm.s32 $0x50;
	s31 =	sadd.s32 $0x50, s15;
	s15 =	sshrl.u32 s15, $0x3  }
0x11: {  	s4 =	sadd.s32 $0xCE00, s7;
	s8 =	sadd.s32 $0x5C000, s9;
	s5 =	sadd.s32 $0x26C0, s5  }
0x12: {  	s9 =	smax.u32 s13, $0x1;
	s13 =	sshrl.u32 s31, $0x3;
	s29 =	sshrl.u32 s5, $0x3  }
0x13: {  	s30 =	sshll.u32 s5, $0x4;
	s5 =	sor.u32 $0x1C03, s28;
	s6 =	sadd.s32 s12, s29  }
0x14: {  	s7 =	sadd.s32 s11, s30;
	s11 =	sadd.s32 s17, s11;
	s17 =	simm.s32 $0x2880  }
0x15: {  	s10 =	sadd.s32 s10, s11;
	s11 =	sadd.s32 s15, s12;
	s12 =	sadd.s32 s13, s12  }
0x16: {  	s13 =	sshrl.u32 s14, $0x3;
	s14 =	simm.s32 $0x3;
	s15 =	simm.s32 $0x80  }
.LBB2_1:
0x17: {  	[spmem:s13], [sflag:s5] =	dma.local [hbm:s4], $0x2800  }
0x18: {  	_ =	swait.ge [sflag:s14], $0x2800  }
0x19: {  	[sflag:s14] =	ssyncset.done $0x0  }
0x1a: {  	[sflag:s14] =	ssyncadd.s32 $0xFFFFD800  }
0x1b: {  	s22 =	sadd.s32 $0x0, s11;
	[bflag:$0x0] =	sbarrier.arrive $0xFFFF  }
0x1c: {  	[tilespmem:s3], [sflag:$0x3] =	stream.linear.gather [hbm4b:s22+s3], $0x50, $0x38;
	[tilespmem:$0x19100] =	vst v63  }
0x1d: {  	_ =	swait.ge [sflag:s14], $0x50  }
0x1e: {  	[sflag:s14] =	ssyncset.done $0x0  }
0x1f: {  	[sflag:s14] =	ssyncadd.s32 $0xFFFFFFB0  }
0x20: {  	[tilespmem:s15], [sflag:$0x3] =	stream.linear.gather [hbm4b:s10+s3], $0x2800, $0x38;
	[tilespmem:$0x19100] =	vst v63  }
0x21: {  	_ =	swait.ge [sflag:s14], $0x2800  }
0x22: {  	[sflag:s14] =	ssyncset.done $0x0  }
0x23: {  	[sflag:s14] =	ssyncadd.s32 $0xFFFFD800  }
0x24: {  	[spmem:s2] =	stream.indirect.scatter.add.f32 [tilespmem:s15], [sflag:$0x1], $0x80, s3, s16, $0xb8;
	[tilespmem:$0x19100] =	vst v63  }
0x25: {  	s30 =	sadd.s32 $0x0, s12  }
0x26: {  	[tilespmem:s17], [sflag:$0x3] =	stream.linear.gather [hbm4b:s30+s3], $0x50, $0x38;
	[tilespmem:$0x19100] =	vst v63  }
0x27: {  	_ =	swait.ge [sflag:s14], $0x50  }
0x28: {  	[sflag:s14] =	ssyncset.done $0x0  }
0x29: {  	s31 =	sadd.s32 $0x500, s10;
	[sflag:s14] =	ssyncadd.s32 $0xFFFFFFB0  }
0x2a: {  	[tilespmem:s18], [sflag:$0x3] =	stream.linear.gather [hbm4b:s31+s3], $0x2800, $0x38;
	[tilespmem:$0x19100] =	vst v63  }
0x2b: {  	_ =	swait.ge [sflag:s14], $0x2800  }
0x2c: {  	[sflag:s14] =	ssyncset.done $0x0  }
0x2d: {  	[sflag:s14] =	ssyncadd.s32 $0xFFFFD800  }
0x2e: {  	[spmem:s2] =	stream.indirect.scatter.add.f32 [tilespmem:s18], [sflag:$0x2], $0x80, s17, s16, $0xb8;
	[tilespmem:$0x19100] =	vst v63  }
0x2f: {  	_ =	swait.ge [sflag:s19], $0x2800  }
0x30: {  	[sflag:s19] =	ssyncset.done $0x0  }
0x31: {  	[sflag:s19] =	ssyncadd.s32 $0xFFFFD800  }
0x32: {  	s23 =	simm.s32 $0x14;
	_ =	swait.ge [sflag:s20], $0x2800  }
0x33: {  	s24 =	simm.s32 $0x28;
	s22 =	sadd.s32 $0xA00, s10;
	[sflag:s20] =	ssyncset.done $0x0  }
.LBB2_2:
0x34: {  	s25 =	sadd.s32 s23, s11  }
0x35: {  	[sflag:s20] =	ssyncadd.s32 $0xFFFFD800;
	s26 =	smov.u32 s24;
	s28 =	sadd.s32 $0x14, s24  }
0x36: {  	[tilespmem:s3], [sflag:$0x3] =	stream.linear.gather [hbm4b:s25+s3], $0x50, $0x38;
	[tilespmem:$0x19100] =	vst v63  }
0x37: {  	p0 =	sne.s32 s24, $0x4C4;
	_ =	swait.ge [sflag:s14], $0x50  }
0x38: {  	[sflag:s14] =	ssyncset.done $0x0  }
0x39: {  	[sflag:s14] =	ssyncadd.s32 $0xFFFFFFB0  }
0x3a: {  	[tilespmem:s15], [sflag:$0x3] =	stream.linear.gather [hbm4b:s22+s3], $0x2800, $0x38;
	[tilespmem:$0x19100] =	vst v63  }
0x3b: {  	_ =	swait.ge [sflag:s14], $0x2800  }
0x3c: {  	[sflag:s14] =	ssyncset.done $0x0  }
0x3d: {  	[sflag:s14] =	ssyncadd.s32 $0xFFFFD800  }
0x3e: {  	[spmem:s2] =	stream.indirect.scatter.add.f32 [tilespmem:s15], [sflag:$0x1], $0x80, s3, s16, $0xb8;
	[tilespmem:$0x19100] =	vst v63  }
0x3f: {  	s24 =	sadd.s32 s23, s12;
	s23 =	smov.u32 s26  }
0x40: {  	[tilespmem:s17], [sflag:$0x3] =	stream.linear.gather [hbm4b:s24+s3], $0x50, $0x38;
	[tilespmem:$0x19100] =	vst v63  }
0x41: {  	_ =	swait.ge [sflag:s14], $0x50  }
0x42: {  	[sflag:s14] =	ssyncset.done $0x0  }
0x43: {  	s24 =	sadd.s32 $0x500, s22;
	[sflag:s14] =	ssyncadd.s32 $0xFFFFFFB0  }
0x44: {  	[tilespmem:s18], [sflag:$0x3] =	stream.linear.gather [hbm4b:s24+s3], $0x2800, $0x38;
	[tilespmem:$0x19100] =	vst v63  }
0x45: {  	_ =	swait.ge [sflag:s14], $0x2800  }
0x46: {  	[sflag:s14] =	ssyncset.done $0x0  }
0x47: {  	[sflag:s14] =	ssyncadd.s32 $0xFFFFD800  }
0x48: {  	[spmem:s2] =	stream.indirect.scatter.add.f32 [tilespmem:s18], [sflag:$0x2], $0x80, s17, s16, $0xb8;
	[tilespmem:$0x19100] =	vst v63  }
.Ltmp0:
0x49: {  	_ =	swait.ge [sflag:s19], $0x2800;
	(pc) =	sbr.rel @p0 .LBB2_2-.Ltmp0, $4  }
0x4a: {  	[sflag:s19] =	ssyncset.done $0x0  }
0x4b: {  	[sflag:s19] =	ssyncadd.s32 $0xFFFFD800  }
0x4c: {  	_ =	swait.ge [sflag:s20], $0x2800  }
0x4d: {  	s22 =	sadd.s32 $0xA00, s22;
	s24 =	smov.u32 s28;
	[sflag:s20] =	ssyncset.done $0x0  }
0x4e: {  	s24 =	sadd.s32 s23, s11;
	[sflag:s20] =	ssyncadd.s32 $0xFFFFD800  }
0x4f: {  	[tilespmem:s3], [sflag:$0x3] =	stream.linear.gather [hbm4b:s24+s3], $0x50, $0x38;
	[tilespmem:$0x19100] =	vst v63  }
0x50: {  	_ =	swait.ge [sflag:s14], $0x50  }
0x51: {  	[sflag:s14] =	ssyncset.done $0x0  }
0x52: {  	[sflag:s14] =	ssyncadd.s32 $0xFFFFFFB0  }
0x53: {  	[tilespmem:s15], [sflag:$0x3] =	stream.linear.gather [hbm4b:s22+s3], $0x2800, $0x38;
	[tilespmem:$0x19100] =	vst v63  }
0x54: {  	_ =	swait.ge [sflag:s14], $0x2800  }
0x55: {  	[sflag:s14] =	ssyncset.done $0x0  }
0x56: {  	[sflag:s14] =	ssyncadd.s32 $0xFFFFD800  }
0x57: {  	[spmem:s2] =	stream.indirect.scatter.add.f32 [tilespmem:s15], [sflag:$0x1], $0x80, s3, s16, $0xb8;
	[tilespmem:$0x19100] =	vst v63  }
0x58: {  	s30 =	sadd.s32 s23, s12  }
0x59: {  	[tilespmem:s17], [sflag:$0x3] =	stream.linear.gather [hbm4b:s30+s3], $0x50, $0x38;
	[tilespmem:$0x19100] =	vst v63  }
0x5a: {  	_ =	swait.ge [sflag:s14], $0x50  }
0x5b: {  	[sflag:s14] =	ssyncset.done $0x0  }
0x5c: {  	s31 =	sadd.s32 $0x500, s22;
	[sflag:s14] =	ssyncadd.s32 $0xFFFFFFB0  }
0x5d: {  	[tilespmem:s18], [sflag:$0x3] =	stream.linear.gather [hbm4b:s31+s3], $0x2800, $0x38;
	[tilespmem:$0x19100] =	vst v63  }
0x5e: {  	_ =	swait.ge [sflag:s14], $0x2800  }
0x5f: {  	[sflag:s14] =	ssyncset.done $0x0  }
0x60: {  	[sflag:s14] =	ssyncadd.s32 $0xFFFFD800  }
0x61: {  	[spmem:s2] =	stream.indirect.scatter.add.f32 [tilespmem:s18], [sflag:$0x2], $0x80, s17, s16, $0xb8;
	[tilespmem:$0x19100] =	vst v63  }
0x62: {  	_ =	swait.ge [sflag:s19], $0x2800  }
0x63: {  	[sflag:s19] =	ssyncset.done $0x0  }
0x64: {  	[sflag:s19] =	ssyncadd.s32 $0xFFFFD800  }
0x65: {  	_ =	swait.ge [sflag:s20], $0x2800  }
0x66: {  	[sflag:s20] =	ssyncset.done $0x0  }
0x67: {  	[sflag:s20] =	ssyncadd.s32 $0xFFFFD800  }
0x68: {  	[tilespmem:s3], [sflag:$0x3] =	stream.linear.gather [hbm4b:s6+s3], $0x50, $0x38;
	[tilespmem:$0x19100] =	vst v63  }
0x69: {  	_ =	swait.ge [sflag:s14], $0x50  }
0x6a: {  	[sflag:s14] =	ssyncset.done $0x0  }
0x6b: {  	[sflag:s14] =	ssyncadd.s32 $0xFFFFFFB0  }
0x6c: {  	[tilespmem:s15], [sflag:$0x3] =	stream.linear.gather [hbm4b:s7+s3], $0x2800, $0x38;
	[tilespmem:$0x19100] =	vst v63  }
0x6d: {  	_ =	swait.ge [sflag:s14], $0x2800  }
0x6e: {  	[sflag:s14] =	ssyncset.done $0x0  }
0x6f: {  	[sflag:s14] =	ssyncadd.s32 $0xFFFFD800  }
0x70: {  	[spmem:s2] =	stream.indirect.scatter.add.f32 [tilespmem:s15], [sflag:$0x3], $0x80, s3, s16, $0xb8;
	[tilespmem:$0x19100] =	vst v63  }
0x71: {  	_ =	swait.ge [sflag:s14], $0x2800  }
0x72: {  	[sflag:s14] =	ssyncset.done $0x0  }
0x73: {  	s21 =	sadd.s32 $0x1, s21;
	[sflag:s14] =	ssyncadd.s32 $0xFFFFD800  }
0x74: {  	p0 =	sne.s32 s21, s9;
	[bflag:$0x0] =	sbarrier.arrive $0xFFFF  }
0x75: {  	[hbm:s8], [sflag:s5] =	dma.local [spmem:s13], $0x2800  }
.Ltmp1:
0x76: {  	_ =	swait.ge [sflag:s14], $0x2800;
	(pc) =	sbr.rel @p0 .LBB2_1-.Ltmp1, $3  }
0x77: {  	[sflag:s14] =	ssyncset.done $0x0  }
0x78: {  	[sflag:s14] =	ssyncadd.s32 $0xFFFFD800  }
0x79: {  	[bflag:$0x0] =	sbarrier.arrive $0xFFFF;
	_ =	sdelay $0x1  }
0x7a: {  	_ =	sfence.sel $0x180000  }
0x7b: {  	[bflag:$0x0] =	sbarrier.arrive $0xFFFF  }
0x7c: {  	p0 =	sne.s32 s1, $0x0;
	_ =	strace $0x90000059  }
0x7d: {  	s0 =	sadd.s32 @!p0 $0x100000, s0;
	[bflag:$0x2] =	sbarrier.arrive $0xFFFF  }
0x7e: {  	[sflag:s0] =	ssyncadd.tile.s32 @!p0 $0x1;
	_ =	shalt  }
.Lfunc_end2:
_tile_overlayer_lowered:
.L_overlay_start_2:
0x7f: {  	(tag) =	ssettag $0x2  }
0x80: {  	s0 =	rddreg [dreg:$0x0];
	s2 =	stileid.u32  }
0x81: {  	s1 =	rddreg [dreg:$0x1];
	p0 =	sne.s32 s2, $0x0  }
0x82: {  	s3 =	rddreg [dreg:$0x2];
	[bflag:$0x3] =	sbarrier.arrive $0xFFFF;
	s2 =	simm.s32 @!p0 $0x1C03  }
0x83: {  	[timem:s3], [sflag:s2] =	dma.local @!p0 [hbm:s0], s1  }
0x84: {  	s0 =	simm.s32 @!p0 $0x3  }
0x85: {  	_ =	swait.ge @!p0 [sflag:s0], s1  }
0x86: {  	s1 =	ssub.s32 @!p0 $0x0, s1;
	[sflag:s0] =	ssyncset.done @!p0 $0x0  }
0x87: {  	[sflag:s0] =	ssyncadd.s32 @!p0 s1  }
0x88: {  	[bflag:$0x3] =	sbarrier.arrive $0xFFFF  }
0x89: {  	_ =	shalt  }

</sc_bundles>
